<compile_context>
chip_gen: v7x
topology: tpu7x:2x2x1
jax: 0.10.2.dev20260603
libtpu: 0.0.44.dev20260713+nightly
codegen_flags: <defaults>
</compile_context>

<pallas_src>
import functools

import jax
import jax.numpy as jnp
from jax import lax
from jax.experimental import pallas as pl
from jax.experimental.pallas import tpu as pltpu
from jax.experimental.pallas import tpu_sc as plsc

N = 50000
D = 64
E = 800000

NC = 2
NS = 16
L = 16

PR = 25000
P = 25088
GAP = P - PR
NP = NC * P

K = 128
EP0 = 50048
NCH0 = EP0 // K

NR = 2
NB = 3
SB = 272

BR = 32
ROWS_PER_TILE = P // NS
OUT_LAST = PR - 15 * ROWS_PER_TILE


def _mm_body(x_ref, w_ref, o_ref, *, act):
    x = x_ref[...]
    if act:
        x = x * jax.nn.sigmoid(x)
    o_ref[...] = jnp.dot(x, w_ref[...], preferred_element_type=jnp.float32)


def _matmul(x, w, act, bm):
    m = x.shape[0]
    return pl.pallas_call(
        functools.partial(_mm_body, act=act),
        grid=(m // bm,),
        in_specs=[
            pl.BlockSpec((bm, D), lambda i: (i, 0)),
            pl.BlockSpec((D, D), lambda i: (0, 0)),
        ],
        out_specs=pl.BlockSpec((bm, D), lambda i: (i, 0)),
        out_shape=jax.ShapeDtypeStruct((m, D), jnp.float32),
    )(x, w)


def _sc_body(ei_hbm, m_hbm, bias_hbm, out_hbm,
             raw_src, raw_dst, idx_src, idx_dst, rows_v,
             ssrc, sdst, blk_v, bias_v,
             sem_r, sem_g, sem_s, acc, *, remap_src, out_padded):
    c = lax.axis_index("c")
    s = lax.axis_index("s")
    c_p = c * P

    pltpu.sync_copy(bias_hbm, bias_v)
    bvecs = [bias_v[pl.ds(l * L, L)] for l in range(D // L)]

    def fill_row(r, carry):
        for l in range(D // L):
            blk_v[r, pl.ds(l * L, L)] = bvecs[l]
        return carry

    lax.fori_loop(0, BR, fill_row, 0)

    base = s * ROWS_PER_TILE
    for j in range(ROWS_PER_TILE // BR):
        pltpu.sync_copy(blk_v, acc.at[pl.ds(base + j * BR, BR)])
    plsc.subcore_barrier()

    ebase = s * EP0
    nch = NCH0
    lane = lax.iota(jnp.int32, L)

    def raw_copies(chunk, b):
        off = jnp.minimum(ebase + chunk * K, E - K)
        return (pltpu.make_async_copy(ei_hbm.at[0, pl.ds(off, K)],
                                      raw_src.at[b], sem_r.at[b]),
                pltpu.make_async_copy(ei_hbm.at[1, pl.ds(off, K)],
                                      raw_dst.at[b], sem_r.at[b]))

    def gather_copy(b):
        return pltpu.make_async_copy(m_hbm.at[idx_src.at[b]],
                                     rows_v.at[b], sem_g.at[b])

    def scatter_fire(b):
        pltpu.async_copy(rows_v.at[b], acc.at[idx_dst.at[b]],
                         sem_s.at[b], add=True)

    def scatter_wait(b):
        pltpu.make_async_copy(rows_v.at[b], acc.at[idx_dst.at[b]],
                              sem_s.at[b]).wait()

    def do_fire(f):
        bf = lax.rem(f, NB)

        @pl.when(f >= NB)
        def _free_slot():
            scatter_wait(bf)

        for v in range(K // L):
            sl = pl.ds(v * L, L)
            idx_src[bf, sl] = ssrc[sl]
            idx_dst[bf, sl] = sdst[sl]
        gather_copy(bf).start()

        @pl.when(f >= 1)
        def _chase():
            bp = lax.rem(f - 1 + NB, NB)
            gather_copy(bp).wait()
            scatter_fire(bp)

    def step(i, carry):
        fill, nf = carry

        @pl.when(i < nch)
        def _prefetch():
            ca, cb = raw_copies(i, lax.rem(i, NR))
            ca.start()
            cb.start()

        g = i - 1
        bg = lax.rem(g, NR)
        oob = jnp.where(ebase + g * K < E, 0, 1 << 27)

        ca, cb = raw_copies(g, bg)
        ca.wait()
        cb.wait()
        svs, dvs, vis, cnts = [], [], [], []
        for v in range(K // L):
            sl = pl.ds(v * L, L)
            sv = raw_src[bg, sl]
            if remap_src:
                sv = sv + jnp.where(sv >= PR, GAP, 0)
            dv = raw_dst[bg, sl]
            dv = dv + jnp.where(dv >= PR, GAP, 0) - c_p + oob
            valid = (dv >= 0) & (dv < PR)
            vi = valid.astype(jnp.int32)
            svs.append(sv)
            dvs.append(dv)
            vis.append(vi)
            cnts.append(jnp.sum(vi))
        bases = [fill]
        for v in range(K // L):
            bases.append(bases[-1] + cnts[v])
        for v in range(K // L):
            valid = vis[v] > 0
            posv = bases[v] + plsc.cumsum(vis[v]) - 1
            plsc.store_scatter(ssrc, [posv], svs[v], mask=valid)
            plsc.store_scatter(sdst, [posv], dvs[v], mask=valid)
        fill = bases[K // L]

        @pl.when(fill >= K)
        def _fire():
            do_fire(nf)
            for v in range(K // L):
                lo = pl.ds(v * L, L)
                hi = pl.ds(K + v * L, L)
                ssrc[lo] = ssrc[hi]
                sdst[lo] = sdst[hi]

        fired = jnp.where(fill >= K, 1, 0)
        return fill - fired * K, nf + fired

    ca0, cb0 = raw_copies(0, 0)
    ca0.start()
    cb0.start()
    fill, nf = lax.fori_loop(1, nch + 1, step,
                             (jnp.int32(0), jnp.int32(0)))

    for v in range(K // L):
        sl = pl.ds(v * L, L)
        pos = v * L + lane
        pad_dst = (PR + 24 + v * 8) + (lane & 7)
        ssrc[sl] = jnp.where(pos < fill, ssrc[sl], 0)
        sdst[sl] = jnp.where(pos < fill, sdst[sl], pad_dst)
    do_fire(nf)
    bl = lax.rem(nf, NB)
    gather_copy(bl).wait()
    scatter_fire(bl)

    for j in range(NB):
        f = nf - j

        @pl.when(f >= 0)
        def _drain(f=f):
            scatter_wait(lax.rem(f + NB * NCH0, NB))

    plsc.subcore_barrier()

    if out_padded:
        pltpu.sync_copy(acc.at[pl.ds(base, ROWS_PER_TILE)],
                        out_hbm.at[pl.ds(c_p + base, ROWS_PER_TILE)])
    else:
        c_pr = c * PR

        @pl.when(s < NS - 1)
        def _full():
            pltpu.sync_copy(acc.at[pl.ds(base, ROWS_PER_TILE)],
                            out_hbm.at[pl.ds(c_pr + base, ROWS_PER_TILE)])

        @pl.when(s == NS - 1)
        def _last():
            pltpu.sync_copy(acc.at[pl.ds(base, OUT_LAST)],
                            out_hbm.at[pl.ds(c_pr + base, OUT_LAST)])


def _make_sc(remap_src, out_padded):
    out_rows = NP if out_padded else N
    return functools.partial(
        pl.kernel,
        out_type=jax.ShapeDtypeStruct((out_rows, D), jnp.float32),
        mesh=plsc.VectorSubcoreMesh(
            core_axis_name="c", subcore_axis_name="s", num_cores=NC,
            num_subcores=NS),
        compiler_params=pltpu.CompilerParams(use_tc_tiling_on_sc=False, needs_layout_passes=False),
        scratch_types=[
            pltpu.VMEM((NR, K), jnp.int32),
            pltpu.VMEM((NR, K), jnp.int32),
            pltpu.VMEM((NB, K), jnp.int32),
            pltpu.VMEM((NB, K), jnp.int32),
            pltpu.VMEM((NB, K, D), jnp.float32),
            pltpu.VMEM((SB,), jnp.int32),
            pltpu.VMEM((SB,), jnp.int32),
            pltpu.VMEM((BR, D), jnp.float32),
            pltpu.VMEM((D,), jnp.float32),
            pltpu.SemaphoreType.DMA((NR,)),
            pltpu.SemaphoreType.DMA((NB,)),
            pltpu.SemaphoreType.DMA((NB,)),
            pltpu.VMEM_SHARED((P, D), jnp.float32),
        ],
    )(functools.partial(_sc_body, remap_src=remap_src, out_padded=out_padded))


_sc_layer1 = _make_sc(remap_src=False, out_padded=True)
_sc_layer2 = _make_sc(remap_src=True, out_padded=False)


def kernel(x, edge_index, W1, b1, W2, b2):
    ei = edge_index.astype(jnp.int32)

    m1 = _matmul(x, W1, act=False, bm=10000)
    agg1 = _sc_layer1(ei, m1, b1)
    m2 = _matmul(agg1, W2, act=True, bm=7168)
    return _sc_layer2(ei, m2, b2)

# --- scband reference (transcript-rebuilt; emitter-appended) ---
"""Pipeline reference for scband-gnn-75582834475479 (READ-ONLY COPY).

The authoritative reference and input builder live on the scoring server;
editing this copy changes nothing except your own understanding.
"""

import jax, jax.numpy as jnp
import numpy as np

N_NODES = 50000
N_EDGES = 800000
D = 64


def setup_inputs(seed: int = 0) -> dict:
    key = jax.random.key(seed)
    k_x, k_e, k_w1, k_w2 = jax.random.split(key, 4)
    x = jax.random.normal(k_x, (N_NODES, D), dtype=jnp.float32)
    edge_index = jax.random.randint(k_e, (2, N_EDGES), 0, N_NODES, dtype=jnp.int64)
    # GCNConv weights (2 layers, in=out=embedding_dim=64), xavier-like scale
    scale = 1.0 / np.sqrt(D)
    W1 = jax.random.normal(k_w1, (D, D), dtype=jnp.float32) * scale
    b1 = jnp.zeros((D,), dtype=jnp.float32)
    W2 = jax.random.normal(k_w2, (D, D), dtype=jnp.float32) * scale
    b2 = jnp.zeros((D,), dtype=jnp.float32)
    return {"x": x, "edge_index": edge_index, "W1": W1, "b1": b1, "W2": W2, "b2": b2}


def _gcn_conv(h, src, dst, W, b, num_nodes):
    # PyG GCNConv with normalize=False, add_self_loops=False:
    # out[i] = sum_{(j->i) in E} (h[j] @ W) + b
    m = h @ W
    gathered = jnp.take(m, src, axis=0)
    agg = jax.ops.segment_sum(gathered, dst, num_segments=num_nodes)
    return agg + b


def reference(x, edge_index, W1, b1, W2, b2):
    # GNN forward (architecture_type='gcn'): stack of GCNConv layers with
    # SiLU between layers; dropout is identity in eval mode.
    src = edge_index[0]
    dst = edge_index[1]
    n = x.shape[0]
    h = _gcn_conv(x, src, dst, W1, b1, n)
    h = jax.nn.silu(h)  # silu_between_layers=True
    # dropout_between_layers: eval mode -> identity
    h = _gcn_conv(h, src, dst, W2, b2, n)
    return h

if __name__ == "__main__":
    import jax
    _d = setup_inputs()
    print(jax.jit(kernel)(*tuple(_d.values())))

</pallas_src>

<mosaic_0001>
#map = affine_map<(d0, d1) -> (0, 0)>
#map1 = affine_map<(d0, d1) -> (0)>
module attributes {stable_mosaic.version = 14 : i64} {
  func.func @_sc_body(%arg0: i32, %arg1: i32, %arg2: memref<2x800000xi32, #tpu.memory_space<hbm>>, %arg3: memref<50000x64xf32, #tpu.memory_space<hbm>>, %arg4: memref<64xf32, #tpu.memory_space<hbm>>, %arg5: memref<50176x64xf32, #tpu.memory_space<hbm>>, %arg6: memref<2x128xi32, #tpu.memory_space<vmem>>, %arg7: memref<2x128xi32, #tpu.memory_space<vmem>>, %arg8: memref<3x128xi32, #tpu.memory_space<vmem>>, %arg9: memref<3x128xi32, #tpu.memory_space<vmem>>, %arg10: memref<3x128x64xf32, #tpu.memory_space<vmem>>, %arg11: memref<272xi32, #tpu.memory_space<vmem>>, %arg12: memref<272xi32, #tpu.memory_space<vmem>>, %arg13: memref<32x64xf32, #tpu.memory_space<vmem>>, %arg14: memref<64xf32, #tpu.memory_space<vmem>>, %arg15: memref<2x!tpu.dma_semaphore, #tpu.memory_space<semaphore_mem>>, %arg16: memref<3x!tpu.dma_semaphore, #tpu.memory_space<semaphore_mem>>, %arg17: memref<3x!tpu.dma_semaphore, #tpu.memory_space<semaphore_mem>>, %arg18: memref<25088x64xf32, #tpu.memory_space<vmem_shared>>) attributes {dimension_semantics = [#tpu.dimension_semantics<core_parallel>, #tpu.dimension_semantics<subcore_parallel>], iteration_bounds = array<i64: 2, 16>, scalar_prefetch = 0 : i64, scratch_operands = 13 : i64, tpu.core_type = #tpu.core_type<sc_vector_subcore>, window_params = [{transform_indices = #map}, {transform_indices = #map}, {transform_indices = #map1}, {transform_indices = #map}]} {
    %mul3A = arith.constant 25088 : i32
    %mul3A_0 = arith.muli %arg0, %mul3A : i32
    "tpu.region"() ({
      %run_scoped3A = tpu.sem_alloc : memref<!tpu.dma_semaphore, #tpu.memory_space<semaphore_mem>>
      tpu.enqueue_dma source(%arg4 : memref<64xf32, #tpu.memory_space<hbm>>) target(%arg14 : memref<64xf32, #tpu.memory_space<vmem>>) target_semaphore(%run_scoped3A : memref<!tpu.dma_semaphore, #tpu.memory_space<semaphore_mem>>)
      tpu.wait_dma2 semaphore(%run_scoped3A : memref<!tpu.dma_semaphore, #tpu.memory_space<semaphore_mem>>) src(%arg4 : memref<64xf32, #tpu.memory_space<hbm>>) dst(%arg14 : memref<64xf32, #tpu.memory_space<vmem>>)
      tpu.yield
    }) : () -> ()
    %get3A = arith.constant 0 : index
    %get3A_1 = tpu.vector_load %arg14[%get3A] {strides = array<i32>} : memref<64xf32, #tpu.memory_space<vmem>>, vector<16xf32>,
    %get3A_2 = arith.constant 16 : index
    %get3A_3 = tpu.vector_load %arg14[%get3A_2] {strides = array<i32>} : memref<64xf32, #tpu.memory_space<vmem>>, vector<16xf32>,
    %get3A_4 = arith.constant 32 : index
    %get3A_5 = tpu.vector_load %arg14[%get3A_4] {strides = array<i32>} : memref<64xf32, #tpu.memory_space<vmem>>, vector<16xf32>,
    %get3A_6 = arith.constant 48 : index
    %get3A_7 = tpu.vector_load %arg14[%get3A_6] {strides = array<i32>} : memref<64xf32, #tpu.memory_space<vmem>>, vector<16xf32>,
    %scan3A = arith.constant 0 : i32
    %scan3A_8 = arith.constant 0 : i32
    %scan3A_9 = arith.constant 32 : i32
    %scan3A_10 = arith.addi %scan3A_8, %scan3A_9 : i32
    %scan3A_11 = arith.constant 1 : i32
    scf.for %scan3A_495 = %scan3A_8 to %scan3A_10 step %scan3A_11  : i32 {
      %swap3A_496 = arith.index_cast %scan3A_495 : i32 to index
      %swap3A_497 = arith.constant 0 : index
      %swap3A_498 = tpu.vector_load %arg13[%swap3A_496, %swap3A_497] {strides = array<i32>} : memref<32x64xf32, #tpu.memory_space<vmem>>, vector<16xf32>,
      tpu.vector_store %arg13[%swap3A_496, %swap3A_497], %get3A_1 {strides = array<i32>} : memref<32x64xf32, #tpu.memory_space<vmem>>, vector<16xf32>,
      %swap3A_499 = arith.index_cast %scan3A_495 : i32 to index
      %swap3A_500 = arith.constant 16 : index
      %swap3A_501 = tpu.vector_load %arg13[%swap3A_499, %swap3A_500] {strides = array<i32>} : memref<32x64xf32, #tpu.memory_space<vmem>>, vector<16xf32>,
      tpu.vector_store %arg13[%swap3A_499, %swap3A_500], %get3A_3 {strides = array<i32>} : memref<32x64xf32, #tpu.memory_space<vmem>>, vector<16xf32>,
      %swap3A_502 = arith.index_cast %scan3A_495 : i32 to index
      %swap3A_503 = arith.constant 32 : index
      %swap3A_504 = tpu.vector_load %arg13[%swap3A_502, %swap3A_503] {strides = array<i32>} : memref<32x64xf32, #tpu.memory_space<vmem>>, vector<16xf32>,
      tpu.vector_store %arg13[%swap3A_502, %swap3A_503], %get3A_5 {strides = array<i32>} : memref<32x64xf32, #tpu.memory_space<vmem>>, vector<16xf32>,
      %swap3A_505 = arith.index_cast %scan3A_495 : i32 to index
      %swap3A_506 = arith.constant 48 : index
      %swap3A_507 = tpu.vector_load %arg13[%swap3A_505, %swap3A_506] {strides = array<i32>} : memref<32x64xf32, #tpu.memory_space<vmem>>, vector<16xf32>,
      tpu.vector_store %arg13[%swap3A_505, %swap3A_506], %get3A_7 {strides = array<i32>} : memref<32x64xf32, #tpu.memory_space<vmem>>, vector<16xf32>,
    }
    %scan3A_12 = arith.constant 32 : i32
    %mul3A_13 = arith.constant 1568 : i32
    %mul3A_14 = arith.muli %arg1, %mul3A_13 : i32
    %add3A = arith.constant 0 : i32
    %add3A_15 = arith.addi %mul3A_14, %add3A : i32
    "tpu.region"() ({
      %run_scoped3A = tpu.sem_alloc : memref<!tpu.dma_semaphore, #tpu.memory_space<semaphore_mem>>
      %dma_start3A_495 = arith.constant 0 : i32
      %dma_start3A_496 = tpu.memref_slice %arg18[%add3A_15, %dma_start3A_495] : memref<25088x64xf32, #tpu.memory_space<vmem_shared>> -> memref<32x64xf32, #tpu.memory_space<vmem_shared>>
      %dma_start3A_497 = arith.constant 0 : i32
      %dma_start3A_498 = tpu.memref_slice %arg18[%add3A_15, %dma_start3A_497] : memref<25088x64xf32, #tpu.memory_space<vmem_shared>> -> memref<32x64xf32, #tpu.memory_space<vmem_shared>>
      tpu.enqueue_dma source(%arg13 : memref<32x64xf32, #tpu.memory_space<vmem>>) target(%dma_start3A_498 : memref<32x64xf32, #tpu.memory_space<vmem_shared>>) target_semaphore(%run_scoped3A : memref<!tpu.dma_semaphore, #tpu.memory_space<semaphore_mem>>)
      %dma_wait3A_499 = arith.constant 0 : i32
      %dma_wait3A_500 = tpu.memref_slice %arg18[%add3A_15, %dma_wait3A_499] : memref<25088x64xf32, #tpu.memory_space<vmem_shared>> -> memref<32x64xf32, #tpu.memory_space<vmem_shared>>
      %dma_wait3A_501 = arith.constant 0 : i32
      %dma_wait3A_502 = tpu.memref_slice %arg18[%add3A_15, %dma_wait3A_501] : memref<25088x64xf32, #tpu.memory_space<vmem_shared>> -> memref<32x64xf32, #tpu.memory_space<vmem_shared>>
      tpu.wait_dma2 semaphore(%run_scoped3A : memref<!tpu.dma_semaphore, #tpu.memory_space<semaphore_mem>>) src(%arg13 : memref<32x64xf32, #tpu.memory_space<vmem>>) dst(%dma_wait3A_502 : memref<32x64xf32, #tpu.memory_space<vmem_shared>>)
      tpu.yield
    }) : () -> ()
    %add3A_16 = arith.constant 32 : i32
    %add3A_17 = arith.addi %mul3A_14, %add3A_16 : i32
    "tpu.region"() ({
      %run_scoped3A = tpu.sem_alloc : memref<!tpu.dma_semaphore, #tpu.memory_space<semaphore_mem>>
      %dma_start3A_495 = arith.constant 0 : i32
      %dma_start3A_496 = tpu.memref_slice %arg18[%add3A_17, %dma_start3A_495] : memref<25088x64xf32, #tpu.memory_space<vmem_shared>> -> memref<32x64xf32, #tpu.memory_space<vmem_shared>>
      %dma_start3A_497 = arith.constant 0 : i32
      %dma_start3A_498 = tpu.memref_slice %arg18[%add3A_17, %dma_start3A_497] : memref<25088x64xf32, #tpu.memory_space<vmem_shared>> -> memref<32x64xf32, #tpu.memory_space<vmem_shared>>
      tpu.enqueue_dma source(%arg13 : memref<32x64xf32, #tpu.memory_space<vmem>>) target(%dma_start3A_498 : memref<32x64xf32, #tpu.memory_space<vmem_shared>>) target_semaphore(%run_scoped3A : memref<!tpu.dma_semaphore, #tpu.memory_space<semaphore_mem>>)
      %dma_wait3A_499 = arith.constant 0 : i32
      %dma_wait3A_500 = tpu.memref_slice %arg18[%add3A_17, %dma_wait3A_499] : memref<25088x64xf32, #tpu.memory_space<vmem_shared>> -> memref<32x64xf32, #tpu.memory_space<vmem_shared>>
      %dma_wait3A_501 = arith.constant 0 : i32
      %dma_wait3A_502 = tpu.memref_slice %arg18[%add3A_17, %dma_wait3A_501] : memref<25088x64xf32, #tpu.memory_space<vmem_shared>> -> memref<32x64xf32, #tpu.memory_space<vmem_shared>>
      tpu.wait_dma2 semaphore(%run_scoped3A : memref<!tpu.dma_semaphore, #tpu.memory_space<semaphore_mem>>) src(%arg13 : memref<32x64xf32, #tpu.memory_space<vmem>>) dst(%dma_wait3A_502 : memref<32x64xf32, #tpu.memory_space<vmem_shared>>)
      tpu.yield
    }) : () -> ()
    %add3A_18 = arith.constant 64 : i32
    %add3A_19 = arith.addi %mul3A_14, %add3A_18 : i32
    "tpu.region"() ({
      %run_scoped3A = tpu.sem_alloc : memref<!tpu.dma_semaphore, #tpu.memory_space<semaphore_mem>>
      %dma_start3A_495 = arith.constant 0 : i32
      %dma_start3A_496 = tpu.memref_slice %arg18[%add3A_19, %dma_start3A_495] : memref<25088x64xf32, #tpu.memory_space<vmem_shared>> -> memref<32x64xf32, #tpu.memory_space<vmem_shared>>
      %dma_start3A_497 = arith.constant 0 : i32
      %dma_start3A_498 = tpu.memref_slice %arg18[%add3A_19, %dma_start3A_497] : memref<25088x64xf32, #tpu.memory_space<vmem_shared>> -> memref<32x64xf32, #tpu.memory_space<vmem_shared>>
      tpu.enqueue_dma source(%arg13 : memref<32x64xf32, #tpu.memory_space<vmem>>) target(%dma_start3A_498 : memref<32x64xf32, #tpu.memory_space<vmem_shared>>) target_semaphore(%run_scoped3A : memref<!tpu.dma_semaphore, #tpu.memory_space<semaphore_mem>>)
      %dma_wait3A_499 = arith.constant 0 : i32
      %dma_wait3A_500 = tpu.memref_slice %arg18[%add3A_19, %dma_wait3A_499] : memref<25088x64xf32, #tpu.memory_space<vmem_shared>> -> memref<32x64xf32, #tpu.memory_space<vmem_shared>>
      %dma_wait3A_501 = arith.constant 0 : i32
      %dma_wait3A_502 = tpu.memref_slice %arg18[%add3A_19, %dma_wait3A_501] : memref<25088x64xf32, #tpu.memory_space<vmem_shared>> -> memref<32x64xf32, #tpu.memory_space<vmem_shared>>
      tpu.wait_dma2 semaphore(%run_scoped3A : memref<!tpu.dma_semaphore, #tpu.memory_space<semaphore_mem>>) src(%arg13 : memref<32x64xf32, #tpu.memory_space<vmem>>) dst(%dma_wait3A_502 : memref<32x64xf32, #tpu.memory_space<vmem_shared>>)
      tpu.yield
    }) : () -> ()
    %add3A_20 = arith.constant 96 : i32
    %add3A_21 = arith.addi %mul3A_14, %add3A_20 : i32
    "tpu.region"() ({
      %run_scoped3A = tpu.sem_alloc : memref<!tpu.dma_semaphore, #tpu.memory_space<semaphore_mem>>
      %dma_start3A_495 = arith.constant 0 : i32
      %dma_start3A_496 = tpu.memref_slice %arg18[%add3A_21, %dma_start3A_495] : memref<25088x64xf32, #tpu.memory_space<vmem_shared>> -> memref<32x64xf32, #tpu.memory_space<vmem_shared>>
      %dma_start3A_497 = arith.constant 0 : i32
      %dma_start3A_498 = tpu.memref_slice %arg18[%add3A_21, %dma_start3A_497] : memref<25088x64xf32, #tpu.memory_space<vmem_shared>> -> memref<32x64xf32, #tpu.memory_space<vmem_shared>>
      tpu.enqueue_dma source(%arg13 : memref<32x64xf32, #tpu.memory_space<vmem>>) target(%dma_start3A_498 : memref<32x64xf32, #tpu.memory_space<vmem_shared>>) target_semaphore(%run_scoped3A : memref<!tpu.dma_semaphore, #tpu.memory_space<semaphore_mem>>)
      %dma_wait3A_499 = arith.constant 0 : i32
      %dma_wait3A_500 = tpu.memref_slice %arg18[%add3A_21, %dma_wait3A_499] : memref<25088x64xf32, #tpu.memory_space<vmem_shared>> -> memref<32x64xf32, #tpu.memory_space<vmem_shared>>
      %dma_wait3A_501 = arith.constant 0 : i32
      %dma_wait3A_502 = tpu.memref_slice %arg18[%add3A_21, %dma_wait3A_501] : memref<25088x64xf32, #tpu.memory_space<vmem_shared>> -> memref<32x64xf32, #tpu.memory_space<vmem_shared>>
      tpu.wait_dma2 semaphore(%run_scoped3A : memref<!tpu.dma_semaphore, #tpu.memory_space<semaphore_mem>>) src(%arg13 : memref<32x64xf32, #tpu.memory_space<vmem>>) dst(%dma_wait3A_502 : memref<32x64xf32, #tpu.memory_space<vmem_shared>>)
      tpu.yield
    }) : () -> ()
    %add3A_22 = arith.constant 128 : i32
    %add3A_23 = arith.addi %mul3A_14, %add3A_22 : i32
    "tpu.region"() ({
      %run_scoped3A = tpu.sem_alloc : memref<!tpu.dma_semaphore, #tpu.memory_space<semaphore_mem>>
      %dma_start3A_495 = arith.constant 0 : i32
      %dma_start3A_496 = tpu.memref_slice %arg18[%add3A_23, %dma_start3A_495] : memref<25088x64xf32, #tpu.memory_space<vmem_shared>> -> memref<32x64xf32, #tpu.memory_space<vmem_shared>>
      %dma_start3A_497 = arith.constant 0 : i32
      %dma_start3A_498 = tpu.memref_slice %arg18[%add3A_23, %dma_start3A_497] : memref<25088x64xf32, #tpu.memory_space<vmem_shared>> -> memref<32x64xf32, #tpu.memory_space<vmem_shared>>
      tpu.enqueue_dma source(%arg13 : memref<32x64xf32, #tpu.memory_space<vmem>>) target(%dma_start3A_498 : memref<32x64xf32, #tpu.memory_space<vmem_shared>>) target_semaphore(%run_scoped3A : memref<!tpu.dma_semaphore, #tpu.memory_space<semaphore_mem>>)
      %dma_wait3A_499 = arith.constant 0 : i32
      %dma_wait3A_500 = tpu.memref_slice %arg18[%add3A_23, %dma_wait3A_499] : memref<25088x64xf32, #tpu.memory_space<vmem_shared>> -> memref<32x64xf32, #tpu.memory_space<vmem_shared>>
      %dma_wait3A_501 = arith.constant 0 : i32
      %dma_wait3A_502 = tpu.memref_slice %arg18[%add3A_23, %dma_wait3A_501] : memref<25088x64xf32, #tpu.memory_space<vmem_shared>> -> memref<32x64xf32, #tpu.memory_space<vmem_shared>>
      tpu.wait_dma2 semaphore(%run_scoped3A : memref<!tpu.dma_semaphore, #tpu.memory_space<semaphore_mem>>) src(%arg13 : memref<32x64xf32, #tpu.memory_space<vmem>>) dst(%dma_wait3A_502 : memref<32x64xf32, #tpu.memory_space<vmem_shared>>)
      tpu.yield
    }) : () -> ()
    %add3A_24 = arith.constant 160 : i32
    %add3A_25 = arith.addi %mul3A_14, %add3A_24 : i32
    "tpu.region"() ({
      %run_scoped3A = tpu.sem_alloc : memref<!tpu.dma_semaphore, #tpu.memory_space<semaphore_mem>>
      %dma_start3A_495 = arith.constant 0 : i32
      %dma_start3A_496 = tpu.memref_slice %arg18[%add3A_25, %dma_start3A_495] : memref<25088x64xf32, #tpu.memory_space<vmem_shared>> -> memref<32x64xf32, #tpu.memory_space<vmem_shared>>
      %dma_start3A_497 = arith.constant 0 : i32
      %dma_start3A_498 = tpu.memref_slice %arg18[%add3A_25, %dma_start3A_497] : memref<25088x64xf32, #tpu.memory_space<vmem_shared>> -> memref<32x64xf32, #tpu.memory_space<vmem_shared>>
      tpu.enqueue_dma source(%arg13 : memref<32x64xf32, #tpu.memory_space<vmem>>) target(%dma_start3A_498 : memref<32x64xf32, #tpu.memory_space<vmem_shared>>) target_semaphore(%run_scoped3A : memref<!tpu.dma_semaphore, #tpu.memory_space<semaphore_mem>>)
      %dma_wait3A_499 = arith.constant 0 : i32
      %dma_wait3A_500 = tpu.memref_slice %arg18[%add3A_25, %dma_wait3A_499] : memref<25088x64xf32, #tpu.memory_space<vmem_shared>> -> memref<32x64xf32, #tpu.memory_space<vmem_shared>>
      %dma_wait3A_501 = arith.constant 0 : i32
      %dma_wait3A_502 = tpu.memref_slice %arg18[%add3A_25, %dma_wait3A_501] : memref<25088x64xf32, #tpu.memory_space<vmem_shared>> -> memref<32x64xf32, #tpu.memory_space<vmem_shared>>
      tpu.wait_dma2 semaphore(%run_scoped3A : memref<!tpu.dma_semaphore, #tpu.memory_space<semaphore_mem>>) src(%arg13 : memref<32x64xf32, #tpu.memory_space<vmem>>) dst(%dma_wait3A_502 : memref<32x64xf32, #tpu.memory_space<vmem_shared>>)
      tpu.yield
    }) : () -> ()
    %add3A_26 = arith.constant 192 : i32
    %add3A_27 = arith.addi %mul3A_14, %add3A_26 : i32
    "tpu.region"() ({
      %run_scoped3A = tpu.sem_alloc : memref<!tpu.dma_semaphore, #tpu.memory_space<semaphore_mem>>
      %dma_start3A_495 = arith.constant 0 : i32
      %dma_start3A_496 = tpu.memref_slice %arg18[%add3A_27, %dma_start3A_495] : memref<25088x64xf32, #tpu.memory_space<vmem_shared>> -> memref<32x64xf32, #tpu.memory_space<vmem_shared>>
      %dma_start3A_497 = arith.constant 0 : i32
      %dma_start3A_498 = tpu.memref_slice %arg18[%add3A_27, %dma_start3A_497] : memref<25088x64xf32, #tpu.memory_space<vmem_shared>> -> memref<32x64xf32, #tpu.memory_space<vmem_shared>>
      tpu.enqueue_dma source(%arg13 : memref<32x64xf32, #tpu.memory_space<vmem>>) target(%dma_start3A_498 : memref<32x64xf32, #tpu.memory_space<vmem_shared>>) target_semaphore(%run_scoped3A : memref<!tpu.dma_semaphore, #tpu.memory_space<semaphore_mem>>)
      %dma_wait3A_499 = arith.constant 0 : i32
      %dma_wait3A_500 = tpu.memref_slice %arg18[%add3A_27, %dma_wait3A_499] : memref<25088x64xf32, #tpu.memory_space<vmem_shared>> -> memref<32x64xf32, #tpu.memory_space<vmem_shared>>
      %dma_wait3A_501 = arith.constant 0 : i32
      %dma_wait3A_502 = tpu.memref_slice %arg18[%add3A_27, %dma_wait3A_501] : memref<25088x64xf32, #tpu.memory_space<vmem_shared>> -> memref<32x64xf32, #tpu.memory_space<vmem_shared>>
      tpu.wait_dma2 semaphore(%run_scoped3A : memref<!tpu.dma_semaphore, #tpu.memory_space<semaphore_mem>>) src(%arg13 : memref<32x64xf32, #tpu.memory_space<vmem>>) dst(%dma_wait3A_502 : memref<32x64xf32, #tpu.memory_space<vmem_shared>>)
      tpu.yield
    }) : () -> ()
    %add3A_28 = arith.constant 224 : i32
    %add3A_29 = arith.addi %mul3A_14, %add3A_28 : i32
    "tpu.region"() ({
      %run_scoped3A = tpu.sem_alloc : memref<!tpu.dma_semaphore, #tpu.memory_space<semaphore_mem>>
      %dma_start3A_495 = arith.constant 0 : i32
      %dma_start3A_496 = tpu.memref_slice %arg18[%add3A_29, %dma_start3A_495] : memref<25088x64xf32, #tpu.memory_space<vmem_shared>> -> memref<32x64xf32, #tpu.memory_space<vmem_shared>>
      %dma_start3A_497 = arith.constant 0 : i32
      %dma_start3A_498 = tpu.memref_slice %arg18[%add3A_29, %dma_start3A_497] : memref<25088x64xf32, #tpu.memory_space<vmem_shared>> -> memref<32x64xf32, #tpu.memory_space<vmem_shared>>
      tpu.enqueue_dma source(%arg13 : memref<32x64xf32, #tpu.memory_space<vmem>>) target(%dma_start3A_498 : memref<32x64xf32, #tpu.memory_space<vmem_shared>>) target_semaphore(%run_scoped3A : memref<!tpu.dma_semaphore, #tpu.memory_space<semaphore_mem>>)
      %dma_wait3A_499 = arith.constant 0 : i32
      %dma_wait3A_500 = tpu.memref_slice %arg18[%add3A_29, %dma_wait3A_499] : memref<25088x64xf32, #tpu.memory_space<vmem_shared>> -> memref<32x64xf32, #tpu.memory_space<vmem_shared>>
      %dma_wait3A_501 = arith.constant 0 : i32
      %dma_wait3A_502 = tpu.memref_slice %arg18[%add3A_29, %dma_wait3A_501] : memref<25088x64xf32, #tpu.memory_space<vmem_shared>> -> memref<32x64xf32, #tpu.memory_space<vmem_shared>>
      tpu.wait_dma2 semaphore(%run_scoped3A : memref<!tpu.dma_semaphore, #tpu.memory_space<semaphore_mem>>) src(%arg13 : memref<32x64xf32, #tpu.memory_space<vmem>>) dst(%dma_wait3A_502 : memref<32x64xf32, #tpu.memory_space<vmem_shared>>)
      tpu.yield
    }) : () -> ()
    %add3A_30 = arith.constant 256 : i32
    %add3A_31 = arith.addi %mul3A_14, %add3A_30 : i32
    "tpu.region"() ({
      %run_scoped3A = tpu.sem_alloc : memref<!tpu.dma_semaphore, #tpu.memory_space<semaphore_mem>>
      %dma_start3A_495 = arith.constant 0 : i32
      %dma_start3A_496 = tpu.memref_slice %arg18[%add3A_31, %dma_start3A_495] : memref<25088x64xf32, #tpu.memory_space<vmem_shared>> -> memref<32x64xf32, #tpu.memory_space<vmem_shared>>
      %dma_start3A_497 = arith.constant 0 : i32
      %dma_start3A_498 = tpu.memref_slice %arg18[%add3A_31, %dma_start3A_497] : memref<25088x64xf32, #tpu.memory_space<vmem_shared>> -> memref<32x64xf32, #tpu.memory_space<vmem_shared>>
      tpu.enqueue_dma source(%arg13 : memref<32x64xf32, #tpu.memory_space<vmem>>) target(%dma_start3A_498 : memref<32x64xf32, #tpu.memory_space<vmem_shared>>) target_semaphore(%run_scoped3A : memref<!tpu.dma_semaphore, #tpu.memory_space<semaphore_mem>>)
      %dma_wait3A_499 = arith.constant 0 : i32
      %dma_wait3A_500 = tpu.memref_slice %arg18[%add3A_31, %dma_wait3A_499] : memref<25088x64xf32, #tpu.memory_space<vmem_shared>> -> memref<32x64xf32, #tpu.memory_space<vmem_shared>>
      %dma_wait3A_501 = arith.constant 0 : i32
      %dma_wait3A_502 = tpu.memref_slice %arg18[%add3A_31, %dma_wait3A_501] : memref<25088x64xf32, #tpu.memory_space<vmem_shared>> -> memref<32x64xf32, #tpu.memory_space<vmem_shared>>
      tpu.wait_dma2 semaphore(%run_scoped3A : memref<!tpu.dma_semaphore, #tpu.memory_space<semaphore_mem>>) src(%arg13 : memref<32x64xf32, #tpu.memory_space<vmem>>) dst(%dma_wait3A_502 : memref<32x64xf32, #tpu.memory_space<vmem_shared>>)
      tpu.yield
    }) : () -> ()
    %add3A_32 = arith.constant 288 : i32
    %add3A_33 = arith.addi %mul3A_14, %add3A_32 : i32
    "tpu.region"() ({
      %run_scoped3A = tpu.sem_alloc : memref<!tpu.dma_semaphore, #tpu.memory_space<semaphore_mem>>
      %dma_start3A_495 = arith.constant 0 : i32
      %dma_start3A_496 = tpu.memref_slice %arg18[%add3A_33, %dma_start3A_495] : memref<25088x64xf32, #tpu.memory_space<vmem_shared>> -> memref<32x64xf32, #tpu.memory_space<vmem_shared>>
      %dma_start3A_497 = arith.constant 0 : i32
      %dma_start3A_498 = tpu.memref_slice %arg18[%add3A_33, %dma_start3A_497] : memref<25088x64xf32, #tpu.memory_space<vmem_shared>> -> memref<32x64xf32, #tpu.memory_space<vmem_shared>>
      tpu.enqueue_dma source(%arg13 : memref<32x64xf32, #tpu.memory_space<vmem>>) target(%dma_start3A_498 : memref<32x64xf32, #tpu.memory_space<vmem_shared>>) target_semaphore(%run_scoped3A : memref<!tpu.dma_semaphore, #tpu.memory_space<semaphore_mem>>)
      %dma_wait3A_499 = arith.constant 0 : i32
      %dma_wait3A_500 = tpu.memref_slice %arg18[%add3A_33, %dma_wait3A_499] : memref<25088x64xf32, #tpu.memory_space<vmem_shared>> -> memref<32x64xf32, #tpu.memory_space<vmem_shared>>
      %dma_wait3A_501 = arith.constant 0 : i32
      %dma_wait3A_502 = tpu.memref_slice %arg18[%add3A_33, %dma_wait3A_501] : memref<25088x64xf32, #tpu.memory_space<vmem_shared>> -> memref<32x64xf32, #tpu.memory_space<vmem_shared>>
      tpu.wait_dma2 semaphore(%run_scoped3A : memref<!tpu.dma_semaphore, #tpu.memory_space<semaphore_mem>>) src(%arg13 : memref<32x64xf32, #tpu.memory_space<vmem>>) dst(%dma_wait3A_502 : memref<32x64xf32, #tpu.memory_space<vmem_shared>>)
      tpu.yield
    }) : () -> ()
    %add3A_34 = arith.constant 320 : i32
    %add3A_35 = arith.addi %mul3A_14, %add3A_34 : i32
    "tpu.region"() ({
      %run_scoped3A = tpu.sem_alloc : memref<!tpu.dma_semaphore, #tpu.memory_space<semaphore_mem>>
      %dma_start3A_495 = arith.constant 0 : i32
      %dma_start3A_496 = tpu.memref_slice %arg18[%add3A_35, %dma_start3A_495] : memref<25088x64xf32, #tpu.memory_space<vmem_shared>> -> memref<32x64xf32, #tpu.memory_space<vmem_shared>>
      %dma_start3A_497 = arith.constant 0 : i32
      %dma_start3A_498 = tpu.memref_slice %arg18[%add3A_35, %dma_start3A_497] : memref<25088x64xf32, #tpu.memory_space<vmem_shared>> -> memref<32x64xf32, #tpu.memory_space<vmem_shared>>
      tpu.enqueue_dma source(%arg13 : memref<32x64xf32, #tpu.memory_space<vmem>>) target(%dma_start3A_498 : memref<32x64xf32, #tpu.memory_space<vmem_shared>>) target_semaphore(%run_scoped3A : memref<!tpu.dma_semaphore, #tpu.memory_space<semaphore_mem>>)
      %dma_wait3A_499 = arith.constant 0 : i32
      %dma_wait3A_500 = tpu.memref_slice %arg18[%add3A_35, %dma_wait3A_499] : memref<25088x64xf32, #tpu.memory_space<vmem_shared>> -> memref<32x64xf32, #tpu.memory_space<vmem_shared>>
      %dma_wait3A_501 = arith.constant 0 : i32
      %dma_wait3A_502 = tpu.memref_slice %arg18[%add3A_35, %dma_wait3A_501] : memref<25088x64xf32, #tpu.memory_space<vmem_shared>> -> memref<32x64xf32, #tpu.memory_space<vmem_shared>>
      tpu.wait_dma2 semaphore(%run_scoped3A : memref<!tpu.dma_semaphore, #tpu.memory_space<semaphore_mem>>) src(%arg13 : memref<32x64xf32, #tpu.memory_space<vmem>>) dst(%dma_wait3A_502 : memref<32x64xf32, #tpu.memory_space<vmem_shared>>)
      tpu.yield
    }) : () -> ()
    %add3A_36 = arith.constant 352 : i32
    %add3A_37 = arith.addi %mul3A_14, %add3A_36 : i32
    "tpu.region"() ({
      %run_scoped3A = tpu.sem_alloc : memref<!tpu.dma_semaphore, #tpu.memory_space<semaphore_mem>>
      %dma_start3A_495 = arith.constant 0 : i32
      %dma_start3A_496 = tpu.memref_slice %arg18[%add3A_37, %dma_start3A_495] : memref<25088x64xf32, #tpu.memory_space<vmem_shared>> -> memref<32x64xf32, #tpu.memory_space<vmem_shared>>
      %dma_start3A_497 = arith.constant 0 : i32
      %dma_start3A_498 = tpu.memref_slice %arg18[%add3A_37, %dma_start3A_497] : memref<25088x64xf32, #tpu.memory_space<vmem_shared>> -> memref<32x64xf32, #tpu.memory_space<vmem_shared>>
      tpu.enqueue_dma source(%arg13 : memref<32x64xf32, #tpu.memory_space<vmem>>) target(%dma_start3A_498 : memref<32x64xf32, #tpu.memory_space<vmem_shared>>) target_semaphore(%run_scoped3A : memref<!tpu.dma_semaphore, #tpu.memory_space<semaphore_mem>>)
      %dma_wait3A_499 = arith.constant 0 : i32
      %dma_wait3A_500 = tpu.memref_slice %arg18[%add3A_37, %dma_wait3A_499] : memref<25088x64xf32, #tpu.memory_space<vmem_shared>> -> memref<32x64xf32, #tpu.memory_space<vmem_shared>>
      %dma_wait3A_501 = arith.constant 0 : i32
      %dma_wait3A_502 = tpu.memref_slice %arg18[%add3A_37, %dma_wait3A_501] : memref<25088x64xf32, #tpu.memory_space<vmem_shared>> -> memref<32x64xf32, #tpu.memory_space<vmem_shared>>
      tpu.wait_dma2 semaphore(%run_scoped3A : memref<!tpu.dma_semaphore, #tpu.memory_space<semaphore_mem>>) src(%arg13 : memref<32x64xf32, #tpu.memory_space<vmem>>) dst(%dma_wait3A_502 : memref<32x64xf32, #tpu.memory_space<vmem_shared>>)
      tpu.yield
    }) : () -> ()
    %add3A_38 = arith.constant 384 : i32
    %add3A_39 = arith.addi %mul3A_14, %add3A_38 : i32
    "tpu.region"() ({
      %run_scoped3A = tpu.sem_alloc : memref<!tpu.dma_semaphore, #tpu.memory_space<semaphore_mem>>
      %dma_start3A_495 = arith.constant 0 : i32
      %dma_start3A_496 = tpu.memref_slice %arg18[%add3A_39, %dma_start3A_495] : memref<25088x64xf32, #tpu.memory_space<vmem_shared>> -> memref<32x64xf32, #tpu.memory_space<vmem_shared>>
      %dma_start3A_497 = arith.constant 0 : i32
      %dma_start3A_498 = tpu.memref_slice %arg18[%add3A_39, %dma_start3A_497] : memref<25088x64xf32, #tpu.memory_space<vmem_shared>> -> memref<32x64xf32, #tpu.memory_space<vmem_shared>>
      tpu.enqueue_dma source(%arg13 : memref<32x64xf32, #tpu.memory_space<vmem>>) target(%dma_start3A_498 : memref<32x64xf32, #tpu.memory_space<vmem_shared>>) target_semaphore(%run_scoped3A : memref<!tpu.dma_semaphore, #tpu.memory_space<semaphore_mem>>)
      %dma_wait3A_499 = arith.constant 0 : i32
      %dma_wait3A_500 = tpu.memref_slice %arg18[%add3A_39, %dma_wait3A_499] : memref<25088x64xf32, #tpu.memory_space<vmem_shared>> -> memref<32x64xf32, #tpu.memory_space<vmem_shared>>
      %dma_wait3A_501 = arith.constant 0 : i32
      %dma_wait3A_502 = tpu.memref_slice %arg18[%add3A_39, %dma_wait3A_501] : memref<25088x64xf32, #tpu.memory_space<vmem_shared>> -> memref<32x64xf32, #tpu.memory_space<vmem_shared>>
      tpu.wait_dma2 semaphore(%run_scoped3A : memref<!tpu.dma_semaphore, #tpu.memory_space<semaphore_mem>>) src(%arg13 : memref<32x64xf32, #tpu.memory_space<vmem>>) dst(%dma_wait3A_502 : memref<32x64xf32, #tpu.memory_space<vmem_shared>>)
      tpu.yield
    }) : () -> ()
    %add3A_40 = arith.constant 416 : i32
    %add3A_41 = arith.addi %mul3A_14, %add3A_40 : i32
    "tpu.region"() ({
      %run_scoped3A = tpu.sem_alloc : memref<!tpu.dma_semaphore, #tpu.memory_space<semaphore_mem>>
      %dma_start3A_495 = arith.constant 0 : i32
      %dma_start3A_496 = tpu.memref_slice %arg18[%add3A_41, %dma_start3A_495] : memref<25088x64xf32, #tpu.memory_space<vmem_shared>> -> memref<32x64xf32, #tpu.memory_space<vmem_shared>>
      %dma_start3A_497 = arith.constant 0 : i32
      %dma_start3A_498 = tpu.memref_slice %arg18[%add3A_41, %dma_start3A_497] : memref<25088x64xf32, #tpu.memory_space<vmem_shared>> -> memref<32x64xf32, #tpu.memory_space<vmem_shared>>
      tpu.enqueue_dma source(%arg13 : memref<32x64xf32, #tpu.memory_space<vmem>>) target(%dma_start3A_498 : memref<32x64xf32, #tpu.memory_space<vmem_shared>>) target_semaphore(%run_scoped3A : memref<!tpu.dma_semaphore, #tpu.memory_space<semaphore_mem>>)
      %dma_wait3A_499 = arith.constant 0 : i32
      %dma_wait3A_500 = tpu.memref_slice %arg18[%add3A_41, %dma_wait3A_499] : memref<25088x64xf32, #tpu.memory_space<vmem_shared>> -> memref<32x64xf32, #tpu.memory_space<vmem_shared>>
      %dma_wait3A_501 = arith.constant 0 : i32
      %dma_wait3A_502 = tpu.memref_slice %arg18[%add3A_41, %dma_wait3A_501] : memref<25088x64xf32, #tpu.memory_space<vmem_shared>> -> memref<32x64xf32, #tpu.memory_space<vmem_shared>>
      tpu.wait_dma2 semaphore(%run_scoped3A : memref<!tpu.dma_semaphore, #tpu.memory_space<semaphore_mem>>) src(%arg13 : memref<32x64xf32, #tpu.memory_space<vmem>>) dst(%dma_wait3A_502 : memref<32x64xf32, #tpu.memory_space<vmem_shared>>)
      tpu.yield
    }) : () -> ()
    %add3A_42 = arith.constant 448 : i32
    %add3A_43 = arith.addi %mul3A_14, %add3A_42 : i32
    "tpu.region"() ({
      %run_scoped3A = tpu.sem_alloc : memref<!tpu.dma_semaphore, #tpu.memory_space<semaphore_mem>>
      %dma_start3A_495 = arith.constant 0 : i32
      %dma_start3A_496 = tpu.memref_slice %arg18[%add3A_43, %dma_start3A_495] : memref<25088x64xf32, #tpu.memory_space<vmem_shared>> -> memref<32x64xf32, #tpu.memory_space<vmem_shared>>
      %dma_start3A_497 = arith.constant 0 : i32
      %dma_start3A_498 = tpu.memref_slice %arg18[%add3A_43, %dma_start3A_497] : memref<25088x64xf32, #tpu.memory_space<vmem_shared>> -> memref<32x64xf32, #tpu.memory_space<vmem_shared>>
      tpu.enqueue_dma source(%arg13 : memref<32x64xf32, #tpu.memory_space<vmem>>) target(%dma_start3A_498 : memref<32x64xf32, #tpu.memory_space<vmem_shared>>) target_semaphore(%run_scoped3A : memref<!tpu.dma_semaphore, #tpu.memory_space<semaphore_mem>>)
      %dma_wait3A_499 = arith.constant 0 : i32
      %dma_wait3A_500 = tpu.memref_slice %arg18[%add3A_43, %dma_wait3A_499] : memref<25088x64xf32, #tpu.memory_space<vmem_shared>> -> memref<32x64xf32, #tpu.memory_space<vmem_shared>>
      %dma_wait3A_501 = arith.constant 0 : i32
      %dma_wait3A_502 = tpu.memref_slice %arg18[%add3A_43, %dma_wait3A_501] : memref<25088x64xf32, #tpu.memory_space<vmem_shared>> -> memref<32x64xf32, #tpu.memory_space<vmem_shared>>
      tpu.wait_dma2 semaphore(%run_scoped3A : memref<!tpu.dma_semaphore, #tpu.memory_space<semaphore_mem>>) src(%arg13 : memref<32x64xf32, #tpu.memory_space<vmem>>) dst(%dma_wait3A_502 : memref<32x64xf32, #tpu.memory_space<vmem_shared>>)
      tpu.yield
    }) : () -> ()
    %add3A_44 = arith.constant 480 : i32
    %add3A_45 = arith.addi %mul3A_14, %add3A_44 : i32
    "tpu.region"() ({
      %run_scoped3A = tpu.sem_alloc : memref<!tpu.dma_semaphore, #tpu.memory_space<semaphore_mem>>
      %dma_start3A_495 = arith.constant 0 : i32
      %dma_start3A_496 = tpu.memref_slice %arg18[%add3A_45, %dma_start3A_495] : memref<25088x64xf32, #tpu.memory_space<vmem_shared>> -> memref<32x64xf32, #tpu.memory_space<vmem_shared>>
      %dma_start3A_497 = arith.constant 0 : i32
      %dma_start3A_498 = tpu.memref_slice %arg18[%add3A_45, %dma_start3A_497] : memref<25088x64xf32, #tpu.memory_space<vmem_shared>> -> memref<32x64xf32, #tpu.memory_space<vmem_shared>>
      tpu.enqueue_dma source(%arg13 : memref<32x64xf32, #tpu.memory_space<vmem>>) target(%dma_start3A_498 : memref<32x64xf32, #tpu.memory_space<vmem_shared>>) target_semaphore(%run_scoped3A : memref<!tpu.dma_semaphore, #tpu.memory_space<semaphore_mem>>)
      %dma_wait3A_499 = arith.constant 0 : i32
      %dma_wait3A_500 = tpu.memref_slice %arg18[%add3A_45, %dma_wait3A_499] : memref<25088x64xf32, #tpu.memory_space<vmem_shared>> -> memref<32x64xf32, #tpu.memory_space<vmem_shared>>
      %dma_wait3A_501 = arith.constant 0 : i32
      %dma_wait3A_502 = tpu.memref_slice %arg18[%add3A_45, %dma_wait3A_501] : memref<25088x64xf32, #tpu.memory_space<vmem_shared>> -> memref<32x64xf32, #tpu.memory_space<vmem_shared>>
      tpu.wait_dma2 semaphore(%run_scoped3A : memref<!tpu.dma_semaphore, #tpu.memory_space<semaphore_mem>>) src(%arg13 : memref<32x64xf32, #tpu.memory_space<vmem>>) dst(%dma_wait3A_502 : memref<32x64xf32, #tpu.memory_space<vmem_shared>>)
      tpu.yield
    }) : () -> ()
    %add3A_46 = arith.constant 512 : i32
    %add3A_47 = arith.addi %mul3A_14, %add3A_46 : i32
    "tpu.region"() ({
      %run_scoped3A = tpu.sem_alloc : memref<!tpu.dma_semaphore, #tpu.memory_space<semaphore_mem>>
      %dma_start3A_495 = arith.constant 0 : i32
      %dma_start3A_496 = tpu.memref_slice %arg18[%add3A_47, %dma_start3A_495] : memref<25088x64xf32, #tpu.memory_space<vmem_shared>> -> memref<32x64xf32, #tpu.memory_space<vmem_shared>>
      %dma_start3A_497 = arith.constant 0 : i32
      %dma_start3A_498 = tpu.memref_slice %arg18[%add3A_47, %dma_start3A_497] : memref<25088x64xf32, #tpu.memory_space<vmem_shared>> -> memref<32x64xf32, #tpu.memory_space<vmem_shared>>
      tpu.enqueue_dma source(%arg13 : memref<32x64xf32, #tpu.memory_space<vmem>>) target(%dma_start3A_498 : memref<32x64xf32, #tpu.memory_space<vmem_shared>>) target_semaphore(%run_scoped3A : memref<!tpu.dma_semaphore, #tpu.memory_space<semaphore_mem>>)
      %dma_wait3A_499 = arith.constant 0 : i32
      %dma_wait3A_500 = tpu.memref_slice %arg18[%add3A_47, %dma_wait3A_499] : memref<25088x64xf32, #tpu.memory_space<vmem_shared>> -> memref<32x64xf32, #tpu.memory_space<vmem_shared>>
      %dma_wait3A_501 = arith.constant 0 : i32
      %dma_wait3A_502 = tpu.memref_slice %arg18[%add3A_47, %dma_wait3A_501] : memref<25088x64xf32, #tpu.memory_space<vmem_shared>> -> memref<32x64xf32, #tpu.memory_space<vmem_shared>>
      tpu.wait_dma2 semaphore(%run_scoped3A : memref<!tpu.dma_semaphore, #tpu.memory_space<semaphore_mem>>) src(%arg13 : memref<32x64xf32, #tpu.memory_space<vmem>>) dst(%dma_wait3A_502 : memref<32x64xf32, #tpu.memory_space<vmem_shared>>)
      tpu.yield
    }) : () -> ()
    %add3A_48 = arith.constant 544 : i32
    %add3A_49 = arith.addi %mul3A_14, %add3A_48 : i32
    "tpu.region"() ({
      %run_scoped3A = tpu.sem_alloc : memref<!tpu.dma_semaphore, #tpu.memory_space<semaphore_mem>>
      %dma_start3A_495 = arith.constant 0 : i32
      %dma_start3A_496 = tpu.memref_slice %arg18[%add3A_49, %dma_start3A_495] : memref<25088x64xf32, #tpu.memory_space<vmem_shared>> -> memref<32x64xf32, #tpu.memory_space<vmem_shared>>
      %dma_start3A_497 = arith.constant 0 : i32
      %dma_start3A_498 = tpu.memref_slice %arg18[%add3A_49, %dma_start3A_497] : memref<25088x64xf32, #tpu.memory_space<vmem_shared>> -> memref<32x64xf32, #tpu.memory_space<vmem_shared>>
      tpu.enqueue_dma source(%arg13 : memref<32x64xf32, #tpu.memory_space<vmem>>) target(%dma_start3A_498 : memref<32x64xf32, #tpu.memory_space<vmem_shared>>) target_semaphore(%run_scoped3A : memref<!tpu.dma_semaphore, #tpu.memory_space<semaphore_mem>>)
      %dma_wait3A_499 = arith.constant 0 : i32
      %dma_wait3A_500 = tpu.memref_slice %arg18[%add3A_49, %dma_wait3A_499] : memref<25088x64xf32, #tpu.memory_space<vmem_shared>> -> memref<32x64xf32, #tpu.memory_space<vmem_shared>>
      %dma_wait3A_501 = arith.constant 0 : i32
      %dma_wait3A_502 = tpu.memref_slice %arg18[%add3A_49, %dma_wait3A_501] : memref<25088x64xf32, #tpu.memory_space<vmem_shared>> -> memref<32x64xf32, #tpu.memory_space<vmem_shared>>
      tpu.wait_dma2 semaphore(%run_scoped3A : memref<!tpu.dma_semaphore, #tpu.memory_space<semaphore_mem>>) src(%arg13 : memref<32x64xf32, #tpu.memory_space<vmem>>) dst(%dma_wait3A_502 : memref<32x64xf32, #tpu.memory_space<vmem_shared>>)
      tpu.yield
    }) : () -> ()
    %add3A_50 = arith.constant 576 : i32
    %add3A_51 = arith.addi %mul3A_14, %add3A_50 : i32
    "tpu.region"() ({
      %run_scoped3A = tpu.sem_alloc : memref<!tpu.dma_semaphore, #tpu.memory_space<semaphore_mem>>
      %dma_start3A_495 = arith.constant 0 : i32
      %dma_start3A_496 = tpu.memref_slice %arg18[%add3A_51, %dma_start3A_495] : memref<25088x64xf32, #tpu.memory_space<vmem_shared>> -> memref<32x64xf32, #tpu.memory_space<vmem_shared>>
      %dma_start3A_497 = arith.constant 0 : i32
      %dma_start3A_498 = tpu.memref_slice %arg18[%add3A_51, %dma_start3A_497] : memref<25088x64xf32, #tpu.memory_space<vmem_shared>> -> memref<32x64xf32, #tpu.memory_space<vmem_shared>>
      tpu.enqueue_dma source(%arg13 : memref<32x64xf32, #tpu.memory_space<vmem>>) target(%dma_start3A_498 : memref<32x64xf32, #tpu.memory_space<vmem_shared>>) target_semaphore(%run_scoped3A : memref<!tpu.dma_semaphore, #tpu.memory_space<semaphore_mem>>)
      %dma_wait3A_499 = arith.constant 0 : i32
      %dma_wait3A_500 = tpu.memref_slice %arg18[%add3A_51, %dma_wait3A_499] : memref<25088x64xf32, #tpu.memory_space<vmem_shared>> -> memref<32x64xf32, #tpu.memory_space<vmem_shared>>
      %dma_wait3A_501 = arith.constant 0 : i32
      %dma_wait3A_502 = tpu.memref_slice %arg18[%add3A_51, %dma_wait3A_501] : memref<25088x64xf32, #tpu.memory_space<vmem_shared>> -> memref<32x64xf32, #tpu.memory_space<vmem_shared>>
      tpu.wait_dma2 semaphore(%run_scoped3A : memref<!tpu.dma_semaphore, #tpu.memory_space<semaphore_mem>>) src(%arg13 : memref<32x64xf32, #tpu.memory_space<vmem>>) dst(%dma_wait3A_502 : memref<32x64xf32, #tpu.memory_space<vmem_shared>>)
      tpu.yield
    }) : () -> ()
    %add3A_52 = arith.constant 608 : i32
    %add3A_53 = arith.addi %mul3A_14, %add3A_52 : i32
    "tpu.region"() ({
      %run_scoped3A = tpu.sem_alloc : memref<!tpu.dma_semaphore, #tpu.memory_space<semaphore_mem>>
      %dma_start3A_495 = arith.constant 0 : i32
      %dma_start3A_496 = tpu.memref_slice %arg18[%add3A_53, %dma_start3A_495] : memref<25088x64xf32, #tpu.memory_space<vmem_shared>> -> memref<32x64xf32, #tpu.memory_space<vmem_shared>>
      %dma_start3A_497 = arith.constant 0 : i32
      %dma_start3A_498 = tpu.memref_slice %arg18[%add3A_53, %dma_start3A_497] : memref<25088x64xf32, #tpu.memory_space<vmem_shared>> -> memref<32x64xf32, #tpu.memory_space<vmem_shared>>
      tpu.enqueue_dma source(%arg13 : memref<32x64xf32, #tpu.memory_space<vmem>>) target(%dma_start3A_498 : memref<32x64xf32, #tpu.memory_space<vmem_shared>>) target_semaphore(%run_scoped3A : memref<!tpu.dma_semaphore, #tpu.memory_space<semaphore_mem>>)
      %dma_wait3A_499 = arith.constant 0 : i32
      %dma_wait3A_500 = tpu.memref_slice %arg18[%add3A_53, %dma_wait3A_499] : memref<25088x64xf32, #tpu.memory_space<vmem_shared>> -> memref<32x64xf32, #tpu.memory_space<vmem_shared>>
      %dma_wait3A_501 = arith.constant 0 : i32
      %dma_wait3A_502 = tpu.memref_slice %arg18[%add3A_53, %dma_wait3A_501] : memref<25088x64xf32, #tpu.memory_space<vmem_shared>> -> memref<32x64xf32, #tpu.memory_space<vmem_shared>>
      tpu.wait_dma2 semaphore(%run_scoped3A : memref<!tpu.dma_semaphore, #tpu.memory_space<semaphore_mem>>) src(%arg13 : memref<32x64xf32, #tpu.memory_space<vmem>>) dst(%dma_wait3A_502 : memref<32x64xf32, #tpu.memory_space<vmem_shared>>)
      tpu.yield
    }) : () -> ()
    %add3A_54 = arith.constant 640 : i32
    %add3A_55 = arith.addi %mul3A_14, %add3A_54 : i32
    "tpu.region"() ({
      %run_scoped3A = tpu.sem_alloc : memref<!tpu.dma_semaphore, #tpu.memory_space<semaphore_mem>>
      %dma_start3A_495 = arith.constant 0 : i32
      %dma_start3A_496 = tpu.memref_slice %arg18[%add3A_55, %dma_start3A_495] : memref<25088x64xf32, #tpu.memory_space<vmem_shared>> -> memref<32x64xf32, #tpu.memory_space<vmem_shared>>
      %dma_start3A_497 = arith.constant 0 : i32
      %dma_start3A_498 = tpu.memref_slice %arg18[%add3A_55, %dma_start3A_497] : memref<25088x64xf32, #tpu.memory_space<vmem_shared>> -> memref<32x64xf32, #tpu.memory_space<vmem_shared>>
      tpu.enqueue_dma source(%arg13 : memref<32x64xf32, #tpu.memory_space<vmem>>) target(%dma_start3A_498 : memref<32x64xf32, #tpu.memory_space<vmem_shared>>) target_semaphore(%run_scoped3A : memref<!tpu.dma_semaphore, #tpu.memory_space<semaphore_mem>>)
      %dma_wait3A_499 = arith.constant 0 : i32
      %dma_wait3A_500 = tpu.memref_slice %arg18[%add3A_55, %dma_wait3A_499] : memref<25088x64xf32, #tpu.memory_space<vmem_shared>> -> memref<32x64xf32, #tpu.memory_space<vmem_shared>>
      %dma_wait3A_501 = arith.constant 0 : i32
      %dma_wait3A_502 = tpu.memref_slice %arg18[%add3A_55, %dma_wait3A_501] : memref<25088x64xf32, #tpu.memory_space<vmem_shared>> -> memref<32x64xf32, #tpu.memory_space<vmem_shared>>
      tpu.wait_dma2 semaphore(%run_scoped3A : memref<!tpu.dma_semaphore, #tpu.memory_space<semaphore_mem>>) src(%arg13 : memref<32x64xf32, #tpu.memory_space<vmem>>) dst(%dma_wait3A_502 : memref<32x64xf32, #tpu.memory_space<vmem_shared>>)
      tpu.yield
    }) : () -> ()
    %add3A_56 = arith.constant 672 : i32
    %add3A_57 = arith.addi %mul3A_14, %add3A_56 : i32
    "tpu.region"() ({
      %run_scoped3A = tpu.sem_alloc : memref<!tpu.dma_semaphore, #tpu.memory_space<semaphore_mem>>
      %dma_start3A_495 = arith.constant 0 : i32
      %dma_start3A_496 = tpu.memref_slice %arg18[%add3A_57, %dma_start3A_495] : memref<25088x64xf32, #tpu.memory_space<vmem_shared>> -> memref<32x64xf32, #tpu.memory_space<vmem_shared>>
      %dma_start3A_497 = arith.constant 0 : i32
      %dma_start3A_498 = tpu.memref_slice %arg18[%add3A_57, %dma_start3A_497] : memref<25088x64xf32, #tpu.memory_space<vmem_shared>> -> memref<32x64xf32, #tpu.memory_space<vmem_shared>>
      tpu.enqueue_dma source(%arg13 : memref<32x64xf32, #tpu.memory_space<vmem>>) target(%dma_start3A_498 : memref<32x64xf32, #tpu.memory_space<vmem_shared>>) target_semaphore(%run_scoped3A : memref<!tpu.dma_semaphore, #tpu.memory_space<semaphore_mem>>)
      %dma_wait3A_499 = arith.constant 0 : i32
      %dma_wait3A_500 = tpu.memref_slice %arg18[%add3A_57, %dma_wait3A_499] : memref<25088x64xf32, #tpu.memory_space<vmem_shared>> -> memref<32x64xf32, #tpu.memory_space<vmem_shared>>
      %dma_wait3A_501 = arith.constant 0 : i32
      %dma_wait3A_502 = tpu.memref_slice %arg18[%add3A_57, %dma_wait3A_501] : memref<25088x64xf32, #tpu.memory_space<vmem_shared>> -> memref<32x64xf32, #tpu.memory_space<vmem_shared>>
      tpu.wait_dma2 semaphore(%run_scoped3A : memref<!tpu.dma_semaphore, #tpu.memory_space<semaphore_mem>>) src(%arg13 : memref<32x64xf32, #tpu.memory_space<vmem>>) dst(%dma_wait3A_502 : memref<32x64xf32, #tpu.memory_space<vmem_shared>>)
      tpu.yield
    }) : () -> ()
    %add3A_58 = arith.constant 704 : i32
    %add3A_59 = arith.addi %mul3A_14, %add3A_58 : i32
    "tpu.region"() ({
      %run_scoped3A = tpu.sem_alloc : memref<!tpu.dma_semaphore, #tpu.memory_space<semaphore_mem>>
      %dma_start3A_495 = arith.constant 0 : i32
      %dma_start3A_496 = tpu.memref_slice %arg18[%add3A_59, %dma_start3A_495] : memref<25088x64xf32, #tpu.memory_space<vmem_shared>> -> memref<32x64xf32, #tpu.memory_space<vmem_shared>>
      %dma_start3A_497 = arith.constant 0 : i32
      %dma_start3A_498 = tpu.memref_slice %arg18[%add3A_59, %dma_start3A_497] : memref<25088x64xf32, #tpu.memory_space<vmem_shared>> -> memref<32x64xf32, #tpu.memory_space<vmem_shared>>
      tpu.enqueue_dma source(%arg13 : memref<32x64xf32, #tpu.memory_space<vmem>>) target(%dma_start3A_498 : memref<32x64xf32, #tpu.memory_space<vmem_shared>>) target_semaphore(%run_scoped3A : memref<!tpu.dma_semaphore, #tpu.memory_space<semaphore_mem>>)
      %dma_wait3A_499 = arith.constant 0 : i32
      %dma_wait3A_500 = tpu.memref_slice %arg18[%add3A_59, %dma_wait3A_499] : memref<25088x64xf32, #tpu.memory_space<vmem_shared>> -> memref<32x64xf32, #tpu.memory_space<vmem_shared>>
      %dma_wait3A_501 = arith.constant 0 : i32
      %dma_wait3A_502 = tpu.memref_slice %arg18[%add3A_59, %dma_wait3A_501] : memref<25088x64xf32, #tpu.memory_space<vmem_shared>> -> memref<32x64xf32, #tpu.memory_space<vmem_shared>>
      tpu.wait_dma2 semaphore(%run_scoped3A : memref<!tpu.dma_semaphore, #tpu.memory_space<semaphore_mem>>) src(%arg13 : memref<32x64xf32, #tpu.memory_space<vmem>>) dst(%dma_wait3A_502 : memref<32x64xf32, #tpu.memory_space<vmem_shared>>)
      tpu.yield
    }) : () -> ()
    %add3A_60 = arith.constant 736 : i32
    %add3A_61 = arith.addi %mul3A_14, %add3A_60 : i32
    "tpu.region"() ({
      %run_scoped3A = tpu.sem_alloc : memref<!tpu.dma_semaphore, #tpu.memory_space<semaphore_mem>>
      %dma_start3A_495 = arith.constant 0 : i32
      %dma_start3A_496 = tpu.memref_slice %arg18[%add3A_61, %dma_start3A_495] : memref<25088x64xf32, #tpu.memory_space<vmem_shared>> -> memref<32x64xf32, #tpu.memory_space<vmem_shared>>
      %dma_start3A_497 = arith.constant 0 : i32
      %dma_start3A_498 = tpu.memref_slice %arg18[%add3A_61, %dma_start3A_497] : memref<25088x64xf32, #tpu.memory_space<vmem_shared>> -> memref<32x64xf32, #tpu.memory_space<vmem_shared>>
      tpu.enqueue_dma source(%arg13 : memref<32x64xf32, #tpu.memory_space<vmem>>) target(%dma_start3A_498 : memref<32x64xf32, #tpu.memory_space<vmem_shared>>) target_semaphore(%run_scoped3A : memref<!tpu.dma_semaphore, #tpu.memory_space<semaphore_mem>>)
      %dma_wait3A_499 = arith.constant 0 : i32
      %dma_wait3A_500 = tpu.memref_slice %arg18[%add3A_61, %dma_wait3A_499] : memref<25088x64xf32, #tpu.memory_space<vmem_shared>> -> memref<32x64xf32, #tpu.memory_space<vmem_shared>>
      %dma_wait3A_501 = arith.constant 0 : i32
      %dma_wait3A_502 = tpu.memref_slice %arg18[%add3A_61, %dma_wait3A_501] : memref<25088x64xf32, #tpu.memory_space<vmem_shared>> -> memref<32x64xf32, #tpu.memory_space<vmem_shared>>
      tpu.wait_dma2 semaphore(%run_scoped3A : memref<!tpu.dma_semaphore, #tpu.memory_space<semaphore_mem>>) src(%arg13 : memref<32x64xf32, #tpu.memory_space<vmem>>) dst(%dma_wait3A_502 : memref<32x64xf32, #tpu.memory_space<vmem_shared>>)
      tpu.yield
    }) : () -> ()
    %add3A_62 = arith.constant 768 : i32
    %add3A_63 = arith.addi %mul3A_14, %add3A_62 : i32
    "tpu.region"() ({
      %run_scoped3A = tpu.sem_alloc : memref<!tpu.dma_semaphore, #tpu.memory_space<semaphore_mem>>
      %dma_start3A_495 = arith.constant 0 : i32
      %dma_start3A_496 = tpu.memref_slice %arg18[%add3A_63, %dma_start3A_495] : memref<25088x64xf32, #tpu.memory_space<vmem_shared>> -> memref<32x64xf32, #tpu.memory_space<vmem_shared>>
      %dma_start3A_497 = arith.constant 0 : i32
      %dma_start3A_498 = tpu.memref_slice %arg18[%add3A_63, %dma_start3A_497] : memref<25088x64xf32, #tpu.memory_space<vmem_shared>> -> memref<32x64xf32, #tpu.memory_space<vmem_shared>>
      tpu.enqueue_dma source(%arg13 : memref<32x64xf32, #tpu.memory_space<vmem>>) target(%dma_start3A_498 : memref<32x64xf32, #tpu.memory_space<vmem_shared>>) target_semaphore(%run_scoped3A : memref<!tpu.dma_semaphore, #tpu.memory_space<semaphore_mem>>)
      %dma_wait3A_499 = arith.constant 0 : i32
      %dma_wait3A_500 = tpu.memref_slice %arg18[%add3A_63, %dma_wait3A_499] : memref<25088x64xf32, #tpu.memory_space<vmem_shared>> -> memref<32x64xf32, #tpu.memory_space<vmem_shared>>
      %dma_wait3A_501 = arith.constant 0 : i32
      %dma_wait3A_502 = tpu.memref_slice %arg18[%add3A_63, %dma_wait3A_501] : memref<25088x64xf32, #tpu.memory_space<vmem_shared>> -> memref<32x64xf32, #tpu.memory_space<vmem_shared>>
      tpu.wait_dma2 semaphore(%run_scoped3A : memref<!tpu.dma_semaphore, #tpu.memory_space<semaphore_mem>>) src(%arg13 : memref<32x64xf32, #tpu.memory_space<vmem>>) dst(%dma_wait3A_502 : memref<32x64xf32, #tpu.memory_space<vmem_shared>>)
      tpu.yield
    }) : () -> ()
    %add3A_64 = arith.constant 800 : i32
    %add3A_65 = arith.addi %mul3A_14, %add3A_64 : i32
    "tpu.region"() ({
      %run_scoped3A = tpu.sem_alloc : memref<!tpu.dma_semaphore, #tpu.memory_space<semaphore_mem>>
      %dma_start3A_495 = arith.constant 0 : i32
      %dma_start3A_496 = tpu.memref_slice %arg18[%add3A_65, %dma_start3A_495] : memref<25088x64xf32, #tpu.memory_space<vmem_shared>> -> memref<32x64xf32, #tpu.memory_space<vmem_shared>>
      %dma_start3A_497 = arith.constant 0 : i32
      %dma_start3A_498 = tpu.memref_slice %arg18[%add3A_65, %dma_start3A_497] : memref<25088x64xf32, #tpu.memory_space<vmem_shared>> -> memref<32x64xf32, #tpu.memory_space<vmem_shared>>
      tpu.enqueue_dma source(%arg13 : memref<32x64xf32, #tpu.memory_space<vmem>>) target(%dma_start3A_498 : memref<32x64xf32, #tpu.memory_space<vmem_shared>>) target_semaphore(%run_scoped3A : memref<!tpu.dma_semaphore, #tpu.memory_space<semaphore_mem>>)
      %dma_wait3A_499 = arith.constant 0 : i32
      %dma_wait3A_500 = tpu.memref_slice %arg18[%add3A_65, %dma_wait3A_499] : memref<25088x64xf32, #tpu.memory_space<vmem_shared>> -> memref<32x64xf32, #tpu.memory_space<vmem_shared>>
      %dma_wait3A_501 = arith.constant 0 : i32
      %dma_wait3A_502 = tpu.memref_slice %arg18[%add3A_65, %dma_wait3A_501] : memref<25088x64xf32, #tpu.memory_space<vmem_shared>> -> memref<32x64xf32, #tpu.memory_space<vmem_shared>>
      tpu.wait_dma2 semaphore(%run_scoped3A : memref<!tpu.dma_semaphore, #tpu.memory_space<semaphore_mem>>) src(%arg13 : memref<32x64xf32, #tpu.memory_space<vmem>>) dst(%dma_wait3A_502 : memref<32x64xf32, #tpu.memory_space<vmem_shared>>)
      tpu.yield
    }) : () -> ()
    %add3A_66 = arith.constant 832 : i32
    %add3A_67 = arith.addi %mul3A_14, %add3A_66 : i32
    "tpu.region"() ({
      %run_scoped3A = tpu.sem_alloc : memref<!tpu.dma_semaphore, #tpu.memory_space<semaphore_mem>>
      %dma_start3A_495 = arith.constant 0 : i32
      %dma_start3A_496 = tpu.memref_slice %arg18[%add3A_67, %dma_start3A_495] : memref<25088x64xf32, #tpu.memory_space<vmem_shared>> -> memref<32x64xf32, #tpu.memory_space<vmem_shared>>
      %dma_start3A_497 = arith.constant 0 : i32
      %dma_start3A_498 = tpu.memref_slice %arg18[%add3A_67, %dma_start3A_497] : memref<25088x64xf32, #tpu.memory_space<vmem_shared>> -> memref<32x64xf32, #tpu.memory_space<vmem_shared>>
      tpu.enqueue_dma source(%arg13 : memref<32x64xf32, #tpu.memory_space<vmem>>) target(%dma_start3A_498 : memref<32x64xf32, #tpu.memory_space<vmem_shared>>) target_semaphore(%run_scoped3A : memref<!tpu.dma_semaphore, #tpu.memory_space<semaphore_mem>>)
      %dma_wait3A_499 = arith.constant 0 : i32
      %dma_wait3A_500 = tpu.memref_slice %arg18[%add3A_67, %dma_wait3A_499] : memref<25088x64xf32, #tpu.memory_space<vmem_shared>> -> memref<32x64xf32, #tpu.memory_space<vmem_shared>>
      %dma_wait3A_501 = arith.constant 0 : i32
      %dma_wait3A_502 = tpu.memref_slice %arg18[%add3A_67, %dma_wait3A_501] : memref<25088x64xf32, #tpu.memory_space<vmem_shared>> -> memref<32x64xf32, #tpu.memory_space<vmem_shared>>
      tpu.wait_dma2 semaphore(%run_scoped3A : memref<!tpu.dma_semaphore, #tpu.memory_space<semaphore_mem>>) src(%arg13 : memref<32x64xf32, #tpu.memory_space<vmem>>) dst(%dma_wait3A_502 : memref<32x64xf32, #tpu.memory_space<vmem_shared>>)
      tpu.yield
    }) : () -> ()
    %add3A_68 = arith.constant 864 : i32
    %add3A_69 = arith.addi %mul3A_14, %add3A_68 : i32
    "tpu.region"() ({
      %run_scoped3A = tpu.sem_alloc : memref<!tpu.dma_semaphore, #tpu.memory_space<semaphore_mem>>
      %dma_start3A_495 = arith.constant 0 : i32
      %dma_start3A_496 = tpu.memref_slice %arg18[%add3A_69, %dma_start3A_495] : memref<25088x64xf32, #tpu.memory_space<vmem_shared>> -> memref<32x64xf32, #tpu.memory_space<vmem_shared>>
      %dma_start3A_497 = arith.constant 0 : i32
      %dma_start3A_498 = tpu.memref_slice %arg18[%add3A_69, %dma_start3A_497] : memref<25088x64xf32, #tpu.memory_space<vmem_shared>> -> memref<32x64xf32, #tpu.memory_space<vmem_shared>>
      tpu.enqueue_dma source(%arg13 : memref<32x64xf32, #tpu.memory_space<vmem>>) target(%dma_start3A_498 : memref<32x64xf32, #tpu.memory_space<vmem_shared>>) target_semaphore(%run_scoped3A : memref<!tpu.dma_semaphore, #tpu.memory_space<semaphore_mem>>)
      %dma_wait3A_499 = arith.constant 0 : i32
      %dma_wait3A_500 = tpu.memref_slice %arg18[%add3A_69, %dma_wait3A_499] : memref<25088x64xf32, #tpu.memory_space<vmem_shared>> -> memref<32x64xf32, #tpu.memory_space<vmem_shared>>
      %dma_wait3A_501 = arith.constant 0 : i32
      %dma_wait3A_502 = tpu.memref_slice %arg18[%add3A_69, %dma_wait3A_501] : memref<25088x64xf32, #tpu.memory_space<vmem_shared>> -> memref<32x64xf32, #tpu.memory_space<vmem_shared>>
      tpu.wait_dma2 semaphore(%run_scoped3A : memref<!tpu.dma_semaphore, #tpu.memory_space<semaphore_mem>>) src(%arg13 : memref<32x64xf32, #tpu.memory_space<vmem>>) dst(%dma_wait3A_502 : memref<32x64xf32, #tpu.memory_space<vmem_shared>>)
      tpu.yield
    }) : () -> ()
    %add3A_70 = arith.constant 896 : i32
    %add3A_71 = arith.addi %mul3A_14, %add3A_70 : i32
    "tpu.region"() ({
      %run_scoped3A = tpu.sem_alloc : memref<!tpu.dma_semaphore, #tpu.memory_space<semaphore_mem>>
      %dma_start3A_495 = arith.constant 0 : i32
      %dma_start3A_496 = tpu.memref_slice %arg18[%add3A_71, %dma_start3A_495] : memref<25088x64xf32, #tpu.memory_space<vmem_shared>> -> memref<32x64xf32, #tpu.memory_space<vmem_shared>>
      %dma_start3A_497 = arith.constant 0 : i32
      %dma_start3A_498 = tpu.memref_slice %arg18[%add3A_71, %dma_start3A_497] : memref<25088x64xf32, #tpu.memory_space<vmem_shared>> -> memref<32x64xf32, #tpu.memory_space<vmem_shared>>
      tpu.enqueue_dma source(%arg13 : memref<32x64xf32, #tpu.memory_space<vmem>>) target(%dma_start3A_498 : memref<32x64xf32, #tpu.memory_space<vmem_shared>>) target_semaphore(%run_scoped3A : memref<!tpu.dma_semaphore, #tpu.memory_space<semaphore_mem>>)
      %dma_wait3A_499 = arith.constant 0 : i32
      %dma_wait3A_500 = tpu.memref_slice %arg18[%add3A_71, %dma_wait3A_499] : memref<25088x64xf32, #tpu.memory_space<vmem_shared>> -> memref<32x64xf32, #tpu.memory_space<vmem_shared>>
      %dma_wait3A_501 = arith.constant 0 : i32
      %dma_wait3A_502 = tpu.memref_slice %arg18[%add3A_71, %dma_wait3A_501] : memref<25088x64xf32, #tpu.memory_space<vmem_shared>> -> memref<32x64xf32, #tpu.memory_space<vmem_shared>>
      tpu.wait_dma2 semaphore(%run_scoped3A : memref<!tpu.dma_semaphore, #tpu.memory_space<semaphore_mem>>) src(%arg13 : memref<32x64xf32, #tpu.memory_space<vmem>>) dst(%dma_wait3A_502 : memref<32x64xf32, #tpu.memory_space<vmem_shared>>)
      tpu.yield
    }) : () -> ()
    %add3A_72 = arith.constant 928 : i32
    %add3A_73 = arith.addi %mul3A_14, %add3A_72 : i32
    "tpu.region"() ({
      %run_scoped3A = tpu.sem_alloc : memref<!tpu.dma_semaphore, #tpu.memory_space<semaphore_mem>>
      %dma_start3A_495 = arith.constant 0 : i32
      %dma_start3A_496 = tpu.memref_slice %arg18[%add3A_73, %dma_start3A_495] : memref<25088x64xf32, #tpu.memory_space<vmem_shared>> -> memref<32x64xf32, #tpu.memory_space<vmem_shared>>
      %dma_start3A_497 = arith.constant 0 : i32
      %dma_start3A_498 = tpu.memref_slice %arg18[%add3A_73, %dma_start3A_497] : memref<25088x64xf32, #tpu.memory_space<vmem_shared>> -> memref<32x64xf32, #tpu.memory_space<vmem_shared>>
      tpu.enqueue_dma source(%arg13 : memref<32x64xf32, #tpu.memory_space<vmem>>) target(%dma_start3A_498 : memref<32x64xf32, #tpu.memory_space<vmem_shared>>) target_semaphore(%run_scoped3A : memref<!tpu.dma_semaphore, #tpu.memory_space<semaphore_mem>>)
      %dma_wait3A_499 = arith.constant 0 : i32
      %dma_wait3A_500 = tpu.memref_slice %arg18[%add3A_73, %dma_wait3A_499] : memref<25088x64xf32, #tpu.memory_space<vmem_shared>> -> memref<32x64xf32, #tpu.memory_space<vmem_shared>>
      %dma_wait3A_501 = arith.constant 0 : i32
      %dma_wait3A_502 = tpu.memref_slice %arg18[%add3A_73, %dma_wait3A_501] : memref<25088x64xf32, #tpu.memory_space<vmem_shared>> -> memref<32x64xf32, #tpu.memory_space<vmem_shared>>
      tpu.wait_dma2 semaphore(%run_scoped3A : memref<!tpu.dma_semaphore, #tpu.memory_space<semaphore_mem>>) src(%arg13 : memref<32x64xf32, #tpu.memory_space<vmem>>) dst(%dma_wait3A_502 : memref<32x64xf32, #tpu.memory_space<vmem_shared>>)
      tpu.yield
    }) : () -> ()
    %add3A_74 = arith.constant 960 : i32
    %add3A_75 = arith.addi %mul3A_14, %add3A_74 : i32
    "tpu.region"() ({
      %run_scoped3A = tpu.sem_alloc : memref<!tpu.dma_semaphore, #tpu.memory_space<semaphore_mem>>
      %dma_start3A_495 = arith.constant 0 : i32
      %dma_start3A_496 = tpu.memref_slice %arg18[%add3A_75, %dma_start3A_495] : memref<25088x64xf32, #tpu.memory_space<vmem_shared>> -> memref<32x64xf32, #tpu.memory_space<vmem_shared>>
      %dma_start3A_497 = arith.constant 0 : i32
      %dma_start3A_498 = tpu.memref_slice %arg18[%add3A_75, %dma_start3A_497] : memref<25088x64xf32, #tpu.memory_space<vmem_shared>> -> memref<32x64xf32, #tpu.memory_space<vmem_shared>>
      tpu.enqueue_dma source(%arg13 : memref<32x64xf32, #tpu.memory_space<vmem>>) target(%dma_start3A_498 : memref<32x64xf32, #tpu.memory_space<vmem_shared>>) target_semaphore(%run_scoped3A : memref<!tpu.dma_semaphore, #tpu.memory_space<semaphore_mem>>)
      %dma_wait3A_499 = arith.constant 0 : i32
      %dma_wait3A_500 = tpu.memref_slice %arg18[%add3A_75, %dma_wait3A_499] : memref<25088x64xf32, #tpu.memory_space<vmem_shared>> -> memref<32x64xf32, #tpu.memory_space<vmem_shared>>
      %dma_wait3A_501 = arith.constant 0 : i32
      %dma_wait3A_502 = tpu.memref_slice %arg18[%add3A_75, %dma_wait3A_501] : memref<25088x64xf32, #tpu.memory_space<vmem_shared>> -> memref<32x64xf32, #tpu.memory_space<vmem_shared>>
      tpu.wait_dma2 semaphore(%run_scoped3A : memref<!tpu.dma_semaphore, #tpu.memory_space<semaphore_mem>>) src(%arg13 : memref<32x64xf32, #tpu.memory_space<vmem>>) dst(%dma_wait3A_502 : memref<32x64xf32, #tpu.memory_space<vmem_shared>>)
      tpu.yield
    }) : () -> ()
    %add3A_76 = arith.constant 992 : i32
    %add3A_77 = arith.addi %mul3A_14, %add3A_76 : i32
    "tpu.region"() ({
      %run_scoped3A = tpu.sem_alloc : memref<!tpu.dma_semaphore, #tpu.memory_space<semaphore_mem>>
      %dma_start3A_495 = arith.constant 0 : i32
      %dma_start3A_496 = tpu.memref_slice %arg18[%add3A_77, %dma_start3A_495] : memref<25088x64xf32, #tpu.memory_space<vmem_shared>> -> memref<32x64xf32, #tpu.memory_space<vmem_shared>>
      %dma_start3A_497 = arith.constant 0 : i32
      %dma_start3A_498 = tpu.memref_slice %arg18[%add3A_77, %dma_start3A_497] : memref<25088x64xf32, #tpu.memory_space<vmem_shared>> -> memref<32x64xf32, #tpu.memory_space<vmem_shared>>
      tpu.enqueue_dma source(%arg13 : memref<32x64xf32, #tpu.memory_space<vmem>>) target(%dma_start3A_498 : memref<32x64xf32, #tpu.memory_space<vmem_shared>>) target_semaphore(%run_scoped3A : memref<!tpu.dma_semaphore, #tpu.memory_space<semaphore_mem>>)
      %dma_wait3A_499 = arith.constant 0 : i32
      %dma_wait3A_500 = tpu.memref_slice %arg18[%add3A_77, %dma_wait3A_499] : memref<25088x64xf32, #tpu.memory_space<vmem_shared>> -> memref<32x64xf32, #tpu.memory_space<vmem_shared>>
      %dma_wait3A_501 = arith.constant 0 : i32
      %dma_wait3A_502 = tpu.memref_slice %arg18[%add3A_77, %dma_wait3A_501] : memref<25088x64xf32, #tpu.memory_space<vmem_shared>> -> memref<32x64xf32, #tpu.memory_space<vmem_shared>>
      tpu.wait_dma2 semaphore(%run_scoped3A : memref<!tpu.dma_semaphore, #tpu.memory_space<semaphore_mem>>) src(%arg13 : memref<32x64xf32, #tpu.memory_space<vmem>>) dst(%dma_wait3A_502 : memref<32x64xf32, #tpu.memory_space<vmem_shared>>)
      tpu.yield
    }) : () -> ()
    %add3A_78 = arith.constant 1024 : i32
    %add3A_79 = arith.addi %mul3A_14, %add3A_78 : i32
    "tpu.region"() ({
      %run_scoped3A = tpu.sem_alloc : memref<!tpu.dma_semaphore, #tpu.memory_space<semaphore_mem>>
      %dma_start3A_495 = arith.constant 0 : i32
      %dma_start3A_496 = tpu.memref_slice %arg18[%add3A_79, %dma_start3A_495] : memref<25088x64xf32, #tpu.memory_space<vmem_shared>> -> memref<32x64xf32, #tpu.memory_space<vmem_shared>>
      %dma_start3A_497 = arith.constant 0 : i32
      %dma_start3A_498 = tpu.memref_slice %arg18[%add3A_79, %dma_start3A_497] : memref<25088x64xf32, #tpu.memory_space<vmem_shared>> -> memref<32x64xf32, #tpu.memory_space<vmem_shared>>
      tpu.enqueue_dma source(%arg13 : memref<32x64xf32, #tpu.memory_space<vmem>>) target(%dma_start3A_498 : memref<32x64xf32, #tpu.memory_space<vmem_shared>>) target_semaphore(%run_scoped3A : memref<!tpu.dma_semaphore, #tpu.memory_space<semaphore_mem>>)
      %dma_wait3A_499 = arith.constant 0 : i32
      %dma_wait3A_500 = tpu.memref_slice %arg18[%add3A_79, %dma_wait3A_499] : memref<25088x64xf32, #tpu.memory_space<vmem_shared>> -> memref<32x64xf32, #tpu.memory_space<vmem_shared>>
      %dma_wait3A_501 = arith.constant 0 : i32
      %dma_wait3A_502 = tpu.memref_slice %arg18[%add3A_79, %dma_wait3A_501] : memref<25088x64xf32, #tpu.memory_space<vmem_shared>> -> memref<32x64xf32, #tpu.memory_space<vmem_shared>>
      tpu.wait_dma2 semaphore(%run_scoped3A : memref<!tpu.dma_semaphore, #tpu.memory_space<semaphore_mem>>) src(%arg13 : memref<32x64xf32, #tpu.memory_space<vmem>>) dst(%dma_wait3A_502 : memref<32x64xf32, #tpu.memory_space<vmem_shared>>)
      tpu.yield
    }) : () -> ()
    %add3A_80 = arith.constant 1056 : i32
    %add3A_81 = arith.addi %mul3A_14, %add3A_80 : i32
    "tpu.region"() ({
      %run_scoped3A = tpu.sem_alloc : memref<!tpu.dma_semaphore, #tpu.memory_space<semaphore_mem>>
      %dma_start3A_495 = arith.constant 0 : i32
      %dma_start3A_496 = tpu.memref_slice %arg18[%add3A_81, %dma_start3A_495] : memref<25088x64xf32, #tpu.memory_space<vmem_shared>> -> memref<32x64xf32, #tpu.memory_space<vmem_shared>>
      %dma_start3A_497 = arith.constant 0 : i32
      %dma_start3A_498 = tpu.memref_slice %arg18[%add3A_81, %dma_start3A_497] : memref<25088x64xf32, #tpu.memory_space<vmem_shared>> -> memref<32x64xf32, #tpu.memory_space<vmem_shared>>
      tpu.enqueue_dma source(%arg13 : memref<32x64xf32, #tpu.memory_space<vmem>>) target(%dma_start3A_498 : memref<32x64xf32, #tpu.memory_space<vmem_shared>>) target_semaphore(%run_scoped3A : memref<!tpu.dma_semaphore, #tpu.memory_space<semaphore_mem>>)
      %dma_wait3A_499 = arith.constant 0 : i32
      %dma_wait3A_500 = tpu.memref_slice %arg18[%add3A_81, %dma_wait3A_499] : memref<25088x64xf32, #tpu.memory_space<vmem_shared>> -> memref<32x64xf32, #tpu.memory_space<vmem_shared>>
      %dma_wait3A_501 = arith.constant 0 : i32
      %dma_wait3A_502 = tpu.memref_slice %arg18[%add3A_81, %dma_wait3A_501] : memref<25088x64xf32, #tpu.memory_space<vmem_shared>> -> memref<32x64xf32, #tpu.memory_space<vmem_shared>>
      tpu.wait_dma2 semaphore(%run_scoped3A : memref<!tpu.dma_semaphore, #tpu.memory_space<semaphore_mem>>) src(%arg13 : memref<32x64xf32, #tpu.memory_space<vmem>>) dst(%dma_wait3A_502 : memref<32x64xf32, #tpu.memory_space<vmem_shared>>)
      tpu.yield
    }) : () -> ()
    %add3A_82 = arith.constant 1088 : i32
    %add3A_83 = arith.addi %mul3A_14, %add3A_82 : i32
    "tpu.region"() ({
      %run_scoped3A = tpu.sem_alloc : memref<!tpu.dma_semaphore, #tpu.memory_space<semaphore_mem>>
      %dma_start3A_495 = arith.constant 0 : i32
      %dma_start3A_496 = tpu.memref_slice %arg18[%add3A_83, %dma_start3A_495] : memref<25088x64xf32, #tpu.memory_space<vmem_shared>> -> memref<32x64xf32, #tpu.memory_space<vmem_shared>>
      %dma_start3A_497 = arith.constant 0 : i32
      %dma_start3A_498 = tpu.memref_slice %arg18[%add3A_83, %dma_start3A_497] : memref<25088x64xf32, #tpu.memory_space<vmem_shared>> -> memref<32x64xf32, #tpu.memory_space<vmem_shared>>
      tpu.enqueue_dma source(%arg13 : memref<32x64xf32, #tpu.memory_space<vmem>>) target(%dma_start3A_498 : memref<32x64xf32, #tpu.memory_space<vmem_shared>>) target_semaphore(%run_scoped3A : memref<!tpu.dma_semaphore, #tpu.memory_space<semaphore_mem>>)
      %dma_wait3A_499 = arith.constant 0 : i32
      %dma_wait3A_500 = tpu.memref_slice %arg18[%add3A_83, %dma_wait3A_499] : memref<25088x64xf32, #tpu.memory_space<vmem_shared>> -> memref<32x64xf32, #tpu.memory_space<vmem_shared>>
      %dma_wait3A_501 = arith.constant 0 : i32
      %dma_wait3A_502 = tpu.memref_slice %arg18[%add3A_83, %dma_wait3A_501] : memref<25088x64xf32, #tpu.memory_space<vmem_shared>> -> memref<32x64xf32, #tpu.memory_space<vmem_shared>>
      tpu.wait_dma2 semaphore(%run_scoped3A : memref<!tpu.dma_semaphore, #tpu.memory_space<semaphore_mem>>) src(%arg13 : memref<32x64xf32, #tpu.memory_space<vmem>>) dst(%dma_wait3A_502 : memref<32x64xf32, #tpu.memory_space<vmem_shared>>)
      tpu.yield
    }) : () -> ()
    %add3A_84 = arith.constant 1120 : i32
    %add3A_85 = arith.addi %mul3A_14, %add3A_84 : i32
    "tpu.region"() ({
      %run_scoped3A = tpu.sem_alloc : memref<!tpu.dma_semaphore, #tpu.memory_space<semaphore_mem>>
      %dma_start3A_495 = arith.constant 0 : i32
      %dma_start3A_496 = tpu.memref_slice %arg18[%add3A_85, %dma_start3A_495] : memref<25088x64xf32, #tpu.memory_space<vmem_shared>> -> memref<32x64xf32, #tpu.memory_space<vmem_shared>>
      %dma_start3A_497 = arith.constant 0 : i32
      %dma_start3A_498 = tpu.memref_slice %arg18[%add3A_85, %dma_start3A_497] : memref<25088x64xf32, #tpu.memory_space<vmem_shared>> -> memref<32x64xf32, #tpu.memory_space<vmem_shared>>
      tpu.enqueue_dma source(%arg13 : memref<32x64xf32, #tpu.memory_space<vmem>>) target(%dma_start3A_498 : memref<32x64xf32, #tpu.memory_space<vmem_shared>>) target_semaphore(%run_scoped3A : memref<!tpu.dma_semaphore, #tpu.memory_space<semaphore_mem>>)
      %dma_wait3A_499 = arith.constant 0 : i32
      %dma_wait3A_500 = tpu.memref_slice %arg18[%add3A_85, %dma_wait3A_499] : memref<25088x64xf32, #tpu.memory_space<vmem_shared>> -> memref<32x64xf32, #tpu.memory_space<vmem_shared>>
      %dma_wait3A_501 = arith.constant 0 : i32
      %dma_wait3A_502 = tpu.memref_slice %arg18[%add3A_85, %dma_wait3A_501] : memref<25088x64xf32, #tpu.memory_space<vmem_shared>> -> memref<32x64xf32, #tpu.memory_space<vmem_shared>>
      tpu.wait_dma2 semaphore(%run_scoped3A : memref<!tpu.dma_semaphore, #tpu.memory_space<semaphore_mem>>) src(%arg13 : memref<32x64xf32, #tpu.memory_space<vmem>>) dst(%dma_wait3A_502 : memref<32x64xf32, #tpu.memory_space<vmem_shared>>)
      tpu.yield
    }) : () -> ()
    %add3A_86 = arith.constant 1152 : i32
    %add3A_87 = arith.addi %mul3A_14, %add3A_86 : i32
    "tpu.region"() ({
      %run_scoped3A = tpu.sem_alloc : memref<!tpu.dma_semaphore, #tpu.memory_space<semaphore_mem>>
      %dma_start3A_495 = arith.constant 0 : i32
      %dma_start3A_496 = tpu.memref_slice %arg18[%add3A_87, %dma_start3A_495] : memref<25088x64xf32, #tpu.memory_space<vmem_shared>> -> memref<32x64xf32, #tpu.memory_space<vmem_shared>>
      %dma_start3A_497 = arith.constant 0 : i32
      %dma_start3A_498 = tpu.memref_slice %arg18[%add3A_87, %dma_start3A_497] : memref<25088x64xf32, #tpu.memory_space<vmem_shared>> -> memref<32x64xf32, #tpu.memory_space<vmem_shared>>
      tpu.enqueue_dma source(%arg13 : memref<32x64xf32, #tpu.memory_space<vmem>>) target(%dma_start3A_498 : memref<32x64xf32, #tpu.memory_space<vmem_shared>>) target_semaphore(%run_scoped3A : memref<!tpu.dma_semaphore, #tpu.memory_space<semaphore_mem>>)
      %dma_wait3A_499 = arith.constant 0 : i32
      %dma_wait3A_500 = tpu.memref_slice %arg18[%add3A_87, %dma_wait3A_499] : memref<25088x64xf32, #tpu.memory_space<vmem_shared>> -> memref<32x64xf32, #tpu.memory_space<vmem_shared>>
      %dma_wait3A_501 = arith.constant 0 : i32
      %dma_wait3A_502 = tpu.memref_slice %arg18[%add3A_87, %dma_wait3A_501] : memref<25088x64xf32, #tpu.memory_space<vmem_shared>> -> memref<32x64xf32, #tpu.memory_space<vmem_shared>>
      tpu.wait_dma2 semaphore(%run_scoped3A : memref<!tpu.dma_semaphore, #tpu.memory_space<semaphore_mem>>) src(%arg13 : memref<32x64xf32, #tpu.memory_space<vmem>>) dst(%dma_wait3A_502 : memref<32x64xf32, #tpu.memory_space<vmem_shared>>)
      tpu.yield
    }) : () -> ()
    %add3A_88 = arith.constant 1184 : i32
    %add3A_89 = arith.addi %mul3A_14, %add3A_88 : i32
    "tpu.region"() ({
      %run_scoped3A = tpu.sem_alloc : memref<!tpu.dma_semaphore, #tpu.memory_space<semaphore_mem>>
      %dma_start3A_495 = arith.constant 0 : i32
      %dma_start3A_496 = tpu.memref_slice %arg18[%add3A_89, %dma_start3A_495] : memref<25088x64xf32, #tpu.memory_space<vmem_shared>> -> memref<32x64xf32, #tpu.memory_space<vmem_shared>>
      %dma_start3A_497 = arith.constant 0 : i32
      %dma_start3A_498 = tpu.memref_slice %arg18[%add3A_89, %dma_start3A_497] : memref<25088x64xf32, #tpu.memory_space<vmem_shared>> -> memref<32x64xf32, #tpu.memory_space<vmem_shared>>
      tpu.enqueue_dma source(%arg13 : memref<32x64xf32, #tpu.memory_space<vmem>>) target(%dma_start3A_498 : memref<32x64xf32, #tpu.memory_space<vmem_shared>>) target_semaphore(%run_scoped3A : memref<!tpu.dma_semaphore, #tpu.memory_space<semaphore_mem>>)
      %dma_wait3A_499 = arith.constant 0 : i32
      %dma_wait3A_500 = tpu.memref_slice %arg18[%add3A_89, %dma_wait3A_499] : memref<25088x64xf32, #tpu.memory_space<vmem_shared>> -> memref<32x64xf32, #tpu.memory_space<vmem_shared>>
      %dma_wait3A_501 = arith.constant 0 : i32
      %dma_wait3A_502 = tpu.memref_slice %arg18[%add3A_89, %dma_wait3A_501] : memref<25088x64xf32, #tpu.memory_space<vmem_shared>> -> memref<32x64xf32, #tpu.memory_space<vmem_shared>>
      tpu.wait_dma2 semaphore(%run_scoped3A : memref<!tpu.dma_semaphore, #tpu.memory_space<semaphore_mem>>) src(%arg13 : memref<32x64xf32, #tpu.memory_space<vmem>>) dst(%dma_wait3A_502 : memref<32x64xf32, #tpu.memory_space<vmem_shared>>)
      tpu.yield
    }) : () -> ()
    %add3A_90 = arith.constant 1216 : i32
    %add3A_91 = arith.addi %mul3A_14, %add3A_90 : i32
    "tpu.region"() ({
      %run_scoped3A = tpu.sem_alloc : memref<!tpu.dma_semaphore, #tpu.memory_space<semaphore_mem>>
      %dma_start3A_495 = arith.constant 0 : i32
      %dma_start3A_496 = tpu.memref_slice %arg18[%add3A_91, %dma_start3A_495] : memref<25088x64xf32, #tpu.memory_space<vmem_shared>> -> memref<32x64xf32, #tpu.memory_space<vmem_shared>>
      %dma_start3A_497 = arith.constant 0 : i32
      %dma_start3A_498 = tpu.memref_slice %arg18[%add3A_91, %dma_start3A_497] : memref<25088x64xf32, #tpu.memory_space<vmem_shared>> -> memref<32x64xf32, #tpu.memory_space<vmem_shared>>
      tpu.enqueue_dma source(%arg13 : memref<32x64xf32, #tpu.memory_space<vmem>>) target(%dma_start3A_498 : memref<32x64xf32, #tpu.memory_space<vmem_shared>>) target_semaphore(%run_scoped3A : memref<!tpu.dma_semaphore, #tpu.memory_space<semaphore_mem>>)
      %dma_wait3A_499 = arith.constant 0 : i32
      %dma_wait3A_500 = tpu.memref_slice %arg18[%add3A_91, %dma_wait3A_499] : memref<25088x64xf32, #tpu.memory_space<vmem_shared>> -> memref<32x64xf32, #tpu.memory_space<vmem_shared>>
      %dma_wait3A_501 = arith.constant 0 : i32
      %dma_wait3A_502 = tpu.memref_slice %arg18[%add3A_91, %dma_wait3A_501] : memref<25088x64xf32, #tpu.memory_space<vmem_shared>> -> memref<32x64xf32, #tpu.memory_space<vmem_shared>>
      tpu.wait_dma2 semaphore(%run_scoped3A : memref<!tpu.dma_semaphore, #tpu.memory_space<semaphore_mem>>) src(%arg13 : memref<32x64xf32, #tpu.memory_space<vmem>>) dst(%dma_wait3A_502 : memref<32x64xf32, #tpu.memory_space<vmem_shared>>)
      tpu.yield
    }) : () -> ()
    %add3A_92 = arith.constant 1248 : i32
    %add3A_93 = arith.addi %mul3A_14, %add3A_92 : i32
    "tpu.region"() ({
      %run_scoped3A = tpu.sem_alloc : memref<!tpu.dma_semaphore, #tpu.memory_space<semaphore_mem>>
      %dma_start3A_495 = arith.constant 0 : i32
      %dma_start3A_496 = tpu.memref_slice %arg18[%add3A_93, %dma_start3A_495] : memref<25088x64xf32, #tpu.memory_space<vmem_shared>> -> memref<32x64xf32, #tpu.memory_space<vmem_shared>>
      %dma_start3A_497 = arith.constant 0 : i32
      %dma_start3A_498 = tpu.memref_slice %arg18[%add3A_93, %dma_start3A_497] : memref<25088x64xf32, #tpu.memory_space<vmem_shared>> -> memref<32x64xf32, #tpu.memory_space<vmem_shared>>
      tpu.enqueue_dma source(%arg13 : memref<32x64xf32, #tpu.memory_space<vmem>>) target(%dma_start3A_498 : memref<32x64xf32, #tpu.memory_space<vmem_shared>>) target_semaphore(%run_scoped3A : memref<!tpu.dma_semaphore, #tpu.memory_space<semaphore_mem>>)
      %dma_wait3A_499 = arith.constant 0 : i32
      %dma_wait3A_500 = tpu.memref_slice %arg18[%add3A_93, %dma_wait3A_499] : memref<25088x64xf32, #tpu.memory_space<vmem_shared>> -> memref<32x64xf32, #tpu.memory_space<vmem_shared>>
      %dma_wait3A_501 = arith.constant 0 : i32
      %dma_wait3A_502 = tpu.memref_slice %arg18[%add3A_93, %dma_wait3A_501] : memref<25088x64xf32, #tpu.memory_space<vmem_shared>> -> memref<32x64xf32, #tpu.memory_space<vmem_shared>>
      tpu.wait_dma2 semaphore(%run_scoped3A : memref<!tpu.dma_semaphore, #tpu.memory_space<semaphore_mem>>) src(%arg13 : memref<32x64xf32, #tpu.memory_space<vmem>>) dst(%dma_wait3A_502 : memref<32x64xf32, #tpu.memory_space<vmem_shared>>)
      tpu.yield
    }) : () -> ()
    %add3A_94 = arith.constant 1280 : i32
    %add3A_95 = arith.addi %mul3A_14, %add3A_94 : i32
    "tpu.region"() ({
      %run_scoped3A = tpu.sem_alloc : memref<!tpu.dma_semaphore, #tpu.memory_space<semaphore_mem>>
      %dma_start3A_495 = arith.constant 0 : i32
      %dma_start3A_496 = tpu.memref_slice %arg18[%add3A_95, %dma_start3A_495] : memref<25088x64xf32, #tpu.memory_space<vmem_shared>> -> memref<32x64xf32, #tpu.memory_space<vmem_shared>>
      %dma_start3A_497 = arith.constant 0 : i32
      %dma_start3A_498 = tpu.memref_slice %arg18[%add3A_95, %dma_start3A_497] : memref<25088x64xf32, #tpu.memory_space<vmem_shared>> -> memref<32x64xf32, #tpu.memory_space<vmem_shared>>
      tpu.enqueue_dma source(%arg13 : memref<32x64xf32, #tpu.memory_space<vmem>>) target(%dma_start3A_498 : memref<32x64xf32, #tpu.memory_space<vmem_shared>>) target_semaphore(%run_scoped3A : memref<!tpu.dma_semaphore, #tpu.memory_space<semaphore_mem>>)
      %dma_wait3A_499 = arith.constant 0 : i32
      %dma_wait3A_500 = tpu.memref_slice %arg18[%add3A_95, %dma_wait3A_499] : memref<25088x64xf32, #tpu.memory_space<vmem_shared>> -> memref<32x64xf32, #tpu.memory_space<vmem_shared>>
      %dma_wait3A_501 = arith.constant 0 : i32
      %dma_wait3A_502 = tpu.memref_slice %arg18[%add3A_95, %dma_wait3A_501] : memref<25088x64xf32, #tpu.memory_space<vmem_shared>> -> memref<32x64xf32, #tpu.memory_space<vmem_shared>>
      tpu.wait_dma2 semaphore(%run_scoped3A : memref<!tpu.dma_semaphore, #tpu.memory_space<semaphore_mem>>) src(%arg13 : memref<32x64xf32, #tpu.memory_space<vmem>>) dst(%dma_wait3A_502 : memref<32x64xf32, #tpu.memory_space<vmem_shared>>)
      tpu.yield
    }) : () -> ()
    %add3A_96 = arith.constant 1312 : i32
    %add3A_97 = arith.addi %mul3A_14, %add3A_96 : i32
    "tpu.region"() ({
      %run_scoped3A = tpu.sem_alloc : memref<!tpu.dma_semaphore, #tpu.memory_space<semaphore_mem>>
      %dma_start3A_495 = arith.constant 0 : i32
      %dma_start3A_496 = tpu.memref_slice %arg18[%add3A_97, %dma_start3A_495] : memref<25088x64xf32, #tpu.memory_space<vmem_shared>> -> memref<32x64xf32, #tpu.memory_space<vmem_shared>>
      %dma_start3A_497 = arith.constant 0 : i32
      %dma_start3A_498 = tpu.memref_slice %arg18[%add3A_97, %dma_start3A_497] : memref<25088x64xf32, #tpu.memory_space<vmem_shared>> -> memref<32x64xf32, #tpu.memory_space<vmem_shared>>
      tpu.enqueue_dma source(%arg13 : memref<32x64xf32, #tpu.memory_space<vmem>>) target(%dma_start3A_498 : memref<32x64xf32, #tpu.memory_space<vmem_shared>>) target_semaphore(%run_scoped3A : memref<!tpu.dma_semaphore, #tpu.memory_space<semaphore_mem>>)
      %dma_wait3A_499 = arith.constant 0 : i32
      %dma_wait3A_500 = tpu.memref_slice %arg18[%add3A_97, %dma_wait3A_499] : memref<25088x64xf32, #tpu.memory_space<vmem_shared>> -> memref<32x64xf32, #tpu.memory_space<vmem_shared>>
      %dma_wait3A_501 = arith.constant 0 : i32
      %dma_wait3A_502 = tpu.memref_slice %arg18[%add3A_97, %dma_wait3A_501] : memref<25088x64xf32, #tpu.memory_space<vmem_shared>> -> memref<32x64xf32, #tpu.memory_space<vmem_shared>>
      tpu.wait_dma2 semaphore(%run_scoped3A : memref<!tpu.dma_semaphore, #tpu.memory_space<semaphore_mem>>) src(%arg13 : memref<32x64xf32, #tpu.memory_space<vmem>>) dst(%dma_wait3A_502 : memref<32x64xf32, #tpu.memory_space<vmem_shared>>)
      tpu.yield
    }) : () -> ()
    %add3A_98 = arith.constant 1344 : i32
    %add3A_99 = arith.addi %mul3A_14, %add3A_98 : i32
    "tpu.region"() ({
      %run_scoped3A = tpu.sem_alloc : memref<!tpu.dma_semaphore, #tpu.memory_space<semaphore_mem>>
      %dma_start3A_495 = arith.constant 0 : i32
      %dma_start3A_496 = tpu.memref_slice %arg18[%add3A_99, %dma_start3A_495] : memref<25088x64xf32, #tpu.memory_space<vmem_shared>> -> memref<32x64xf32, #tpu.memory_space<vmem_shared>>
      %dma_start3A_497 = arith.constant 0 : i32
      %dma_start3A_498 = tpu.memref_slice %arg18[%add3A_99, %dma_start3A_497] : memref<25088x64xf32, #tpu.memory_space<vmem_shared>> -> memref<32x64xf32, #tpu.memory_space<vmem_shared>>
      tpu.enqueue_dma source(%arg13 : memref<32x64xf32, #tpu.memory_space<vmem>>) target(%dma_start3A_498 : memref<32x64xf32, #tpu.memory_space<vmem_shared>>) target_semaphore(%run_scoped3A : memref<!tpu.dma_semaphore, #tpu.memory_space<semaphore_mem>>)
      %dma_wait3A_499 = arith.constant 0 : i32
      %dma_wait3A_500 = tpu.memref_slice %arg18[%add3A_99, %dma_wait3A_499] : memref<25088x64xf32, #tpu.memory_space<vmem_shared>> -> memref<32x64xf32, #tpu.memory_space<vmem_shared>>
      %dma_wait3A_501 = arith.constant 0 : i32
      %dma_wait3A_502 = tpu.memref_slice %arg18[%add3A_99, %dma_wait3A_501] : memref<25088x64xf32, #tpu.memory_space<vmem_shared>> -> memref<32x64xf32, #tpu.memory_space<vmem_shared>>
      tpu.wait_dma2 semaphore(%run_scoped3A : memref<!tpu.dma_semaphore, #tpu.memory_space<semaphore_mem>>) src(%arg13 : memref<32x64xf32, #tpu.memory_space<vmem>>) dst(%dma_wait3A_502 : memref<32x64xf32, #tpu.memory_space<vmem_shared>>)
      tpu.yield
    }) : () -> ()
    %add3A_100 = arith.constant 1376 : i32
    %add3A_101 = arith.addi %mul3A_14, %add3A_100 : i32
    "tpu.region"() ({
      %run_scoped3A = tpu.sem_alloc : memref<!tpu.dma_semaphore, #tpu.memory_space<semaphore_mem>>
      %dma_start3A_495 = arith.constant 0 : i32
      %dma_start3A_496 = tpu.memref_slice %arg18[%add3A_101, %dma_start3A_495] : memref<25088x64xf32, #tpu.memory_space<vmem_shared>> -> memref<32x64xf32, #tpu.memory_space<vmem_shared>>
      %dma_start3A_497 = arith.constant 0 : i32
      %dma_start3A_498 = tpu.memref_slice %arg18[%add3A_101, %dma_start3A_497] : memref<25088x64xf32, #tpu.memory_space<vmem_shared>> -> memref<32x64xf32, #tpu.memory_space<vmem_shared>>
      tpu.enqueue_dma source(%arg13 : memref<32x64xf32, #tpu.memory_space<vmem>>) target(%dma_start3A_498 : memref<32x64xf32, #tpu.memory_space<vmem_shared>>) target_semaphore(%run_scoped3A : memref<!tpu.dma_semaphore, #tpu.memory_space<semaphore_mem>>)
      %dma_wait3A_499 = arith.constant 0 : i32
      %dma_wait3A_500 = tpu.memref_slice %arg18[%add3A_101, %dma_wait3A_499] : memref<25088x64xf32, #tpu.memory_space<vmem_shared>> -> memref<32x64xf32, #tpu.memory_space<vmem_shared>>
      %dma_wait3A_501 = arith.constant 0 : i32
      %dma_wait3A_502 = tpu.memref_slice %arg18[%add3A_101, %dma_wait3A_501] : memref<25088x64xf32, #tpu.memory_space<vmem_shared>> -> memref<32x64xf32, #tpu.memory_space<vmem_shared>>
      tpu.wait_dma2 semaphore(%run_scoped3A : memref<!tpu.dma_semaphore, #tpu.memory_space<semaphore_mem>>) src(%arg13 : memref<32x64xf32, #tpu.memory_space<vmem>>) dst(%dma_wait3A_502 : memref<32x64xf32, #tpu.memory_space<vmem_shared>>)
      tpu.yield
    }) : () -> ()
    %add3A_102 = arith.constant 1408 : i32
    %add3A_103 = arith.addi %mul3A_14, %add3A_102 : i32
    "tpu.region"() ({
      %run_scoped3A = tpu.sem_alloc : memref<!tpu.dma_semaphore, #tpu.memory_space<semaphore_mem>>
      %dma_start3A_495 = arith.constant 0 : i32
      %dma_start3A_496 = tpu.memref_slice %arg18[%add3A_103, %dma_start3A_495] : memref<25088x64xf32, #tpu.memory_space<vmem_shared>> -> memref<32x64xf32, #tpu.memory_space<vmem_shared>>
      %dma_start3A_497 = arith.constant 0 : i32
      %dma_start3A_498 = tpu.memref_slice %arg18[%add3A_103, %dma_start3A_497] : memref<25088x64xf32, #tpu.memory_space<vmem_shared>> -> memref<32x64xf32, #tpu.memory_space<vmem_shared>>
      tpu.enqueue_dma source(%arg13 : memref<32x64xf32, #tpu.memory_space<vmem>>) target(%dma_start3A_498 : memref<32x64xf32, #tpu.memory_space<vmem_shared>>) target_semaphore(%run_scoped3A : memref<!tpu.dma_semaphore, #tpu.memory_space<semaphore_mem>>)
      %dma_wait3A_499 = arith.constant 0 : i32
      %dma_wait3A_500 = tpu.memref_slice %arg18[%add3A_103, %dma_wait3A_499] : memref<25088x64xf32, #tpu.memory_space<vmem_shared>> -> memref<32x64xf32, #tpu.memory_space<vmem_shared>>
      %dma_wait3A_501 = arith.constant 0 : i32
      %dma_wait3A_502 = tpu.memref_slice %arg18[%add3A_103, %dma_wait3A_501] : memref<25088x64xf32, #tpu.memory_space<vmem_shared>> -> memref<32x64xf32, #tpu.memory_space<vmem_shared>>
      tpu.wait_dma2 semaphore(%run_scoped3A : memref<!tpu.dma_semaphore, #tpu.memory_space<semaphore_mem>>) src(%arg13 : memref<32x64xf32, #tpu.memory_space<vmem>>) dst(%dma_wait3A_502 : memref<32x64xf32, #tpu.memory_space<vmem_shared>>)
      tpu.yield
    }) : () -> ()
    %add3A_104 = arith.constant 1440 : i32
    %add3A_105 = arith.addi %mul3A_14, %add3A_104 : i32
    "tpu.region"() ({
      %run_scoped3A = tpu.sem_alloc : memref<!tpu.dma_semaphore, #tpu.memory_space<semaphore_mem>>
      %dma_start3A_495 = arith.constant 0 : i32
      %dma_start3A_496 = tpu.memref_slice %arg18[%add3A_105, %dma_start3A_495] : memref<25088x64xf32, #tpu.memory_space<vmem_shared>> -> memref<32x64xf32, #tpu.memory_space<vmem_shared>>
      %dma_start3A_497 = arith.constant 0 : i32
      %dma_start3A_498 = tpu.memref_slice %arg18[%add3A_105, %dma_start3A_497] : memref<25088x64xf32, #tpu.memory_space<vmem_shared>> -> memref<32x64xf32, #tpu.memory_space<vmem_shared>>
      tpu.enqueue_dma source(%arg13 : memref<32x64xf32, #tpu.memory_space<vmem>>) target(%dma_start3A_498 : memref<32x64xf32, #tpu.memory_space<vmem_shared>>) target_semaphore(%run_scoped3A : memref<!tpu.dma_semaphore, #tpu.memory_space<semaphore_mem>>)
      %dma_wait3A_499 = arith.constant 0 : i32
      %dma_wait3A_500 = tpu.memref_slice %arg18[%add3A_105, %dma_wait3A_499] : memref<25088x64xf32, #tpu.memory_space<vmem_shared>> -> memref<32x64xf32, #tpu.memory_space<vmem_shared>>
      %dma_wait3A_501 = arith.constant 0 : i32
      %dma_wait3A_502 = tpu.memref_slice %arg18[%add3A_105, %dma_wait3A_501] : memref<25088x64xf32, #tpu.memory_space<vmem_shared>> -> memref<32x64xf32, #tpu.memory_space<vmem_shared>>
      tpu.wait_dma2 semaphore(%run_scoped3A : memref<!tpu.dma_semaphore, #tpu.memory_space<semaphore_mem>>) src(%arg13 : memref<32x64xf32, #tpu.memory_space<vmem>>) dst(%dma_wait3A_502 : memref<32x64xf32, #tpu.memory_space<vmem_shared>>)
      tpu.yield
    }) : () -> ()
    %add3A_106 = arith.constant 1472 : i32
    %add3A_107 = arith.addi %mul3A_14, %add3A_106 : i32
    "tpu.region"() ({
      %run_scoped3A = tpu.sem_alloc : memref<!tpu.dma_semaphore, #tpu.memory_space<semaphore_mem>>
      %dma_start3A_495 = arith.constant 0 : i32
      %dma_start3A_496 = tpu.memref_slice %arg18[%add3A_107, %dma_start3A_495] : memref<25088x64xf32, #tpu.memory_space<vmem_shared>> -> memref<32x64xf32, #tpu.memory_space<vmem_shared>>
      %dma_start3A_497 = arith.constant 0 : i32
      %dma_start3A_498 = tpu.memref_slice %arg18[%add3A_107, %dma_start3A_497] : memref<25088x64xf32, #tpu.memory_space<vmem_shared>> -> memref<32x64xf32, #tpu.memory_space<vmem_shared>>
      tpu.enqueue_dma source(%arg13 : memref<32x64xf32, #tpu.memory_space<vmem>>) target(%dma_start3A_498 : memref<32x64xf32, #tpu.memory_space<vmem_shared>>) target_semaphore(%run_scoped3A : memref<!tpu.dma_semaphore, #tpu.memory_space<semaphore_mem>>)
      %dma_wait3A_499 = arith.constant 0 : i32
      %dma_wait3A_500 = tpu.memref_slice %arg18[%add3A_107, %dma_wait3A_499] : memref<25088x64xf32, #tpu.memory_space<vmem_shared>> -> memref<32x64xf32, #tpu.memory_space<vmem_shared>>
      %dma_wait3A_501 = arith.constant 0 : i32
      %dma_wait3A_502 = tpu.memref_slice %arg18[%add3A_107, %dma_wait3A_501] : memref<25088x64xf32, #tpu.memory_space<vmem_shared>> -> memref<32x64xf32, #tpu.memory_space<vmem_shared>>
      tpu.wait_dma2 semaphore(%run_scoped3A : memref<!tpu.dma_semaphore, #tpu.memory_space<semaphore_mem>>) src(%arg13 : memref<32x64xf32, #tpu.memory_space<vmem>>) dst(%dma_wait3A_502 : memref<32x64xf32, #tpu.memory_space<vmem_shared>>)
      tpu.yield
    }) : () -> ()
    %add3A_108 = arith.constant 1504 : i32
    %add3A_109 = arith.addi %mul3A_14, %add3A_108 : i32
    "tpu.region"() ({
      %run_scoped3A = tpu.sem_alloc : memref<!tpu.dma_semaphore, #tpu.memory_space<semaphore_mem>>
      %dma_start3A_495 = arith.constant 0 : i32
      %dma_start3A_496 = tpu.memref_slice %arg18[%add3A_109, %dma_start3A_495] : memref<25088x64xf32, #tpu.memory_space<vmem_shared>> -> memref<32x64xf32, #tpu.memory_space<vmem_shared>>
      %dma_start3A_497 = arith.constant 0 : i32
      %dma_start3A_498 = tpu.memref_slice %arg18[%add3A_109, %dma_start3A_497] : memref<25088x64xf32, #tpu.memory_space<vmem_shared>> -> memref<32x64xf32, #tpu.memory_space<vmem_shared>>
      tpu.enqueue_dma source(%arg13 : memref<32x64xf32, #tpu.memory_space<vmem>>) target(%dma_start3A_498 : memref<32x64xf32, #tpu.memory_space<vmem_shared>>) target_semaphore(%run_scoped3A : memref<!tpu.dma_semaphore, #tpu.memory_space<semaphore_mem>>)
      %dma_wait3A_499 = arith.constant 0 : i32
      %dma_wait3A_500 = tpu.memref_slice %arg18[%add3A_109, %dma_wait3A_499] : memref<25088x64xf32, #tpu.memory_space<vmem_shared>> -> memref<32x64xf32, #tpu.memory_space<vmem_shared>>
      %dma_wait3A_501 = arith.constant 0 : i32
      %dma_wait3A_502 = tpu.memref_slice %arg18[%add3A_109, %dma_wait3A_501] : memref<25088x64xf32, #tpu.memory_space<vmem_shared>> -> memref<32x64xf32, #tpu.memory_space<vmem_shared>>
      tpu.wait_dma2 semaphore(%run_scoped3A : memref<!tpu.dma_semaphore, #tpu.memory_space<semaphore_mem>>) src(%arg13 : memref<32x64xf32, #tpu.memory_space<vmem>>) dst(%dma_wait3A_502 : memref<32x64xf32, #tpu.memory_space<vmem_shared>>)
      tpu.yield
    }) : () -> ()
    %add3A_110 = arith.constant 1536 : i32
    %add3A_111 = arith.addi %mul3A_14, %add3A_110 : i32
    "tpu.region"() ({
      %run_scoped3A = tpu.sem_alloc : memref<!tpu.dma_semaphore, #tpu.memory_space<semaphore_mem>>
      %dma_start3A_495 = arith.constant 0 : i32
      %dma_start3A_496 = tpu.memref_slice %arg18[%add3A_111, %dma_start3A_495] : memref<25088x64xf32, #tpu.memory_space<vmem_shared>> -> memref<32x64xf32, #tpu.memory_space<vmem_shared>>
      %dma_start3A_497 = arith.constant 0 : i32
      %dma_start3A_498 = tpu.memref_slice %arg18[%add3A_111, %dma_start3A_497] : memref<25088x64xf32, #tpu.memory_space<vmem_shared>> -> memref<32x64xf32, #tpu.memory_space<vmem_shared>>
      tpu.enqueue_dma source(%arg13 : memref<32x64xf32, #tpu.memory_space<vmem>>) target(%dma_start3A_498 : memref<32x64xf32, #tpu.memory_space<vmem_shared>>) target_semaphore(%run_scoped3A : memref<!tpu.dma_semaphore, #tpu.memory_space<semaphore_mem>>)
      %dma_wait3A_499 = arith.constant 0 : i32
      %dma_wait3A_500 = tpu.memref_slice %arg18[%add3A_111, %dma_wait3A_499] : memref<25088x64xf32, #tpu.memory_space<vmem_shared>> -> memref<32x64xf32, #tpu.memory_space<vmem_shared>>
      %dma_wait3A_501 = arith.constant 0 : i32
      %dma_wait3A_502 = tpu.memref_slice %arg18[%add3A_111, %dma_wait3A_501] : memref<25088x64xf32, #tpu.memory_space<vmem_shared>> -> memref<32x64xf32, #tpu.memory_space<vmem_shared>>
      tpu.wait_dma2 semaphore(%run_scoped3A : memref<!tpu.dma_semaphore, #tpu.memory_space<semaphore_mem>>) src(%arg13 : memref<32x64xf32, #tpu.memory_space<vmem>>) dst(%dma_wait3A_502 : memref<32x64xf32, #tpu.memory_space<vmem_shared>>)
      tpu.yield
    }) : () -> ()
    %barrier3A = arith.constant 0 : index
    tpu.barrier barrier_id(%barrier3A)
    %mul3A_112 = arith.constant 50048 : i32
    %mul3A_113 = arith.muli %arg1, %mul3A_112 : i32
    %iota3A = tpu.iota {dimensions = array<i32: 0>} : vector<16xi32>
    %add3A_114 = arith.constant 0 : i32
    %add3A_115 = arith.addi %mul3A_113, %add3A_114 : i32
    %min3A = arith.constant 799872 : i32
    %min3A_116 = arith.minsi %add3A_115, %min3A : i32
    %dma_start3A = arith.constant 0 : i32
    %dma_start3A_117 = arith.constant 0 : i32
    %dma_start3A_118 = arith.constant 0 : i32
    %dma_start3A_119 = arith.constant 0 : i32
    %dma_start3A_120 = tpu.memref_slice %arg6[%dma_start3A_117, %dma_start3A_119] : memref<2x128xi32, #tpu.memory_space<vmem>> -> memref<1x128xi32, #tpu.memory_space<vmem>>
    %dma_start3A_121 = tpu.memref_squeeze %dma_start3A_120 : memref<1x128xi32, #tpu.memory_space<vmem>> -> memref<128xi32, #tpu.memory_space<vmem>>
    %dma_start3A_122 = tpu.memref_slice %arg2[%dma_start3A, %min3A_116] : memref<2x800000xi32, #tpu.memory_space<hbm>> -> memref<1x128xi32, #tpu.memory_space<hbm>>
    %dma_start3A_123 = tpu.memref_squeeze %dma_start3A_122 : memref<1x128xi32, #tpu.memory_space<hbm>> -> memref<128xi32, #tpu.memory_space<hbm>>
    %dma_start3A_124 = tpu.memref_slice %arg15[%dma_start3A_118] : memref<2x!tpu.dma_semaphore, #tpu.memory_space<semaphore_mem>> -> memref<1x!tpu.dma_semaphore, #tpu.memory_space<semaphore_mem>>
    %dma_start3A_125 = tpu.memref_squeeze %dma_start3A_124 : memref<1x!tpu.dma_semaphore, #tpu.memory_space<semaphore_mem>> -> memref<!tpu.dma_semaphore, #tpu.memory_space<semaphore_mem>>
    %dma_start3A_126 = arith.constant 0 : i32
    %dma_start3A_127 = tpu.memref_slice %arg6[%dma_start3A_117, %dma_start3A_126] : memref<2x128xi32, #tpu.memory_space<vmem>> -> memref<1x128xi32, #tpu.memory_space<vmem>>
    %dma_start3A_128 = tpu.memref_squeeze %dma_start3A_127 : memref<1x128xi32, #tpu.memory_space<vmem>> -> memref<128xi32, #tpu.memory_space<vmem>>
    %dma_start3A_129 = tpu.memref_slice %arg2[%dma_start3A, %min3A_116] : memref<2x800000xi32, #tpu.memory_space<hbm>> -> memref<1x128xi32, #tpu.memory_space<hbm>>
    %dma_start3A_130 = tpu.memref_squeeze %dma_start3A_129 : memref<1x128xi32, #tpu.memory_space<hbm>> -> memref<128xi32, #tpu.memory_space<hbm>>
    tpu.enqueue_dma source(%dma_start3A_130 : memref<128xi32, #tpu.memory_space<hbm>>) target(%dma_start3A_128 : memref<128xi32, #tpu.memory_space<vmem>>) target_semaphore(%dma_start3A_125 : memref<!tpu.dma_semaphore, #tpu.memory_space<semaphore_mem>>)
    %dma_start3A_131 = arith.constant 1 : i32
    %dma_start3A_132 = arith.constant 0 : i32
    %dma_start3A_133 = arith.constant 0 : i32
    %dma_start3A_134 = arith.constant 0 : i32
    %dma_start3A_135 = tpu.memref_slice %arg7[%dma_start3A_132, %dma_start3A_134] : memref<2x128xi32, #tpu.memory_space<vmem>> -> memref<1x128xi32, #tpu.memory_space<vmem>>
    %dma_start3A_136 = tpu.memref_squeeze %dma_start3A_135 : memref<1x128xi32, #tpu.memory_space<vmem>> -> memref<128xi32, #tpu.memory_space<vmem>>
    %dma_start3A_137 = tpu.memref_slice %arg2[%dma_start3A_131, %min3A_116] : memref<2x800000xi32, #tpu.memory_space<hbm>> -> memref<1x128xi32, #tpu.memory_space<hbm>>
    %dma_start3A_138 = tpu.memref_squeeze %dma_start3A_137 : memref<1x128xi32, #tpu.memory_space<hbm>> -> memref<128xi32, #tpu.memory_space<hbm>>
    %dma_start3A_139 = tpu.memref_slice %arg15[%dma_start3A_133] : memref<2x!tpu.dma_semaphore, #tpu.memory_space<semaphore_mem>> -> memref<1x!tpu.dma_semaphore, #tpu.memory_space<semaphore_mem>>
    %dma_start3A_140 = tpu.memref_squeeze %dma_start3A_139 : memref<1x!tpu.dma_semaphore, #tpu.memory_space<semaphore_mem>> -> memref<!tpu.dma_semaphore, #tpu.memory_space<semaphore_mem>>
    %dma_start3A_141 = arith.constant 0 : i32
    %dma_start3A_142 = tpu.memref_slice %arg7[%dma_start3A_132, %dma_start3A_141] : memref<2x128xi32, #tpu.memory_space<vmem>> -> memref<1x128xi32, #tpu.memory_space<vmem>>
    %dma_start3A_143 = tpu.memref_squeeze %dma_start3A_142 : memref<1x128xi32, #tpu.memory_space<vmem>> -> memref<128xi32, #tpu.memory_space<vmem>>
    %dma_start3A_144 = tpu.memref_slice %arg2[%dma_start3A_131, %min3A_116] : memref<2x800000xi32, #tpu.memory_space<hbm>> -> memref<1x128xi32, #tpu.memory_space<hbm>>
    %dma_start3A_145 = tpu.memref_squeeze %dma_start3A_144 : memref<1x128xi32, #tpu.memory_space<hbm>> -> memref<128xi32, #tpu.memory_space<hbm>>
    tpu.enqueue_dma source(%dma_start3A_145 : memref<128xi32, #tpu.memory_space<hbm>>) target(%dma_start3A_143 : memref<128xi32, #tpu.memory_space<vmem>>) target_semaphore(%dma_start3A_140 : memref<!tpu.dma_semaphore, #tpu.memory_space<semaphore_mem>>)
    %scan3A_146 = arith.constant 0 : i32
    %scan3A_147 = arith.constant 0 : i32
    %scan3A_148 = arith.constant 1 : i32
    %scan3A_149 = arith.constant 391 : i32
    %scan3A_150 = arith.addi %scan3A_148, %scan3A_149 : i32
    %scan3A_151 = arith.constant 1 : i32
    %scan3A_152:2 = scf.for %scan3A_495 = %scan3A_148 to %scan3A_150 step %scan3A_151 iter_args(%scan3A_496 = %scan3A_146, %scan3A_497 = %scan3A_147) -> (i32, i32)  : i32 {
      %lt3A_498 = arith.constant 391 : i32
      %lt3A_499 = arith.cmpi slt, %scan3A_495, %lt3A_498 : i32
      %convert_element_type3A_500 = arith.extui %lt3A_499 : i1 to i32
      %cond3A_501 = arith.constant 0 : i32
      %cond3A_502 = arith.cmpi ne, %convert_element_type3A_500, %cond3A_501 : i32
      scf.if %cond3A_502 {
        %rem3A_901 = arith.constant 2 : i32
        %rem3A_902 = arith.remsi %scan3A_495, %rem3A_901 : i32
        %mul3A_903 = arith.constant 128 : i32
        %mul3A_904 = arith.muli %scan3A_495, %mul3A_903 : i32
        %add3A_905 = arith.addi %mul3A_113, %mul3A_904 : i32
        %min3A_906 = arith.constant 799872 : i32
        %min3A_907 = arith.minsi %add3A_905, %min3A_906 : i32
        %dma_start3A_908 = arith.constant 0 : i32
        %dma_start3A_909 = arith.constant 0 : i32
        %dma_start3A_910 = tpu.memref_slice %arg6[%rem3A_902, %dma_start3A_909] : memref<2x128xi32, #tpu.memory_space<vmem>> -> memref<1x128xi32, #tpu.memory_space<vmem>>
        %dma_start3A_911 = tpu.memref_squeeze %dma_start3A_910 : memref<1x128xi32, #tpu.memory_space<vmem>> -> memref<128xi32, #tpu.memory_space<vmem>>
        %dma_start3A_912 = tpu.memref_slice %arg2[%dma_start3A_908, %min3A_907] : memref<2x800000xi32, #tpu.memory_space<hbm>> -> memref<1x128xi32, #tpu.memory_space<hbm>>
        %dma_start3A_913 = tpu.memref_squeeze %dma_start3A_912 : memref<1x128xi32, #tpu.memory_space<hbm>> -> memref<128xi32, #tpu.memory_space<hbm>>
        %dma_start3A_914 = tpu.memref_slice %arg15[%rem3A_902] : memref<2x!tpu.dma_semaphore, #tpu.memory_space<semaphore_mem>> -> memref<1x!tpu.dma_semaphore, #tpu.memory_space<semaphore_mem>>
        %dma_start3A_915 = tpu.memref_squeeze %dma_start3A_914 : memref<1x!tpu.dma_semaphore, #tpu.memory_space<semaphore_mem>> -> memref<!tpu.dma_semaphore, #tpu.memory_space<semaphore_mem>>
        %dma_start3A_916 = arith.constant 0 : i32
        %dma_start3A_917 = tpu.memref_slice %arg6[%rem3A_902, %dma_start3A_916] : memref<2x128xi32, #tpu.memory_space<vmem>> -> memref<1x128xi32, #tpu.memory_space<vmem>>
        %dma_start3A_918 = tpu.memref_squeeze %dma_start3A_917 : memref<1x128xi32, #tpu.memory_space<vmem>> -> memref<128xi32, #tpu.memory_space<vmem>>
        %dma_start3A_919 = tpu.memref_slice %arg2[%dma_start3A_908, %min3A_907] : memref<2x800000xi32, #tpu.memory_space<hbm>> -> memref<1x128xi32, #tpu.memory_space<hbm>>
        %dma_start3A_920 = tpu.memref_squeeze %dma_start3A_919 : memref<1x128xi32, #tpu.memory_space<hbm>> -> memref<128xi32, #tpu.memory_space<hbm>>
        tpu.enqueue_dma source(%dma_start3A_920 : memref<128xi32, #tpu.memory_space<hbm>>) target(%dma_start3A_918 : memref<128xi32, #tpu.memory_space<vmem>>) target_semaphore(%dma_start3A_915 : memref<!tpu.dma_semaphore, #tpu.memory_space<semaphore_mem>>)
        %dma_start3A_921 = arith.constant 1 : i32
        %dma_start3A_922 = arith.constant 0 : i32
        %dma_start3A_923 = tpu.memref_slice %arg7[%rem3A_902, %dma_start3A_922] : memref<2x128xi32, #tpu.memory_space<vmem>> -> memref<1x128xi32, #tpu.memory_space<vmem>>
        %dma_start3A_924 = tpu.memref_squeeze %dma_start3A_923 : memref<1x128xi32, #tpu.memory_space<vmem>> -> memref<128xi32, #tpu.memory_space<vmem>>
        %dma_start3A_925 = tpu.memref_slice %arg2[%dma_start3A_921, %min3A_907] : memref<2x800000xi32, #tpu.memory_space<hbm>> -> memref<1x128xi32, #tpu.memory_space<hbm>>
        %dma_start3A_926 = tpu.memref_squeeze %dma_start3A_925 : memref<1x128xi32, #tpu.memory_space<hbm>> -> memref<128xi32, #tpu.memory_space<hbm>>
        %dma_start3A_927 = tpu.memref_slice %arg15[%rem3A_902] : memref<2x!tpu.dma_semaphore, #tpu.memory_space<semaphore_mem>> -> memref<1x!tpu.dma_semaphore, #tpu.memory_space<semaphore_mem>>
        %dma_start3A_928 = tpu.memref_squeeze %dma_start3A_927 : memref<1x!tpu.dma_semaphore, #tpu.memory_space<semaphore_mem>> -> memref<!tpu.dma_semaphore, #tpu.memory_space<semaphore_mem>>
        %dma_start3A_929 = arith.constant 0 : i32
        %dma_start3A_930 = tpu.memref_slice %arg7[%rem3A_902, %dma_start3A_929] : memref<2x128xi32, #tpu.memory_space<vmem>> -> memref<1x128xi32, #tpu.memory_space<vmem>>
        %dma_start3A_931 = tpu.memref_squeeze %dma_start3A_930 : memref<1x128xi32, #tpu.memory_space<vmem>> -> memref<128xi32, #tpu.memory_space<vmem>>
        %dma_start3A_932 = tpu.memref_slice %arg2[%dma_start3A_921, %min3A_907] : memref<2x800000xi32, #tpu.memory_space<hbm>> -> memref<1x128xi32, #tpu.memory_space<hbm>>
        %dma_start3A_933 = tpu.memref_squeeze %dma_start3A_932 : memref<1x128xi32, #tpu.memory_space<hbm>> -> memref<128xi32, #tpu.memory_space<hbm>>
        tpu.enqueue_dma source(%dma_start3A_933 : memref<128xi32, #tpu.memory_space<hbm>>) target(%dma_start3A_931 : memref<128xi32, #tpu.memory_space<vmem>>) target_semaphore(%dma_start3A_928 : memref<!tpu.dma_semaphore, #tpu.memory_space<semaphore_mem>>)
      } else {
      }
      %sub3A_503 = arith.constant 1 : i32
      %sub3A_504 = arith.subi %scan3A_495, %sub3A_503 : i32
      %rem3A_505 = arith.constant 2 : i32
      %rem3A_506 = arith.remsi %sub3A_504, %rem3A_505 : i32
      %mul3A_507 = arith.constant 128 : i32
      %mul3A_508 = arith.muli %sub3A_504, %mul3A_507 : i32
      %add3A_509 = arith.addi %mul3A_113, %mul3A_508 : i32
      %lt3A_510 = arith.constant 800000 : i32
      %lt3A_511 = arith.cmpi slt, %add3A_509, %lt3A_510 : i32
      %jit3A_512 = arith.constant 0 : i32
      %jit3A_513 = arith.constant 134217728 : i32
      %select_n3A_514 = arith.select %lt3A_511, %jit3A_512, %jit3A_513 : i32
      %mul3A_515 = arith.constant 128 : i32
      %mul3A_516 = arith.muli %sub3A_504, %mul3A_515 : i32
      %add3A_517 = arith.addi %mul3A_113, %mul3A_516 : i32
      %min3A_518 = arith.constant 799872 : i32
      %min3A_519 = arith.minsi %add3A_517, %min3A_518 : i32
      %dma_wait3A_520 = arith.constant 0 : i32
      %dma_wait3A_521 = arith.constant 0 : i32
      %dma_wait3A_522 = tpu.memref_slice %arg6[%rem3A_506, %dma_wait3A_521] : memref<2x128xi32, #tpu.memory_space<vmem>> -> memref<1x128xi32, #tpu.memory_space<vmem>>
      %dma_wait3A_523 = tpu.memref_squeeze %dma_wait3A_522 : memref<1x128xi32, #tpu.memory_space<vmem>> -> memref<128xi32, #tpu.memory_space<vmem>>
      %dma_wait3A_524 = tpu.memref_slice %arg2[%dma_wait3A_520, %min3A_519] : memref<2x800000xi32, #tpu.memory_space<hbm>> -> memref<1x128xi32, #tpu.memory_space<hbm>>
      %dma_wait3A_525 = tpu.memref_squeeze %dma_wait3A_524 : memref<1x128xi32, #tpu.memory_space<hbm>> -> memref<128xi32, #tpu.memory_space<hbm>>
      %dma_wait3A_526 = tpu.memref_slice %arg15[%rem3A_506] : memref<2x!tpu.dma_semaphore, #tpu.memory_space<semaphore_mem>> -> memref<1x!tpu.dma_semaphore, #tpu.memory_space<semaphore_mem>>
      %dma_wait3A_527 = tpu.memref_squeeze %dma_wait3A_526 : memref<1x!tpu.dma_semaphore, #tpu.memory_space<semaphore_mem>> -> memref<!tpu.dma_semaphore, #tpu.memory_space<semaphore_mem>>
      %dma_wait3A_528 = arith.constant 0 : i32
      %dma_wait3A_529 = tpu.memref_slice %arg6[%rem3A_506, %dma_wait3A_528] : memref<2x128xi32, #tpu.memory_space<vmem>> -> memref<1x128xi32, #tpu.memory_space<vmem>>
      %dma_wait3A_530 = tpu.memref_squeeze %dma_wait3A_529 : memref<1x128xi32, #tpu.memory_space<vmem>> -> memref<128xi32, #tpu.memory_space<vmem>>
      %dma_wait3A_531 = tpu.memref_slice %arg2[%dma_wait3A_520, %min3A_519] : memref<2x800000xi32, #tpu.memory_space<hbm>> -> memref<1x128xi32, #tpu.memory_space<hbm>>
      %dma_wait3A_532 = tpu.memref_squeeze %dma_wait3A_531 : memref<1x128xi32, #tpu.memory_space<hbm>> -> memref<128xi32, #tpu.memory_space<hbm>>
      tpu.wait_dma2 semaphore(%dma_wait3A_527 : memref<!tpu.dma_semaphore, #tpu.memory_space<semaphore_mem>>) src(%dma_wait3A_532 : memref<128xi32, #tpu.memory_space<hbm>>) dst(%dma_wait3A_530 : memref<128xi32, #tpu.memory_space<vmem>>)
      %dma_wait3A_533 = arith.constant 1 : i32
      %dma_wait3A_534 = arith.constant 0 : i32
      %dma_wait3A_535 = tpu.memref_slice %arg7[%rem3A_506, %dma_wait3A_534] : memref<2x128xi32, #tpu.memory_space<vmem>> -> memref<1x128xi32, #tpu.memory_space<vmem>>
      %dma_wait3A_536 = tpu.memref_squeeze %dma_wait3A_535 : memref<1x128xi32, #tpu.memory_space<vmem>> -> memref<128xi32, #tpu.memory_space<vmem>>
      %dma_wait3A_537 = tpu.memref_slice %arg2[%dma_wait3A_533, %min3A_519] : memref<2x800000xi32, #tpu.memory_space<hbm>> -> memref<1x128xi32, #tpu.memory_space<hbm>>
      %dma_wait3A_538 = tpu.memref_squeeze %dma_wait3A_537 : memref<1x128xi32, #tpu.memory_space<hbm>> -> memref<128xi32, #tpu.memory_space<hbm>>
      %dma_wait3A_539 = tpu.memref_slice %arg15[%rem3A_506] : memref<2x!tpu.dma_semaphore, #tpu.memory_space<semaphore_mem>> -> memref<1x!tpu.dma_semaphore, #tpu.memory_space<semaphore_mem>>
      %dma_wait3A_540 = tpu.memref_squeeze %dma_wait3A_539 : memref<1x!tpu.dma_semaphore, #tpu.memory_space<semaphore_mem>> -> memref<!tpu.dma_semaphore, #tpu.memory_space<semaphore_mem>>
      %dma_wait3A_541 = arith.constant 0 : i32
      %dma_wait3A_542 = tpu.memref_slice %arg7[%rem3A_506, %dma_wait3A_541] : memref<2x128xi32, #tpu.memory_space<vmem>> -> memref<1x128xi32, #tpu.memory_space<vmem>>
      %dma_wait3A_543 = tpu.memref_squeeze %dma_wait3A_542 : memref<1x128xi32, #tpu.memory_space<vmem>> -> memref<128xi32, #tpu.memory_space<vmem>>
      %dma_wait3A_544 = tpu.memref_slice %arg2[%dma_wait3A_533, %min3A_519] : memref<2x800000xi32, #tpu.memory_space<hbm>> -> memref<1x128xi32, #tpu.memory_space<hbm>>
      %dma_wait3A_545 = tpu.memref_squeeze %dma_wait3A_544 : memref<1x128xi32, #tpu.memory_space<hbm>> -> memref<128xi32, #tpu.memory_space<hbm>>
      tpu.wait_dma2 semaphore(%dma_wait3A_540 : memref<!tpu.dma_semaphore, #tpu.memory_space<semaphore_mem>>) src(%dma_wait3A_545 : memref<128xi32, #tpu.memory_space<hbm>>) dst(%dma_wait3A_543 : memref<128xi32, #tpu.memory_space<vmem>>)
      %get3A_546 = arith.index_cast %rem3A_506 : i32 to index
      %get3A_547 = arith.constant 0 : index
      %get3A_548 = tpu.vector_load %arg6[%get3A_546, %get3A_547] {strides = array<i32>} : memref<2x128xi32, #tpu.memory_space<vmem>>, vector<16xi32>,
      %get3A_549 = arith.index_cast %rem3A_506 : i32 to index
      %get3A_550 = arith.constant 0 : index
      %get3A_551 = tpu.vector_load %arg7[%get3A_549, %get3A_550] {strides = array<i32>} : memref<2x128xi32, #tpu.memory_space<vmem>>, vector<16xi32>,
      %ge3A_552 = arith.constant 25000 : i32
      %ge3A_553 = vector.broadcast %ge3A_552 : i32 to vector<16xi32>
      %ge3A_554 = arith.cmpi sge, %get3A_551, %ge3A_553 : vector<16xi32>
      %jit3A_555 = arith.constant 88 : i32
      %jit3A_556 = arith.constant 0 : i32
      %broadcast_in_dim3A_557 = vector.broadcast %jit3A_555 : i32 to vector<16xi32>
      %broadcast_in_dim3A_558 = vector.broadcast %jit3A_556 : i32 to vector<16xi32>
      %select_n3A_559 = arith.select %ge3A_554, %broadcast_in_dim3A_557, %broadcast_in_dim3A_558 : vector<16xi1>, vector<16xi32>
      %add3A_560 = arith.addi %get3A_551, %select_n3A_559 : vector<16xi32>
      %sub3A_561 = vector.broadcast %mul3A_0 : i32 to vector<16xi32>
      %sub3A_562 = arith.subi %add3A_560, %sub3A_561 : vector<16xi32>
      %add3A_563 = vector.broadcast %select_n3A_514 : i32 to vector<16xi32>
      %add3A_564 = arith.addi %sub3A_562, %add3A_563 : vector<16xi32>
      %ge3A_565 = arith.constant 0 : i32
      %ge3A_566 = vector.broadcast %ge3A_565 : i32 to vector<16xi32>
      %ge3A_567 = arith.cmpi sge, %add3A_564, %ge3A_566 : vector<16xi32>
      %lt3A_568 = arith.constant 25000 : i32
      %lt3A_569 = vector.broadcast %lt3A_568 : i32 to vector<16xi32>
      %lt3A_570 = arith.cmpi slt, %add3A_564, %lt3A_569 : vector<16xi32>
      %and3A_571 = arith.andi %ge3A_567, %lt3A_570 : vector<16xi1>
      %convert_element_type3A_572 = arith.extui %and3A_571 : vector<16xi1> to vector<16xi32>
      %reduce_sum3A = arith.constant true
      %reduce_sum3A_573 = vector.broadcast %reduce_sum3A : i1 to vector<16xi1>
      %reduce_sum3A_574 = tpu.scan <sum>, %convert_element_type3A_572 masked %reduce_sum3A_573 : vector<16xi32>, vector<16xi1> -> vector<16xi32>
      %reduce_sum3A_575 = vector.extract %reduce_sum3A_574[15] : i32 from vector<16xi32>
      %get3A_576 = arith.index_cast %rem3A_506 : i32 to index
      %get3A_577 = arith.constant 16 : index
      %get3A_578 = tpu.vector_load %arg6[%get3A_576, %get3A_577] {strides = array<i32>} : memref<2x128xi32, #tpu.memory_space<vmem>>, vector<16xi32>,
      %get3A_579 = arith.index_cast %rem3A_506 : i32 to index
      %get3A_580 = arith.constant 16 : index
      %get3A_581 = tpu.vector_load %arg7[%get3A_579, %get3A_580] {strides = array<i32>} : memref<2x128xi32, #tpu.memory_space<vmem>>, vector<16xi32>,
      %ge3A_582 = arith.constant 25000 : i32
      %ge3A_583 = vector.broadcast %ge3A_582 : i32 to vector<16xi32>
      %ge3A_584 = arith.cmpi sge, %get3A_581, %ge3A_583 : vector<16xi32>
      %jit3A_585 = arith.constant 88 : i32
      %jit3A_586 = arith.constant 0 : i32
      %broadcast_in_dim3A_587 = vector.broadcast %jit3A_585 : i32 to vector<16xi32>
      %broadcast_in_dim3A_588 = vector.broadcast %jit3A_586 : i32 to vector<16xi32>
      %select_n3A_589 = arith.select %ge3A_584, %broadcast_in_dim3A_587, %broadcast_in_dim3A_588 : vector<16xi1>, vector<16xi32>
      %add3A_590 = arith.addi %get3A_581, %select_n3A_589 : vector<16xi32>
      %sub3A_591 = vector.broadcast %mul3A_0 : i32 to vector<16xi32>
      %sub3A_592 = arith.subi %add3A_590, %sub3A_591 : vector<16xi32>
      %add3A_593 = vector.broadcast %select_n3A_514 : i32 to vector<16xi32>
      %add3A_594 = arith.addi %sub3A_592, %add3A_593 : vector<16xi32>
      %ge3A_595 = arith.constant 0 : i32
      %ge3A_596 = vector.broadcast %ge3A_595 : i32 to vector<16xi32>
      %ge3A_597 = arith.cmpi sge, %add3A_594, %ge3A_596 : vector<16xi32>
      %lt3A_598 = arith.constant 25000 : i32
      %lt3A_599 = vector.broadcast %lt3A_598 : i32 to vector<16xi32>
      %lt3A_600 = arith.cmpi slt, %add3A_594, %lt3A_599 : vector<16xi32>
      %and3A_601 = arith.andi %ge3A_597, %lt3A_600 : vector<16xi1>
      %convert_element_type3A_602 = arith.extui %and3A_601 : vector<16xi1> to vector<16xi32>
      %reduce_sum3A_603 = arith.constant true
      %reduce_sum3A_604 = vector.broadcast %reduce_sum3A_603 : i1 to vector<16xi1>
      %reduce_sum3A_605 = tpu.scan <sum>, %convert_element_type3A_602 masked %reduce_sum3A_604 : vector<16xi32>, vector<16xi1> -> vector<16xi32>
      %reduce_sum3A_606 = vector.extract %reduce_sum3A_605[15] : i32 from vector<16xi32>
      %get3A_607 = arith.index_cast %rem3A_506 : i32 to index
      %get3A_608 = arith.constant 32 : index
      %get3A_609 = tpu.vector_load %arg6[%get3A_607, %get3A_608] {strides = array<i32>} : memref<2x128xi32, #tpu.memory_space<vmem>>, vector<16xi32>,
      %get3A_610 = arith.index_cast %rem3A_506 : i32 to index
      %get3A_611 = arith.constant 32 : index
      %get3A_612 = tpu.vector_load %arg7[%get3A_610, %get3A_611] {strides = array<i32>} : memref<2x128xi32, #tpu.memory_space<vmem>>, vector<16xi32>,
      %ge3A_613 = arith.constant 25000 : i32
      %ge3A_614 = vector.broadcast %ge3A_613 : i32 to vector<16xi32>
      %ge3A_615 = arith.cmpi sge, %get3A_612, %ge3A_614 : vector<16xi32>
      %jit3A_616 = arith.constant 88 : i32
      %jit3A_617 = arith.constant 0 : i32
      %broadcast_in_dim3A_618 = vector.broadcast %jit3A_616 : i32 to vector<16xi32>
      %broadcast_in_dim3A_619 = vector.broadcast %jit3A_617 : i32 to vector<16xi32>
      %select_n3A_620 = arith.select %ge3A_615, %broadcast_in_dim3A_618, %broadcast_in_dim3A_619 : vector<16xi1>, vector<16xi32>
      %add3A_621 = arith.addi %get3A_612, %select_n3A_620 : vector<16xi32>
      %sub3A_622 = vector.broadcast %mul3A_0 : i32 to vector<16xi32>
      %sub3A_623 = arith.subi %add3A_621, %sub3A_622 : vector<16xi32>
      %add3A_624 = vector.broadcast %select_n3A_514 : i32 to vector<16xi32>
      %add3A_625 = arith.addi %sub3A_623, %add3A_624 : vector<16xi32>
      %ge3A_626 = arith.constant 0 : i32
      %ge3A_627 = vector.broadcast %ge3A_626 : i32 to vector<16xi32>
      %ge3A_628 = arith.cmpi sge, %add3A_625, %ge3A_627 : vector<16xi32>
      %lt3A_629 = arith.constant 25000 : i32
      %lt3A_630 = vector.broadcast %lt3A_629 : i32 to vector<16xi32>
      %lt3A_631 = arith.cmpi slt, %add3A_625, %lt3A_630 : vector<16xi32>
      %and3A_632 = arith.andi %ge3A_628, %lt3A_631 : vector<16xi1>
      %convert_element_type3A_633 = arith.extui %and3A_632 : vector<16xi1> to vector<16xi32>
      %reduce_sum3A_634 = arith.constant true
      %reduce_sum3A_635 = vector.broadcast %reduce_sum3A_634 : i1 to vector<16xi1>
      %reduce_sum3A_636 = tpu.scan <sum>, %convert_element_type3A_633 masked %reduce_sum3A_635 : vector<16xi32>, vector<16xi1> -> vector<16xi32>
      %reduce_sum3A_637 = vector.extract %reduce_sum3A_636[15] : i32 from vector<16xi32>
      %get3A_638 = arith.index_cast %rem3A_506 : i32 to index
      %get3A_639 = arith.constant 48 : index
      %get3A_640 = tpu.vector_load %arg6[%get3A_638, %get3A_639] {strides = array<i32>} : memref<2x128xi32, #tpu.memory_space<vmem>>, vector<16xi32>,
      %get3A_641 = arith.index_cast %rem3A_506 : i32 to index
      %get3A_642 = arith.constant 48 : index
      %get3A_643 = tpu.vector_load %arg7[%get3A_641, %get3A_642] {strides = array<i32>} : memref<2x128xi32, #tpu.memory_space<vmem>>, vector<16xi32>,
      %ge3A_644 = arith.constant 25000 : i32
      %ge3A_645 = vector.broadcast %ge3A_644 : i32 to vector<16xi32>
      %ge3A_646 = arith.cmpi sge, %get3A_643, %ge3A_645 : vector<16xi32>
      %jit3A_647 = arith.constant 88 : i32
      %jit3A_648 = arith.constant 0 : i32
      %broadcast_in_dim3A_649 = vector.broadcast %jit3A_647 : i32 to vector<16xi32>
      %broadcast_in_dim3A_650 = vector.broadcast %jit3A_648 : i32 to vector<16xi32>
      %select_n3A_651 = arith.select %ge3A_646, %broadcast_in_dim3A_649, %broadcast_in_dim3A_650 : vector<16xi1>, vector<16xi32>
      %add3A_652 = arith.addi %get3A_643, %select_n3A_651 : vector<16xi32>
      %sub3A_653 = vector.broadcast %mul3A_0 : i32 to vector<16xi32>
      %sub3A_654 = arith.subi %add3A_652, %sub3A_653 : vector<16xi32>
      %add3A_655 = vector.broadcast %select_n3A_514 : i32 to vector<16xi32>
      %add3A_656 = arith.addi %sub3A_654, %add3A_655 : vector<16xi32>
      %ge3A_657 = arith.constant 0 : i32
      %ge3A_658 = vector.broadcast %ge3A_657 : i32 to vector<16xi32>
      %ge3A_659 = arith.cmpi sge, %add3A_656, %ge3A_658 : vector<16xi32>
      %lt3A_660 = arith.constant 25000 : i32
      %lt3A_661 = vector.broadcast %lt3A_660 : i32 to vector<16xi32>
      %lt3A_662 = arith.cmpi slt, %add3A_656, %lt3A_661 : vector<16xi32>
      %and3A_663 = arith.andi %ge3A_659, %lt3A_662 : vector<16xi1>
      %convert_element_type3A_664 = arith.extui %and3A_663 : vector<16xi1> to vector<16xi32>
      %reduce_sum3A_665 = arith.constant true
      %reduce_sum3A_666 = vector.broadcast %reduce_sum3A_665 : i1 to vector<16xi1>
      %reduce_sum3A_667 = tpu.scan <sum>, %convert_element_type3A_664 masked %reduce_sum3A_666 : vector<16xi32>, vector<16xi1> -> vector<16xi32>
      %reduce_sum3A_668 = vector.extract %reduce_sum3A_667[15] : i32 from vector<16xi32>
      %get3A_669 = arith.index_cast %rem3A_506 : i32 to index
      %get3A_670 = arith.constant 64 : index
      %get3A_671 = tpu.vector_load %arg6[%get3A_669, %get3A_670] {strides = array<i32>} : memref<2x128xi32, #tpu.memory_space<vmem>>, vector<16xi32>,
      %get3A_672 = arith.index_cast %rem3A_506 : i32 to index
      %get3A_673 = arith.constant 64 : index
      %get3A_674 = tpu.vector_load %arg7[%get3A_672, %get3A_673] {strides = array<i32>} : memref<2x128xi32, #tpu.memory_space<vmem>>, vector<16xi32>,
      %ge3A_675 = arith.constant 25000 : i32
      %ge3A_676 = vector.broadcast %ge3A_675 : i32 to vector<16xi32>
      %ge3A_677 = arith.cmpi sge, %get3A_674, %ge3A_676 : vector<16xi32>
      %jit3A_678 = arith.constant 88 : i32
      %jit3A_679 = arith.constant 0 : i32
      %broadcast_in_dim3A_680 = vector.broadcast %jit3A_678 : i32 to vector<16xi32>
      %broadcast_in_dim3A_681 = vector.broadcast %jit3A_679 : i32 to vector<16xi32>
      %select_n3A_682 = arith.select %ge3A_677, %broadcast_in_dim3A_680, %broadcast_in_dim3A_681 : vector<16xi1>, vector<16xi32>
      %add3A_683 = arith.addi %get3A_674, %select_n3A_682 : vector<16xi32>
      %sub3A_684 = vector.broadcast %mul3A_0 : i32 to vector<16xi32>
      %sub3A_685 = arith.subi %add3A_683, %sub3A_684 : vector<16xi32>
      %add3A_686 = vector.broadcast %select_n3A_514 : i32 to vector<16xi32>
      %add3A_687 = arith.addi %sub3A_685, %add3A_686 : vector<16xi32>
      %ge3A_688 = arith.constant 0 : i32
      %ge3A_689 = vector.broadcast %ge3A_688 : i32 to vector<16xi32>
      %ge3A_690 = arith.cmpi sge, %add3A_687, %ge3A_689 : vector<16xi32>
      %lt3A_691 = arith.constant 25000 : i32
      %lt3A_692 = vector.broadcast %lt3A_691 : i32 to vector<16xi32>
      %lt3A_693 = arith.cmpi slt, %add3A_687, %lt3A_692 : vector<16xi32>
      %and3A_694 = arith.andi %ge3A_690, %lt3A_693 : vector<16xi1>
      %convert_element_type3A_695 = arith.extui %and3A_694 : vector<16xi1> to vector<16xi32>
      %reduce_sum3A_696 = arith.constant true
      %reduce_sum3A_697 = vector.broadcast %reduce_sum3A_696 : i1 to vector<16xi1>
      %reduce_sum3A_698 = tpu.scan <sum>, %convert_element_type3A_695 masked %reduce_sum3A_697 : vector<16xi32>, vector<16xi1> -> vector<16xi32>
      %reduce_sum3A_699 = vector.extract %reduce_sum3A_698[15] : i32 from vector<16xi32>
      %get3A_700 = arith.index_cast %rem3A_506 : i32 to index
      %get3A_701 = arith.constant 80 : index
      %get3A_702 = tpu.vector_load %arg6[%get3A_700, %get3A_701] {strides = array<i32>} : memref<2x128xi32, #tpu.memory_space<vmem>>, vector<16xi32>,
      %get3A_703 = arith.index_cast %rem3A_506 : i32 to index
      %get3A_704 = arith.constant 80 : index
      %get3A_705 = tpu.vector_load %arg7[%get3A_703, %get3A_704] {strides = array<i32>} : memref<2x128xi32, #tpu.memory_space<vmem>>, vector<16xi32>,
      %ge3A_706 = arith.constant 25000 : i32
      %ge3A_707 = vector.broadcast %ge3A_706 : i32 to vector<16xi32>
      %ge3A_708 = arith.cmpi sge, %get3A_705, %ge3A_707 : vector<16xi32>
      %jit3A_709 = arith.constant 88 : i32
      %jit3A_710 = arith.constant 0 : i32
      %broadcast_in_dim3A_711 = vector.broadcast %jit3A_709 : i32 to vector<16xi32>
      %broadcast_in_dim3A_712 = vector.broadcast %jit3A_710 : i32 to vector<16xi32>
      %select_n3A_713 = arith.select %ge3A_708, %broadcast_in_dim3A_711, %broadcast_in_dim3A_712 : vector<16xi1>, vector<16xi32>
      %add3A_714 = arith.addi %get3A_705, %select_n3A_713 : vector<16xi32>
      %sub3A_715 = vector.broadcast %mul3A_0 : i32 to vector<16xi32>
      %sub3A_716 = arith.subi %add3A_714, %sub3A_715 : vector<16xi32>
      %add3A_717 = vector.broadcast %select_n3A_514 : i32 to vector<16xi32>
      %add3A_718 = arith.addi %sub3A_716, %add3A_717 : vector<16xi32>
      %ge3A_719 = arith.constant 0 : i32
      %ge3A_720 = vector.broadcast %ge3A_719 : i32 to vector<16xi32>
      %ge3A_721 = arith.cmpi sge, %add3A_718, %ge3A_720 : vector<16xi32>
      %lt3A_722 = arith.constant 25000 : i32
      %lt3A_723 = vector.broadcast %lt3A_722 : i32 to vector<16xi32>
      %lt3A_724 = arith.cmpi slt, %add3A_718, %lt3A_723 : vector<16xi32>
      %and3A_725 = arith.andi %ge3A_721, %lt3A_724 : vector<16xi1>
      %convert_element_type3A_726 = arith.extui %and3A_725 : vector<16xi1> to vector<16xi32>
      %reduce_sum3A_727 = arith.constant true
      %reduce_sum3A_728 = vector.broadcast %reduce_sum3A_727 : i1 to vector<16xi1>
      %reduce_sum3A_729 = tpu.scan <sum>, %convert_element_type3A_726 masked %reduce_sum3A_728 : vector<16xi32>, vector<16xi1> -> vector<16xi32>
      %reduce_sum3A_730 = vector.extract %reduce_sum3A_729[15] : i32 from vector<16xi32>
      %get3A_731 = arith.index_cast %rem3A_506 : i32 to index
      %get3A_732 = arith.constant 96 : index
      %get3A_733 = tpu.vector_load %arg6[%get3A_731, %get3A_732] {strides = array<i32>} : memref<2x128xi32, #tpu.memory_space<vmem>>, vector<16xi32>,
      %get3A_734 = arith.index_cast %rem3A_506 : i32 to index
      %get3A_735 = arith.constant 96 : index
      %get3A_736 = tpu.vector_load %arg7[%get3A_734, %get3A_735] {strides = array<i32>} : memref<2x128xi32, #tpu.memory_space<vmem>>, vector<16xi32>,
      %ge3A_737 = arith.constant 25000 : i32
      %ge3A_738 = vector.broadcast %ge3A_737 : i32 to vector<16xi32>
      %ge3A_739 = arith.cmpi sge, %get3A_736, %ge3A_738 : vector<16xi32>
      %jit3A_740 = arith.constant 88 : i32
      %jit3A_741 = arith.constant 0 : i32
      %broadcast_in_dim3A_742 = vector.broadcast %jit3A_740 : i32 to vector<16xi32>
      %broadcast_in_dim3A_743 = vector.broadcast %jit3A_741 : i32 to vector<16xi32>
      %select_n3A_744 = arith.select %ge3A_739, %broadcast_in_dim3A_742, %broadcast_in_dim3A_743 : vector<16xi1>, vector<16xi32>
      %add3A_745 = arith.addi %get3A_736, %select_n3A_744 : vector<16xi32>
      %sub3A_746 = vector.broadcast %mul3A_0 : i32 to vector<16xi32>
      %sub3A_747 = arith.subi %add3A_745, %sub3A_746 : vector<16xi32>
      %add3A_748 = vector.broadcast %select_n3A_514 : i32 to vector<16xi32>
      %add3A_749 = arith.addi %sub3A_747, %add3A_748 : vector<16xi32>
      %ge3A_750 = arith.constant 0 : i32
      %ge3A_751 = vector.broadcast %ge3A_750 : i32 to vector<16xi32>
      %ge3A_752 = arith.cmpi sge, %add3A_749, %ge3A_751 : vector<16xi32>
      %lt3A_753 = arith.constant 25000 : i32
      %lt3A_754 = vector.broadcast %lt3A_753 : i32 to vector<16xi32>
      %lt3A_755 = arith.cmpi slt, %add3A_749, %lt3A_754 : vector<16xi32>
      %and3A_756 = arith.andi %ge3A_752, %lt3A_755 : vector<16xi1>
      %convert_element_type3A_757 = arith.extui %and3A_756 : vector<16xi1> to vector<16xi32>
      %reduce_sum3A_758 = arith.constant true
      %reduce_sum3A_759 = vector.broadcast %reduce_sum3A_758 : i1 to vector<16xi1>
      %reduce_sum3A_760 = tpu.scan <sum>, %convert_element_type3A_757 masked %reduce_sum3A_759 : vector<16xi32>, vector<16xi1> -> vector<16xi32>
      %reduce_sum3A_761 = vector.extract %reduce_sum3A_760[15] : i32 from vector<16xi32>
      %get3A_762 = arith.index_cast %rem3A_506 : i32 to index
      %get3A_763 = arith.constant 112 : index
      %get3A_764 = tpu.vector_load %arg6[%get3A_762, %get3A_763] {strides = array<i32>} : memref<2x128xi32, #tpu.memory_space<vmem>>, vector<16xi32>,
      %get3A_765 = arith.index_cast %rem3A_506 : i32 to index
      %get3A_766 = arith.constant 112 : index
      %get3A_767 = tpu.vector_load %arg7[%get3A_765, %get3A_766] {strides = array<i32>} : memref<2x128xi32, #tpu.memory_space<vmem>>, vector<16xi32>,
      %ge3A_768 = arith.constant 25000 : i32
      %ge3A_769 = vector.broadcast %ge3A_768 : i32 to vector<16xi32>
      %ge3A_770 = arith.cmpi sge, %get3A_767, %ge3A_769 : vector<16xi32>
      %jit3A_771 = arith.constant 88 : i32
      %jit3A_772 = arith.constant 0 : i32
      %broadcast_in_dim3A_773 = vector.broadcast %jit3A_771 : i32 to vector<16xi32>
      %broadcast_in_dim3A_774 = vector.broadcast %jit3A_772 : i32 to vector<16xi32>
      %select_n3A_775 = arith.select %ge3A_770, %broadcast_in_dim3A_773, %broadcast_in_dim3A_774 : vector<16xi1>, vector<16xi32>
      %add3A_776 = arith.addi %get3A_767, %select_n3A_775 : vector<16xi32>
      %sub3A_777 = vector.broadcast %mul3A_0 : i32 to vector<16xi32>
      %sub3A_778 = arith.subi %add3A_776, %sub3A_777 : vector<16xi32>
      %add3A_779 = vector.broadcast %select_n3A_514 : i32 to vector<16xi32>
      %add3A_780 = arith.addi %sub3A_778, %add3A_779 : vector<16xi32>
      %ge3A_781 = arith.constant 0 : i32
      %ge3A_782 = vector.broadcast %ge3A_781 : i32 to vector<16xi32>
      %ge3A_783 = arith.cmpi sge, %add3A_780, %ge3A_782 : vector<16xi32>
      %lt3A_784 = arith.constant 25000 : i32
      %lt3A_785 = vector.broadcast %lt3A_784 : i32 to vector<16xi32>
      %lt3A_786 = arith.cmpi slt, %add3A_780, %lt3A_785 : vector<16xi32>
      %and3A_787 = arith.andi %ge3A_783, %lt3A_786 : vector<16xi1>
      %convert_element_type3A_788 = arith.extui %and3A_787 : vector<16xi1> to vector<16xi32>
      %reduce_sum3A_789 = arith.constant true
      %reduce_sum3A_790 = vector.broadcast %reduce_sum3A_789 : i1 to vector<16xi1>
      %reduce_sum3A_791 = tpu.scan <sum>, %convert_element_type3A_788 masked %reduce_sum3A_790 : vector<16xi32>, vector<16xi1> -> vector<16xi32>
      %reduce_sum3A_792 = vector.extract %reduce_sum3A_791[15] : i32 from vector<16xi32>
      %add3A_793 = arith.addi %scan3A_496, %reduce_sum3A_575 : i32
      %add3A_794 = arith.addi %add3A_793, %reduce_sum3A_606 : i32
      %add3A_795 = arith.addi %add3A_794, %reduce_sum3A_637 : i32
      %add3A_796 = arith.addi %add3A_795, %reduce_sum3A_668 : i32
      %add3A_797 = arith.addi %add3A_796, %reduce_sum3A_699 : i32
      %add3A_798 = arith.addi %add3A_797, %reduce_sum3A_730 : i32
      %add3A_799 = arith.addi %add3A_798, %reduce_sum3A_761 : i32
      %add3A_800 = arith.addi %add3A_799, %reduce_sum3A_792 : i32
      %gt3A = arith.constant 0 : i32
      %gt3A_801 = vector.broadcast %gt3A : i32 to vector<16xi32>
      %gt3A_802 = arith.cmpi sgt, %convert_element_type3A_572, %gt3A_801 : vector<16xi32>
      %broadcast_in_dim3A_803 = arith.constant true
      %broadcast_in_dim3A_804 = vector.broadcast %broadcast_in_dim3A_803 : i1 to vector<16xi1>
      %masked_cumsum3A = tpu.scan <sum>, %convert_element_type3A_572 masked %broadcast_in_dim3A_804 : vector<16xi32>, vector<16xi1> -> vector<16xi32>
      %add3A_805 = vector.broadcast %scan3A_496 : i32 to vector<16xi32>
      %add3A_806 = arith.addi %add3A_805, %masked_cumsum3A : vector<16xi32>
      %sub3A_807 = arith.constant 1 : i32
      %sub3A_808 = vector.broadcast %sub3A_807 : i32 to vector<16xi32>
      %sub3A_809 = arith.subi %add3A_806, %sub3A_808 : vector<16xi32>
      tpu.vector_store_idx %arg11[%sub3A_809], %get3A_548 masked %gt3A_802 : memref<272xi32, #tpu.memory_space<vmem>>[vector<16xi32>], vector<16xi32>, vector<16xi1>
      tpu.vector_store_idx %arg12[%sub3A_809], %add3A_564 masked %gt3A_802 : memref<272xi32, #tpu.memory_space<vmem>>[vector<16xi32>], vector<16xi32>, vector<16xi1>
      %gt3A_810 = arith.constant 0 : i32
      %gt3A_811 = vector.broadcast %gt3A_810 : i32 to vector<16xi32>
      %gt3A_812 = arith.cmpi sgt, %convert_element_type3A_602, %gt3A_811 : vector<16xi32>
      %broadcast_in_dim3A_813 = arith.constant true
      %broadcast_in_dim3A_814 = vector.broadcast %broadcast_in_dim3A_813 : i1 to vector<16xi1>
      %masked_cumsum3A_815 = tpu.scan <sum>, %convert_element_type3A_602 masked %broadcast_in_dim3A_814 : vector<16xi32>, vector<16xi1> -> vector<16xi32>
      %add3A_816 = vector.broadcast %add3A_793 : i32 to vector<16xi32>
      %add3A_817 = arith.addi %add3A_816, %masked_cumsum3A_815 : vector<16xi32>
      %sub3A_818 = arith.constant 1 : i32
      %sub3A_819 = vector.broadcast %sub3A_818 : i32 to vector<16xi32>
      %sub3A_820 = arith.subi %add3A_817, %sub3A_819 : vector<16xi32>
      tpu.vector_store_idx %arg11[%sub3A_820], %get3A_578 masked %gt3A_812 : memref<272xi32, #tpu.memory_space<vmem>>[vector<16xi32>], vector<16xi32>, vector<16xi1>
      tpu.vector_store_idx %arg12[%sub3A_820], %add3A_594 masked %gt3A_812 : memref<272xi32, #tpu.memory_space<vmem>>[vector<16xi32>], vector<16xi32>, vector<16xi1>
      %gt3A_821 = arith.constant 0 : i32
      %gt3A_822 = vector.broadcast %gt3A_821 : i32 to vector<16xi32>
      %gt3A_823 = arith.cmpi sgt, %convert_element_type3A_633, %gt3A_822 : vector<16xi32>
      %broadcast_in_dim3A_824 = arith.constant true
      %broadcast_in_dim3A_825 = vector.broadcast %broadcast_in_dim3A_824 : i1 to vector<16xi1>
      %masked_cumsum3A_826 = tpu.scan <sum>, %convert_element_type3A_633 masked %broadcast_in_dim3A_825 : vector<16xi32>, vector<16xi1> -> vector<16xi32>
      %add3A_827 = vector.broadcast %add3A_794 : i32 to vector<16xi32>
      %add3A_828 = arith.addi %add3A_827, %masked_cumsum3A_826 : vector<16xi32>
      %sub3A_829 = arith.constant 1 : i32
      %sub3A_830 = vector.broadcast %sub3A_829 : i32 to vector<16xi32>
      %sub3A_831 = arith.subi %add3A_828, %sub3A_830 : vector<16xi32>
      tpu.vector_store_idx %arg11[%sub3A_831], %get3A_609 masked %gt3A_823 : memref<272xi32, #tpu.memory_space<vmem>>[vector<16xi32>], vector<16xi32>, vector<16xi1>
      tpu.vector_store_idx %arg12[%sub3A_831], %add3A_625 masked %gt3A_823 : memref<272xi32, #tpu.memory_space<vmem>>[vector<16xi32>], vector<16xi32>, vector<16xi1>
      %gt3A_832 = arith.constant 0 : i32
      %gt3A_833 = vector.broadcast %gt3A_832 : i32 to vector<16xi32>
      %gt3A_834 = arith.cmpi sgt, %convert_element_type3A_664, %gt3A_833 : vector<16xi32>
      %broadcast_in_dim3A_835 = arith.constant true
      %broadcast_in_dim3A_836 = vector.broadcast %broadcast_in_dim3A_835 : i1 to vector<16xi1>
      %masked_cumsum3A_837 = tpu.scan <sum>, %convert_element_type3A_664 masked %broadcast_in_dim3A_836 : vector<16xi32>, vector<16xi1> -> vector<16xi32>
      %add3A_838 = vector.broadcast %add3A_795 : i32 to vector<16xi32>
      %add3A_839 = arith.addi %add3A_838, %masked_cumsum3A_837 : vector<16xi32>
      %sub3A_840 = arith.constant 1 : i32
      %sub3A_841 = vector.broadcast %sub3A_840 : i32 to vector<16xi32>
      %sub3A_842 = arith.subi %add3A_839, %sub3A_841 : vector<16xi32>
      tpu.vector_store_idx %arg11[%sub3A_842], %get3A_640 masked %gt3A_834 : memref<272xi32, #tpu.memory_space<vmem>>[vector<16xi32>], vector<16xi32>, vector<16xi1>
      tpu.vector_store_idx %arg12[%sub3A_842], %add3A_656 masked %gt3A_834 : memref<272xi32, #tpu.memory_space<vmem>>[vector<16xi32>], vector<16xi32>, vector<16xi1>
      %gt3A_843 = arith.constant 0 : i32
      %gt3A_844 = vector.broadcast %gt3A_843 : i32 to vector<16xi32>
      %gt3A_845 = arith.cmpi sgt, %convert_element_type3A_695, %gt3A_844 : vector<16xi32>
      %broadcast_in_dim3A_846 = arith.constant true
      %broadcast_in_dim3A_847 = vector.broadcast %broadcast_in_dim3A_846 : i1 to vector<16xi1>
      %masked_cumsum3A_848 = tpu.scan <sum>, %convert_element_type3A_695 masked %broadcast_in_dim3A_847 : vector<16xi32>, vector<16xi1> -> vector<16xi32>
      %add3A_849 = vector.broadcast %add3A_796 : i32 to vector<16xi32>
      %add3A_850 = arith.addi %add3A_849, %masked_cumsum3A_848 : vector<16xi32>
      %sub3A_851 = arith.constant 1 : i32
      %sub3A_852 = vector.broadcast %sub3A_851 : i32 to vector<16xi32>
      %sub3A_853 = arith.subi %add3A_850, %sub3A_852 : vector<16xi32>
      tpu.vector_store_idx %arg11[%sub3A_853], %get3A_671 masked %gt3A_845 : memref<272xi32, #tpu.memory_space<vmem>>[vector<16xi32>], vector<16xi32>, vector<16xi1>
      tpu.vector_store_idx %arg12[%sub3A_853], %add3A_687 masked %gt3A_845 : memref<272xi32, #tpu.memory_space<vmem>>[vector<16xi32>], vector<16xi32>, vector<16xi1>
      %gt3A_854 = arith.constant 0 : i32
      %gt3A_855 = vector.broadcast %gt3A_854 : i32 to vector<16xi32>
      %gt3A_856 = arith.cmpi sgt, %convert_element_type3A_726, %gt3A_855 : vector<16xi32>
      %broadcast_in_dim3A_857 = arith.constant true
      %broadcast_in_dim3A_858 = vector.broadcast %broadcast_in_dim3A_857 : i1 to vector<16xi1>
      %masked_cumsum3A_859 = tpu.scan <sum>, %convert_element_type3A_726 masked %broadcast_in_dim3A_858 : vector<16xi32>, vector<16xi1> -> vector<16xi32>
      %add3A_860 = vector.broadcast %add3A_797 : i32 to vector<16xi32>
      %add3A_861 = arith.addi %add3A_860, %masked_cumsum3A_859 : vector<16xi32>
      %sub3A_862 = arith.constant 1 : i32
      %sub3A_863 = vector.broadcast %sub3A_862 : i32 to vector<16xi32>
      %sub3A_864 = arith.subi %add3A_861, %sub3A_863 : vector<16xi32>
      tpu.vector_store_idx %arg11[%sub3A_864], %get3A_702 masked %gt3A_856 : memref<272xi32, #tpu.memory_space<vmem>>[vector<16xi32>], vector<16xi32>, vector<16xi1>
      tpu.vector_store_idx %arg12[%sub3A_864], %add3A_718 masked %gt3A_856 : memref<272xi32, #tpu.memory_space<vmem>>[vector<16xi32>], vector<16xi32>, vector<16xi1>
      %gt3A_865 = arith.constant 0 : i32
      %gt3A_866 = vector.broadcast %gt3A_865 : i32 to vector<16xi32>
      %gt3A_867 = arith.cmpi sgt, %convert_element_type3A_757, %gt3A_866 : vector<16xi32>
      %broadcast_in_dim3A_868 = arith.constant true
      %broadcast_in_dim3A_869 = vector.broadcast %broadcast_in_dim3A_868 : i1 to vector<16xi1>
      %masked_cumsum3A_870 = tpu.scan <sum>, %convert_element_type3A_757 masked %broadcast_in_dim3A_869 : vector<16xi32>, vector<16xi1> -> vector<16xi32>
      %add3A_871 = vector.broadcast %add3A_798 : i32 to vector<16xi32>
      %add3A_872 = arith.addi %add3A_871, %masked_cumsum3A_870 : vector<16xi32>
      %sub3A_873 = arith.constant 1 : i32
      %sub3A_874 = vector.broadcast %sub3A_873 : i32 to vector<16xi32>
      %sub3A_875 = arith.subi %add3A_872, %sub3A_874 : vector<16xi32>
      tpu.vector_store_idx %arg11[%sub3A_875], %get3A_733 masked %gt3A_867 : memref<272xi32, #tpu.memory_space<vmem>>[vector<16xi32>], vector<16xi32>, vector<16xi1>
      tpu.vector_store_idx %arg12[%sub3A_875], %add3A_749 masked %gt3A_867 : memref<272xi32, #tpu.memory_space<vmem>>[vector<16xi32>], vector<16xi32>, vector<16xi1>
      %gt3A_876 = arith.constant 0 : i32
      %gt3A_877 = vector.broadcast %gt3A_876 : i32 to vector<16xi32>
      %gt3A_878 = arith.cmpi sgt, %convert_element_type3A_788, %gt3A_877 : vector<16xi32>
      %broadcast_in_dim3A_879 = arith.constant true
      %broadcast_in_dim3A_880 = vector.broadcast %broadcast_in_dim3A_879 : i1 to vector<16xi1>
      %masked_cumsum3A_881 = tpu.scan <sum>, %convert_element_type3A_788 masked %broadcast_in_dim3A_880 : vector<16xi32>, vector<16xi1> -> vector<16xi32>
      %add3A_882 = vector.broadcast %add3A_799 : i32 to vector<16xi32>
      %add3A_883 = arith.addi %add3A_882, %masked_cumsum3A_881 : vector<16xi32>
      %sub3A_884 = arith.constant 1 : i32
      %sub3A_885 = vector.broadcast %sub3A_884 : i32 to vector<16xi32>
      %sub3A_886 = arith.subi %add3A_883, %sub3A_885 : vector<16xi32>
      tpu.vector_store_idx %arg11[%sub3A_886], %get3A_764 masked %gt3A_878 : memref<272xi32, #tpu.memory_space<vmem>>[vector<16xi32>], vector<16xi32>, vector<16xi1>
      tpu.vector_store_idx %arg12[%sub3A_886], %add3A_780 masked %gt3A_878 : memref<272xi32, #tpu.memory_space<vmem>>[vector<16xi32>], vector<16xi32>, vector<16xi1>
      %ge3A_887 = arith.constant 128 : i32
      %ge3A_888 = arith.cmpi sge, %add3A_800, %ge3A_887 : i32
      %convert_element_type3A_889 = arith.extui %ge3A_888 : i1 to i32
      %cond3A_890 = arith.constant 0 : i32
      %cond3A_891 = arith.cmpi ne, %convert_element_type3A_889, %cond3A_890 : i32
      scf.if %cond3A_891 {
        %rem3A_901 = arith.constant 3 : i32
        %rem3A_902 = arith.remsi %scan3A_497, %rem3A_901 : i32
        %ge3A_903 = arith.constant 3 : i32
        %ge3A_904 = arith.cmpi sge, %scan3A_497, %ge3A_903 : i32
        %convert_element_type3A_905 = arith.extui %ge3A_904 : i1 to i32
        %cond3A_906 = arith.constant 0 : i32
        %cond3A_907 = arith.cmpi ne, %convert_element_type3A_905, %cond3A_906 : i32
        scf.if %cond3A_907 {
          %dma_wait3A_1069 = arith.constant 0 : i32
          %dma_wait3A_1070 = arith.constant 0 : i32
          %dma_wait3A_1071 = tpu.memref_slice %arg10[%rem3A_902, %dma_wait3A_1069, %dma_wait3A_1070] : memref<3x128x64xf32, #tpu.memory_space<vmem>> -> memref<1x128x64xf32, #tpu.memory_space<vmem>>
          %dma_wait3A_1072 = tpu.memref_squeeze %dma_wait3A_1071 : memref<1x128x64xf32, #tpu.memory_space<vmem>> -> memref<128x64xf32, #tpu.memory_space<vmem>>
          %dma_wait3A_1073 = arith.constant 0 : i32
          %dma_wait3A_1074 = tpu.memref_slice %arg9[%rem3A_902, %dma_wait3A_1073] : memref<3x128xi32, #tpu.memory_space<vmem>> -> memref<1x128xi32, #tpu.memory_space<vmem>>
          %dma_wait3A_1075 = tpu.memref_squeeze %dma_wait3A_1074 : memref<1x128xi32, #tpu.memory_space<vmem>> -> memref<128xi32, #tpu.memory_space<vmem>>
          %dma_wait3A_1076 = arith.constant 0 : i32
          %dma_wait3A_1077 = arith.constant 0 : i32
          %dma_wait3A_1078 = tpu.memref_slice %arg18[%dma_wait3A_1076, %dma_wait3A_1077] : memref<25088x64xf32, #tpu.memory_space<vmem_shared>> -> memref<25088x64xf32, #tpu.memory_space<vmem_shared>>
          %dma_wait3A_1079 = tpu.memref_slice %arg17[%rem3A_902] : memref<3x!tpu.dma_semaphore, #tpu.memory_space<semaphore_mem>> -> memref<1x!tpu.dma_semaphore, #tpu.memory_space<semaphore_mem>>
          %dma_wait3A_1080 = tpu.memref_squeeze %dma_wait3A_1079 : memref<1x!tpu.dma_semaphore, #tpu.memory_space<semaphore_mem>> -> memref<!tpu.dma_semaphore, #tpu.memory_space<semaphore_mem>>
          tpu.wait_indirect_dma semaphore(%dma_wait3A_1080 : memref<!tpu.dma_semaphore, #tpu.memory_space<semaphore_mem>>) src(%dma_wait3A_1072 : memref<128x64xf32, #tpu.memory_space<vmem>>) dst(%dma_wait3A_1078 : memref<25088x64xf32, #tpu.memory_space<vmem_shared>>)
        } else {
        }
        %get3A_908 = arith.constant 0 : index
        %get3A_909 = tpu.vector_load %arg11[%get3A_908] {strides = array<i32>} : memref<272xi32, #tpu.memory_space<vmem>>, vector<16xi32>,
        %swap3A_910 = arith.index_cast %rem3A_902 : i32 to index
        %swap3A_911 = arith.constant 0 : index
        %swap3A_912 = tpu.vector_load %arg8[%swap3A_910, %swap3A_911] {strides = array<i32>} : memref<3x128xi32, #tpu.memory_space<vmem>>, vector<16xi32>,
        tpu.vector_store %arg8[%swap3A_910, %swap3A_911], %get3A_909 {strides = array<i32>} : memref<3x128xi32, #tpu.memory_space<vmem>>, vector<16xi32>,
        %get3A_913 = arith.constant 0 : index
        %get3A_914 = tpu.vector_load %arg12[%get3A_913] {strides = array<i32>} : memref<272xi32, #tpu.memory_space<vmem>>, vector<16xi32>,
        %swap3A_915 = arith.index_cast %rem3A_902 : i32 to index
        %swap3A_916 = arith.constant 0 : index
        %swap3A_917 = tpu.vector_load %arg9[%swap3A_915, %swap3A_916] {strides = array<i32>} : memref<3x128xi32, #tpu.memory_space<vmem>>, vector<16xi32>,
        tpu.vector_store %arg9[%swap3A_915, %swap3A_916], %get3A_914 {strides = array<i32>} : memref<3x128xi32, #tpu.memory_space<vmem>>, vector<16xi32>,
        %get3A_918 = arith.constant 16 : index
        %get3A_919 = tpu.vector_load %arg11[%get3A_918] {strides = array<i32>} : memref<272xi32, #tpu.memory_space<vmem>>, vector<16xi32>,
        %swap3A_920 = arith.index_cast %rem3A_902 : i32 to index
        %swap3A_921 = arith.constant 16 : index
        %swap3A_922 = tpu.vector_load %arg8[%swap3A_920, %swap3A_921] {strides = array<i32>} : memref<3x128xi32, #tpu.memory_space<vmem>>, vector<16xi32>,
        tpu.vector_store %arg8[%swap3A_920, %swap3A_921], %get3A_919 {strides = array<i32>} : memref<3x128xi32, #tpu.memory_space<vmem>>, vector<16xi32>,
        %get3A_923 = arith.constant 16 : index
        %get3A_924 = tpu.vector_load %arg12[%get3A_923] {strides = array<i32>} : memref<272xi32, #tpu.memory_space<vmem>>, vector<16xi32>,
        %swap3A_925 = arith.index_cast %rem3A_902 : i32 to index
        %swap3A_926 = arith.constant 16 : index
        %swap3A_927 = tpu.vector_load %arg9[%swap3A_925, %swap3A_926] {strides = array<i32>} : memref<3x128xi32, #tpu.memory_space<vmem>>, vector<16xi32>,
        tpu.vector_store %arg9[%swap3A_925, %swap3A_926], %get3A_924 {strides = array<i32>} : memref<3x128xi32, #tpu.memory_space<vmem>>, vector<16xi32>,
        %get3A_928 = arith.constant 32 : index
        %get3A_929 = tpu.vector_load %arg11[%get3A_928] {strides = array<i32>} : memref<272xi32, #tpu.memory_space<vmem>>, vector<16xi32>,
        %swap3A_930 = arith.index_cast %rem3A_902 : i32 to index
        %swap3A_931 = arith.constant 32 : index
        %swap3A_932 = tpu.vector_load %arg8[%swap3A_930, %swap3A_931] {strides = array<i32>} : memref<3x128xi32, #tpu.memory_space<vmem>>, vector<16xi32>,
        tpu.vector_store %arg8[%swap3A_930, %swap3A_931], %get3A_929 {strides = array<i32>} : memref<3x128xi32, #tpu.memory_space<vmem>>, vector<16xi32>,
        %get3A_933 = arith.constant 32 : index
        %get3A_934 = tpu.vector_load %arg12[%get3A_933] {strides = array<i32>} : memref<272xi32, #tpu.memory_space<vmem>>, vector<16xi32>,
        %swap3A_935 = arith.index_cast %rem3A_902 : i32 to index
        %swap3A_936 = arith.constant 32 : index
        %swap3A_937 = tpu.vector_load %arg9[%swap3A_935, %swap3A_936] {strides = array<i32>} : memref<3x128xi32, #tpu.memory_space<vmem>>, vector<16xi32>,
        tpu.vector_store %arg9[%swap3A_935, %swap3A_936], %get3A_934 {strides = array<i32>} : memref<3x128xi32, #tpu.memory_space<vmem>>, vector<16xi32>,
        %get3A_938 = arith.constant 48 : index
        %get3A_939 = tpu.vector_load %arg11[%get3A_938] {strides = array<i32>} : memref<272xi32, #tpu.memory_space<vmem>>, vector<16xi32>,
        %swap3A_940 = arith.index_cast %rem3A_902 : i32 to index
        %swap3A_941 = arith.constant 48 : index
        %swap3A_942 = tpu.vector_load %arg8[%swap3A_940, %swap3A_941] {strides = array<i32>} : memref<3x128xi32, #tpu.memory_space<vmem>>, vector<16xi32>,
        tpu.vector_store %arg8[%swap3A_940, %swap3A_941], %get3A_939 {strides = array<i32>} : memref<3x128xi32, #tpu.memory_space<vmem>>, vector<16xi32>,
        %get3A_943 = arith.constant 48 : index
        %get3A_944 = tpu.vector_load %arg12[%get3A_943] {strides = array<i32>} : memref<272xi32, #tpu.memory_space<vmem>>, vector<16xi32>,
        %swap3A_945 = arith.index_cast %rem3A_902 : i32 to index
        %swap3A_946 = arith.constant 48 : index
        %swap3A_947 = tpu.vector_load %arg9[%swap3A_945, %swap3A_946] {strides = array<i32>} : memref<3x128xi32, #tpu.memory_space<vmem>>, vector<16xi32>,
        tpu.vector_store %arg9[%swap3A_945, %swap3A_946], %get3A_944 {strides = array<i32>} : memref<3x128xi32, #tpu.memory_space<vmem>>, vector<16xi32>,
        %get3A_948 = arith.constant 64 : index
        %get3A_949 = tpu.vector_load %arg11[%get3A_948] {strides = array<i32>} : memref<272xi32, #tpu.memory_space<vmem>>, vector<16xi32>,
        %swap3A_950 = arith.index_cast %rem3A_902 : i32 to index
        %swap3A_951 = arith.constant 64 : index
        %swap3A_952 = tpu.vector_load %arg8[%swap3A_950, %swap3A_951] {strides = array<i32>} : memref<3x128xi32, #tpu.memory_space<vmem>>, vector<16xi32>,
        tpu.vector_store %arg8[%swap3A_950, %swap3A_951], %get3A_949 {strides = array<i32>} : memref<3x128xi32, #tpu.memory_space<vmem>>, vector<16xi32>,
        %get3A_953 = arith.constant 64 : index
        %get3A_954 = tpu.vector_load %arg12[%get3A_953] {strides = array<i32>} : memref<272xi32, #tpu.memory_space<vmem>>, vector<16xi32>,
        %swap3A_955 = arith.index_cast %rem3A_902 : i32 to index
        %swap3A_956 = arith.constant 64 : index
        %swap3A_957 = tpu.vector_load %arg9[%swap3A_955, %swap3A_956] {strides = array<i32>} : memref<3x128xi32, #tpu.memory_space<vmem>>, vector<16xi32>,
        tpu.vector_store %arg9[%swap3A_955, %swap3A_956], %get3A_954 {strides = array<i32>} : memref<3x128xi32, #tpu.memory_space<vmem>>, vector<16xi32>,
        %get3A_958 = arith.constant 80 : index
        %get3A_959 = tpu.vector_load %arg11[%get3A_958] {strides = array<i32>} : memref<272xi32, #tpu.memory_space<vmem>>, vector<16xi32>,
        %swap3A_960 = arith.index_cast %rem3A_902 : i32 to index
        %swap3A_961 = arith.constant 80 : index
        %swap3A_962 = tpu.vector_load %arg8[%swap3A_960, %swap3A_961] {strides = array<i32>} : memref<3x128xi32, #tpu.memory_space<vmem>>, vector<16xi32>,
        tpu.vector_store %arg8[%swap3A_960, %swap3A_961], %get3A_959 {strides = array<i32>} : memref<3x128xi32, #tpu.memory_space<vmem>>, vector<16xi32>,
        %get3A_963 = arith.constant 80 : index
        %get3A_964 = tpu.vector_load %arg12[%get3A_963] {strides = array<i32>} : memref<272xi32, #tpu.memory_space<vmem>>, vector<16xi32>,
        %swap3A_965 = arith.index_cast %rem3A_902 : i32 to index
        %swap3A_966 = arith.constant 80 : index
        %swap3A_967 = tpu.vector_load %arg9[%swap3A_965, %swap3A_966] {strides = array<i32>} : memref<3x128xi32, #tpu.memory_space<vmem>>, vector<16xi32>,
        tpu.vector_store %arg9[%swap3A_965, %swap3A_966], %get3A_964 {strides = array<i32>} : memref<3x128xi32, #tpu.memory_space<vmem>>, vector<16xi32>,
        %get3A_968 = arith.constant 96 : index
        %get3A_969 = tpu.vector_load %arg11[%get3A_968] {strides = array<i32>} : memref<272xi32, #tpu.memory_space<vmem>>, vector<16xi32>,
        %swap3A_970 = arith.index_cast %rem3A_902 : i32 to index
        %swap3A_971 = arith.constant 96 : index
        %swap3A_972 = tpu.vector_load %arg8[%swap3A_970, %swap3A_971] {strides = array<i32>} : memref<3x128xi32, #tpu.memory_space<vmem>>, vector<16xi32>,
        tpu.vector_store %arg8[%swap3A_970, %swap3A_971], %get3A_969 {strides = array<i32>} : memref<3x128xi32, #tpu.memory_space<vmem>>, vector<16xi32>,
        %get3A_973 = arith.constant 96 : index
        %get3A_974 = tpu.vector_load %arg12[%get3A_973] {strides = array<i32>} : memref<272xi32, #tpu.memory_space<vmem>>, vector<16xi32>,
        %swap3A_975 = arith.index_cast %rem3A_902 : i32 to index
        %swap3A_976 = arith.constant 96 : index
        %swap3A_977 = tpu.vector_load %arg9[%swap3A_975, %swap3A_976] {strides = array<i32>} : memref<3x128xi32, #tpu.memory_space<vmem>>, vector<16xi32>,
        tpu.vector_store %arg9[%swap3A_975, %swap3A_976], %get3A_974 {strides = array<i32>} : memref<3x128xi32, #tpu.memory_space<vmem>>, vector<16xi32>,
        %get3A_978 = arith.constant 112 : index
        %get3A_979 = tpu.vector_load %arg11[%get3A_978] {strides = array<i32>} : memref<272xi32, #tpu.memory_space<vmem>>, vector<16xi32>,
        %swap3A_980 = arith.index_cast %rem3A_902 : i32 to index
        %swap3A_981 = arith.constant 112 : index
        %swap3A_982 = tpu.vector_load %arg8[%swap3A_980, %swap3A_981] {strides = array<i32>} : memref<3x128xi32, #tpu.memory_space<vmem>>, vector<16xi32>,
        tpu.vector_store %arg8[%swap3A_980, %swap3A_981], %get3A_979 {strides = array<i32>} : memref<3x128xi32, #tpu.memory_space<vmem>>, vector<16xi32>,
        %get3A_983 = arith.constant 112 : index
        %get3A_984 = tpu.vector_load %arg12[%get3A_983] {strides = array<i32>} : memref<272xi32, #tpu.memory_space<vmem>>, vector<16xi32>,
        %swap3A_985 = arith.index_cast %rem3A_902 : i32 to index
        %swap3A_986 = arith.constant 112 : index
        %swap3A_987 = tpu.vector_load %arg9[%swap3A_985, %swap3A_986] {strides = array<i32>} : memref<3x128xi32, #tpu.memory_space<vmem>>, vector<16xi32>,
        tpu.vector_store %arg9[%swap3A_985, %swap3A_986], %get3A_984 {strides = array<i32>} : memref<3x128xi32, #tpu.memory_space<vmem>>, vector<16xi32>,
        %dma_start3A_988 = arith.constant 0 : i32
        %dma_start3A_989 = arith.constant 0 : i32
        %dma_start3A_990 = tpu.memref_slice %arg10[%rem3A_902, %dma_start3A_988, %dma_start3A_989] : memref<3x128x64xf32, #tpu.memory_space<vmem>> -> memref<1x128x64xf32, #tpu.memory_space<vmem>>
        %dma_start3A_991 = tpu.memref_squeeze %dma_start3A_990 : memref<1x128x64xf32, #tpu.memory_space<vmem>> -> memref<128x64xf32, #tpu.memory_space<vmem>>
        %dma_start3A_992 = arith.constant 0 : i32
        %dma_start3A_993 = tpu.memref_slice %arg8[%rem3A_902, %dma_start3A_992] : memref<3x128xi32, #tpu.memory_space<vmem>> -> memref<1x128xi32, #tpu.memory_space<vmem>>
        %dma_start3A_994 = tpu.memref_squeeze %dma_start3A_993 : memref<1x128xi32, #tpu.memory_space<vmem>> -> memref<128xi32, #tpu.memory_space<vmem>>
        %dma_start3A_995 = arith.constant 0 : i32
        %dma_start3A_996 = arith.constant 0 : i32
        %dma_start3A_997 = tpu.memref_slice %arg3[%dma_start3A_995, %dma_start3A_996] : memref<50000x64xf32, #tpu.memory_space<hbm>> -> memref<50000x64xf32, #tpu.memory_space<hbm>>
        %dma_start3A_998 = tpu.memref_slice %arg16[%rem3A_902] : memref<3x!tpu.dma_semaphore, #tpu.memory_space<semaphore_mem>> -> memref<1x!tpu.dma_semaphore, #tpu.memory_space<semaphore_mem>>
        %dma_start3A_999 = tpu.memref_squeeze %dma_start3A_998 : memref<1x!tpu.dma_semaphore, #tpu.memory_space<semaphore_mem>> -> memref<!tpu.dma_semaphore, #tpu.memory_space<semaphore_mem>>
        tpu.enqueue_indirect_dma source(%dma_start3A_997 : memref<50000x64xf32, #tpu.memory_space<hbm>>) target(%dma_start3A_991 : memref<128x64xf32, #tpu.memory_space<vmem>>) offsets(%dma_start3A_994 : memref<128xi32, #tpu.memory_space<vmem>>) semaphore(%dma_start3A_999 : memref<!tpu.dma_semaphore, #tpu.memory_space<semaphore_mem>>)
        %ge3A_1000 = arith.constant 1 : i32
        %ge3A_1001 = arith.cmpi sge, %scan3A_497, %ge3A_1000 : i32
        %convert_element_type3A_1002 = arith.extui %ge3A_1001 : i1 to i32
        %cond3A_1003 = arith.constant 0 : i32
        %cond3A_1004 = arith.cmpi ne, %convert_element_type3A_1002, %cond3A_1003 : i32
        scf.if %cond3A_1004 {
          %sub3A_1069 = arith.constant 1 : i32
          %sub3A_1070 = arith.subi %scan3A_497, %sub3A_1069 : i32
          %add3A_1071 = arith.constant 3 : i32
          %add3A_1072 = arith.addi %sub3A_1070, %add3A_1071 : i32
          %rem3A_1073 = arith.constant 3 : i32
          %rem3A_1074 = arith.remsi %add3A_1072, %rem3A_1073 : i32
          %dma_wait3A_1075 = arith.constant 0 : i32
          %dma_wait3A_1076 = arith.constant 0 : i32
          %dma_wait3A_1077 = tpu.memref_slice %arg10[%rem3A_1074, %dma_wait3A_1075, %dma_wait3A_1076] : memref<3x128x64xf32, #tpu.memory_space<vmem>> -> memref<1x128x64xf32, #tpu.memory_space<vmem>>
          %dma_wait3A_1078 = tpu.memref_squeeze %dma_wait3A_1077 : memref<1x128x64xf32, #tpu.memory_space<vmem>> -> memref<128x64xf32, #tpu.memory_space<vmem>>
          %dma_wait3A_1079 = arith.constant 0 : i32
          %dma_wait3A_1080 = tpu.memref_slice %arg8[%rem3A_1074, %dma_wait3A_1079] : memref<3x128xi32, #tpu.memory_space<vmem>> -> memref<1x128xi32, #tpu.memory_space<vmem>>
          %dma_wait3A_1081 = tpu.memref_squeeze %dma_wait3A_1080 : memref<1x128xi32, #tpu.memory_space<vmem>> -> memref<128xi32, #tpu.memory_space<vmem>>
          %dma_wait3A_1082 = arith.constant 0 : i32
          %dma_wait3A_1083 = arith.constant 0 : i32
          %dma_wait3A_1084 = tpu.memref_slice %arg3[%dma_wait3A_1082, %dma_wait3A_1083] : memref<50000x64xf32, #tpu.memory_space<hbm>> -> memref<50000x64xf32, #tpu.memory_space<hbm>>
          %dma_wait3A_1085 = tpu.memref_slice %arg16[%rem3A_1074] : memref<3x!tpu.dma_semaphore, #tpu.memory_space<semaphore_mem>> -> memref<1x!tpu.dma_semaphore, #tpu.memory_space<semaphore_mem>>
          %dma_wait3A_1086 = tpu.memref_squeeze %dma_wait3A_1085 : memref<1x!tpu.dma_semaphore, #tpu.memory_space<semaphore_mem>> -> memref<!tpu.dma_semaphore, #tpu.memory_space<semaphore_mem>>
          tpu.wait_indirect_dma semaphore(%dma_wait3A_1086 : memref<!tpu.dma_semaphore, #tpu.memory_space<semaphore_mem>>) src(%dma_wait3A_1084 : memref<50000x64xf32, #tpu.memory_space<hbm>>) dst(%dma_wait3A_1078 : memref<128x64xf32, #tpu.memory_space<vmem>>)
          %dma_start3A_1087 = arith.constant 0 : i32
          %dma_start3A_1088 = arith.constant 0 : i32
          %dma_start3A_1089 = tpu.memref_slice %arg10[%rem3A_1074, %dma_start3A_1087, %dma_start3A_1088] : memref<3x128x64xf32, #tpu.memory_space<vmem>> -> memref<1x128x64xf32, #tpu.memory_space<vmem>>
          %dma_start3A_1090 = tpu.memref_squeeze %dma_start3A_1089 : memref<1x128x64xf32, #tpu.memory_space<vmem>> -> memref<128x64xf32, #tpu.memory_space<vmem>>
          %dma_start3A_1091 = arith.constant 0 : i32
          %dma_start3A_1092 = tpu.memref_slice %arg9[%rem3A_1074, %dma_start3A_1091] : memref<3x128xi32, #tpu.memory_space<vmem>> -> memref<1x128xi32, #tpu.memory_space<vmem>>
          %dma_start3A_1093 = tpu.memref_squeeze %dma_start3A_1092 : memref<1x128xi32, #tpu.memory_space<vmem>> -> memref<128xi32, #tpu.memory_space<vmem>>
          %dma_start3A_1094 = arith.constant 0 : i32
          %dma_start3A_1095 = arith.constant 0 : i32
          %dma_start3A_1096 = tpu.memref_slice %arg18[%dma_start3A_1094, %dma_start3A_1095] : memref<25088x64xf32, #tpu.memory_space<vmem_shared>> -> memref<25088x64xf32, #tpu.memory_space<vmem_shared>>
          %dma_start3A_1097 = tpu.memref_slice %arg17[%rem3A_1074] : memref<3x!tpu.dma_semaphore, #tpu.memory_space<semaphore_mem>> -> memref<1x!tpu.dma_semaphore, #tpu.memory_space<semaphore_mem>>
          %dma_start3A_1098 = tpu.memref_squeeze %dma_start3A_1097 : memref<1x!tpu.dma_semaphore, #tpu.memory_space<semaphore_mem>> -> memref<!tpu.dma_semaphore, #tpu.memory_space<semaphore_mem>>
          tpu.enqueue_indirect_dma source(%dma_start3A_1090 : memref<128x64xf32, #tpu.memory_space<vmem>>) target(%dma_start3A_1096 : memref<25088x64xf32, #tpu.memory_space<vmem_shared>>) offsets(%dma_start3A_1093 : memref<128xi32, #tpu.memory_space<vmem>>) semaphore(%dma_start3A_1098 : memref<!tpu.dma_semaphore, #tpu.memory_space<semaphore_mem>>) {add = true}
        } else {
        }
        %get3A_1005 = arith.constant 128 : index
        %get3A_1006 = tpu.vector_load %arg11[%get3A_1005] {strides = array<i32>} : memref<272xi32, #tpu.memory_space<vmem>>, vector<16xi32>,
        %swap3A_1007 = arith.constant 0 : index
        %swap3A_1008 = tpu.vector_load %arg11[%swap3A_1007] {strides = array<i32>} : memref<272xi32, #tpu.memory_space<vmem>>, vector<16xi32>,
        tpu.vector_store %arg11[%swap3A_1007], %get3A_1006 {strides = array<i32>} : memref<272xi32, #tpu.memory_space<vmem>>, vector<16xi32>,
        %get3A_1009 = arith.constant 128 : index
        %get3A_1010 = tpu.vector_load %arg12[%get3A_1009] {strides = array<i32>} : memref<272xi32, #tpu.memory_space<vmem>>, vector<16xi32>,
        %swap3A_1011 = arith.constant 0 : index
        %swap3A_1012 = tpu.vector_load %arg12[%swap3A_1011] {strides = array<i32>} : memref<272xi32, #tpu.memory_space<vmem>>, vector<16xi32>,
        tpu.vector_store %arg12[%swap3A_1011], %get3A_1010 {strides = array<i32>} : memref<272xi32, #tpu.memory_space<vmem>>, vector<16xi32>,
        %get3A_1013 = arith.constant 144 : index
        %get3A_1014 = tpu.vector_load %arg11[%get3A_1013] {strides = array<i32>} : memref<272xi32, #tpu.memory_space<vmem>>, vector<16xi32>,
        %swap3A_1015 = arith.constant 16 : index
        %swap3A_1016 = tpu.vector_load %arg11[%swap3A_1015] {strides = array<i32>} : memref<272xi32, #tpu.memory_space<vmem>>, vector<16xi32>,
        tpu.vector_store %arg11[%swap3A_1015], %get3A_1014 {strides = array<i32>} : memref<272xi32, #tpu.memory_space<vmem>>, vector<16xi32>,
        %get3A_1017 = arith.constant 144 : index
        %get3A_1018 = tpu.vector_load %arg12[%get3A_1017] {strides = array<i32>} : memref<272xi32, #tpu.memory_space<vmem>>, vector<16xi32>,
        %swap3A_1019 = arith.constant 16 : index
        %swap3A_1020 = tpu.vector_load %arg12[%swap3A_1019] {strides = array<i32>} : memref<272xi32, #tpu.memory_space<vmem>>, vector<16xi32>,
        tpu.vector_store %arg12[%swap3A_1019], %get3A_1018 {strides = array<i32>} : memref<272xi32, #tpu.memory_space<vmem>>, vector<16xi32>,
        %get3A_1021 = arith.constant 160 : index
        %get3A_1022 = tpu.vector_load %arg11[%get3A_1021] {strides = array<i32>} : memref<272xi32, #tpu.memory_space<vmem>>, vector<16xi32>,
        %swap3A_1023 = arith.constant 32 : index
        %swap3A_1024 = tpu.vector_load %arg11[%swap3A_1023] {strides = array<i32>} : memref<272xi32, #tpu.memory_space<vmem>>, vector<16xi32>,
        tpu.vector_store %arg11[%swap3A_1023], %get3A_1022 {strides = array<i32>} : memref<272xi32, #tpu.memory_space<vmem>>, vector<16xi32>,
        %get3A_1025 = arith.constant 160 : index
        %get3A_1026 = tpu.vector_load %arg12[%get3A_1025] {strides = array<i32>} : memref<272xi32, #tpu.memory_space<vmem>>, vector<16xi32>,
        %swap3A_1027 = arith.constant 32 : index
        %swap3A_1028 = tpu.vector_load %arg12[%swap3A_1027] {strides = array<i32>} : memref<272xi32, #tpu.memory_space<vmem>>, vector<16xi32>,
        tpu.vector_store %arg12[%swap3A_1027], %get3A_1026 {strides = array<i32>} : memref<272xi32, #tpu.memory_space<vmem>>, vector<16xi32>,
        %get3A_1029 = arith.constant 176 : index
        %get3A_1030 = tpu.vector_load %arg11[%get3A_1029] {strides = array<i32>} : memref<272xi32, #tpu.memory_space<vmem>>, vector<16xi32>,
        %swap3A_1031 = arith.constant 48 : index
        %swap3A_1032 = tpu.vector_load %arg11[%swap3A_1031] {strides = array<i32>} : memref<272xi32, #tpu.memory_space<vmem>>, vector<16xi32>,
        tpu.vector_store %arg11[%swap3A_1031], %get3A_1030 {strides = array<i32>} : memref<272xi32, #tpu.memory_space<vmem>>, vector<16xi32>,
        %get3A_1033 = arith.constant 176 : index
        %get3A_1034 = tpu.vector_load %arg12[%get3A_1033] {strides = array<i32>} : memref<272xi32, #tpu.memory_space<vmem>>, vector<16xi32>,
        %swap3A_1035 = arith.constant 48 : index
        %swap3A_1036 = tpu.vector_load %arg12[%swap3A_1035] {strides = array<i32>} : memref<272xi32, #tpu.memory_space<vmem>>, vector<16xi32>,
        tpu.vector_store %arg12[%swap3A_1035], %get3A_1034 {strides = array<i32>} : memref<272xi32, #tpu.memory_space<vmem>>, vector<16xi32>,
        %get3A_1037 = arith.constant 192 : index
        %get3A_1038 = tpu.vector_load %arg11[%get3A_1037] {strides = array<i32>} : memref<272xi32, #tpu.memory_space<vmem>>, vector<16xi32>,
        %swap3A_1039 = arith.constant 64 : index
        %swap3A_1040 = tpu.vector_load %arg11[%swap3A_1039] {strides = array<i32>} : memref<272xi32, #tpu.memory_space<vmem>>, vector<16xi32>,
        tpu.vector_store %arg11[%swap3A_1039], %get3A_1038 {strides = array<i32>} : memref<272xi32, #tpu.memory_space<vmem>>, vector<16xi32>,
        %get3A_1041 = arith.constant 192 : index
        %get3A_1042 = tpu.vector_load %arg12[%get3A_1041] {strides = array<i32>} : memref<272xi32, #tpu.memory_space<vmem>>, vector<16xi32>,
        %swap3A_1043 = arith.constant 64 : index
        %swap3A_1044 = tpu.vector_load %arg12[%swap3A_1043] {strides = array<i32>} : memref<272xi32, #tpu.memory_space<vmem>>, vector<16xi32>,
        tpu.vector_store %arg12[%swap3A_1043], %get3A_1042 {strides = array<i32>} : memref<272xi32, #tpu.memory_space<vmem>>, vector<16xi32>,
        %get3A_1045 = arith.constant 208 : index
        %get3A_1046 = tpu.vector_load %arg11[%get3A_1045] {strides = array<i32>} : memref<272xi32, #tpu.memory_space<vmem>>, vector<16xi32>,
        %swap3A_1047 = arith.constant 80 : index
        %swap3A_1048 = tpu.vector_load %arg11[%swap3A_1047] {strides = array<i32>} : memref<272xi32, #tpu.memory_space<vmem>>, vector<16xi32>,
        tpu.vector_store %arg11[%swap3A_1047], %get3A_1046 {strides = array<i32>} : memref<272xi32, #tpu.memory_space<vmem>>, vector<16xi32>,
        %get3A_1049 = arith.constant 208 : index
        %get3A_1050 = tpu.vector_load %arg12[%get3A_1049] {strides = array<i32>} : memref<272xi32, #tpu.memory_space<vmem>>, vector<16xi32>,
        %swap3A_1051 = arith.constant 80 : index
        %swap3A_1052 = tpu.vector_load %arg12[%swap3A_1051] {strides = array<i32>} : memref<272xi32, #tpu.memory_space<vmem>>, vector<16xi32>,
        tpu.vector_store %arg12[%swap3A_1051], %get3A_1050 {strides = array<i32>} : memref<272xi32, #tpu.memory_space<vmem>>, vector<16xi32>,
        %get3A_1053 = arith.constant 224 : index
        %get3A_1054 = tpu.vector_load %arg11[%get3A_1053] {strides = array<i32>} : memref<272xi32, #tpu.memory_space<vmem>>, vector<16xi32>,
        %swap3A_1055 = arith.constant 96 : index
        %swap3A_1056 = tpu.vector_load %arg11[%swap3A_1055] {strides = array<i32>} : memref<272xi32, #tpu.memory_space<vmem>>, vector<16xi32>,
        tpu.vector_store %arg11[%swap3A_1055], %get3A_1054 {strides = array<i32>} : memref<272xi32, #tpu.memory_space<vmem>>, vector<16xi32>,
        %get3A_1057 = arith.constant 224 : index
        %get3A_1058 = tpu.vector_load %arg12[%get3A_1057] {strides = array<i32>} : memref<272xi32, #tpu.memory_space<vmem>>, vector<16xi32>,
        %swap3A_1059 = arith.constant 96 : index
        %swap3A_1060 = tpu.vector_load %arg12[%swap3A_1059] {strides = array<i32>} : memref<272xi32, #tpu.memory_space<vmem>>, vector<16xi32>,
        tpu.vector_store %arg12[%swap3A_1059], %get3A_1058 {strides = array<i32>} : memref<272xi32, #tpu.memory_space<vmem>>, vector<16xi32>,
        %get3A_1061 = arith.constant 240 : index
        %get3A_1062 = tpu.vector_load %arg11[%get3A_1061] {strides = array<i32>} : memref<272xi32, #tpu.memory_space<vmem>>, vector<16xi32>,
        %swap3A_1063 = arith.constant 112 : index
        %swap3A_1064 = tpu.vector_load %arg11[%swap3A_1063] {strides = array<i32>} : memref<272xi32, #tpu.memory_space<vmem>>, vector<16xi32>,
        tpu.vector_store %arg11[%swap3A_1063], %get3A_1062 {strides = array<i32>} : memref<272xi32, #tpu.memory_space<vmem>>, vector<16xi32>,
        %get3A_1065 = arith.constant 240 : index
        %get3A_1066 = tpu.vector_load %arg12[%get3A_1065] {strides = array<i32>} : memref<272xi32, #tpu.memory_space<vmem>>, vector<16xi32>,
        %swap3A_1067 = arith.constant 112 : index
        %swap3A_1068 = tpu.vector_load %arg12[%swap3A_1067] {strides = array<i32>} : memref<272xi32, #tpu.memory_space<vmem>>, vector<16xi32>,
        tpu.vector_store %arg12[%swap3A_1067], %get3A_1066 {strides = array<i32>} : memref<272xi32, #tpu.memory_space<vmem>>, vector<16xi32>,
      } else {
      }
      %ge3A_892 = arith.constant 128 : i32
      %ge3A_893 = arith.cmpi sge, %add3A_800, %ge3A_892 : i32
      %jit3A_894 = arith.constant 1 : i32
      %jit3A_895 = arith.constant 0 : i32
      %select_n3A_896 = arith.select %ge3A_893, %jit3A_894, %jit3A_895 : i32
      %mul3A_897 = arith.constant 128 : i32
      %mul3A_898 = arith.muli %select_n3A_896, %mul3A_897 : i32
      %sub3A_899 = arith.subi %add3A_800, %mul3A_898 : i32
      %add3A_900 = arith.addi %scan3A_497, %select_n3A_896 : i32
      scf.yield %sub3A_899, %add3A_900 : i32, i32
    }
    %scan3A_153 = arith.constant 391 : i32
    %add3A_154 = arith.constant 0 : i32
    %add3A_155 = vector.broadcast %add3A_154 : i32 to vector<16xi32>
    %add3A_156 = arith.addi %add3A_155, %iota3A : vector<16xi32>
    %and3A = arith.constant 7 : i32
    %and3A_157 = vector.broadcast %and3A : i32 to vector<16xi32>
    %and3A_158 = arith.andi %iota3A, %and3A_157 : vector<16xi32>
    %add3A_159 = arith.constant 25024 : i32
    %add3A_160 = vector.broadcast %add3A_159 : i32 to vector<16xi32>
    %add3A_161 = arith.addi %add3A_160, %and3A_158 : vector<16xi32>
    %lt3A = vector.broadcast %scan3A_152#0 : i32 to vector<16xi32>
    %lt3A_162 = arith.cmpi slt, %add3A_156, %lt3A : vector<16xi32>
    %get3A_163 = arith.constant 0 : index
    %get3A_164 = tpu.vector_load %arg11[%get3A_163] {strides = array<i32>} : memref<272xi32, #tpu.memory_space<vmem>>, vector<16xi32>,
    %jit3A = arith.constant 0 : i32
    %broadcast_in_dim3A = vector.broadcast %jit3A : i32 to vector<16xi32>
    %select_n3A = arith.select %lt3A_162, %get3A_164, %broadcast_in_dim3A : vector<16xi1>, vector<16xi32>
    %swap3A = arith.constant 0 : index
    %swap3A_165 = tpu.vector_load %arg11[%swap3A] {strides = array<i32>} : memref<272xi32, #tpu.memory_space<vmem>>, vector<16xi32>,
    tpu.vector_store %arg11[%swap3A], %select_n3A {strides = array<i32>} : memref<272xi32, #tpu.memory_space<vmem>>, vector<16xi32>,
    %lt3A_166 = vector.broadcast %scan3A_152#0 : i32 to vector<16xi32>
    %lt3A_167 = arith.cmpi slt, %add3A_156, %lt3A_166 : vector<16xi32>
    %get3A_168 = arith.constant 0 : index
    %get3A_169 = tpu.vector_load %arg12[%get3A_168] {strides = array<i32>} : memref<272xi32, #tpu.memory_space<vmem>>, vector<16xi32>,
    %select_n3A_170 = arith.select %lt3A_167, %get3A_169, %add3A_161 : vector<16xi1>, vector<16xi32>
    %swap3A_171 = arith.constant 0 : index
    %swap3A_172 = tpu.vector_load %arg12[%swap3A_171] {strides = array<i32>} : memref<272xi32, #tpu.memory_space<vmem>>, vector<16xi32>,
    tpu.vector_store %arg12[%swap3A_171], %select_n3A_170 {strides = array<i32>} : memref<272xi32, #tpu.memory_space<vmem>>, vector<16xi32>,
    %add3A_173 = arith.constant 16 : i32
    %add3A_174 = vector.broadcast %add3A_173 : i32 to vector<16xi32>
    %add3A_175 = arith.addi %add3A_174, %iota3A : vector<16xi32>
    %and3A_176 = arith.constant 7 : i32
    %and3A_177 = vector.broadcast %and3A_176 : i32 to vector<16xi32>
    %and3A_178 = arith.andi %iota3A, %and3A_177 : vector<16xi32>
    %add3A_179 = arith.constant 25032 : i32
    %add3A_180 = vector.broadcast %add3A_179 : i32 to vector<16xi32>
    %add3A_181 = arith.addi %add3A_180, %and3A_178 : vector<16xi32>
    %lt3A_182 = vector.broadcast %scan3A_152#0 : i32 to vector<16xi32>
    %lt3A_183 = arith.cmpi slt, %add3A_175, %lt3A_182 : vector<16xi32>
    %get3A_184 = arith.constant 16 : index
    %get3A_185 = tpu.vector_load %arg11[%get3A_184] {strides = array<i32>} : memref<272xi32, #tpu.memory_space<vmem>>, vector<16xi32>,
    %jit3A_186 = arith.constant 0 : i32
    %broadcast_in_dim3A_187 = vector.broadcast %jit3A_186 : i32 to vector<16xi32>
    %select_n3A_188 = arith.select %lt3A_183, %get3A_185, %broadcast_in_dim3A_187 : vector<16xi1>, vector<16xi32>
    %swap3A_189 = arith.constant 16 : index
    %swap3A_190 = tpu.vector_load %arg11[%swap3A_189] {strides = array<i32>} : memref<272xi32, #tpu.memory_space<vmem>>, vector<16xi32>,
    tpu.vector_store %arg11[%swap3A_189], %select_n3A_188 {strides = array<i32>} : memref<272xi32, #tpu.memory_space<vmem>>, vector<16xi32>,
    %lt3A_191 = vector.broadcast %scan3A_152#0 : i32 to vector<16xi32>
    %lt3A_192 = arith.cmpi slt, %add3A_175, %lt3A_191 : vector<16xi32>
    %get3A_193 = arith.constant 16 : index
    %get3A_194 = tpu.vector_load %arg12[%get3A_193] {strides = array<i32>} : memref<272xi32, #tpu.memory_space<vmem>>, vector<16xi32>,
    %select_n3A_195 = arith.select %lt3A_192, %get3A_194, %add3A_181 : vector<16xi1>, vector<16xi32>
    %swap3A_196 = arith.constant 16 : index
    %swap3A_197 = tpu.vector_load %arg12[%swap3A_196] {strides = array<i32>} : memref<272xi32, #tpu.memory_space<vmem>>, vector<16xi32>,
    tpu.vector_store %arg12[%swap3A_196], %select_n3A_195 {strides = array<i32>} : memref<272xi32, #tpu.memory_space<vmem>>, vector<16xi32>,
    %add3A_198 = arith.constant 32 : i32
    %add3A_199 = vector.broadcast %add3A_198 : i32 to vector<16xi32>
    %add3A_200 = arith.addi %add3A_199, %iota3A : vector<16xi32>
    %and3A_201 = arith.constant 7 : i32
    %and3A_202 = vector.broadcast %and3A_201 : i32 to vector<16xi32>
    %and3A_203 = arith.andi %iota3A, %and3A_202 : vector<16xi32>
    %add3A_204 = arith.constant 25040 : i32
    %add3A_205 = vector.broadcast %add3A_204 : i32 to vector<16xi32>
    %add3A_206 = arith.addi %add3A_205, %and3A_203 : vector<16xi32>
    %lt3A_207 = vector.broadcast %scan3A_152#0 : i32 to vector<16xi32>
    %lt3A_208 = arith.cmpi slt, %add3A_200, %lt3A_207 : vector<16xi32>
    %get3A_209 = arith.constant 32 : index
    %get3A_210 = tpu.vector_load %arg11[%get3A_209] {strides = array<i32>} : memref<272xi32, #tpu.memory_space<vmem>>, vector<16xi32>,
    %jit3A_211 = arith.constant 0 : i32
    %broadcast_in_dim3A_212 = vector.broadcast %jit3A_211 : i32 to vector<16xi32>
    %select_n3A_213 = arith.select %lt3A_208, %get3A_210, %broadcast_in_dim3A_212 : vector<16xi1>, vector<16xi32>
    %swap3A_214 = arith.constant 32 : index
    %swap3A_215 = tpu.vector_load %arg11[%swap3A_214] {strides = array<i32>} : memref<272xi32, #tpu.memory_space<vmem>>, vector<16xi32>,
    tpu.vector_store %arg11[%swap3A_214], %select_n3A_213 {strides = array<i32>} : memref<272xi32, #tpu.memory_space<vmem>>, vector<16xi32>,
    %lt3A_216 = vector.broadcast %scan3A_152#0 : i32 to vector<16xi32>
    %lt3A_217 = arith.cmpi slt, %add3A_200, %lt3A_216 : vector<16xi32>
    %get3A_218 = arith.constant 32 : index
    %get3A_219 = tpu.vector_load %arg12[%get3A_218] {strides = array<i32>} : memref<272xi32, #tpu.memory_space<vmem>>, vector<16xi32>,
    %select_n3A_220 = arith.select %lt3A_217, %get3A_219, %add3A_206 : vector<16xi1>, vector<16xi32>
    %swap3A_221 = arith.constant 32 : index
    %swap3A_222 = tpu.vector_load %arg12[%swap3A_221] {strides = array<i32>} : memref<272xi32, #tpu.memory_space<vmem>>, vector<16xi32>,
    tpu.vector_store %arg12[%swap3A_221], %select_n3A_220 {strides = array<i32>} : memref<272xi32, #tpu.memory_space<vmem>>, vector<16xi32>,
    %add3A_223 = arith.constant 48 : i32
    %add3A_224 = vector.broadcast %add3A_223 : i32 to vector<16xi32>
    %add3A_225 = arith.addi %add3A_224, %iota3A : vector<16xi32>
    %and3A_226 = arith.constant 7 : i32
    %and3A_227 = vector.broadcast %and3A_226 : i32 to vector<16xi32>
    %and3A_228 = arith.andi %iota3A, %and3A_227 : vector<16xi32>
    %add3A_229 = arith.constant 25048 : i32
    %add3A_230 = vector.broadcast %add3A_229 : i32 to vector<16xi32>
    %add3A_231 = arith.addi %add3A_230, %and3A_228 : vector<16xi32>
    %lt3A_232 = vector.broadcast %scan3A_152#0 : i32 to vector<16xi32>
    %lt3A_233 = arith.cmpi slt, %add3A_225, %lt3A_232 : vector<16xi32>
    %get3A_234 = arith.constant 48 : index
    %get3A_235 = tpu.vector_load %arg11[%get3A_234] {strides = array<i32>} : memref<272xi32, #tpu.memory_space<vmem>>, vector<16xi32>,
    %jit3A_236 = arith.constant 0 : i32
    %broadcast_in_dim3A_237 = vector.broadcast %jit3A_236 : i32 to vector<16xi32>
    %select_n3A_238 = arith.select %lt3A_233, %get3A_235, %broadcast_in_dim3A_237 : vector<16xi1>, vector<16xi32>
    %swap3A_239 = arith.constant 48 : index
    %swap3A_240 = tpu.vector_load %arg11[%swap3A_239] {strides = array<i32>} : memref<272xi32, #tpu.memory_space<vmem>>, vector<16xi32>,
    tpu.vector_store %arg11[%swap3A_239], %select_n3A_238 {strides = array<i32>} : memref<272xi32, #tpu.memory_space<vmem>>, vector<16xi32>,
    %lt3A_241 = vector.broadcast %scan3A_152#0 : i32 to vector<16xi32>
    %lt3A_242 = arith.cmpi slt, %add3A_225, %lt3A_241 : vector<16xi32>
    %get3A_243 = arith.constant 48 : index
    %get3A_244 = tpu.vector_load %arg12[%get3A_243] {strides = array<i32>} : memref<272xi32, #tpu.memory_space<vmem>>, vector<16xi32>,
    %select_n3A_245 = arith.select %lt3A_242, %get3A_244, %add3A_231 : vector<16xi1>, vector<16xi32>
    %swap3A_246 = arith.constant 48 : index
    %swap3A_247 = tpu.vector_load %arg12[%swap3A_246] {strides = array<i32>} : memref<272xi32, #tpu.memory_space<vmem>>, vector<16xi32>,
    tpu.vector_store %arg12[%swap3A_246], %select_n3A_245 {strides = array<i32>} : memref<272xi32, #tpu.memory_space<vmem>>, vector<16xi32>,
    %add3A_248 = arith.constant 64 : i32
    %add3A_249 = vector.broadcast %add3A_248 : i32 to vector<16xi32>
    %add3A_250 = arith.addi %add3A_249, %iota3A : vector<16xi32>
    %and3A_251 = arith.constant 7 : i32
    %and3A_252 = vector.broadcast %and3A_251 : i32 to vector<16xi32>
    %and3A_253 = arith.andi %iota3A, %and3A_252 : vector<16xi32>
    %add3A_254 = arith.constant 25056 : i32
    %add3A_255 = vector.broadcast %add3A_254 : i32 to vector<16xi32>
    %add3A_256 = arith.addi %add3A_255, %and3A_253 : vector<16xi32>
    %lt3A_257 = vector.broadcast %scan3A_152#0 : i32 to vector<16xi32>
    %lt3A_258 = arith.cmpi slt, %add3A_250, %lt3A_257 : vector<16xi32>
    %get3A_259 = arith.constant 64 : index
    %get3A_260 = tpu.vector_load %arg11[%get3A_259] {strides = array<i32>} : memref<272xi32, #tpu.memory_space<vmem>>, vector<16xi32>,
    %jit3A_261 = arith.constant 0 : i32
    %broadcast_in_dim3A_262 = vector.broadcast %jit3A_261 : i32 to vector<16xi32>
    %select_n3A_263 = arith.select %lt3A_258, %get3A_260, %broadcast_in_dim3A_262 : vector<16xi1>, vector<16xi32>
    %swap3A_264 = arith.constant 64 : index
    %swap3A_265 = tpu.vector_load %arg11[%swap3A_264] {strides = array<i32>} : memref<272xi32, #tpu.memory_space<vmem>>, vector<16xi32>,
    tpu.vector_store %arg11[%swap3A_264], %select_n3A_263 {strides = array<i32>} : memref<272xi32, #tpu.memory_space<vmem>>, vector<16xi32>,
    %lt3A_266 = vector.broadcast %scan3A_152#0 : i32 to vector<16xi32>
    %lt3A_267 = arith.cmpi slt, %add3A_250, %lt3A_266 : vector<16xi32>
    %get3A_268 = arith.constant 64 : index
    %get3A_269 = tpu.vector_load %arg12[%get3A_268] {strides = array<i32>} : memref<272xi32, #tpu.memory_space<vmem>>, vector<16xi32>,
    %select_n3A_270 = arith.select %lt3A_267, %get3A_269, %add3A_256 : vector<16xi1>, vector<16xi32>
    %swap3A_271 = arith.constant 64 : index
    %swap3A_272 = tpu.vector_load %arg12[%swap3A_271] {strides = array<i32>} : memref<272xi32, #tpu.memory_space<vmem>>, vector<16xi32>,
    tpu.vector_store %arg12[%swap3A_271], %select_n3A_270 {strides = array<i32>} : memref<272xi32, #tpu.memory_space<vmem>>, vector<16xi32>,
    %add3A_273 = arith.constant 80 : i32
    %add3A_274 = vector.broadcast %add3A_273 : i32 to vector<16xi32>
    %add3A_275 = arith.addi %add3A_274, %iota3A : vector<16xi32>
    %and3A_276 = arith.constant 7 : i32
    %and3A_277 = vector.broadcast %and3A_276 : i32 to vector<16xi32>
    %and3A_278 = arith.andi %iota3A, %and3A_277 : vector<16xi32>
    %add3A_279 = arith.constant 25064 : i32
    %add3A_280 = vector.broadcast %add3A_279 : i32 to vector<16xi32>
    %add3A_281 = arith.addi %add3A_280, %and3A_278 : vector<16xi32>
    %lt3A_282 = vector.broadcast %scan3A_152#0 : i32 to vector<16xi32>
    %lt3A_283 = arith.cmpi slt, %add3A_275, %lt3A_282 : vector<16xi32>
    %get3A_284 = arith.constant 80 : index
    %get3A_285 = tpu.vector_load %arg11[%get3A_284] {strides = array<i32>} : memref<272xi32, #tpu.memory_space<vmem>>, vector<16xi32>,
    %jit3A_286 = arith.constant 0 : i32
    %broadcast_in_dim3A_287 = vector.broadcast %jit3A_286 : i32 to vector<16xi32>
    %select_n3A_288 = arith.select %lt3A_283, %get3A_285, %broadcast_in_dim3A_287 : vector<16xi1>, vector<16xi32>
    %swap3A_289 = arith.constant 80 : index
    %swap3A_290 = tpu.vector_load %arg11[%swap3A_289] {strides = array<i32>} : memref<272xi32, #tpu.memory_space<vmem>>, vector<16xi32>,
    tpu.vector_store %arg11[%swap3A_289], %select_n3A_288 {strides = array<i32>} : memref<272xi32, #tpu.memory_space<vmem>>, vector<16xi32>,
    %lt3A_291 = vector.broadcast %scan3A_152#0 : i32 to vector<16xi32>
    %lt3A_292 = arith.cmpi slt, %add3A_275, %lt3A_291 : vector<16xi32>
    %get3A_293 = arith.constant 80 : index
    %get3A_294 = tpu.vector_load %arg12[%get3A_293] {strides = array<i32>} : memref<272xi32, #tpu.memory_space<vmem>>, vector<16xi32>,
    %select_n3A_295 = arith.select %lt3A_292, %get3A_294, %add3A_281 : vector<16xi1>, vector<16xi32>
    %swap3A_296 = arith.constant 80 : index
    %swap3A_297 = tpu.vector_load %arg12[%swap3A_296] {strides = array<i32>} : memref<272xi32, #tpu.memory_space<vmem>>, vector<16xi32>,
    tpu.vector_store %arg12[%swap3A_296], %select_n3A_295 {strides = array<i32>} : memref<272xi32, #tpu.memory_space<vmem>>, vector<16xi32>,
    %add3A_298 = arith.constant 96 : i32
    %add3A_299 = vector.broadcast %add3A_298 : i32 to vector<16xi32>
    %add3A_300 = arith.addi %add3A_299, %iota3A : vector<16xi32>
    %and3A_301 = arith.constant 7 : i32
    %and3A_302 = vector.broadcast %and3A_301 : i32 to vector<16xi32>
    %and3A_303 = arith.andi %iota3A, %and3A_302 : vector<16xi32>
    %add3A_304 = arith.constant 25072 : i32
    %add3A_305 = vector.broadcast %add3A_304 : i32 to vector<16xi32>
    %add3A_306 = arith.addi %add3A_305, %and3A_303 : vector<16xi32>
    %lt3A_307 = vector.broadcast %scan3A_152#0 : i32 to vector<16xi32>
    %lt3A_308 = arith.cmpi slt, %add3A_300, %lt3A_307 : vector<16xi32>
    %get3A_309 = arith.constant 96 : index
    %get3A_310 = tpu.vector_load %arg11[%get3A_309] {strides = array<i32>} : memref<272xi32, #tpu.memory_space<vmem>>, vector<16xi32>,
    %jit3A_311 = arith.constant 0 : i32
    %broadcast_in_dim3A_312 = vector.broadcast %jit3A_311 : i32 to vector<16xi32>
    %select_n3A_313 = arith.select %lt3A_308, %get3A_310, %broadcast_in_dim3A_312 : vector<16xi1>, vector<16xi32>
    %swap3A_314 = arith.constant 96 : index
    %swap3A_315 = tpu.vector_load %arg11[%swap3A_314] {strides = array<i32>} : memref<272xi32, #tpu.memory_space<vmem>>, vector<16xi32>,
    tpu.vector_store %arg11[%swap3A_314], %select_n3A_313 {strides = array<i32>} : memref<272xi32, #tpu.memory_space<vmem>>, vector<16xi32>,
    %lt3A_316 = vector.broadcast %scan3A_152#0 : i32 to vector<16xi32>
    %lt3A_317 = arith.cmpi slt, %add3A_300, %lt3A_316 : vector<16xi32>
    %get3A_318 = arith.constant 96 : index
    %get3A_319 = tpu.vector_load %arg12[%get3A_318] {strides = array<i32>} : memref<272xi32, #tpu.memory_space<vmem>>, vector<16xi32>,
    %select_n3A_320 = arith.select %lt3A_317, %get3A_319, %add3A_306 : vector<16xi1>, vector<16xi32>
    %swap3A_321 = arith.constant 96 : index
    %swap3A_322 = tpu.vector_load %arg12[%swap3A_321] {strides = array<i32>} : memref<272xi32, #tpu.memory_space<vmem>>, vector<16xi32>,
    tpu.vector_store %arg12[%swap3A_321], %select_n3A_320 {strides = array<i32>} : memref<272xi32, #tpu.memory_space<vmem>>, vector<16xi32>,
    %add3A_323 = arith.constant 112 : i32
    %add3A_324 = vector.broadcast %add3A_323 : i32 to vector<16xi32>
    %add3A_325 = arith.addi %add3A_324, %iota3A : vector<16xi32>
    %and3A_326 = arith.constant 7 : i32
    %and3A_327 = vector.broadcast %and3A_326 : i32 to vector<16xi32>
    %and3A_328 = arith.andi %iota3A, %and3A_327 : vector<16xi32>
    %add3A_329 = arith.constant 25080 : i32
    %add3A_330 = vector.broadcast %add3A_329 : i32 to vector<16xi32>
    %add3A_331 = arith.addi %add3A_330, %and3A_328 : vector<16xi32>
    %lt3A_332 = vector.broadcast %scan3A_152#0 : i32 to vector<16xi32>
    %lt3A_333 = arith.cmpi slt, %add3A_325, %lt3A_332 : vector<16xi32>
    %get3A_334 = arith.constant 112 : index
    %get3A_335 = tpu.vector_load %arg11[%get3A_334] {strides = array<i32>} : memref<272xi32, #tpu.memory_space<vmem>>, vector<16xi32>,
    %jit3A_336 = arith.constant 0 : i32
    %broadcast_in_dim3A_337 = vector.broadcast %jit3A_336 : i32 to vector<16xi32>
    %select_n3A_338 = arith.select %lt3A_333, %get3A_335, %broadcast_in_dim3A_337 : vector<16xi1>, vector<16xi32>
    %swap3A_339 = arith.constant 112 : index
    %swap3A_340 = tpu.vector_load %arg11[%swap3A_339] {strides = array<i32>} : memref<272xi32, #tpu.memory_space<vmem>>, vector<16xi32>,
    tpu.vector_store %arg11[%swap3A_339], %select_n3A_338 {strides = array<i32>} : memref<272xi32, #tpu.memory_space<vmem>>, vector<16xi32>,
    %lt3A_341 = vector.broadcast %scan3A_152#0 : i32 to vector<16xi32>
    %lt3A_342 = arith.cmpi slt, %add3A_325, %lt3A_341 : vector<16xi32>
    %get3A_343 = arith.constant 112 : index
    %get3A_344 = tpu.vector_load %arg12[%get3A_343] {strides = array<i32>} : memref<272xi32, #tpu.memory_space<vmem>>, vector<16xi32>,
    %select_n3A_345 = arith.select %lt3A_342, %get3A_344, %add3A_331 : vector<16xi1>, vector<16xi32>
    %swap3A_346 = arith.constant 112 : index
    %swap3A_347 = tpu.vector_load %arg12[%swap3A_346] {strides = array<i32>} : memref<272xi32, #tpu.memory_space<vmem>>, vector<16xi32>,
    tpu.vector_store %arg12[%swap3A_346], %select_n3A_345 {strides = array<i32>} : memref<272xi32, #tpu.memory_space<vmem>>, vector<16xi32>,
    %rem3A = arith.constant 3 : i32
    %rem3A_348 = arith.remsi %scan3A_152#1, %rem3A : i32
    %ge3A = arith.constant 3 : i32
    %ge3A_349 = arith.cmpi sge, %scan3A_152#1, %ge3A : i32
    %convert_element_type3A = arith.extui %ge3A_349 : i1 to i32
    %cond3A = arith.constant 0 : i32
    %cond3A_350 = arith.cmpi ne, %convert_element_type3A, %cond3A : i32
    scf.if %cond3A_350 {
      %dma_wait3A_495 = arith.constant 0 : i32
      %dma_wait3A_496 = arith.constant 0 : i32
      %dma_wait3A_497 = tpu.memref_slice %arg10[%rem3A_348, %dma_wait3A_495, %dma_wait3A_496] : memref<3x128x64xf32, #tpu.memory_space<vmem>> -> memref<1x128x64xf32, #tpu.memory_space<vmem>>
      %dma_wait3A_498 = tpu.memref_squeeze %dma_wait3A_497 : memref<1x128x64xf32, #tpu.memory_space<vmem>> -> memref<128x64xf32, #tpu.memory_space<vmem>>
      %dma_wait3A_499 = arith.constant 0 : i32
      %dma_wait3A_500 = tpu.memref_slice %arg9[%rem3A_348, %dma_wait3A_499] : memref<3x128xi32, #tpu.memory_space<vmem>> -> memref<1x128xi32, #tpu.memory_space<vmem>>
      %dma_wait3A_501 = tpu.memref_squeeze %dma_wait3A_500 : memref<1x128xi32, #tpu.memory_space<vmem>> -> memref<128xi32, #tpu.memory_space<vmem>>
      %dma_wait3A_502 = arith.constant 0 : i32
      %dma_wait3A_503 = arith.constant 0 : i32
      %dma_wait3A_504 = tpu.memref_slice %arg18[%dma_wait3A_502, %dma_wait3A_503] : memref<25088x64xf32, #tpu.memory_space<vmem_shared>> -> memref<25088x64xf32, #tpu.memory_space<vmem_shared>>
      %dma_wait3A_505 = tpu.memref_slice %arg17[%rem3A_348] : memref<3x!tpu.dma_semaphore, #tpu.memory_space<semaphore_mem>> -> memref<1x!tpu.dma_semaphore, #tpu.memory_space<semaphore_mem>>
      %dma_wait3A_506 = tpu.memref_squeeze %dma_wait3A_505 : memref<1x!tpu.dma_semaphore, #tpu.memory_space<semaphore_mem>> -> memref<!tpu.dma_semaphore, #tpu.memory_space<semaphore_mem>>
      tpu.wait_indirect_dma semaphore(%dma_wait3A_506 : memref<!tpu.dma_semaphore, #tpu.memory_space<semaphore_mem>>) src(%dma_wait3A_498 : memref<128x64xf32, #tpu.memory_space<vmem>>) dst(%dma_wait3A_504 : memref<25088x64xf32, #tpu.memory_space<vmem_shared>>)
    } else {
    }
    %get3A_351 = arith.constant 0 : index
    %get3A_352 = tpu.vector_load %arg11[%get3A_351] {strides = array<i32>} : memref<272xi32, #tpu.memory_space<vmem>>, vector<16xi32>,
    %swap3A_353 = arith.index_cast %rem3A_348 : i32 to index
    %swap3A_354 = arith.constant 0 : index
    %swap3A_355 = tpu.vector_load %arg8[%swap3A_353, %swap3A_354] {strides = array<i32>} : memref<3x128xi32, #tpu.memory_space<vmem>>, vector<16xi32>,
    tpu.vector_store %arg8[%swap3A_353, %swap3A_354], %get3A_352 {strides = array<i32>} : memref<3x128xi32, #tpu.memory_space<vmem>>, vector<16xi32>,
    %get3A_356 = arith.constant 0 : index
    %get3A_357 = tpu.vector_load %arg12[%get3A_356] {strides = array<i32>} : memref<272xi32, #tpu.memory_space<vmem>>, vector<16xi32>,
    %swap3A_358 = arith.index_cast %rem3A_348 : i32 to index
    %swap3A_359 = arith.constant 0 : index
    %swap3A_360 = tpu.vector_load %arg9[%swap3A_358, %swap3A_359] {strides = array<i32>} : memref<3x128xi32, #tpu.memory_space<vmem>>, vector<16xi32>,
    tpu.vector_store %arg9[%swap3A_358, %swap3A_359], %get3A_357 {strides = array<i32>} : memref<3x128xi32, #tpu.memory_space<vmem>>, vector<16xi32>,
    %get3A_361 = arith.constant 16 : index
    %get3A_362 = tpu.vector_load %arg11[%get3A_361] {strides = array<i32>} : memref<272xi32, #tpu.memory_space<vmem>>, vector<16xi32>,
    %swap3A_363 = arith.index_cast %rem3A_348 : i32 to index
    %swap3A_364 = arith.constant 16 : index
    %swap3A_365 = tpu.vector_load %arg8[%swap3A_363, %swap3A_364] {strides = array<i32>} : memref<3x128xi32, #tpu.memory_space<vmem>>, vector<16xi32>,
    tpu.vector_store %arg8[%swap3A_363, %swap3A_364], %get3A_362 {strides = array<i32>} : memref<3x128xi32, #tpu.memory_space<vmem>>, vector<16xi32>,
    %get3A_366 = arith.constant 16 : index
    %get3A_367 = tpu.vector_load %arg12[%get3A_366] {strides = array<i32>} : memref<272xi32, #tpu.memory_space<vmem>>, vector<16xi32>,
    %swap3A_368 = arith.index_cast %rem3A_348 : i32 to index
    %swap3A_369 = arith.constant 16 : index
    %swap3A_370 = tpu.vector_load %arg9[%swap3A_368, %swap3A_369] {strides = array<i32>} : memref<3x128xi32, #tpu.memory_space<vmem>>, vector<16xi32>,
    tpu.vector_store %arg9[%swap3A_368, %swap3A_369], %get3A_367 {strides = array<i32>} : memref<3x128xi32, #tpu.memory_space<vmem>>, vector<16xi32>,
    %get3A_371 = arith.constant 32 : index
    %get3A_372 = tpu.vector_load %arg11[%get3A_371] {strides = array<i32>} : memref<272xi32, #tpu.memory_space<vmem>>, vector<16xi32>,
    %swap3A_373 = arith.index_cast %rem3A_348 : i32 to index
    %swap3A_374 = arith.constant 32 : index
    %swap3A_375 = tpu.vector_load %arg8[%swap3A_373, %swap3A_374] {strides = array<i32>} : memref<3x128xi32, #tpu.memory_space<vmem>>, vector<16xi32>,
    tpu.vector_store %arg8[%swap3A_373, %swap3A_374], %get3A_372 {strides = array<i32>} : memref<3x128xi32, #tpu.memory_space<vmem>>, vector<16xi32>,
    %get3A_376 = arith.constant 32 : index
    %get3A_377 = tpu.vector_load %arg12[%get3A_376] {strides = array<i32>} : memref<272xi32, #tpu.memory_space<vmem>>, vector<16xi32>,
    %swap3A_378 = arith.index_cast %rem3A_348 : i32 to index
    %swap3A_379 = arith.constant 32 : index
    %swap3A_380 = tpu.vector_load %arg9[%swap3A_378, %swap3A_379] {strides = array<i32>} : memref<3x128xi32, #tpu.memory_space<vmem>>, vector<16xi32>,
    tpu.vector_store %arg9[%swap3A_378, %swap3A_379], %get3A_377 {strides = array<i32>} : memref<3x128xi32, #tpu.memory_space<vmem>>, vector<16xi32>,
    %get3A_381 = arith.constant 48 : index
    %get3A_382 = tpu.vector_load %arg11[%get3A_381] {strides = array<i32>} : memref<272xi32, #tpu.memory_space<vmem>>, vector<16xi32>,
    %swap3A_383 = arith.index_cast %rem3A_348 : i32 to index
    %swap3A_384 = arith.constant 48 : index
    %swap3A_385 = tpu.vector_load %arg8[%swap3A_383, %swap3A_384] {strides = array<i32>} : memref<3x128xi32, #tpu.memory_space<vmem>>, vector<16xi32>,
    tpu.vector_store %arg8[%swap3A_383, %swap3A_384], %get3A_382 {strides = array<i32>} : memref<3x128xi32, #tpu.memory_space<vmem>>, vector<16xi32>,
    %get3A_386 = arith.constant 48 : index
    %get3A_387 = tpu.vector_load %arg12[%get3A_386] {strides = array<i32>} : memref<272xi32, #tpu.memory_space<vmem>>, vector<16xi32>,
    %swap3A_388 = arith.index_cast %rem3A_348 : i32 to index
    %swap3A_389 = arith.constant 48 : index
    %swap3A_390 = tpu.vector_load %arg9[%swap3A_388, %swap3A_389] {strides = array<i32>} : memref<3x128xi32, #tpu.memory_space<vmem>>, vector<16xi32>,
    tpu.vector_store %arg9[%swap3A_388, %swap3A_389], %get3A_387 {strides = array<i32>} : memref<3x128xi32, #tpu.memory_space<vmem>>, vector<16xi32>,
    %get3A_391 = arith.constant 64 : index
    %get3A_392 = tpu.vector_load %arg11[%get3A_391] {strides = array<i32>} : memref<272xi32, #tpu.memory_space<vmem>>, vector<16xi32>,
    %swap3A_393 = arith.index_cast %rem3A_348 : i32 to index
    %swap3A_394 = arith.constant 64 : index
    %swap3A_395 = tpu.vector_load %arg8[%swap3A_393, %swap3A_394] {strides = array<i32>} : memref<3x128xi32, #tpu.memory_space<vmem>>, vector<16xi32>,
    tpu.vector_store %arg8[%swap3A_393, %swap3A_394], %get3A_392 {strides = array<i32>} : memref<3x128xi32, #tpu.memory_space<vmem>>, vector<16xi32>,
    %get3A_396 = arith.constant 64 : index
    %get3A_397 = tpu.vector_load %arg12[%get3A_396] {strides = array<i32>} : memref<272xi32, #tpu.memory_space<vmem>>, vector<16xi32>,
    %swap3A_398 = arith.index_cast %rem3A_348 : i32 to index
    %swap3A_399 = arith.constant 64 : index
    %swap3A_400 = tpu.vector_load %arg9[%swap3A_398, %swap3A_399] {strides = array<i32>} : memref<3x128xi32, #tpu.memory_space<vmem>>, vector<16xi32>,
    tpu.vector_store %arg9[%swap3A_398, %swap3A_399], %get3A_397 {strides = array<i32>} : memref<3x128xi32, #tpu.memory_space<vmem>>, vector<16xi32>,
    %get3A_401 = arith.constant 80 : index
    %get3A_402 = tpu.vector_load %arg11[%get3A_401] {strides = array<i32>} : memref<272xi32, #tpu.memory_space<vmem>>, vector<16xi32>,
    %swap3A_403 = arith.index_cast %rem3A_348 : i32 to index
    %swap3A_404 = arith.constant 80 : index
    %swap3A_405 = tpu.vector_load %arg8[%swap3A_403, %swap3A_404] {strides = array<i32>} : memref<3x128xi32, #tpu.memory_space<vmem>>, vector<16xi32>,
    tpu.vector_store %arg8[%swap3A_403, %swap3A_404], %get3A_402 {strides = array<i32>} : memref<3x128xi32, #tpu.memory_space<vmem>>, vector<16xi32>,
    %get3A_406 = arith.constant 80 : index
    %get3A_407 = tpu.vector_load %arg12[%get3A_406] {strides = array<i32>} : memref<272xi32, #tpu.memory_space<vmem>>, vector<16xi32>,
    %swap3A_408 = arith.index_cast %rem3A_348 : i32 to index
    %swap3A_409 = arith.constant 80 : index
    %swap3A_410 = tpu.vector_load %arg9[%swap3A_408, %swap3A_409] {strides = array<i32>} : memref<3x128xi32, #tpu.memory_space<vmem>>, vector<16xi32>,
    tpu.vector_store %arg9[%swap3A_408, %swap3A_409], %get3A_407 {strides = array<i32>} : memref<3x128xi32, #tpu.memory_space<vmem>>, vector<16xi32>,
    %get3A_411 = arith.constant 96 : index
    %get3A_412 = tpu.vector_load %arg11[%get3A_411] {strides = array<i32>} : memref<272xi32, #tpu.memory_space<vmem>>, vector<16xi32>,
    %swap3A_413 = arith.index_cast %rem3A_348 : i32 to index
    %swap3A_414 = arith.constant 96 : index
    %swap3A_415 = tpu.vector_load %arg8[%swap3A_413, %swap3A_414] {strides = array<i32>} : memref<3x128xi32, #tpu.memory_space<vmem>>, vector<16xi32>,
    tpu.vector_store %arg8[%swap3A_413, %swap3A_414], %get3A_412 {strides = array<i32>} : memref<3x128xi32, #tpu.memory_space<vmem>>, vector<16xi32>,
    %get3A_416 = arith.constant 96 : index
    %get3A_417 = tpu.vector_load %arg12[%get3A_416] {strides = array<i32>} : memref<272xi32, #tpu.memory_space<vmem>>, vector<16xi32>,
    %swap3A_418 = arith.index_cast %rem3A_348 : i32 to index
    %swap3A_419 = arith.constant 96 : index
    %swap3A_420 = tpu.vector_load %arg9[%swap3A_418, %swap3A_419] {strides = array<i32>} : memref<3x128xi32, #tpu.memory_space<vmem>>, vector<16xi32>,
    tpu.vector_store %arg9[%swap3A_418, %swap3A_419], %get3A_417 {strides = array<i32>} : memref<3x128xi32, #tpu.memory_space<vmem>>, vector<16xi32>,
    %get3A_421 = arith.constant 112 : index
    %get3A_422 = tpu.vector_load %arg11[%get3A_421] {strides = array<i32>} : memref<272xi32, #tpu.memory_space<vmem>>, vector<16xi32>,
    %swap3A_423 = arith.index_cast %rem3A_348 : i32 to index
    %swap3A_424 = arith.constant 112 : index
    %swap3A_425 = tpu.vector_load %arg8[%swap3A_423, %swap3A_424] {strides = array<i32>} : memref<3x128xi32, #tpu.memory_space<vmem>>, vector<16xi32>,
    tpu.vector_store %arg8[%swap3A_423, %swap3A_424], %get3A_422 {strides = array<i32>} : memref<3x128xi32, #tpu.memory_space<vmem>>, vector<16xi32>,
    %get3A_426 = arith.constant 112 : index
    %get3A_427 = tpu.vector_load %arg12[%get3A_426] {strides = array<i32>} : memref<272xi32, #tpu.memory_space<vmem>>, vector<16xi32>,
    %swap3A_428 = arith.index_cast %rem3A_348 : i32 to index
    %swap3A_429 = arith.constant 112 : index
    %swap3A_430 = tpu.vector_load %arg9[%swap3A_428, %swap3A_429] {strides = array<i32>} : memref<3x128xi32, #tpu.memory_space<vmem>>, vector<16xi32>,
    tpu.vector_store %arg9[%swap3A_428, %swap3A_429], %get3A_427 {strides = array<i32>} : memref<3x128xi32, #tpu.memory_space<vmem>>, vector<16xi32>,
    %dma_start3A_431 = arith.constant 0 : i32
    %dma_start3A_432 = arith.constant 0 : i32
    %dma_start3A_433 = tpu.memref_slice %arg10[%rem3A_348, %dma_start3A_431, %dma_start3A_432] : memref<3x128x64xf32, #tpu.memory_space<vmem>> -> memref<1x128x64xf32, #tpu.memory_space<vmem>>
    %dma_start3A_434 = tpu.memref_squeeze %dma_start3A_433 : memref<1x128x64xf32, #tpu.memory_space<vmem>> -> memref<128x64xf32, #tpu.memory_space<vmem>>
    %dma_start3A_435 = arith.constant 0 : i32
    %dma_start3A_436 = tpu.memref_slice %arg8[%rem3A_348, %dma_start3A_435] : memref<3x128xi32, #tpu.memory_space<vmem>> -> memref<1x128xi32, #tpu.memory_space<vmem>>
    %dma_start3A_437 = tpu.memref_squeeze %dma_start3A_436 : memref<1x128xi32, #tpu.memory_space<vmem>> -> memref<128xi32, #tpu.memory_space<vmem>>
    %dma_start3A_438 = arith.constant 0 : i32
    %dma_start3A_439 = arith.constant 0 : i32
    %dma_start3A_440 = tpu.memref_slice %arg3[%dma_start3A_438, %dma_start3A_439] : memref<50000x64xf32, #tpu.memory_space<hbm>> -> memref<50000x64xf32, #tpu.memory_space<hbm>>
    %dma_start3A_441 = tpu.memref_slice %arg16[%rem3A_348] : memref<3x!tpu.dma_semaphore, #tpu.memory_space<semaphore_mem>> -> memref<1x!tpu.dma_semaphore, #tpu.memory_space<semaphore_mem>>
    %dma_start3A_442 = tpu.memref_squeeze %dma_start3A_441 : memref<1x!tpu.dma_semaphore, #tpu.memory_space<semaphore_mem>> -> memref<!tpu.dma_semaphore, #tpu.memory_space<semaphore_mem>>
    tpu.enqueue_indirect_dma source(%dma_start3A_440 : memref<50000x64xf32, #tpu.memory_space<hbm>>) target(%dma_start3A_434 : memref<128x64xf32, #tpu.memory_space<vmem>>) offsets(%dma_start3A_437 : memref<128xi32, #tpu.memory_space<vmem>>) semaphore(%dma_start3A_442 : memref<!tpu.dma_semaphore, #tpu.memory_space<semaphore_mem>>)
    %ge3A_443 = arith.constant 1 : i32
    %ge3A_444 = arith.cmpi sge, %scan3A_152#1, %ge3A_443 : i32
    %convert_element_type3A_445 = arith.extui %ge3A_444 : i1 to i32
    %cond3A_446 = arith.constant 0 : i32
    %cond3A_447 = arith.cmpi ne, %convert_element_type3A_445, %cond3A_446 : i32
    scf.if %cond3A_447 {
      %sub3A_495 = arith.constant 1 : i32
      %sub3A_496 = arith.subi %scan3A_152#1, %sub3A_495 : i32
      %add3A_497 = arith.constant 3 : i32
      %add3A_498 = arith.addi %sub3A_496, %add3A_497 : i32
      %rem3A_499 = arith.constant 3 : i32
      %rem3A_500 = arith.remsi %add3A_498, %rem3A_499 : i32
      %dma_wait3A_501 = arith.constant 0 : i32
      %dma_wait3A_502 = arith.constant 0 : i32
      %dma_wait3A_503 = tpu.memref_slice %arg10[%rem3A_500, %dma_wait3A_501, %dma_wait3A_502] : memref<3x128x64xf32, #tpu.memory_space<vmem>> -> memref<1x128x64xf32, #tpu.memory_space<vmem>>
      %dma_wait3A_504 = tpu.memref_squeeze %dma_wait3A_503 : memref<1x128x64xf32, #tpu.memory_space<vmem>> -> memref<128x64xf32, #tpu.memory_space<vmem>>
      %dma_wait3A_505 = arith.constant 0 : i32
      %dma_wait3A_506 = tpu.memref_slice %arg8[%rem3A_500, %dma_wait3A_505] : memref<3x128xi32, #tpu.memory_space<vmem>> -> memref<1x128xi32, #tpu.memory_space<vmem>>
      %dma_wait3A_507 = tpu.memref_squeeze %dma_wait3A_506 : memref<1x128xi32, #tpu.memory_space<vmem>> -> memref<128xi32, #tpu.memory_space<vmem>>
      %dma_wait3A_508 = arith.constant 0 : i32
      %dma_wait3A_509 = arith.constant 0 : i32
      %dma_wait3A_510 = tpu.memref_slice %arg3[%dma_wait3A_508, %dma_wait3A_509] : memref<50000x64xf32, #tpu.memory_space<hbm>> -> memref<50000x64xf32, #tpu.memory_space<hbm>>
      %dma_wait3A_511 = tpu.memref_slice %arg16[%rem3A_500] : memref<3x!tpu.dma_semaphore, #tpu.memory_space<semaphore_mem>> -> memref<1x!tpu.dma_semaphore, #tpu.memory_space<semaphore_mem>>
      %dma_wait3A_512 = tpu.memref_squeeze %dma_wait3A_511 : memref<1x!tpu.dma_semaphore, #tpu.memory_space<semaphore_mem>> -> memref<!tpu.dma_semaphore, #tpu.memory_space<semaphore_mem>>
      tpu.wait_indirect_dma semaphore(%dma_wait3A_512 : memref<!tpu.dma_semaphore, #tpu.memory_space<semaphore_mem>>) src(%dma_wait3A_510 : memref<50000x64xf32, #tpu.memory_space<hbm>>) dst(%dma_wait3A_504 : memref<128x64xf32, #tpu.memory_space<vmem>>)
      %dma_start3A_513 = arith.constant 0 : i32
      %dma_start3A_514 = arith.constant 0 : i32
      %dma_start3A_515 = tpu.memref_slice %arg10[%rem3A_500, %dma_start3A_513, %dma_start3A_514] : memref<3x128x64xf32, #tpu.memory_space<vmem>> -> memref<1x128x64xf32, #tpu.memory_space<vmem>>
      %dma_start3A_516 = tpu.memref_squeeze %dma_start3A_515 : memref<1x128x64xf32, #tpu.memory_space<vmem>> -> memref<128x64xf32, #tpu.memory_space<vmem>>
      %dma_start3A_517 = arith.constant 0 : i32
      %dma_start3A_518 = tpu.memref_slice %arg9[%rem3A_500, %dma_start3A_517] : memref<3x128xi32, #tpu.memory_space<vmem>> -> memref<1x128xi32, #tpu.memory_space<vmem>>
      %dma_start3A_519 = tpu.memref_squeeze %dma_start3A_518 : memref<1x128xi32, #tpu.memory_space<vmem>> -> memref<128xi32, #tpu.memory_space<vmem>>
      %dma_start3A_520 = arith.constant 0 : i32
      %dma_start3A_521 = arith.constant 0 : i32
      %dma_start3A_522 = tpu.memref_slice %arg18[%dma_start3A_520, %dma_start3A_521] : memref<25088x64xf32, #tpu.memory_space<vmem_shared>> -> memref<25088x64xf32, #tpu.memory_space<vmem_shared>>
      %dma_start3A_523 = tpu.memref_slice %arg17[%rem3A_500] : memref<3x!tpu.dma_semaphore, #tpu.memory_space<semaphore_mem>> -> memref<1x!tpu.dma_semaphore, #tpu.memory_space<semaphore_mem>>
      %dma_start3A_524 = tpu.memref_squeeze %dma_start3A_523 : memref<1x!tpu.dma_semaphore, #tpu.memory_space<semaphore_mem>> -> memref<!tpu.dma_semaphore, #tpu.memory_space<semaphore_mem>>
      tpu.enqueue_indirect_dma source(%dma_start3A_516 : memref<128x64xf32, #tpu.memory_space<vmem>>) target(%dma_start3A_522 : memref<25088x64xf32, #tpu.memory_space<vmem_shared>>) offsets(%dma_start3A_519 : memref<128xi32, #tpu.memory_space<vmem>>) semaphore(%dma_start3A_524 : memref<!tpu.dma_semaphore, #tpu.memory_space<semaphore_mem>>) {add = true}
    } else {
    }
    %rem3A_448 = arith.constant 3 : i32
    %rem3A_449 = arith.remsi %scan3A_152#1, %rem3A_448 : i32
    %dma_wait3A = arith.constant 0 : i32
    %dma_wait3A_450 = arith.constant 0 : i32
    %dma_wait3A_451 = tpu.memref_slice %arg10[%rem3A_449, %dma_wait3A, %dma_wait3A_450] : memref<3x128x64xf32, #tpu.memory_space<vmem>> -> memref<1x128x64xf32, #tpu.memory_space<vmem>>
    %dma_wait3A_452 = tpu.memref_squeeze %dma_wait3A_451 : memref<1x128x64xf32, #tpu.memory_space<vmem>> -> memref<128x64xf32, #tpu.memory_space<vmem>>
    %dma_wait3A_453 = arith.constant 0 : i32
    %dma_wait3A_454 = tpu.memref_slice %arg8[%rem3A_449, %dma_wait3A_453] : memref<3x128xi32, #tpu.memory_space<vmem>> -> memref<1x128xi32, #tpu.memory_space<vmem>>
    %dma_wait3A_455 = tpu.memref_squeeze %dma_wait3A_454 : memref<1x128xi32, #tpu.memory_space<vmem>> -> memref<128xi32, #tpu.memory_space<vmem>>
    %dma_wait3A_456 = arith.constant 0 : i32
    %dma_wait3A_457 = arith.constant 0 : i32
    %dma_wait3A_458 = tpu.memref_slice %arg3[%dma_wait3A_456, %dma_wait3A_457] : memref<50000x64xf32, #tpu.memory_space<hbm>> -> memref<50000x64xf32, #tpu.memory_space<hbm>>
    %dma_wait3A_459 = tpu.memref_slice %arg16[%rem3A_449] : memref<3x!tpu.dma_semaphore, #tpu.memory_space<semaphore_mem>> -> memref<1x!tpu.dma_semaphore, #tpu.memory_space<semaphore_mem>>
    %dma_wait3A_460 = tpu.memref_squeeze %dma_wait3A_459 : memref<1x!tpu.dma_semaphore, #tpu.memory_space<semaphore_mem>> -> memref<!tpu.dma_semaphore, #tpu.memory_space<semaphore_mem>>
    tpu.wait_indirect_dma semaphore(%dma_wait3A_460 : memref<!tpu.dma_semaphore, #tpu.memory_space<semaphore_mem>>) src(%dma_wait3A_458 : memref<50000x64xf32, #tpu.memory_space<hbm>>) dst(%dma_wait3A_452 : memref<128x64xf32, #tpu.memory_space<vmem>>)
    %dma_start3A_461 = arith.constant 0 : i32
    %dma_start3A_462 = arith.constant 0 : i32
    %dma_start3A_463 = tpu.memref_slice %arg10[%rem3A_449, %dma_start3A_461, %dma_start3A_462] : memref<3x128x64xf32, #tpu.memory_space<vmem>> -> memref<1x128x64xf32, #tpu.memory_space<vmem>>
    %dma_start3A_464 = tpu.memref_squeeze %dma_start3A_463 : memref<1x128x64xf32, #tpu.memory_space<vmem>> -> memref<128x64xf32, #tpu.memory_space<vmem>>
    %dma_start3A_465 = arith.constant 0 : i32
    %dma_start3A_466 = tpu.memref_slice %arg9[%rem3A_449, %dma_start3A_465] : memref<3x128xi32, #tpu.memory_space<vmem>> -> memref<1x128xi32, #tpu.memory_space<vmem>>
    %dma_start3A_467 = tpu.memref_squeeze %dma_start3A_466 : memref<1x128xi32, #tpu.memory_space<vmem>> -> memref<128xi32, #tpu.memory_space<vmem>>
    %dma_start3A_468 = arith.constant 0 : i32
    %dma_start3A_469 = arith.constant 0 : i32
    %dma_start3A_470 = tpu.memref_slice %arg18[%dma_start3A_468, %dma_start3A_469] : memref<25088x64xf32, #tpu.memory_space<vmem_shared>> -> memref<25088x64xf32, #tpu.memory_space<vmem_shared>>
    %dma_start3A_471 = tpu.memref_slice %arg17[%rem3A_449] : memref<3x!tpu.dma_semaphore, #tpu.memory_space<semaphore_mem>> -> memref<1x!tpu.dma_semaphore, #tpu.memory_space<semaphore_mem>>
    %dma_start3A_472 = tpu.memref_squeeze %dma_start3A_471 : memref<1x!tpu.dma_semaphore, #tpu.memory_space<semaphore_mem>> -> memref<!tpu.dma_semaphore, #tpu.memory_space<semaphore_mem>>
    tpu.enqueue_indirect_dma source(%dma_start3A_464 : memref<128x64xf32, #tpu.memory_space<vmem>>) target(%dma_start3A_470 : memref<25088x64xf32, #tpu.memory_space<vmem_shared>>) offsets(%dma_start3A_467 : memref<128xi32, #tpu.memory_space<vmem>>) semaphore(%dma_start3A_472 : memref<!tpu.dma_semaphore, #tpu.memory_space<semaphore_mem>>) {add = true}
    %sub3A = arith.constant 0 : i32
    %sub3A_473 = arith.subi %scan3A_152#1, %sub3A : i32
    %ge3A_474 = arith.constant 0 : i32
    %ge3A_475 = arith.cmpi sge, %sub3A_473, %ge3A_474 : i32
    %convert_element_type3A_476 = arith.extui %ge3A_475 : i1 to i32
    %cond3A_477 = arith.constant 0 : i32
    %cond3A_478 = arith.cmpi ne, %convert_element_type3A_476, %cond3A_477 : i32
    scf.if %cond3A_478 {
      %add3A_495 = arith.constant 1173 : i32
      %add3A_496 = arith.addi %sub3A_473, %add3A_495 : i32
      %rem3A_497 = arith.constant 3 : i32
      %rem3A_498 = arith.remsi %add3A_496, %rem3A_497 : i32
      %dma_wait3A_499 = arith.constant 0 : i32
      %dma_wait3A_500 = arith.constant 0 : i32
      %dma_wait3A_501 = tpu.memref_slice %arg10[%rem3A_498, %dma_wait3A_499, %dma_wait3A_500] : memref<3x128x64xf32, #tpu.memory_space<vmem>> -> memref<1x128x64xf32, #tpu.memory_space<vmem>>
      %dma_wait3A_502 = tpu.memref_squeeze %dma_wait3A_501 : memref<1x128x64xf32, #tpu.memory_space<vmem>> -> memref<128x64xf32, #tpu.memory_space<vmem>>
      %dma_wait3A_503 = arith.constant 0 : i32
      %dma_wait3A_504 = tpu.memref_slice %arg9[%rem3A_498, %dma_wait3A_503] : memref<3x128xi32, #tpu.memory_space<vmem>> -> memref<1x128xi32, #tpu.memory_space<vmem>>
      %dma_wait3A_505 = tpu.memref_squeeze %dma_wait3A_504 : memref<1x128xi32, #tpu.memory_space<vmem>> -> memref<128xi32, #tpu.memory_space<vmem>>
      %dma_wait3A_506 = arith.constant 0 : i32
      %dma_wait3A_507 = arith.constant 0 : i32
      %dma_wait3A_508 = tpu.memref_slice %arg18[%dma_wait3A_506, %dma_wait3A_507] : memref<25088x64xf32, #tpu.memory_space<vmem_shared>> -> memref<25088x64xf32, #tpu.memory_space<vmem_shared>>
      %dma_wait3A_509 = tpu.memref_slice %arg17[%rem3A_498] : memref<3x!tpu.dma_semaphore, #tpu.memory_space<semaphore_mem>> -> memref<1x!tpu.dma_semaphore, #tpu.memory_space<semaphore_mem>>
      %dma_wait3A_510 = tpu.memref_squeeze %dma_wait3A_509 : memref<1x!tpu.dma_semaphore, #tpu.memory_space<semaphore_mem>> -> memref<!tpu.dma_semaphore, #tpu.memory_space<semaphore_mem>>
      tpu.wait_indirect_dma semaphore(%dma_wait3A_510 : memref<!tpu.dma_semaphore, #tpu.memory_space<semaphore_mem>>) src(%dma_wait3A_502 : memref<128x64xf32, #tpu.memory_space<vmem>>) dst(%dma_wait3A_508 : memref<25088x64xf32, #tpu.memory_space<vmem_shared>>)
    } else {
    }
    %sub3A_479 = arith.constant 1 : i32
    %sub3A_480 = arith.subi %scan3A_152#1, %sub3A_479 : i32
    %ge3A_481 = arith.constant 0 : i32
    %ge3A_482 = arith.cmpi sge, %sub3A_480, %ge3A_481 : i32
    %convert_element_type3A_483 = arith.extui %ge3A_482 : i1 to i32
    %cond3A_484 = arith.constant 0 : i32
    %cond3A_485 = arith.cmpi ne, %convert_element_type3A_483, %cond3A_484 : i32
    scf.if %cond3A_485 {
      %add3A_495 = arith.constant 1173 : i32
      %add3A_496 = arith.addi %sub3A_480, %add3A_495 : i32
      %rem3A_497 = arith.constant 3 : i32
      %rem3A_498 = arith.remsi %add3A_496, %rem3A_497 : i32
      %dma_wait3A_499 = arith.constant 0 : i32
      %dma_wait3A_500 = arith.constant 0 : i32
      %dma_wait3A_501 = tpu.memref_slice %arg10[%rem3A_498, %dma_wait3A_499, %dma_wait3A_500] : memref<3x128x64xf32, #tpu.memory_space<vmem>> -> memref<1x128x64xf32, #tpu.memory_space<vmem>>
      %dma_wait3A_502 = tpu.memref_squeeze %dma_wait3A_501 : memref<1x128x64xf32, #tpu.memory_space<vmem>> -> memref<128x64xf32, #tpu.memory_space<vmem>>
      %dma_wait3A_503 = arith.constant 0 : i32
      %dma_wait3A_504 = tpu.memref_slice %arg9[%rem3A_498, %dma_wait3A_503] : memref<3x128xi32, #tpu.memory_space<vmem>> -> memref<1x128xi32, #tpu.memory_space<vmem>>
      %dma_wait3A_505 = tpu.memref_squeeze %dma_wait3A_504 : memref<1x128xi32, #tpu.memory_space<vmem>> -> memref<128xi32, #tpu.memory_space<vmem>>
      %dma_wait3A_506 = arith.constant 0 : i32
      %dma_wait3A_507 = arith.constant 0 : i32
      %dma_wait3A_508 = tpu.memref_slice %arg18[%dma_wait3A_506, %dma_wait3A_507] : memref<25088x64xf32, #tpu.memory_space<vmem_shared>> -> memref<25088x64xf32, #tpu.memory_space<vmem_shared>>
      %dma_wait3A_509 = tpu.memref_slice %arg17[%rem3A_498] : memref<3x!tpu.dma_semaphore, #tpu.memory_space<semaphore_mem>> -> memref<1x!tpu.dma_semaphore, #tpu.memory_space<semaphore_mem>>
      %dma_wait3A_510 = tpu.memref_squeeze %dma_wait3A_509 : memref<1x!tpu.dma_semaphore, #tpu.memory_space<semaphore_mem>> -> memref<!tpu.dma_semaphore, #tpu.memory_space<semaphore_mem>>
      tpu.wait_indirect_dma semaphore(%dma_wait3A_510 : memref<!tpu.dma_semaphore, #tpu.memory_space<semaphore_mem>>) src(%dma_wait3A_502 : memref<128x64xf32, #tpu.memory_space<vmem>>) dst(%dma_wait3A_508 : memref<25088x64xf32, #tpu.memory_space<vmem_shared>>)
    } else {
    }
    %sub3A_486 = arith.constant 2 : i32
    %sub3A_487 = arith.subi %scan3A_152#1, %sub3A_486 : i32
    %ge3A_488 = arith.constant 0 : i32
    %ge3A_489 = arith.cmpi sge, %sub3A_487, %ge3A_488 : i32
    %convert_element_type3A_490 = arith.extui %ge3A_489 : i1 to i32
    %cond3A_491 = arith.constant 0 : i32
    %cond3A_492 = arith.cmpi ne, %convert_element_type3A_490, %cond3A_491 : i32
    scf.if %cond3A_492 {
      %add3A_495 = arith.constant 1173 : i32
      %add3A_496 = arith.addi %sub3A_487, %add3A_495 : i32
      %rem3A_497 = arith.constant 3 : i32
      %rem3A_498 = arith.remsi %add3A_496, %rem3A_497 : i32
      %dma_wait3A_499 = arith.constant 0 : i32
      %dma_wait3A_500 = arith.constant 0 : i32
      %dma_wait3A_501 = tpu.memref_slice %arg10[%rem3A_498, %dma_wait3A_499, %dma_wait3A_500] : memref<3x128x64xf32, #tpu.memory_space<vmem>> -> memref<1x128x64xf32, #tpu.memory_space<vmem>>
      %dma_wait3A_502 = tpu.memref_squeeze %dma_wait3A_501 : memref<1x128x64xf32, #tpu.memory_space<vmem>> -> memref<128x64xf32, #tpu.memory_space<vmem>>
      %dma_wait3A_503 = arith.constant 0 : i32
      %dma_wait3A_504 = tpu.memref_slice %arg9[%rem3A_498, %dma_wait3A_503] : memref<3x128xi32, #tpu.memory_space<vmem>> -> memref<1x128xi32, #tpu.memory_space<vmem>>
      %dma_wait3A_505 = tpu.memref_squeeze %dma_wait3A_504 : memref<1x128xi32, #tpu.memory_space<vmem>> -> memref<128xi32, #tpu.memory_space<vmem>>
      %dma_wait3A_506 = arith.constant 0 : i32
      %dma_wait3A_507 = arith.constant 0 : i32
      %dma_wait3A_508 = tpu.memref_slice %arg18[%dma_wait3A_506, %dma_wait3A_507] : memref<25088x64xf32, #tpu.memory_space<vmem_shared>> -> memref<25088x64xf32, #tpu.memory_space<vmem_shared>>
      %dma_wait3A_509 = tpu.memref_slice %arg17[%rem3A_498] : memref<3x!tpu.dma_semaphore, #tpu.memory_space<semaphore_mem>> -> memref<1x!tpu.dma_semaphore, #tpu.memory_space<semaphore_mem>>
      %dma_wait3A_510 = tpu.memref_squeeze %dma_wait3A_509 : memref<1x!tpu.dma_semaphore, #tpu.memory_space<semaphore_mem>> -> memref<!tpu.dma_semaphore, #tpu.memory_space<semaphore_mem>>
      tpu.wait_indirect_dma semaphore(%dma_wait3A_510 : memref<!tpu.dma_semaphore, #tpu.memory_space<semaphore_mem>>) src(%dma_wait3A_502 : memref<128x64xf32, #tpu.memory_space<vmem>>) dst(%dma_wait3A_508 : memref<25088x64xf32, #tpu.memory_space<vmem_shared>>)
    } else {
    }
    %barrier3A_493 = arith.constant 0 : index
    tpu.barrier barrier_id(%barrier3A_493)
    %add3A_494 = arith.addi %mul3A_0, %mul3A_14 : i32
    "tpu.region"() ({
      %run_scoped3A = tpu.sem_alloc : memref<!tpu.dma_semaphore, #tpu.memory_space<semaphore_mem>>
      %dma_start3A_495 = arith.constant 0 : i32
      %dma_start3A_496 = tpu.memref_slice %arg5[%add3A_494, %dma_start3A_495] : memref<50176x64xf32, #tpu.memory_space<hbm>> -> memref<1568x64xf32, #tpu.memory_space<hbm>>
      %dma_start3A_497 = arith.constant 0 : i32
      %dma_start3A_498 = tpu.memref_slice %arg18[%mul3A_14, %dma_start3A_497] : memref<25088x64xf32, #tpu.memory_space<vmem_shared>> -> memref<1568x64xf32, #tpu.memory_space<vmem_shared>>
      tpu.enqueue_dma source(%dma_start3A_498 : memref<1568x64xf32, #tpu.memory_space<vmem_shared>>) target(%dma_start3A_496 : memref<1568x64xf32, #tpu.memory_space<hbm>>) target_semaphore(%run_scoped3A : memref<!tpu.dma_semaphore, #tpu.memory_space<semaphore_mem>>)
      %dma_wait3A_499 = arith.constant 0 : i32
      %dma_wait3A_500 = tpu.memref_slice %arg5[%add3A_494, %dma_wait3A_499] : memref<50176x64xf32, #tpu.memory_space<hbm>> -> memref<1568x64xf32, #tpu.memory_space<hbm>>
      %dma_wait3A_501 = arith.constant 0 : i32
      %dma_wait3A_502 = tpu.memref_slice %arg18[%mul3A_14, %dma_wait3A_501] : memref<25088x64xf32, #tpu.memory_space<vmem_shared>> -> memref<1568x64xf32, #tpu.memory_space<vmem_shared>>
      tpu.wait_dma2 semaphore(%run_scoped3A : memref<!tpu.dma_semaphore, #tpu.memory_space<semaphore_mem>>) src(%dma_wait3A_502 : memref<1568x64xf32, #tpu.memory_space<vmem_shared>>) dst(%dma_wait3A_500 : memref<1568x64xf32, #tpu.memory_space<hbm>>)
      tpu.yield
    }) : () -> ()
    return
  }
}

#map = affine_map<(d0, d1) -> (0, 0)>
#map1 = affine_map<(d0, d1) -> (0)>
module attributes {stable_mosaic.version = 14 : i64} {
  func.func @_sc_body(%arg0: i32, %arg1: i32, %arg2: memref<2x800000xi32, #tpu.memory_space<hbm>>, %arg3: memref<50176x64xf32, #tpu.memory_space<hbm>>, %arg4: memref<64xf32, #tpu.memory_space<hbm>>, %arg5: memref<50000x64xf32, #tpu.memory_space<hbm>>, %arg6: memref<2x128xi32, #tpu.memory_space<vmem>>, %arg7: memref<2x128xi32, #tpu.memory_space<vmem>>, %arg8: memref<3x128xi32, #tpu.memory_space<vmem>>, %arg9: memref<3x128xi32, #tpu.memory_space<vmem>>, %arg10: memref<3x128x64xf32, #tpu.memory_space<vmem>>, %arg11: memref<272xi32, #tpu.memory_space<vmem>>, %arg12: memref<272xi32, #tpu.memory_space<vmem>>, %arg13: memref<32x64xf32, #tpu.memory_space<vmem>>, %arg14: memref<64xf32, #tpu.memory_space<vmem>>, %arg15: memref<2x!tpu.dma_semaphore, #tpu.memory_space<semaphore_mem>>, %arg16: memref<3x!tpu.dma_semaphore, #tpu.memory_space<semaphore_mem>>, %arg17: memref<3x!tpu.dma_semaphore, #tpu.memory_space<semaphore_mem>>, %arg18: memref<25088x64xf32, #tpu.memory_space<vmem_shared>>) attributes {dimension_semantics = [#tpu.dimension_semantics<core_parallel>, #tpu.dimension_semantics<subcore_parallel>], iteration_bounds = array<i64: 2, 16>, scalar_prefetch = 0 : i64, scratch_operands = 13 : i64, tpu.core_type = #tpu.core_type<sc_vector_subcore>, window_params = [{transform_indices = #map}, {transform_indices = #map}, {transform_indices = #map1}, {transform_indices = #map}]} {
    %mul3A = arith.constant 25088 : i32
    %mul3A_0 = arith.muli %arg0, %mul3A : i32
    "tpu.region"() ({
      %run_scoped3A = tpu.sem_alloc : memref<!tpu.dma_semaphore, #tpu.memory_space<semaphore_mem>>
      tpu.enqueue_dma source(%arg4 : memref<64xf32, #tpu.memory_space<hbm>>) target(%arg14 : memref<64xf32, #tpu.memory_space<vmem>>) target_semaphore(%run_scoped3A : memref<!tpu.dma_semaphore, #tpu.memory_space<semaphore_mem>>)
      tpu.wait_dma2 semaphore(%run_scoped3A : memref<!tpu.dma_semaphore, #tpu.memory_space<semaphore_mem>>) src(%arg4 : memref<64xf32, #tpu.memory_space<hbm>>) dst(%arg14 : memref<64xf32, #tpu.memory_space<vmem>>)
      tpu.yield
    }) : () -> ()
    %get3A = arith.constant 0 : index
    %get3A_1 = tpu.vector_load %arg14[%get3A] {strides = array<i32>} : memref<64xf32, #tpu.memory_space<vmem>>, vector<16xf32>,
    %get3A_2 = arith.constant 16 : index
    %get3A_3 = tpu.vector_load %arg14[%get3A_2] {strides = array<i32>} : memref<64xf32, #tpu.memory_space<vmem>>, vector<16xf32>,
    %get3A_4 = arith.constant 32 : index
    %get3A_5 = tpu.vector_load %arg14[%get3A_4] {strides = array<i32>} : memref<64xf32, #tpu.memory_space<vmem>>, vector<16xf32>,
    %get3A_6 = arith.constant 48 : index
    %get3A_7 = tpu.vector_load %arg14[%get3A_6] {strides = array<i32>} : memref<64xf32, #tpu.memory_space<vmem>>, vector<16xf32>,
    %scan3A = arith.constant 0 : i32
    %scan3A_8 = arith.constant 0 : i32
    %scan3A_9 = arith.constant 32 : i32
    %scan3A_10 = arith.addi %scan3A_8, %scan3A_9 : i32
    %scan3A_11 = arith.constant 1 : i32
    scf.for %scan3A_505 = %scan3A_8 to %scan3A_10 step %scan3A_11  : i32 {
      %swap3A_506 = arith.index_cast %scan3A_505 : i32 to index
      %swap3A_507 = arith.constant 0 : index
      %swap3A_508 = tpu.vector_load %arg13[%swap3A_506, %swap3A_507] {strides = array<i32>} : memref<32x64xf32, #tpu.memory_space<vmem>>, vector<16xf32>,
      tpu.vector_store %arg13[%swap3A_506, %swap3A_507], %get3A_1 {strides = array<i32>} : memref<32x64xf32, #tpu.memory_space<vmem>>, vector<16xf32>,
      %swap3A_509 = arith.index_cast %scan3A_505 : i32 to index
      %swap3A_510 = arith.constant 16 : index
      %swap3A_511 = tpu.vector_load %arg13[%swap3A_509, %swap3A_510] {strides = array<i32>} : memref<32x64xf32, #tpu.memory_space<vmem>>, vector<16xf32>,
      tpu.vector_store %arg13[%swap3A_509, %swap3A_510], %get3A_3 {strides = array<i32>} : memref<32x64xf32, #tpu.memory_space<vmem>>, vector<16xf32>,
      %swap3A_512 = arith.index_cast %scan3A_505 : i32 to index
      %swap3A_513 = arith.constant 32 : index
      %swap3A_514 = tpu.vector_load %arg13[%swap3A_512, %swap3A_513] {strides = array<i32>} : memref<32x64xf32, #tpu.memory_space<vmem>>, vector<16xf32>,
      tpu.vector_store %arg13[%swap3A_512, %swap3A_513], %get3A_5 {strides = array<i32>} : memref<32x64xf32, #tpu.memory_space<vmem>>, vector<16xf32>,
      %swap3A_515 = arith.index_cast %scan3A_505 : i32 to index
      %swap3A_516 = arith.constant 48 : index
      %swap3A_517 = tpu.vector_load %arg13[%swap3A_515, %swap3A_516] {strides = array<i32>} : memref<32x64xf32, #tpu.memory_space<vmem>>, vector<16xf32>,
      tpu.vector_store %arg13[%swap3A_515, %swap3A_516], %get3A_7 {strides = array<i32>} : memref<32x64xf32, #tpu.memory_space<vmem>>, vector<16xf32>,
    }
    %scan3A_12 = arith.constant 32 : i32
    %mul3A_13 = arith.constant 1568 : i32
    %mul3A_14 = arith.muli %arg1, %mul3A_13 : i32
    %add3A = arith.constant 0 : i32
    %add3A_15 = arith.addi %mul3A_14, %add3A : i32
    "tpu.region"() ({
      %run_scoped3A = tpu.sem_alloc : memref<!tpu.dma_semaphore, #tpu.memory_space<semaphore_mem>>
      %dma_start3A_505 = arith.constant 0 : i32
      %dma_start3A_506 = tpu.memref_slice %arg18[%add3A_15, %dma_start3A_505] : memref<25088x64xf32, #tpu.memory_space<vmem_shared>> -> memref<32x64xf32, #tpu.memory_space<vmem_shared>>
      %dma_start3A_507 = arith.constant 0 : i32
      %dma_start3A_508 = tpu.memref_slice %arg18[%add3A_15, %dma_start3A_507] : memref<25088x64xf32, #tpu.memory_space<vmem_shared>> -> memref<32x64xf32, #tpu.memory_space<vmem_shared>>
      tpu.enqueue_dma source(%arg13 : memref<32x64xf32, #tpu.memory_space<vmem>>) target(%dma_start3A_508 : memref<32x64xf32, #tpu.memory_space<vmem_shared>>) target_semaphore(%run_scoped3A : memref<!tpu.dma_semaphore, #tpu.memory_space<semaphore_mem>>)
      %dma_wait3A_509 = arith.constant 0 : i32
      %dma_wait3A_510 = tpu.memref_slice %arg18[%add3A_15, %dma_wait3A_509] : memref<25088x64xf32, #tpu.memory_space<vmem_shared>> -> memref<32x64xf32, #tpu.memory_space<vmem_shared>>
      %dma_wait3A_511 = arith.constant 0 : i32
      %dma_wait3A_512 = tpu.memref_slice %arg18[%add3A_15, %dma_wait3A_511] : memref<25088x64xf32, #tpu.memory_space<vmem_shared>> -> memref<32x64xf32, #tpu.memory_space<vmem_shared>>
      tpu.wait_dma2 semaphore(%run_scoped3A : memref<!tpu.dma_semaphore, #tpu.memory_space<semaphore_mem>>) src(%arg13 : memref<32x64xf32, #tpu.memory_space<vmem>>) dst(%dma_wait3A_512 : memref<32x64xf32, #tpu.memory_space<vmem_shared>>)
      tpu.yield
    }) : () -> ()
    %add3A_16 = arith.constant 32 : i32
    %add3A_17 = arith.addi %mul3A_14, %add3A_16 : i32
    "tpu.region"() ({
      %run_scoped3A = tpu.sem_alloc : memref<!tpu.dma_semaphore, #tpu.memory_space<semaphore_mem>>
      %dma_start3A_505 = arith.constant 0 : i32
      %dma_start3A_506 = tpu.memref_slice %arg18[%add3A_17, %dma_start3A_505] : memref<25088x64xf32, #tpu.memory_space<vmem_shared>> -> memref<32x64xf32, #tpu.memory_space<vmem_shared>>
      %dma_start3A_507 = arith.constant 0 : i32
      %dma_start3A_508 = tpu.memref_slice %arg18[%add3A_17, %dma_start3A_507] : memref<25088x64xf32, #tpu.memory_space<vmem_shared>> -> memref<32x64xf32, #tpu.memory_space<vmem_shared>>
      tpu.enqueue_dma source(%arg13 : memref<32x64xf32, #tpu.memory_space<vmem>>) target(%dma_start3A_508 : memref<32x64xf32, #tpu.memory_space<vmem_shared>>) target_semaphore(%run_scoped3A : memref<!tpu.dma_semaphore, #tpu.memory_space<semaphore_mem>>)
      %dma_wait3A_509 = arith.constant 0 : i32
      %dma_wait3A_510 = tpu.memref_slice %arg18[%add3A_17, %dma_wait3A_509] : memref<25088x64xf32, #tpu.memory_space<vmem_shared>> -> memref<32x64xf32, #tpu.memory_space<vmem_shared>>
      %dma_wait3A_511 = arith.constant 0 : i32
      %dma_wait3A_512 = tpu.memref_slice %arg18[%add3A_17, %dma_wait3A_511] : memref<25088x64xf32, #tpu.memory_space<vmem_shared>> -> memref<32x64xf32, #tpu.memory_space<vmem_shared>>
      tpu.wait_dma2 semaphore(%run_scoped3A : memref<!tpu.dma_semaphore, #tpu.memory_space<semaphore_mem>>) src(%arg13 : memref<32x64xf32, #tpu.memory_space<vmem>>) dst(%dma_wait3A_512 : memref<32x64xf32, #tpu.memory_space<vmem_shared>>)
      tpu.yield
    }) : () -> ()
    %add3A_18 = arith.constant 64 : i32
    %add3A_19 = arith.addi %mul3A_14, %add3A_18 : i32
    "tpu.region"() ({
      %run_scoped3A = tpu.sem_alloc : memref<!tpu.dma_semaphore, #tpu.memory_space<semaphore_mem>>
      %dma_start3A_505 = arith.constant 0 : i32
      %dma_start3A_506 = tpu.memref_slice %arg18[%add3A_19, %dma_start3A_505] : memref<25088x64xf32, #tpu.memory_space<vmem_shared>> -> memref<32x64xf32, #tpu.memory_space<vmem_shared>>
      %dma_start3A_507 = arith.constant 0 : i32
      %dma_start3A_508 = tpu.memref_slice %arg18[%add3A_19, %dma_start3A_507] : memref<25088x64xf32, #tpu.memory_space<vmem_shared>> -> memref<32x64xf32, #tpu.memory_space<vmem_shared>>
      tpu.enqueue_dma source(%arg13 : memref<32x64xf32, #tpu.memory_space<vmem>>) target(%dma_start3A_508 : memref<32x64xf32, #tpu.memory_space<vmem_shared>>) target_semaphore(%run_scoped3A : memref<!tpu.dma_semaphore, #tpu.memory_space<semaphore_mem>>)
      %dma_wait3A_509 = arith.constant 0 : i32
      %dma_wait3A_510 = tpu.memref_slice %arg18[%add3A_19, %dma_wait3A_509] : memref<25088x64xf32, #tpu.memory_space<vmem_shared>> -> memref<32x64xf32, #tpu.memory_space<vmem_shared>>
      %dma_wait3A_511 = arith.constant 0 : i32
      %dma_wait3A_512 = tpu.memref_slice %arg18[%add3A_19, %dma_wait3A_511] : memref<25088x64xf32, #tpu.memory_space<vmem_shared>> -> memref<32x64xf32, #tpu.memory_space<vmem_shared>>
      tpu.wait_dma2 semaphore(%run_scoped3A : memref<!tpu.dma_semaphore, #tpu.memory_space<semaphore_mem>>) src(%arg13 : memref<32x64xf32, #tpu.memory_space<vmem>>) dst(%dma_wait3A_512 : memref<32x64xf32, #tpu.memory_space<vmem_shared>>)
      tpu.yield
    }) : () -> ()
    %add3A_20 = arith.constant 96 : i32
    %add3A_21 = arith.addi %mul3A_14, %add3A_20 : i32
    "tpu.region"() ({
      %run_scoped3A = tpu.sem_alloc : memref<!tpu.dma_semaphore, #tpu.memory_space<semaphore_mem>>
      %dma_start3A_505 = arith.constant 0 : i32
      %dma_start3A_506 = tpu.memref_slice %arg18[%add3A_21, %dma_start3A_505] : memref<25088x64xf32, #tpu.memory_space<vmem_shared>> -> memref<32x64xf32, #tpu.memory_space<vmem_shared>>
      %dma_start3A_507 = arith.constant 0 : i32
      %dma_start3A_508 = tpu.memref_slice %arg18[%add3A_21, %dma_start3A_507] : memref<25088x64xf32, #tpu.memory_space<vmem_shared>> -> memref<32x64xf32, #tpu.memory_space<vmem_shared>>
      tpu.enqueue_dma source(%arg13 : memref<32x64xf32, #tpu.memory_space<vmem>>) target(%dma_start3A_508 : memref<32x64xf32, #tpu.memory_space<vmem_shared>>) target_semaphore(%run_scoped3A : memref<!tpu.dma_semaphore, #tpu.memory_space<semaphore_mem>>)
      %dma_wait3A_509 = arith.constant 0 : i32
      %dma_wait3A_510 = tpu.memref_slice %arg18[%add3A_21, %dma_wait3A_509] : memref<25088x64xf32, #tpu.memory_space<vmem_shared>> -> memref<32x64xf32, #tpu.memory_space<vmem_shared>>
      %dma_wait3A_511 = arith.constant 0 : i32
      %dma_wait3A_512 = tpu.memref_slice %arg18[%add3A_21, %dma_wait3A_511] : memref<25088x64xf32, #tpu.memory_space<vmem_shared>> -> memref<32x64xf32, #tpu.memory_space<vmem_shared>>
      tpu.wait_dma2 semaphore(%run_scoped3A : memref<!tpu.dma_semaphore, #tpu.memory_space<semaphore_mem>>) src(%arg13 : memref<32x64xf32, #tpu.memory_space<vmem>>) dst(%dma_wait3A_512 : memref<32x64xf32, #tpu.memory_space<vmem_shared>>)
      tpu.yield
    }) : () -> ()
    %add3A_22 = arith.constant 128 : i32
    %add3A_23 = arith.addi %mul3A_14, %add3A_22 : i32
    "tpu.region"() ({
      %run_scoped3A = tpu.sem_alloc : memref<!tpu.dma_semaphore, #tpu.memory_space<semaphore_mem>>
      %dma_start3A_505 = arith.constant 0 : i32
      %dma_start3A_506 = tpu.memref_slice %arg18[%add3A_23, %dma_start3A_505] : memref<25088x64xf32, #tpu.memory_space<vmem_shared>> -> memref<32x64xf32, #tpu.memory_space<vmem_shared>>
      %dma_start3A_507 = arith.constant 0 : i32
      %dma_start3A_508 = tpu.memref_slice %arg18[%add3A_23, %dma_start3A_507] : memref<25088x64xf32, #tpu.memory_space<vmem_shared>> -> memref<32x64xf32, #tpu.memory_space<vmem_shared>>
      tpu.enqueue_dma source(%arg13 : memref<32x64xf32, #tpu.memory_space<vmem>>) target(%dma_start3A_508 : memref<32x64xf32, #tpu.memory_space<vmem_shared>>) target_semaphore(%run_scoped3A : memref<!tpu.dma_semaphore, #tpu.memory_space<semaphore_mem>>)
      %dma_wait3A_509 = arith.constant 0 : i32
      %dma_wait3A_510 = tpu.memref_slice %arg18[%add3A_23, %dma_wait3A_509] : memref<25088x64xf32, #tpu.memory_space<vmem_shared>> -> memref<32x64xf32, #tpu.memory_space<vmem_shared>>
      %dma_wait3A_511 = arith.constant 0 : i32
      %dma_wait3A_512 = tpu.memref_slice %arg18[%add3A_23, %dma_wait3A_511] : memref<25088x64xf32, #tpu.memory_space<vmem_shared>> -> memref<32x64xf32, #tpu.memory_space<vmem_shared>>
      tpu.wait_dma2 semaphore(%run_scoped3A : memref<!tpu.dma_semaphore, #tpu.memory_space<semaphore_mem>>) src(%arg13 : memref<32x64xf32, #tpu.memory_space<vmem>>) dst(%dma_wait3A_512 : memref<32x64xf32, #tpu.memory_space<vmem_shared>>)
      tpu.yield
    }) : () -> ()
    %add3A_24 = arith.constant 160 : i32
    %add3A_25 = arith.addi %mul3A_14, %add3A_24 : i32
    "tpu.region"() ({
      %run_scoped3A = tpu.sem_alloc : memref<!tpu.dma_semaphore, #tpu.memory_space<semaphore_mem>>
      %dma_start3A_505 = arith.constant 0 : i32
      %dma_start3A_506 = tpu.memref_slice %arg18[%add3A_25, %dma_start3A_505] : memref<25088x64xf32, #tpu.memory_space<vmem_shared>> -> memref<32x64xf32, #tpu.memory_space<vmem_shared>>
      %dma_start3A_507 = arith.constant 0 : i32
      %dma_start3A_508 = tpu.memref_slice %arg18[%add3A_25, %dma_start3A_507] : memref<25088x64xf32, #tpu.memory_space<vmem_shared>> -> memref<32x64xf32, #tpu.memory_space<vmem_shared>>
      tpu.enqueue_dma source(%arg13 : memref<32x64xf32, #tpu.memory_space<vmem>>) target(%dma_start3A_508 : memref<32x64xf32, #tpu.memory_space<vmem_shared>>) target_semaphore(%run_scoped3A : memref<!tpu.dma_semaphore, #tpu.memory_space<semaphore_mem>>)
      %dma_wait3A_509 = arith.constant 0 : i32
      %dma_wait3A_510 = tpu.memref_slice %arg18[%add3A_25, %dma_wait3A_509] : memref<25088x64xf32, #tpu.memory_space<vmem_shared>> -> memref<32x64xf32, #tpu.memory_space<vmem_shared>>
      %dma_wait3A_511 = arith.constant 0 : i32
      %dma_wait3A_512 = tpu.memref_slice %arg18[%add3A_25, %dma_wait3A_511] : memref<25088x64xf32, #tpu.memory_space<vmem_shared>> -> memref<32x64xf32, #tpu.memory_space<vmem_shared>>
      tpu.wait_dma2 semaphore(%run_scoped3A : memref<!tpu.dma_semaphore, #tpu.memory_space<semaphore_mem>>) src(%arg13 : memref<32x64xf32, #tpu.memory_space<vmem>>) dst(%dma_wait3A_512 : memref<32x64xf32, #tpu.memory_space<vmem_shared>>)
      tpu.yield
    }) : () -> ()
    %add3A_26 = arith.constant 192 : i32
    %add3A_27 = arith.addi %mul3A_14, %add3A_26 : i32
    "tpu.region"() ({
      %run_scoped3A = tpu.sem_alloc : memref<!tpu.dma_semaphore, #tpu.memory_space<semaphore_mem>>
      %dma_start3A_505 = arith.constant 0 : i32
      %dma_start3A_506 = tpu.memref_slice %arg18[%add3A_27, %dma_start3A_505] : memref<25088x64xf32, #tpu.memory_space<vmem_shared>> -> memref<32x64xf32, #tpu.memory_space<vmem_shared>>
      %dma_start3A_507 = arith.constant 0 : i32
      %dma_start3A_508 = tpu.memref_slice %arg18[%add3A_27, %dma_start3A_507] : memref<25088x64xf32, #tpu.memory_space<vmem_shared>> -> memref<32x64xf32, #tpu.memory_space<vmem_shared>>
      tpu.enqueue_dma source(%arg13 : memref<32x64xf32, #tpu.memory_space<vmem>>) target(%dma_start3A_508 : memref<32x64xf32, #tpu.memory_space<vmem_shared>>) target_semaphore(%run_scoped3A : memref<!tpu.dma_semaphore, #tpu.memory_space<semaphore_mem>>)
      %dma_wait3A_509 = arith.constant 0 : i32
      %dma_wait3A_510 = tpu.memref_slice %arg18[%add3A_27, %dma_wait3A_509] : memref<25088x64xf32, #tpu.memory_space<vmem_shared>> -> memref<32x64xf32, #tpu.memory_space<vmem_shared>>
      %dma_wait3A_511 = arith.constant 0 : i32
      %dma_wait3A_512 = tpu.memref_slice %arg18[%add3A_27, %dma_wait3A_511] : memref<25088x64xf32, #tpu.memory_space<vmem_shared>> -> memref<32x64xf32, #tpu.memory_space<vmem_shared>>
      tpu.wait_dma2 semaphore(%run_scoped3A : memref<!tpu.dma_semaphore, #tpu.memory_space<semaphore_mem>>) src(%arg13 : memref<32x64xf32, #tpu.memory_space<vmem>>) dst(%dma_wait3A_512 : memref<32x64xf32, #tpu.memory_space<vmem_shared>>)
      tpu.yield
    }) : () -> ()
    %add3A_28 = arith.constant 224 : i32
    %add3A_29 = arith.addi %mul3A_14, %add3A_28 : i32
    "tpu.region"() ({
      %run_scoped3A = tpu.sem_alloc : memref<!tpu.dma_semaphore, #tpu.memory_space<semaphore_mem>>
      %dma_start3A_505 = arith.constant 0 : i32
      %dma_start3A_506 = tpu.memref_slice %arg18[%add3A_29, %dma_start3A_505] : memref<25088x64xf32, #tpu.memory_space<vmem_shared>> -> memref<32x64xf32, #tpu.memory_space<vmem_shared>>
      %dma_start3A_507 = arith.constant 0 : i32
      %dma_start3A_508 = tpu.memref_slice %arg18[%add3A_29, %dma_start3A_507] : memref<25088x64xf32, #tpu.memory_space<vmem_shared>> -> memref<32x64xf32, #tpu.memory_space<vmem_shared>>
      tpu.enqueue_dma source(%arg13 : memref<32x64xf32, #tpu.memory_space<vmem>>) target(%dma_start3A_508 : memref<32x64xf32, #tpu.memory_space<vmem_shared>>) target_semaphore(%run_scoped3A : memref<!tpu.dma_semaphore, #tpu.memory_space<semaphore_mem>>)
      %dma_wait3A_509 = arith.constant 0 : i32
      %dma_wait3A_510 = tpu.memref_slice %arg18[%add3A_29, %dma_wait3A_509] : memref<25088x64xf32, #tpu.memory_space<vmem_shared>> -> memref<32x64xf32, #tpu.memory_space<vmem_shared>>
      %dma_wait3A_511 = arith.constant 0 : i32
      %dma_wait3A_512 = tpu.memref_slice %arg18[%add3A_29, %dma_wait3A_511] : memref<25088x64xf32, #tpu.memory_space<vmem_shared>> -> memref<32x64xf32, #tpu.memory_space<vmem_shared>>
      tpu.wait_dma2 semaphore(%run_scoped3A : memref<!tpu.dma_semaphore, #tpu.memory_space<semaphore_mem>>) src(%arg13 : memref<32x64xf32, #tpu.memory_space<vmem>>) dst(%dma_wait3A_512 : memref<32x64xf32, #tpu.memory_space<vmem_shared>>)
      tpu.yield
    }) : () -> ()
    %add3A_30 = arith.constant 256 : i32
    %add3A_31 = arith.addi %mul3A_14, %add3A_30 : i32
    "tpu.region"() ({
      %run_scoped3A = tpu.sem_alloc : memref<!tpu.dma_semaphore, #tpu.memory_space<semaphore_mem>>
      %dma_start3A_505 = arith.constant 0 : i32
      %dma_start3A_506 = tpu.memref_slice %arg18[%add3A_31, %dma_start3A_505] : memref<25088x64xf32, #tpu.memory_space<vmem_shared>> -> memref<32x64xf32, #tpu.memory_space<vmem_shared>>
      %dma_start3A_507 = arith.constant 0 : i32
      %dma_start3A_508 = tpu.memref_slice %arg18[%add3A_31, %dma_start3A_507] : memref<25088x64xf32, #tpu.memory_space<vmem_shared>> -> memref<32x64xf32, #tpu.memory_space<vmem_shared>>
      tpu.enqueue_dma source(%arg13 : memref<32x64xf32, #tpu.memory_space<vmem>>) target(%dma_start3A_508 : memref<32x64xf32, #tpu.memory_space<vmem_shared>>) target_semaphore(%run_scoped3A : memref<!tpu.dma_semaphore, #tpu.memory_space<semaphore_mem>>)
      %dma_wait3A_509 = arith.constant 0 : i32
      %dma_wait3A_510 = tpu.memref_slice %arg18[%add3A_31, %dma_wait3A_509] : memref<25088x64xf32, #tpu.memory_space<vmem_shared>> -> memref<32x64xf32, #tpu.memory_space<vmem_shared>>
      %dma_wait3A_511 = arith.constant 0 : i32
      %dma_wait3A_512 = tpu.memref_slice %arg18[%add3A_31, %dma_wait3A_511] : memref<25088x64xf32, #tpu.memory_space<vmem_shared>> -> memref<32x64xf32, #tpu.memory_space<vmem_shared>>
      tpu.wait_dma2 semaphore(%run_scoped3A : memref<!tpu.dma_semaphore, #tpu.memory_space<semaphore_mem>>) src(%arg13 : memref<32x64xf32, #tpu.memory_space<vmem>>) dst(%dma_wait3A_512 : memref<32x64xf32, #tpu.memory_space<vmem_shared>>)
      tpu.yield
    }) : () -> ()
    %add3A_32 = arith.constant 288 : i32
    %add3A_33 = arith.addi %mul3A_14, %add3A_32 : i32
    "tpu.region"() ({
      %run_scoped3A = tpu.sem_alloc : memref<!tpu.dma_semaphore, #tpu.memory_space<semaphore_mem>>
      %dma_start3A_505 = arith.constant 0 : i32
      %dma_start3A_506 = tpu.memref_slice %arg18[%add3A_33, %dma_start3A_505] : memref<25088x64xf32, #tpu.memory_space<vmem_shared>> -> memref<32x64xf32, #tpu.memory_space<vmem_shared>>
      %dma_start3A_507 = arith.constant 0 : i32
      %dma_start3A_508 = tpu.memref_slice %arg18[%add3A_33, %dma_start3A_507] : memref<25088x64xf32, #tpu.memory_space<vmem_shared>> -> memref<32x64xf32, #tpu.memory_space<vmem_shared>>
      tpu.enqueue_dma source(%arg13 : memref<32x64xf32, #tpu.memory_space<vmem>>) target(%dma_start3A_508 : memref<32x64xf32, #tpu.memory_space<vmem_shared>>) target_semaphore(%run_scoped3A : memref<!tpu.dma_semaphore, #tpu.memory_space<semaphore_mem>>)
      %dma_wait3A_509 = arith.constant 0 : i32
      %dma_wait3A_510 = tpu.memref_slice %arg18[%add3A_33, %dma_wait3A_509] : memref<25088x64xf32, #tpu.memory_space<vmem_shared>> -> memref<32x64xf32, #tpu.memory_space<vmem_shared>>
      %dma_wait3A_511 = arith.constant 0 : i32
      %dma_wait3A_512 = tpu.memref_slice %arg18[%add3A_33, %dma_wait3A_511] : memref<25088x64xf32, #tpu.memory_space<vmem_shared>> -> memref<32x64xf32, #tpu.memory_space<vmem_shared>>
      tpu.wait_dma2 semaphore(%run_scoped3A : memref<!tpu.dma_semaphore, #tpu.memory_space<semaphore_mem>>) src(%arg13 : memref<32x64xf32, #tpu.memory_space<vmem>>) dst(%dma_wait3A_512 : memref<32x64xf32, #tpu.memory_space<vmem_shared>>)
      tpu.yield
    }) : () -> ()
    %add3A_34 = arith.constant 320 : i32
    %add3A_35 = arith.addi %mul3A_14, %add3A_34 : i32
    "tpu.region"() ({
      %run_scoped3A = tpu.sem_alloc : memref<!tpu.dma_semaphore, #tpu.memory_space<semaphore_mem>>
      %dma_start3A_505 = arith.constant 0 : i32
      %dma_start3A_506 = tpu.memref_slice %arg18[%add3A_35, %dma_start3A_505] : memref<25088x64xf32, #tpu.memory_space<vmem_shared>> -> memref<32x64xf32, #tpu.memory_space<vmem_shared>>
      %dma_start3A_507 = arith.constant 0 : i32
      %dma_start3A_508 = tpu.memref_slice %arg18[%add3A_35, %dma_start3A_507] : memref<25088x64xf32, #tpu.memory_space<vmem_shared>> -> memref<32x64xf32, #tpu.memory_space<vmem_shared>>
      tpu.enqueue_dma source(%arg13 : memref<32x64xf32, #tpu.memory_space<vmem>>) target(%dma_start3A_508 : memref<32x64xf32, #tpu.memory_space<vmem_shared>>) target_semaphore(%run_scoped3A : memref<!tpu.dma_semaphore, #tpu.memory_space<semaphore_mem>>)
      %dma_wait3A_509 = arith.constant 0 : i32
      %dma_wait3A_510 = tpu.memref_slice %arg18[%add3A_35, %dma_wait3A_509] : memref<25088x64xf32, #tpu.memory_space<vmem_shared>> -> memref<32x64xf32, #tpu.memory_space<vmem_shared>>
      %dma_wait3A_511 = arith.constant 0 : i32
      %dma_wait3A_512 = tpu.memref_slice %arg18[%add3A_35, %dma_wait3A_511] : memref<25088x64xf32, #tpu.memory_space<vmem_shared>> -> memref<32x64xf32, #tpu.memory_space<vmem_shared>>
      tpu.wait_dma2 semaphore(%run_scoped3A : memref<!tpu.dma_semaphore, #tpu.memory_space<semaphore_mem>>) src(%arg13 : memref<32x64xf32, #tpu.memory_space<vmem>>) dst(%dma_wait3A_512 : memref<32x64xf32, #tpu.memory_space<vmem_shared>>)
      tpu.yield
    }) : () -> ()
    %add3A_36 = arith.constant 352 : i32
    %add3A_37 = arith.addi %mul3A_14, %add3A_36 : i32
    "tpu.region"() ({
      %run_scoped3A = tpu.sem_alloc : memref<!tpu.dma_semaphore, #tpu.memory_space<semaphore_mem>>
      %dma_start3A_505 = arith.constant 0 : i32
      %dma_start3A_506 = tpu.memref_slice %arg18[%add3A_37, %dma_start3A_505] : memref<25088x64xf32, #tpu.memory_space<vmem_shared>> -> memref<32x64xf32, #tpu.memory_space<vmem_shared>>
      %dma_start3A_507 = arith.constant 0 : i32
      %dma_start3A_508 = tpu.memref_slice %arg18[%add3A_37, %dma_start3A_507] : memref<25088x64xf32, #tpu.memory_space<vmem_shared>> -> memref<32x64xf32, #tpu.memory_space<vmem_shared>>
      tpu.enqueue_dma source(%arg13 : memref<32x64xf32, #tpu.memory_space<vmem>>) target(%dma_start3A_508 : memref<32x64xf32, #tpu.memory_space<vmem_shared>>) target_semaphore(%run_scoped3A : memref<!tpu.dma_semaphore, #tpu.memory_space<semaphore_mem>>)
      %dma_wait3A_509 = arith.constant 0 : i32
      %dma_wait3A_510 = tpu.memref_slice %arg18[%add3A_37, %dma_wait3A_509] : memref<25088x64xf32, #tpu.memory_space<vmem_shared>> -> memref<32x64xf32, #tpu.memory_space<vmem_shared>>
      %dma_wait3A_511 = arith.constant 0 : i32
      %dma_wait3A_512 = tpu.memref_slice %arg18[%add3A_37, %dma_wait3A_511] : memref<25088x64xf32, #tpu.memory_space<vmem_shared>> -> memref<32x64xf32, #tpu.memory_space<vmem_shared>>
      tpu.wait_dma2 semaphore(%run_scoped3A : memref<!tpu.dma_semaphore, #tpu.memory_space<semaphore_mem>>) src(%arg13 : memref<32x64xf32, #tpu.memory_space<vmem>>) dst(%dma_wait3A_512 : memref<32x64xf32, #tpu.memory_space<vmem_shared>>)
      tpu.yield
    }) : () -> ()
    %add3A_38 = arith.constant 384 : i32
    %add3A_39 = arith.addi %mul3A_14, %add3A_38 : i32
    "tpu.region"() ({
      %run_scoped3A = tpu.sem_alloc : memref<!tpu.dma_semaphore, #tpu.memory_space<semaphore_mem>>
      %dma_start3A_505 = arith.constant 0 : i32
      %dma_start3A_506 = tpu.memref_slice %arg18[%add3A_39, %dma_start3A_505] : memref<25088x64xf32, #tpu.memory_space<vmem_shared>> -> memref<32x64xf32, #tpu.memory_space<vmem_shared>>
      %dma_start3A_507 = arith.constant 0 : i32
      %dma_start3A_508 = tpu.memref_slice %arg18[%add3A_39, %dma_start3A_507] : memref<25088x64xf32, #tpu.memory_space<vmem_shared>> -> memref<32x64xf32, #tpu.memory_space<vmem_shared>>
      tpu.enqueue_dma source(%arg13 : memref<32x64xf32, #tpu.memory_space<vmem>>) target(%dma_start3A_508 : memref<32x64xf32, #tpu.memory_space<vmem_shared>>) target_semaphore(%run_scoped3A : memref<!tpu.dma_semaphore, #tpu.memory_space<semaphore_mem>>)
      %dma_wait3A_509 = arith.constant 0 : i32
      %dma_wait3A_510 = tpu.memref_slice %arg18[%add3A_39, %dma_wait3A_509] : memref<25088x64xf32, #tpu.memory_space<vmem_shared>> -> memref<32x64xf32, #tpu.memory_space<vmem_shared>>
      %dma_wait3A_511 = arith.constant 0 : i32
      %dma_wait3A_512 = tpu.memref_slice %arg18[%add3A_39, %dma_wait3A_511] : memref<25088x64xf32, #tpu.memory_space<vmem_shared>> -> memref<32x64xf32, #tpu.memory_space<vmem_shared>>
      tpu.wait_dma2 semaphore(%run_scoped3A : memref<!tpu.dma_semaphore, #tpu.memory_space<semaphore_mem>>) src(%arg13 : memref<32x64xf32, #tpu.memory_space<vmem>>) dst(%dma_wait3A_512 : memref<32x64xf32, #tpu.memory_space<vmem_shared>>)
      tpu.yield
    }) : () -> ()
    %add3A_40 = arith.constant 416 : i32
    %add3A_41 = arith.addi %mul3A_14, %add3A_40 : i32
    "tpu.region"() ({
      %run_scoped3A = tpu.sem_alloc : memref<!tpu.dma_semaphore, #tpu.memory_space<semaphore_mem>>
      %dma_start3A_505 = arith.constant 0 : i32
      %dma_start3A_506 = tpu.memref_slice %arg18[%add3A_41, %dma_start3A_505] : memref<25088x64xf32, #tpu.memory_space<vmem_shared>> -> memref<32x64xf32, #tpu.memory_space<vmem_shared>>
      %dma_start3A_507 = arith.constant 0 : i32
      %dma_start3A_508 = tpu.memref_slice %arg18[%add3A_41, %dma_start3A_507] : memref<25088x64xf32, #tpu.memory_space<vmem_shared>> -> memref<32x64xf32, #tpu.memory_space<vmem_shared>>
      tpu.enqueue_dma source(%arg13 : memref<32x64xf32, #tpu.memory_space<vmem>>) target(%dma_start3A_508 : memref<32x64xf32, #tpu.memory_space<vmem_shared>>) target_semaphore(%run_scoped3A : memref<!tpu.dma_semaphore, #tpu.memory_space<semaphore_mem>>)
      %dma_wait3A_509 = arith.constant 0 : i32
      %dma_wait3A_510 = tpu.memref_slice %arg18[%add3A_41, %dma_wait3A_509] : memref<25088x64xf32, #tpu.memory_space<vmem_shared>> -> memref<32x64xf32, #tpu.memory_space<vmem_shared>>
      %dma_wait3A_511 = arith.constant 0 : i32
      %dma_wait3A_512 = tpu.memref_slice %arg18[%add3A_41, %dma_wait3A_511] : memref<25088x64xf32, #tpu.memory_space<vmem_shared>> -> memref<32x64xf32, #tpu.memory_space<vmem_shared>>
      tpu.wait_dma2 semaphore(%run_scoped3A : memref<!tpu.dma_semaphore, #tpu.memory_space<semaphore_mem>>) src(%arg13 : memref<32x64xf32, #tpu.memory_space<vmem>>) dst(%dma_wait3A_512 : memref<32x64xf32, #tpu.memory_space<vmem_shared>>)
      tpu.yield
    }) : () -> ()
    %add3A_42 = arith.constant 448 : i32
    %add3A_43 = arith.addi %mul3A_14, %add3A_42 : i32
    "tpu.region"() ({
      %run_scoped3A = tpu.sem_alloc : memref<!tpu.dma_semaphore, #tpu.memory_space<semaphore_mem>>
      %dma_start3A_505 = arith.constant 0 : i32
      %dma_start3A_506 = tpu.memref_slice %arg18[%add3A_43, %dma_start3A_505] : memref<25088x64xf32, #tpu.memory_space<vmem_shared>> -> memref<32x64xf32, #tpu.memory_space<vmem_shared>>
      %dma_start3A_507 = arith.constant 0 : i32
      %dma_start3A_508 = tpu.memref_slice %arg18[%add3A_43, %dma_start3A_507] : memref<25088x64xf32, #tpu.memory_space<vmem_shared>> -> memref<32x64xf32, #tpu.memory_space<vmem_shared>>
      tpu.enqueue_dma source(%arg13 : memref<32x64xf32, #tpu.memory_space<vmem>>) target(%dma_start3A_508 : memref<32x64xf32, #tpu.memory_space<vmem_shared>>) target_semaphore(%run_scoped3A : memref<!tpu.dma_semaphore, #tpu.memory_space<semaphore_mem>>)
      %dma_wait3A_509 = arith.constant 0 : i32
      %dma_wait3A_510 = tpu.memref_slice %arg18[%add3A_43, %dma_wait3A_509] : memref<25088x64xf32, #tpu.memory_space<vmem_shared>> -> memref<32x64xf32, #tpu.memory_space<vmem_shared>>
      %dma_wait3A_511 = arith.constant 0 : i32
      %dma_wait3A_512 = tpu.memref_slice %arg18[%add3A_43, %dma_wait3A_511] : memref<25088x64xf32, #tpu.memory_space<vmem_shared>> -> memref<32x64xf32, #tpu.memory_space<vmem_shared>>
      tpu.wait_dma2 semaphore(%run_scoped3A : memref<!tpu.dma_semaphore, #tpu.memory_space<semaphore_mem>>) src(%arg13 : memref<32x64xf32, #tpu.memory_space<vmem>>) dst(%dma_wait3A_512 : memref<32x64xf32, #tpu.memory_space<vmem_shared>>)
      tpu.yield
    }) : () -> ()
    %add3A_44 = arith.constant 480 : i32
    %add3A_45 = arith.addi %mul3A_14, %add3A_44 : i32
    "tpu.region"() ({
      %run_scoped3A = tpu.sem_alloc : memref<!tpu.dma_semaphore, #tpu.memory_space<semaphore_mem>>
      %dma_start3A_505 = arith.constant 0 : i32
      %dma_start3A_506 = tpu.memref_slice %arg18[%add3A_45, %dma_start3A_505] : memref<25088x64xf32, #tpu.memory_space<vmem_shared>> -> memref<32x64xf32, #tpu.memory_space<vmem_shared>>
      %dma_start3A_507 = arith.constant 0 : i32
      %dma_start3A_508 = tpu.memref_slice %arg18[%add3A_45, %dma_start3A_507] : memref<25088x64xf32, #tpu.memory_space<vmem_shared>> -> memref<32x64xf32, #tpu.memory_space<vmem_shared>>
      tpu.enqueue_dma source(%arg13 : memref<32x64xf32, #tpu.memory_space<vmem>>) target(%dma_start3A_508 : memref<32x64xf32, #tpu.memory_space<vmem_shared>>) target_semaphore(%run_scoped3A : memref<!tpu.dma_semaphore, #tpu.memory_space<semaphore_mem>>)
      %dma_wait3A_509 = arith.constant 0 : i32
      %dma_wait3A_510 = tpu.memref_slice %arg18[%add3A_45, %dma_wait3A_509] : memref<25088x64xf32, #tpu.memory_space<vmem_shared>> -> memref<32x64xf32, #tpu.memory_space<vmem_shared>>
      %dma_wait3A_511 = arith.constant 0 : i32
      %dma_wait3A_512 = tpu.memref_slice %arg18[%add3A_45, %dma_wait3A_511] : memref<25088x64xf32, #tpu.memory_space<vmem_shared>> -> memref<32x64xf32, #tpu.memory_space<vmem_shared>>
      tpu.wait_dma2 semaphore(%run_scoped3A : memref<!tpu.dma_semaphore, #tpu.memory_space<semaphore_mem>>) src(%arg13 : memref<32x64xf32, #tpu.memory_space<vmem>>) dst(%dma_wait3A_512 : memref<32x64xf32, #tpu.memory_space<vmem_shared>>)
      tpu.yield
    }) : () -> ()
    %add3A_46 = arith.constant 512 : i32
    %add3A_47 = arith.addi %mul3A_14, %add3A_46 : i32
    "tpu.region"() ({
      %run_scoped3A = tpu.sem_alloc : memref<!tpu.dma_semaphore, #tpu.memory_space<semaphore_mem>>
      %dma_start3A_505 = arith.constant 0 : i32
      %dma_start3A_506 = tpu.memref_slice %arg18[%add3A_47, %dma_start3A_505] : memref<25088x64xf32, #tpu.memory_space<vmem_shared>> -> memref<32x64xf32, #tpu.memory_space<vmem_shared>>
      %dma_start3A_507 = arith.constant 0 : i32
      %dma_start3A_508 = tpu.memref_slice %arg18[%add3A_47, %dma_start3A_507] : memref<25088x64xf32, #tpu.memory_space<vmem_shared>> -> memref<32x64xf32, #tpu.memory_space<vmem_shared>>
      tpu.enqueue_dma source(%arg13 : memref<32x64xf32, #tpu.memory_space<vmem>>) target(%dma_start3A_508 : memref<32x64xf32, #tpu.memory_space<vmem_shared>>) target_semaphore(%run_scoped3A : memref<!tpu.dma_semaphore, #tpu.memory_space<semaphore_mem>>)
      %dma_wait3A_509 = arith.constant 0 : i32
      %dma_wait3A_510 = tpu.memref_slice %arg18[%add3A_47, %dma_wait3A_509] : memref<25088x64xf32, #tpu.memory_space<vmem_shared>> -> memref<32x64xf32, #tpu.memory_space<vmem_shared>>
      %dma_wait3A_511 = arith.constant 0 : i32
      %dma_wait3A_512 = tpu.memref_slice %arg18[%add3A_47, %dma_wait3A_511] : memref<25088x64xf32, #tpu.memory_space<vmem_shared>> -> memref<32x64xf32, #tpu.memory_space<vmem_shared>>
      tpu.wait_dma2 semaphore(%run_scoped3A : memref<!tpu.dma_semaphore, #tpu.memory_space<semaphore_mem>>) src(%arg13 : memref<32x64xf32, #tpu.memory_space<vmem>>) dst(%dma_wait3A_512 : memref<32x64xf32, #tpu.memory_space<vmem_shared>>)
      tpu.yield
    }) : () -> ()
    %add3A_48 = arith.constant 544 : i32
    %add3A_49 = arith.addi %mul3A_14, %add3A_48 : i32
    "tpu.region"() ({
      %run_scoped3A = tpu.sem_alloc : memref<!tpu.dma_semaphore, #tpu.memory_space<semaphore_mem>>
      %dma_start3A_505 = arith.constant 0 : i32
      %dma_start3A_506 = tpu.memref_slice %arg18[%add3A_49, %dma_start3A_505] : memref<25088x64xf32, #tpu.memory_space<vmem_shared>> -> memref<32x64xf32, #tpu.memory_space<vmem_shared>>
      %dma_start3A_507 = arith.constant 0 : i32
      %dma_start3A_508 = tpu.memref_slice %arg18[%add3A_49, %dma_start3A_507] : memref<25088x64xf32, #tpu.memory_space<vmem_shared>> -> memref<32x64xf32, #tpu.memory_space<vmem_shared>>
      tpu.enqueue_dma source(%arg13 : memref<32x64xf32, #tpu.memory_space<vmem>>) target(%dma_start3A_508 : memref<32x64xf32, #tpu.memory_space<vmem_shared>>) target_semaphore(%run_scoped3A : memref<!tpu.dma_semaphore, #tpu.memory_space<semaphore_mem>>)
      %dma_wait3A_509 = arith.constant 0 : i32
      %dma_wait3A_510 = tpu.memref_slice %arg18[%add3A_49, %dma_wait3A_509] : memref<25088x64xf32, #tpu.memory_space<vmem_shared>> -> memref<32x64xf32, #tpu.memory_space<vmem_shared>>
      %dma_wait3A_511 = arith.constant 0 : i32
      %dma_wait3A_512 = tpu.memref_slice %arg18[%add3A_49, %dma_wait3A_511] : memref<25088x64xf32, #tpu.memory_space<vmem_shared>> -> memref<32x64xf32, #tpu.memory_space<vmem_shared>>
      tpu.wait_dma2 semaphore(%run_scoped3A : memref<!tpu.dma_semaphore, #tpu.memory_space<semaphore_mem>>) src(%arg13 : memref<32x64xf32, #tpu.memory_space<vmem>>) dst(%dma_wait3A_512 : memref<32x64xf32, #tpu.memory_space<vmem_shared>>)
      tpu.yield
    }) : () -> ()
    %add3A_50 = arith.constant 576 : i32
    %add3A_51 = arith.addi %mul3A_14, %add3A_50 : i32
    "tpu.region"() ({
      %run_scoped3A = tpu.sem_alloc : memref<!tpu.dma_semaphore, #tpu.memory_space<semaphore_mem>>
      %dma_start3A_505 = arith.constant 0 : i32
      %dma_start3A_506 = tpu.memref_slice %arg18[%add3A_51, %dma_start3A_505] : memref<25088x64xf32, #tpu.memory_space<vmem_shared>> -> memref<32x64xf32, #tpu.memory_space<vmem_shared>>
      %dma_start3A_507 = arith.constant 0 : i32
      %dma_start3A_508 = tpu.memref_slice %arg18[%add3A_51, %dma_start3A_507] : memref<25088x64xf32, #tpu.memory_space<vmem_shared>> -> memref<32x64xf32, #tpu.memory_space<vmem_shared>>
      tpu.enqueue_dma source(%arg13 : memref<32x64xf32, #tpu.memory_space<vmem>>) target(%dma_start3A_508 : memref<32x64xf32, #tpu.memory_space<vmem_shared>>) target_semaphore(%run_scoped3A : memref<!tpu.dma_semaphore, #tpu.memory_space<semaphore_mem>>)
      %dma_wait3A_509 = arith.constant 0 : i32
      %dma_wait3A_510 = tpu.memref_slice %arg18[%add3A_51, %dma_wait3A_509] : memref<25088x64xf32, #tpu.memory_space<vmem_shared>> -> memref<32x64xf32, #tpu.memory_space<vmem_shared>>
      %dma_wait3A_511 = arith.constant 0 : i32
      %dma_wait3A_512 = tpu.memref_slice %arg18[%add3A_51, %dma_wait3A_511] : memref<25088x64xf32, #tpu.memory_space<vmem_shared>> -> memref<32x64xf32, #tpu.memory_space<vmem_shared>>
      tpu.wait_dma2 semaphore(%run_scoped3A : memref<!tpu.dma_semaphore, #tpu.memory_space<semaphore_mem>>) src(%arg13 : memref<32x64xf32, #tpu.memory_space<vmem>>) dst(%dma_wait3A_512 : memref<32x64xf32, #tpu.memory_space<vmem_shared>>)
      tpu.yield
    }) : () -> ()
    %add3A_52 = arith.constant 608 : i32
    %add3A_53 = arith.addi %mul3A_14, %add3A_52 : i32
    "tpu.region"() ({
      %run_scoped3A = tpu.sem_alloc : memref<!tpu.dma_semaphore, #tpu.memory_space<semaphore_mem>>
      %dma_start3A_505 = arith.constant 0 : i32
      %dma_start3A_506 = tpu.memref_slice %arg18[%add3A_53, %dma_start3A_505] : memref<25088x64xf32, #tpu.memory_space<vmem_shared>> -> memref<32x64xf32, #tpu.memory_space<vmem_shared>>
      %dma_start3A_507 = arith.constant 0 : i32
      %dma_start3A_508 = tpu.memref_slice %arg18[%add3A_53, %dma_start3A_507] : memref<25088x64xf32, #tpu.memory_space<vmem_shared>> -> memref<32x64xf32, #tpu.memory_space<vmem_shared>>
      tpu.enqueue_dma source(%arg13 : memref<32x64xf32, #tpu.memory_space<vmem>>) target(%dma_start3A_508 : memref<32x64xf32, #tpu.memory_space<vmem_shared>>) target_semaphore(%run_scoped3A : memref<!tpu.dma_semaphore, #tpu.memory_space<semaphore_mem>>)
      %dma_wait3A_509 = arith.constant 0 : i32
      %dma_wait3A_510 = tpu.memref_slice %arg18[%add3A_53, %dma_wait3A_509] : memref<25088x64xf32, #tpu.memory_space<vmem_shared>> -> memref<32x64xf32, #tpu.memory_space<vmem_shared>>
      %dma_wait3A_511 = arith.constant 0 : i32
      %dma_wait3A_512 = tpu.memref_slice %arg18[%add3A_53, %dma_wait3A_511] : memref<25088x64xf32, #tpu.memory_space<vmem_shared>> -> memref<32x64xf32, #tpu.memory_space<vmem_shared>>
      tpu.wait_dma2 semaphore(%run_scoped3A : memref<!tpu.dma_semaphore, #tpu.memory_space<semaphore_mem>>) src(%arg13 : memref<32x64xf32, #tpu.memory_space<vmem>>) dst(%dma_wait3A_512 : memref<32x64xf32, #tpu.memory_space<vmem_shared>>)
      tpu.yield
    }) : () -> ()
    %add3A_54 = arith.constant 640 : i32
    %add3A_55 = arith.addi %mul3A_14, %add3A_54 : i32
    "tpu.region"() ({
      %run_scoped3A = tpu.sem_alloc : memref<!tpu.dma_semaphore, #tpu.memory_space<semaphore_mem>>
      %dma_start3A_505 = arith.constant 0 : i32
      %dma_start3A_506 = tpu.memref_slice %arg18[%add3A_55, %dma_start3A_505] : memref<25088x64xf32, #tpu.memory_space<vmem_shared>> -> memref<32x64xf32, #tpu.memory_space<vmem_shared>>
      %dma_start3A_507 = arith.constant 0 : i32
      %dma_start3A_508 = tpu.memref_slice %arg18[%add3A_55, %dma_start3A_507] : memref<25088x64xf32, #tpu.memory_space<vmem_shared>> -> memref<32x64xf32, #tpu.memory_space<vmem_shared>>
      tpu.enqueue_dma source(%arg13 : memref<32x64xf32, #tpu.memory_space<vmem>>) target(%dma_start3A_508 : memref<32x64xf32, #tpu.memory_space<vmem_shared>>) target_semaphore(%run_scoped3A : memref<!tpu.dma_semaphore, #tpu.memory_space<semaphore_mem>>)
      %dma_wait3A_509 = arith.constant 0 : i32
      %dma_wait3A_510 = tpu.memref_slice %arg18[%add3A_55, %dma_wait3A_509] : memref<25088x64xf32, #tpu.memory_space<vmem_shared>> -> memref<32x64xf32, #tpu.memory_space<vmem_shared>>
      %dma_wait3A_511 = arith.constant 0 : i32
      %dma_wait3A_512 = tpu.memref_slice %arg18[%add3A_55, %dma_wait3A_511] : memref<25088x64xf32, #tpu.memory_space<vmem_shared>> -> memref<32x64xf32, #tpu.memory_space<vmem_shared>>
      tpu.wait_dma2 semaphore(%run_scoped3A : memref<!tpu.dma_semaphore, #tpu.memory_space<semaphore_mem>>) src(%arg13 : memref<32x64xf32, #tpu.memory_space<vmem>>) dst(%dma_wait3A_512 : memref<32x64xf32, #tpu.memory_space<vmem_shared>>)
      tpu.yield
    }) : () -> ()
    %add3A_56 = arith.constant 672 : i32
    %add3A_57 = arith.addi %mul3A_14, %add3A_56 : i32
    "tpu.region"() ({
      %run_scoped3A = tpu.sem_alloc : memref<!tpu.dma_semaphore, #tpu.memory_space<semaphore_mem>>
      %dma_start3A_505 = arith.constant 0 : i32
      %dma_start3A_506 = tpu.memref_slice %arg18[%add3A_57, %dma_start3A_505] : memref<25088x64xf32, #tpu.memory_space<vmem_shared>> -> memref<32x64xf32, #tpu.memory_space<vmem_shared>>
      %dma_start3A_507 = arith.constant 0 : i32
      %dma_start3A_508 = tpu.memref_slice %arg18[%add3A_57, %dma_start3A_507] : memref<25088x64xf32, #tpu.memory_space<vmem_shared>> -> memref<32x64xf32, #tpu.memory_space<vmem_shared>>
      tpu.enqueue_dma source(%arg13 : memref<32x64xf32, #tpu.memory_space<vmem>>) target(%dma_start3A_508 : memref<32x64xf32, #tpu.memory_space<vmem_shared>>) target_semaphore(%run_scoped3A : memref<!tpu.dma_semaphore, #tpu.memory_space<semaphore_mem>>)
      %dma_wait3A_509 = arith.constant 0 : i32
      %dma_wait3A_510 = tpu.memref_slice %arg18[%add3A_57, %dma_wait3A_509] : memref<25088x64xf32, #tpu.memory_space<vmem_shared>> -> memref<32x64xf32, #tpu.memory_space<vmem_shared>>
      %dma_wait3A_511 = arith.constant 0 : i32
      %dma_wait3A_512 = tpu.memref_slice %arg18[%add3A_57, %dma_wait3A_511] : memref<25088x64xf32, #tpu.memory_space<vmem_shared>> -> memref<32x64xf32, #tpu.memory_space<vmem_shared>>
      tpu.wait_dma2 semaphore(%run_scoped3A : memref<!tpu.dma_semaphore, #tpu.memory_space<semaphore_mem>>) src(%arg13 : memref<32x64xf32, #tpu.memory_space<vmem>>) dst(%dma_wait3A_512 : memref<32x64xf32, #tpu.memory_space<vmem_shared>>)
      tpu.yield
    }) : () -> ()
    %add3A_58 = arith.constant 704 : i32
    %add3A_59 = arith.addi %mul3A_14, %add3A_58 : i32
    "tpu.region"() ({
      %run_scoped3A = tpu.sem_alloc : memref<!tpu.dma_semaphore, #tpu.memory_space<semaphore_mem>>
      %dma_start3A_505 = arith.constant 0 : i32
      %dma_start3A_506 = tpu.memref_slice %arg18[%add3A_59, %dma_start3A_505] : memref<25088x64xf32, #tpu.memory_space<vmem_shared>> -> memref<32x64xf32, #tpu.memory_space<vmem_shared>>
      %dma_start3A_507 = arith.constant 0 : i32
      %dma_start3A_508 = tpu.memref_slice %arg18[%add3A_59, %dma_start3A_507] : memref<25088x64xf32, #tpu.memory_space<vmem_shared>> -> memref<32x64xf32, #tpu.memory_space<vmem_shared>>
      tpu.enqueue_dma source(%arg13 : memref<32x64xf32, #tpu.memory_space<vmem>>) target(%dma_start3A_508 : memref<32x64xf32, #tpu.memory_space<vmem_shared>>) target_semaphore(%run_scoped3A : memref<!tpu.dma_semaphore, #tpu.memory_space<semaphore_mem>>)
      %dma_wait3A_509 = arith.constant 0 : i32
      %dma_wait3A_510 = tpu.memref_slice %arg18[%add3A_59, %dma_wait3A_509] : memref<25088x64xf32, #tpu.memory_space<vmem_shared>> -> memref<32x64xf32, #tpu.memory_space<vmem_shared>>
      %dma_wait3A_511 = arith.constant 0 : i32
      %dma_wait3A_512 = tpu.memref_slice %arg18[%add3A_59, %dma_wait3A_511] : memref<25088x64xf32, #tpu.memory_space<vmem_shared>> -> memref<32x64xf32, #tpu.memory_space<vmem_shared>>
      tpu.wait_dma2 semaphore(%run_scoped3A : memref<!tpu.dma_semaphore, #tpu.memory_space<semaphore_mem>>) src(%arg13 : memref<32x64xf32, #tpu.memory_space<vmem>>) dst(%dma_wait3A_512 : memref<32x64xf32, #tpu.memory_space<vmem_shared>>)
      tpu.yield
    }) : () -> ()
    %add3A_60 = arith.constant 736 : i32
    %add3A_61 = arith.addi %mul3A_14, %add3A_60 : i32
    "tpu.region"() ({
      %run_scoped3A = tpu.sem_alloc : memref<!tpu.dma_semaphore, #tpu.memory_space<semaphore_mem>>
      %dma_start3A_505 = arith.constant 0 : i32
      %dma_start3A_506 = tpu.memref_slice %arg18[%add3A_61, %dma_start3A_505] : memref<25088x64xf32, #tpu.memory_space<vmem_shared>> -> memref<32x64xf32, #tpu.memory_space<vmem_shared>>
      %dma_start3A_507 = arith.constant 0 : i32
      %dma_start3A_508 = tpu.memref_slice %arg18[%add3A_61, %dma_start3A_507] : memref<25088x64xf32, #tpu.memory_space<vmem_shared>> -> memref<32x64xf32, #tpu.memory_space<vmem_shared>>
      tpu.enqueue_dma source(%arg13 : memref<32x64xf32, #tpu.memory_space<vmem>>) target(%dma_start3A_508 : memref<32x64xf32, #tpu.memory_space<vmem_shared>>) target_semaphore(%run_scoped3A : memref<!tpu.dma_semaphore, #tpu.memory_space<semaphore_mem>>)
      %dma_wait3A_509 = arith.constant 0 : i32
      %dma_wait3A_510 = tpu.memref_slice %arg18[%add3A_61, %dma_wait3A_509] : memref<25088x64xf32, #tpu.memory_space<vmem_shared>> -> memref<32x64xf32, #tpu.memory_space<vmem_shared>>
      %dma_wait3A_511 = arith.constant 0 : i32
      %dma_wait3A_512 = tpu.memref_slice %arg18[%add3A_61, %dma_wait3A_511] : memref<25088x64xf32, #tpu.memory_space<vmem_shared>> -> memref<32x64xf32, #tpu.memory_space<vmem_shared>>
      tpu.wait_dma2 semaphore(%run_scoped3A : memref<!tpu.dma_semaphore, #tpu.memory_space<semaphore_mem>>) src(%arg13 : memref<32x64xf32, #tpu.memory_space<vmem>>) dst(%dma_wait3A_512 : memref<32x64xf32, #tpu.memory_space<vmem_shared>>)
      tpu.yield
    }) : () -> ()
    %add3A_62 = arith.constant 768 : i32
    %add3A_63 = arith.addi %mul3A_14, %add3A_62 : i32
    "tpu.region"() ({
      %run_scoped3A = tpu.sem_alloc : memref<!tpu.dma_semaphore, #tpu.memory_space<semaphore_mem>>
      %dma_start3A_505 = arith.constant 0 : i32
      %dma_start3A_506 = tpu.memref_slice %arg18[%add3A_63, %dma_start3A_505] : memref<25088x64xf32, #tpu.memory_space<vmem_shared>> -> memref<32x64xf32, #tpu.memory_space<vmem_shared>>
      %dma_start3A_507 = arith.constant 0 : i32
      %dma_start3A_508 = tpu.memref_slice %arg18[%add3A_63, %dma_start3A_507] : memref<25088x64xf32, #tpu.memory_space<vmem_shared>> -> memref<32x64xf32, #tpu.memory_space<vmem_shared>>
      tpu.enqueue_dma source(%arg13 : memref<32x64xf32, #tpu.memory_space<vmem>>) target(%dma_start3A_508 : memref<32x64xf32, #tpu.memory_space<vmem_shared>>) target_semaphore(%run_scoped3A : memref<!tpu.dma_semaphore, #tpu.memory_space<semaphore_mem>>)
      %dma_wait3A_509 = arith.constant 0 : i32
      %dma_wait3A_510 = tpu.memref_slice %arg18[%add3A_63, %dma_wait3A_509] : memref<25088x64xf32, #tpu.memory_space<vmem_shared>> -> memref<32x64xf32, #tpu.memory_space<vmem_shared>>
      %dma_wait3A_511 = arith.constant 0 : i32
      %dma_wait3A_512 = tpu.memref_slice %arg18[%add3A_63, %dma_wait3A_511] : memref<25088x64xf32, #tpu.memory_space<vmem_shared>> -> memref<32x64xf32, #tpu.memory_space<vmem_shared>>
      tpu.wait_dma2 semaphore(%run_scoped3A : memref<!tpu.dma_semaphore, #tpu.memory_space<semaphore_mem>>) src(%arg13 : memref<32x64xf32, #tpu.memory_space<vmem>>) dst(%dma_wait3A_512 : memref<32x64xf32, #tpu.memory_space<vmem_shared>>)
      tpu.yield
    }) : () -> ()
    %add3A_64 = arith.constant 800 : i32
    %add3A_65 = arith.addi %mul3A_14, %add3A_64 : i32
    "tpu.region"() ({
      %run_scoped3A = tpu.sem_alloc : memref<!tpu.dma_semaphore, #tpu.memory_space<semaphore_mem>>
      %dma_start3A_505 = arith.constant 0 : i32
      %dma_start3A_506 = tpu.memref_slice %arg18[%add3A_65, %dma_start3A_505] : memref<25088x64xf32, #tpu.memory_space<vmem_shared>> -> memref<32x64xf32, #tpu.memory_space<vmem_shared>>
      %dma_start3A_507 = arith.constant 0 : i32
      %dma_start3A_508 = tpu.memref_slice %arg18[%add3A_65, %dma_start3A_507] : memref<25088x64xf32, #tpu.memory_space<vmem_shared>> -> memref<32x64xf32, #tpu.memory_space<vmem_shared>>
      tpu.enqueue_dma source(%arg13 : memref<32x64xf32, #tpu.memory_space<vmem>>) target(%dma_start3A_508 : memref<32x64xf32, #tpu.memory_space<vmem_shared>>) target_semaphore(%run_scoped3A : memref<!tpu.dma_semaphore, #tpu.memory_space<semaphore_mem>>)
      %dma_wait3A_509 = arith.constant 0 : i32
      %dma_wait3A_510 = tpu.memref_slice %arg18[%add3A_65, %dma_wait3A_509] : memref<25088x64xf32, #tpu.memory_space<vmem_shared>> -> memref<32x64xf32, #tpu.memory_space<vmem_shared>>
      %dma_wait3A_511 = arith.constant 0 : i32
      %dma_wait3A_512 = tpu.memref_slice %arg18[%add3A_65, %dma_wait3A_511] : memref<25088x64xf32, #tpu.memory_space<vmem_shared>> -> memref<32x64xf32, #tpu.memory_space<vmem_shared>>
      tpu.wait_dma2 semaphore(%run_scoped3A : memref<!tpu.dma_semaphore, #tpu.memory_space<semaphore_mem>>) src(%arg13 : memref<32x64xf32, #tpu.memory_space<vmem>>) dst(%dma_wait3A_512 : memref<32x64xf32, #tpu.memory_space<vmem_shared>>)
      tpu.yield
    }) : () -> ()
    %add3A_66 = arith.constant 832 : i32
    %add3A_67 = arith.addi %mul3A_14, %add3A_66 : i32
    "tpu.region"() ({
      %run_scoped3A = tpu.sem_alloc : memref<!tpu.dma_semaphore, #tpu.memory_space<semaphore_mem>>
      %dma_start3A_505 = arith.constant 0 : i32
      %dma_start3A_506 = tpu.memref_slice %arg18[%add3A_67, %dma_start3A_505] : memref<25088x64xf32, #tpu.memory_space<vmem_shared>> -> memref<32x64xf32, #tpu.memory_space<vmem_shared>>
      %dma_start3A_507 = arith.constant 0 : i32
      %dma_start3A_508 = tpu.memref_slice %arg18[%add3A_67, %dma_start3A_507] : memref<25088x64xf32, #tpu.memory_space<vmem_shared>> -> memref<32x64xf32, #tpu.memory_space<vmem_shared>>
      tpu.enqueue_dma source(%arg13 : memref<32x64xf32, #tpu.memory_space<vmem>>) target(%dma_start3A_508 : memref<32x64xf32, #tpu.memory_space<vmem_shared>>) target_semaphore(%run_scoped3A : memref<!tpu.dma_semaphore, #tpu.memory_space<semaphore_mem>>)
      %dma_wait3A_509 = arith.constant 0 : i32
      %dma_wait3A_510 = tpu.memref_slice %arg18[%add3A_67, %dma_wait3A_509] : memref<25088x64xf32, #tpu.memory_space<vmem_shared>> -> memref<32x64xf32, #tpu.memory_space<vmem_shared>>
      %dma_wait3A_511 = arith.constant 0 : i32
      %dma_wait3A_512 = tpu.memref_slice %arg18[%add3A_67, %dma_wait3A_511] : memref<25088x64xf32, #tpu.memory_space<vmem_shared>> -> memref<32x64xf32, #tpu.memory_space<vmem_shared>>
      tpu.wait_dma2 semaphore(%run_scoped3A : memref<!tpu.dma_semaphore, #tpu.memory_space<semaphore_mem>>) src(%arg13 : memref<32x64xf32, #tpu.memory_space<vmem>>) dst(%dma_wait3A_512 : memref<32x64xf32, #tpu.memory_space<vmem_shared>>)
      tpu.yield
    }) : () -> ()
    %add3A_68 = arith.constant 864 : i32
    %add3A_69 = arith.addi %mul3A_14, %add3A_68 : i32
    "tpu.region"() ({
      %run_scoped3A = tpu.sem_alloc : memref<!tpu.dma_semaphore, #tpu.memory_space<semaphore_mem>>
      %dma_start3A_505 = arith.constant 0 : i32
      %dma_start3A_506 = tpu.memref_slice %arg18[%add3A_69, %dma_start3A_505] : memref<25088x64xf32, #tpu.memory_space<vmem_shared>> -> memref<32x64xf32, #tpu.memory_space<vmem_shared>>
      %dma_start3A_507 = arith.constant 0 : i32
      %dma_start3A_508 = tpu.memref_slice %arg18[%add3A_69, %dma_start3A_507] : memref<25088x64xf32, #tpu.memory_space<vmem_shared>> -> memref<32x64xf32, #tpu.memory_space<vmem_shared>>
      tpu.enqueue_dma source(%arg13 : memref<32x64xf32, #tpu.memory_space<vmem>>) target(%dma_start3A_508 : memref<32x64xf32, #tpu.memory_space<vmem_shared>>) target_semaphore(%run_scoped3A : memref<!tpu.dma_semaphore, #tpu.memory_space<semaphore_mem>>)
      %dma_wait3A_509 = arith.constant 0 : i32
      %dma_wait3A_510 = tpu.memref_slice %arg18[%add3A_69, %dma_wait3A_509] : memref<25088x64xf32, #tpu.memory_space<vmem_shared>> -> memref<32x64xf32, #tpu.memory_space<vmem_shared>>
      %dma_wait3A_511 = arith.constant 0 : i32
      %dma_wait3A_512 = tpu.memref_slice %arg18[%add3A_69, %dma_wait3A_511] : memref<25088x64xf32, #tpu.memory_space<vmem_shared>> -> memref<32x64xf32, #tpu.memory_space<vmem_shared>>
      tpu.wait_dma2 semaphore(%run_scoped3A : memref<!tpu.dma_semaphore, #tpu.memory_space<semaphore_mem>>) src(%arg13 : memref<32x64xf32, #tpu.memory_space<vmem>>) dst(%dma_wait3A_512 : memref<32x64xf32, #tpu.memory_space<vmem_shared>>)
      tpu.yield
    }) : () -> ()
    %add3A_70 = arith.constant 896 : i32
    %add3A_71 = arith.addi %mul3A_14, %add3A_70 : i32
    "tpu.region"() ({
      %run_scoped3A = tpu.sem_alloc : memref<!tpu.dma_semaphore, #tpu.memory_space<semaphore_mem>>
      %dma_start3A_505 = arith.constant 0 : i32
      %dma_start3A_506 = tpu.memref_slice %arg18[%add3A_71, %dma_start3A_505] : memref<25088x64xf32, #tpu.memory_space<vmem_shared>> -> memref<32x64xf32, #tpu.memory_space<vmem_shared>>
      %dma_start3A_507 = arith.constant 0 : i32
      %dma_start3A_508 = tpu.memref_slice %arg18[%add3A_71, %dma_start3A_507] : memref<25088x64xf32, #tpu.memory_space<vmem_shared>> -> memref<32x64xf32, #tpu.memory_space<vmem_shared>>
      tpu.enqueue_dma source(%arg13 : memref<32x64xf32, #tpu.memory_space<vmem>>) target(%dma_start3A_508 : memref<32x64xf32, #tpu.memory_space<vmem_shared>>) target_semaphore(%run_scoped3A : memref<!tpu.dma_semaphore, #tpu.memory_space<semaphore_mem>>)
      %dma_wait3A_509 = arith.constant 0 : i32
      %dma_wait3A_510 = tpu.memref_slice %arg18[%add3A_71, %dma_wait3A_509] : memref<25088x64xf32, #tpu.memory_space<vmem_shared>> -> memref<32x64xf32, #tpu.memory_space<vmem_shared>>
      %dma_wait3A_511 = arith.constant 0 : i32
      %dma_wait3A_512 = tpu.memref_slice %arg18[%add3A_71, %dma_wait3A_511] : memref<25088x64xf32, #tpu.memory_space<vmem_shared>> -> memref<32x64xf32, #tpu.memory_space<vmem_shared>>
      tpu.wait_dma2 semaphore(%run_scoped3A : memref<!tpu.dma_semaphore, #tpu.memory_space<semaphore_mem>>) src(%arg13 : memref<32x64xf32, #tpu.memory_space<vmem>>) dst(%dma_wait3A_512 : memref<32x64xf32, #tpu.memory_space<vmem_shared>>)
      tpu.yield
    }) : () -> ()
    %add3A_72 = arith.constant 928 : i32
    %add3A_73 = arith.addi %mul3A_14, %add3A_72 : i32
    "tpu.region"() ({
      %run_scoped3A = tpu.sem_alloc : memref<!tpu.dma_semaphore, #tpu.memory_space<semaphore_mem>>
      %dma_start3A_505 = arith.constant 0 : i32
      %dma_start3A_506 = tpu.memref_slice %arg18[%add3A_73, %dma_start3A_505] : memref<25088x64xf32, #tpu.memory_space<vmem_shared>> -> memref<32x64xf32, #tpu.memory_space<vmem_shared>>
      %dma_start3A_507 = arith.constant 0 : i32
      %dma_start3A_508 = tpu.memref_slice %arg18[%add3A_73, %dma_start3A_507] : memref<25088x64xf32, #tpu.memory_space<vmem_shared>> -> memref<32x64xf32, #tpu.memory_space<vmem_shared>>
      tpu.enqueue_dma source(%arg13 : memref<32x64xf32, #tpu.memory_space<vmem>>) target(%dma_start3A_508 : memref<32x64xf32, #tpu.memory_space<vmem_shared>>) target_semaphore(%run_scoped3A : memref<!tpu.dma_semaphore, #tpu.memory_space<semaphore_mem>>)
      %dma_wait3A_509 = arith.constant 0 : i32
      %dma_wait3A_510 = tpu.memref_slice %arg18[%add3A_73, %dma_wait3A_509] : memref<25088x64xf32, #tpu.memory_space<vmem_shared>> -> memref<32x64xf32, #tpu.memory_space<vmem_shared>>
      %dma_wait3A_511 = arith.constant 0 : i32
      %dma_wait3A_512 = tpu.memref_slice %arg18[%add3A_73, %dma_wait3A_511] : memref<25088x64xf32, #tpu.memory_space<vmem_shared>> -> memref<32x64xf32, #tpu.memory_space<vmem_shared>>
      tpu.wait_dma2 semaphore(%run_scoped3A : memref<!tpu.dma_semaphore, #tpu.memory_space<semaphore_mem>>) src(%arg13 : memref<32x64xf32, #tpu.memory_space<vmem>>) dst(%dma_wait3A_512 : memref<32x64xf32, #tpu.memory_space<vmem_shared>>)
      tpu.yield
    }) : () -> ()
    %add3A_74 = arith.constant 960 : i32
    %add3A_75 = arith.addi %mul3A_14, %add3A_74 : i32
    "tpu.region"() ({
      %run_scoped3A = tpu.sem_alloc : memref<!tpu.dma_semaphore, #tpu.memory_space<semaphore_mem>>
      %dma_start3A_505 = arith.constant 0 : i32
      %dma_start3A_506 = tpu.memref_slice %arg18[%add3A_75, %dma_start3A_505] : memref<25088x64xf32, #tpu.memory_space<vmem_shared>> -> memref<32x64xf32, #tpu.memory_space<vmem_shared>>
      %dma_start3A_507 = arith.constant 0 : i32
      %dma_start3A_508 = tpu.memref_slice %arg18[%add3A_75, %dma_start3A_507] : memref<25088x64xf32, #tpu.memory_space<vmem_shared>> -> memref<32x64xf32, #tpu.memory_space<vmem_shared>>
      tpu.enqueue_dma source(%arg13 : memref<32x64xf32, #tpu.memory_space<vmem>>) target(%dma_start3A_508 : memref<32x64xf32, #tpu.memory_space<vmem_shared>>) target_semaphore(%run_scoped3A : memref<!tpu.dma_semaphore, #tpu.memory_space<semaphore_mem>>)
      %dma_wait3A_509 = arith.constant 0 : i32
      %dma_wait3A_510 = tpu.memref_slice %arg18[%add3A_75, %dma_wait3A_509] : memref<25088x64xf32, #tpu.memory_space<vmem_shared>> -> memref<32x64xf32, #tpu.memory_space<vmem_shared>>
      %dma_wait3A_511 = arith.constant 0 : i32
      %dma_wait3A_512 = tpu.memref_slice %arg18[%add3A_75, %dma_wait3A_511] : memref<25088x64xf32, #tpu.memory_space<vmem_shared>> -> memref<32x64xf32, #tpu.memory_space<vmem_shared>>
      tpu.wait_dma2 semaphore(%run_scoped3A : memref<!tpu.dma_semaphore, #tpu.memory_space<semaphore_mem>>) src(%arg13 : memref<32x64xf32, #tpu.memory_space<vmem>>) dst(%dma_wait3A_512 : memref<32x64xf32, #tpu.memory_space<vmem_shared>>)
      tpu.yield
    }) : () -> ()
    %add3A_76 = arith.constant 992 : i32
    %add3A_77 = arith.addi %mul3A_14, %add3A_76 : i32
    "tpu.region"() ({
      %run_scoped3A = tpu.sem_alloc : memref<!tpu.dma_semaphore, #tpu.memory_space<semaphore_mem>>
      %dma_start3A_505 = arith.constant 0 : i32
      %dma_start3A_506 = tpu.memref_slice %arg18[%add3A_77, %dma_start3A_505] : memref<25088x64xf32, #tpu.memory_space<vmem_shared>> -> memref<32x64xf32, #tpu.memory_space<vmem_shared>>
      %dma_start3A_507 = arith.constant 0 : i32
      %dma_start3A_508 = tpu.memref_slice %arg18[%add3A_77, %dma_start3A_507] : memref<25088x64xf32, #tpu.memory_space<vmem_shared>> -> memref<32x64xf32, #tpu.memory_space<vmem_shared>>
      tpu.enqueue_dma source(%arg13 : memref<32x64xf32, #tpu.memory_space<vmem>>) target(%dma_start3A_508 : memref<32x64xf32, #tpu.memory_space<vmem_shared>>) target_semaphore(%run_scoped3A : memref<!tpu.dma_semaphore, #tpu.memory_space<semaphore_mem>>)
      %dma_wait3A_509 = arith.constant 0 : i32
      %dma_wait3A_510 = tpu.memref_slice %arg18[%add3A_77, %dma_wait3A_509] : memref<25088x64xf32, #tpu.memory_space<vmem_shared>> -> memref<32x64xf32, #tpu.memory_space<vmem_shared>>
      %dma_wait3A_511 = arith.constant 0 : i32
      %dma_wait3A_512 = tpu.memref_slice %arg18[%add3A_77, %dma_wait3A_511] : memref<25088x64xf32, #tpu.memory_space<vmem_shared>> -> memref<32x64xf32, #tpu.memory_space<vmem_shared>>
      tpu.wait_dma2 semaphore(%run_scoped3A : memref<!tpu.dma_semaphore, #tpu.memory_space<semaphore_mem>>) src(%arg13 : memref<32x64xf32, #tpu.memory_space<vmem>>) dst(%dma_wait3A_512 : memref<32x64xf32, #tpu.memory_space<vmem_shared>>)
      tpu.yield
    }) : () -> ()
    %add3A_78 = arith.constant 1024 : i32
    %add3A_79 = arith.addi %mul3A_14, %add3A_78 : i32
    "tpu.region"() ({
      %run_scoped3A = tpu.sem_alloc : memref<!tpu.dma_semaphore, #tpu.memory_space<semaphore_mem>>
      %dma_start3A_505 = arith.constant 0 : i32
      %dma_start3A_506 = tpu.memref_slice %arg18[%add3A_79, %dma_start3A_505] : memref<25088x64xf32, #tpu.memory_space<vmem_shared>> -> memref<32x64xf32, #tpu.memory_space<vmem_shared>>
      %dma_start3A_507 = arith.constant 0 : i32
      %dma_start3A_508 = tpu.memref_slice %arg18[%add3A_79, %dma_start3A_507] : memref<25088x64xf32, #tpu.memory_space<vmem_shared>> -> memref<32x64xf32, #tpu.memory_space<vmem_shared>>
      tpu.enqueue_dma source(%arg13 : memref<32x64xf32, #tpu.memory_space<vmem>>) target(%dma_start3A_508 : memref<32x64xf32, #tpu.memory_space<vmem_shared>>) target_semaphore(%run_scoped3A : memref<!tpu.dma_semaphore, #tpu.memory_space<semaphore_mem>>)
      %dma_wait3A_509 = arith.constant 0 : i32
      %dma_wait3A_510 = tpu.memref_slice %arg18[%add3A_79, %dma_wait3A_509] : memref<25088x64xf32, #tpu.memory_space<vmem_shared>> -> memref<32x64xf32, #tpu.memory_space<vmem_shared>>
      %dma_wait3A_511 = arith.constant 0 : i32
      %dma_wait3A_512 = tpu.memref_slice %arg18[%add3A_79, %dma_wait3A_511] : memref<25088x64xf32, #tpu.memory_space<vmem_shared>> -> memref<32x64xf32, #tpu.memory_space<vmem_shared>>
      tpu.wait_dma2 semaphore(%run_scoped3A : memref<!tpu.dma_semaphore, #tpu.memory_space<semaphore_mem>>) src(%arg13 : memref<32x64xf32, #tpu.memory_space<vmem>>) dst(%dma_wait3A_512 : memref<32x64xf32, #tpu.memory_space<vmem_shared>>)
      tpu.yield
    }) : () -> ()
    %add3A_80 = arith.constant 1056 : i32
    %add3A_81 = arith.addi %mul3A_14, %add3A_80 : i32
    "tpu.region"() ({
      %run_scoped3A = tpu.sem_alloc : memref<!tpu.dma_semaphore, #tpu.memory_space<semaphore_mem>>
      %dma_start3A_505 = arith.constant 0 : i32
      %dma_start3A_506 = tpu.memref_slice %arg18[%add3A_81, %dma_start3A_505] : memref<25088x64xf32, #tpu.memory_space<vmem_shared>> -> memref<32x64xf32, #tpu.memory_space<vmem_shared>>
      %dma_start3A_507 = arith.constant 0 : i32
      %dma_start3A_508 = tpu.memref_slice %arg18[%add3A_81, %dma_start3A_507] : memref<25088x64xf32, #tpu.memory_space<vmem_shared>> -> memref<32x64xf32, #tpu.memory_space<vmem_shared>>
      tpu.enqueue_dma source(%arg13 : memref<32x64xf32, #tpu.memory_space<vmem>>) target(%dma_start3A_508 : memref<32x64xf32, #tpu.memory_space<vmem_shared>>) target_semaphore(%run_scoped3A : memref<!tpu.dma_semaphore, #tpu.memory_space<semaphore_mem>>)
      %dma_wait3A_509 = arith.constant 0 : i32
      %dma_wait3A_510 = tpu.memref_slice %arg18[%add3A_81, %dma_wait3A_509] : memref<25088x64xf32, #tpu.memory_space<vmem_shared>> -> memref<32x64xf32, #tpu.memory_space<vmem_shared>>
      %dma_wait3A_511 = arith.constant 0 : i32
      %dma_wait3A_512 = tpu.memref_slice %arg18[%add3A_81, %dma_wait3A_511] : memref<25088x64xf32, #tpu.memory_space<vmem_shared>> -> memref<32x64xf32, #tpu.memory_space<vmem_shared>>
      tpu.wait_dma2 semaphore(%run_scoped3A : memref<!tpu.dma_semaphore, #tpu.memory_space<semaphore_mem>>) src(%arg13 : memref<32x64xf32, #tpu.memory_space<vmem>>) dst(%dma_wait3A_512 : memref<32x64xf32, #tpu.memory_space<vmem_shared>>)
      tpu.yield
    }) : () -> ()
    %add3A_82 = arith.constant 1088 : i32
    %add3A_83 = arith.addi %mul3A_14, %add3A_82 : i32
    "tpu.region"() ({
      %run_scoped3A = tpu.sem_alloc : memref<!tpu.dma_semaphore, #tpu.memory_space<semaphore_mem>>
      %dma_start3A_505 = arith.constant 0 : i32
      %dma_start3A_506 = tpu.memref_slice %arg18[%add3A_83, %dma_start3A_505] : memref<25088x64xf32, #tpu.memory_space<vmem_shared>> -> memref<32x64xf32, #tpu.memory_space<vmem_shared>>
      %dma_start3A_507 = arith.constant 0 : i32
      %dma_start3A_508 = tpu.memref_slice %arg18[%add3A_83, %dma_start3A_507] : memref<25088x64xf32, #tpu.memory_space<vmem_shared>> -> memref<32x64xf32, #tpu.memory_space<vmem_shared>>
      tpu.enqueue_dma source(%arg13 : memref<32x64xf32, #tpu.memory_space<vmem>>) target(%dma_start3A_508 : memref<32x64xf32, #tpu.memory_space<vmem_shared>>) target_semaphore(%run_scoped3A : memref<!tpu.dma_semaphore, #tpu.memory_space<semaphore_mem>>)
      %dma_wait3A_509 = arith.constant 0 : i32
      %dma_wait3A_510 = tpu.memref_slice %arg18[%add3A_83, %dma_wait3A_509] : memref<25088x64xf32, #tpu.memory_space<vmem_shared>> -> memref<32x64xf32, #tpu.memory_space<vmem_shared>>
      %dma_wait3A_511 = arith.constant 0 : i32
      %dma_wait3A_512 = tpu.memref_slice %arg18[%add3A_83, %dma_wait3A_511] : memref<25088x64xf32, #tpu.memory_space<vmem_shared>> -> memref<32x64xf32, #tpu.memory_space<vmem_shared>>
      tpu.wait_dma2 semaphore(%run_scoped3A : memref<!tpu.dma_semaphore, #tpu.memory_space<semaphore_mem>>) src(%arg13 : memref<32x64xf32, #tpu.memory_space<vmem>>) dst(%dma_wait3A_512 : memref<32x64xf32, #tpu.memory_space<vmem_shared>>)
      tpu.yield
    }) : () -> ()
    %add3A_84 = arith.constant 1120 : i32
    %add3A_85 = arith.addi %mul3A_14, %add3A_84 : i32
    "tpu.region"() ({
      %run_scoped3A = tpu.sem_alloc : memref<!tpu.dma_semaphore, #tpu.memory_space<semaphore_mem>>
      %dma_start3A_505 = arith.constant 0 : i32
      %dma_start3A_506 = tpu.memref_slice %arg18[%add3A_85, %dma_start3A_505] : memref<25088x64xf32, #tpu.memory_space<vmem_shared>> -> memref<32x64xf32, #tpu.memory_space<vmem_shared>>
      %dma_start3A_507 = arith.constant 0 : i32
      %dma_start3A_508 = tpu.memref_slice %arg18[%add3A_85, %dma_start3A_507] : memref<25088x64xf32, #tpu.memory_space<vmem_shared>> -> memref<32x64xf32, #tpu.memory_space<vmem_shared>>
      tpu.enqueue_dma source(%arg13 : memref<32x64xf32, #tpu.memory_space<vmem>>) target(%dma_start3A_508 : memref<32x64xf32, #tpu.memory_space<vmem_shared>>) target_semaphore(%run_scoped3A : memref<!tpu.dma_semaphore, #tpu.memory_space<semaphore_mem>>)
      %dma_wait3A_509 = arith.constant 0 : i32
      %dma_wait3A_510 = tpu.memref_slice %arg18[%add3A_85, %dma_wait3A_509] : memref<25088x64xf32, #tpu.memory_space<vmem_shared>> -> memref<32x64xf32, #tpu.memory_space<vmem_shared>>
      %dma_wait3A_511 = arith.constant 0 : i32
      %dma_wait3A_512 = tpu.memref_slice %arg18[%add3A_85, %dma_wait3A_511] : memref<25088x64xf32, #tpu.memory_space<vmem_shared>> -> memref<32x64xf32, #tpu.memory_space<vmem_shared>>
      tpu.wait_dma2 semaphore(%run_scoped3A : memref<!tpu.dma_semaphore, #tpu.memory_space<semaphore_mem>>) src(%arg13 : memref<32x64xf32, #tpu.memory_space<vmem>>) dst(%dma_wait3A_512 : memref<32x64xf32, #tpu.memory_space<vmem_shared>>)
      tpu.yield
    }) : () -> ()
    %add3A_86 = arith.constant 1152 : i32
    %add3A_87 = arith.addi %mul3A_14, %add3A_86 : i32
    "tpu.region"() ({
      %run_scoped3A = tpu.sem_alloc : memref<!tpu.dma_semaphore, #tpu.memory_space<semaphore_mem>>
      %dma_start3A_505 = arith.constant 0 : i32
      %dma_start3A_506 = tpu.memref_slice %arg18[%add3A_87, %dma_start3A_505] : memref<25088x64xf32, #tpu.memory_space<vmem_shared>> -> memref<32x64xf32, #tpu.memory_space<vmem_shared>>
      %dma_start3A_507 = arith.constant 0 : i32
      %dma_start3A_508 = tpu.memref_slice %arg18[%add3A_87, %dma_start3A_507] : memref<25088x64xf32, #tpu.memory_space<vmem_shared>> -> memref<32x64xf32, #tpu.memory_space<vmem_shared>>
      tpu.enqueue_dma source(%arg13 : memref<32x64xf32, #tpu.memory_space<vmem>>) target(%dma_start3A_508 : memref<32x64xf32, #tpu.memory_space<vmem_shared>>) target_semaphore(%run_scoped3A : memref<!tpu.dma_semaphore, #tpu.memory_space<semaphore_mem>>)
      %dma_wait3A_509 = arith.constant 0 : i32
      %dma_wait3A_510 = tpu.memref_slice %arg18[%add3A_87, %dma_wait3A_509] : memref<25088x64xf32, #tpu.memory_space<vmem_shared>> -> memref<32x64xf32, #tpu.memory_space<vmem_shared>>
      %dma_wait3A_511 = arith.constant 0 : i32
      %dma_wait3A_512 = tpu.memref_slice %arg18[%add3A_87, %dma_wait3A_511] : memref<25088x64xf32, #tpu.memory_space<vmem_shared>> -> memref<32x64xf32, #tpu.memory_space<vmem_shared>>
      tpu.wait_dma2 semaphore(%run_scoped3A : memref<!tpu.dma_semaphore, #tpu.memory_space<semaphore_mem>>) src(%arg13 : memref<32x64xf32, #tpu.memory_space<vmem>>) dst(%dma_wait3A_512 : memref<32x64xf32, #tpu.memory_space<vmem_shared>>)
      tpu.yield
    }) : () -> ()
    %add3A_88 = arith.constant 1184 : i32
    %add3A_89 = arith.addi %mul3A_14, %add3A_88 : i32
    "tpu.region"() ({
      %run_scoped3A = tpu.sem_alloc : memref<!tpu.dma_semaphore, #tpu.memory_space<semaphore_mem>>
      %dma_start3A_505 = arith.constant 0 : i32
      %dma_start3A_506 = tpu.memref_slice %arg18[%add3A_89, %dma_start3A_505] : memref<25088x64xf32, #tpu.memory_space<vmem_shared>> -> memref<32x64xf32, #tpu.memory_space<vmem_shared>>
      %dma_start3A_507 = arith.constant 0 : i32
      %dma_start3A_508 = tpu.memref_slice %arg18[%add3A_89, %dma_start3A_507] : memref<25088x64xf32, #tpu.memory_space<vmem_shared>> -> memref<32x64xf32, #tpu.memory_space<vmem_shared>>
      tpu.enqueue_dma source(%arg13 : memref<32x64xf32, #tpu.memory_space<vmem>>) target(%dma_start3A_508 : memref<32x64xf32, #tpu.memory_space<vmem_shared>>) target_semaphore(%run_scoped3A : memref<!tpu.dma_semaphore, #tpu.memory_space<semaphore_mem>>)
      %dma_wait3A_509 = arith.constant 0 : i32
      %dma_wait3A_510 = tpu.memref_slice %arg18[%add3A_89, %dma_wait3A_509] : memref<25088x64xf32, #tpu.memory_space<vmem_shared>> -> memref<32x64xf32, #tpu.memory_space<vmem_shared>>
      %dma_wait3A_511 = arith.constant 0 : i32
      %dma_wait3A_512 = tpu.memref_slice %arg18[%add3A_89, %dma_wait3A_511] : memref<25088x64xf32, #tpu.memory_space<vmem_shared>> -> memref<32x64xf32, #tpu.memory_space<vmem_shared>>
      tpu.wait_dma2 semaphore(%run_scoped3A : memref<!tpu.dma_semaphore, #tpu.memory_space<semaphore_mem>>) src(%arg13 : memref<32x64xf32, #tpu.memory_space<vmem>>) dst(%dma_wait3A_512 : memref<32x64xf32, #tpu.memory_space<vmem_shared>>)
      tpu.yield
    }) : () -> ()
    %add3A_90 = arith.constant 1216 : i32
    %add3A_91 = arith.addi %mul3A_14, %add3A_90 : i32
    "tpu.region"() ({
      %run_scoped3A = tpu.sem_alloc : memref<!tpu.dma_semaphore, #tpu.memory_space<semaphore_mem>>
      %dma_start3A_505 = arith.constant 0 : i32
      %dma_start3A_506 = tpu.memref_slice %arg18[%add3A_91, %dma_start3A_505] : memref<25088x64xf32, #tpu.memory_space<vmem_shared>> -> memref<32x64xf32, #tpu.memory_space<vmem_shared>>
      %dma_start3A_507 = arith.constant 0 : i32
      %dma_start3A_508 = tpu.memref_slice %arg18[%add3A_91, %dma_start3A_507] : memref<25088x64xf32, #tpu.memory_space<vmem_shared>> -> memref<32x64xf32, #tpu.memory_space<vmem_shared>>
      tpu.enqueue_dma source(%arg13 : memref<32x64xf32, #tpu.memory_space<vmem>>) target(%dma_start3A_508 : memref<32x64xf32, #tpu.memory_space<vmem_shared>>) target_semaphore(%run_scoped3A : memref<!tpu.dma_semaphore, #tpu.memory_space<semaphore_mem>>)
      %dma_wait3A_509 = arith.constant 0 : i32
      %dma_wait3A_510 = tpu.memref_slice %arg18[%add3A_91, %dma_wait3A_509] : memref<25088x64xf32, #tpu.memory_space<vmem_shared>> -> memref<32x64xf32, #tpu.memory_space<vmem_shared>>
      %dma_wait3A_511 = arith.constant 0 : i32
      %dma_wait3A_512 = tpu.memref_slice %arg18[%add3A_91, %dma_wait3A_511] : memref<25088x64xf32, #tpu.memory_space<vmem_shared>> -> memref<32x64xf32, #tpu.memory_space<vmem_shared>>
      tpu.wait_dma2 semaphore(%run_scoped3A : memref<!tpu.dma_semaphore, #tpu.memory_space<semaphore_mem>>) src(%arg13 : memref<32x64xf32, #tpu.memory_space<vmem>>) dst(%dma_wait3A_512 : memref<32x64xf32, #tpu.memory_space<vmem_shared>>)
      tpu.yield
    }) : () -> ()
    %add3A_92 = arith.constant 1248 : i32
    %add3A_93 = arith.addi %mul3A_14, %add3A_92 : i32
    "tpu.region"() ({
      %run_scoped3A = tpu.sem_alloc : memref<!tpu.dma_semaphore, #tpu.memory_space<semaphore_mem>>
      %dma_start3A_505 = arith.constant 0 : i32
      %dma_start3A_506 = tpu.memref_slice %arg18[%add3A_93, %dma_start3A_505] : memref<25088x64xf32, #tpu.memory_space<vmem_shared>> -> memref<32x64xf32, #tpu.memory_space<vmem_shared>>
      %dma_start3A_507 = arith.constant 0 : i32
      %dma_start3A_508 = tpu.memref_slice %arg18[%add3A_93, %dma_start3A_507] : memref<25088x64xf32, #tpu.memory_space<vmem_shared>> -> memref<32x64xf32, #tpu.memory_space<vmem_shared>>
      tpu.enqueue_dma source(%arg13 : memref<32x64xf32, #tpu.memory_space<vmem>>) target(%dma_start3A_508 : memref<32x64xf32, #tpu.memory_space<vmem_shared>>) target_semaphore(%run_scoped3A : memref<!tpu.dma_semaphore, #tpu.memory_space<semaphore_mem>>)
      %dma_wait3A_509 = arith.constant 0 : i32
      %dma_wait3A_510 = tpu.memref_slice %arg18[%add3A_93, %dma_wait3A_509] : memref<25088x64xf32, #tpu.memory_space<vmem_shared>> -> memref<32x64xf32, #tpu.memory_space<vmem_shared>>
      %dma_wait3A_511 = arith.constant 0 : i32
      %dma_wait3A_512 = tpu.memref_slice %arg18[%add3A_93, %dma_wait3A_511] : memref<25088x64xf32, #tpu.memory_space<vmem_shared>> -> memref<32x64xf32, #tpu.memory_space<vmem_shared>>
      tpu.wait_dma2 semaphore(%run_scoped3A : memref<!tpu.dma_semaphore, #tpu.memory_space<semaphore_mem>>) src(%arg13 : memref<32x64xf32, #tpu.memory_space<vmem>>) dst(%dma_wait3A_512 : memref<32x64xf32, #tpu.memory_space<vmem_shared>>)
      tpu.yield
    }) : () -> ()
    %add3A_94 = arith.constant 1280 : i32
    %add3A_95 = arith.addi %mul3A_14, %add3A_94 : i32
    "tpu.region"() ({
      %run_scoped3A = tpu.sem_alloc : memref<!tpu.dma_semaphore, #tpu.memory_space<semaphore_mem>>
      %dma_start3A_505 = arith.constant 0 : i32
      %dma_start3A_506 = tpu.memref_slice %arg18[%add3A_95, %dma_start3A_505] : memref<25088x64xf32, #tpu.memory_space<vmem_shared>> -> memref<32x64xf32, #tpu.memory_space<vmem_shared>>
      %dma_start3A_507 = arith.constant 0 : i32
      %dma_start3A_508 = tpu.memref_slice %arg18[%add3A_95, %dma_start3A_507] : memref<25088x64xf32, #tpu.memory_space<vmem_shared>> -> memref<32x64xf32, #tpu.memory_space<vmem_shared>>
      tpu.enqueue_dma source(%arg13 : memref<32x64xf32, #tpu.memory_space<vmem>>) target(%dma_start3A_508 : memref<32x64xf32, #tpu.memory_space<vmem_shared>>) target_semaphore(%run_scoped3A : memref<!tpu.dma_semaphore, #tpu.memory_space<semaphore_mem>>)
      %dma_wait3A_509 = arith.constant 0 : i32
      %dma_wait3A_510 = tpu.memref_slice %arg18[%add3A_95, %dma_wait3A_509] : memref<25088x64xf32, #tpu.memory_space<vmem_shared>> -> memref<32x64xf32, #tpu.memory_space<vmem_shared>>
      %dma_wait3A_511 = arith.constant 0 : i32
      %dma_wait3A_512 = tpu.memref_slice %arg18[%add3A_95, %dma_wait3A_511] : memref<25088x64xf32, #tpu.memory_space<vmem_shared>> -> memref<32x64xf32, #tpu.memory_space<vmem_shared>>
      tpu.wait_dma2 semaphore(%run_scoped3A : memref<!tpu.dma_semaphore, #tpu.memory_space<semaphore_mem>>) src(%arg13 : memref<32x64xf32, #tpu.memory_space<vmem>>) dst(%dma_wait3A_512 : memref<32x64xf32, #tpu.memory_space<vmem_shared>>)
      tpu.yield
    }) : () -> ()
    %add3A_96 = arith.constant 1312 : i32
    %add3A_97 = arith.addi %mul3A_14, %add3A_96 : i32
    "tpu.region"() ({
      %run_scoped3A = tpu.sem_alloc : memref<!tpu.dma_semaphore, #tpu.memory_space<semaphore_mem>>
      %dma_start3A_505 = arith.constant 0 : i32
      %dma_start3A_506 = tpu.memref_slice %arg18[%add3A_97, %dma_start3A_505] : memref<25088x64xf32, #tpu.memory_space<vmem_shared>> -> memref<32x64xf32, #tpu.memory_space<vmem_shared>>
      %dma_start3A_507 = arith.constant 0 : i32
      %dma_start3A_508 = tpu.memref_slice %arg18[%add3A_97, %dma_start3A_507] : memref<25088x64xf32, #tpu.memory_space<vmem_shared>> -> memref<32x64xf32, #tpu.memory_space<vmem_shared>>
      tpu.enqueue_dma source(%arg13 : memref<32x64xf32, #tpu.memory_space<vmem>>) target(%dma_start3A_508 : memref<32x64xf32, #tpu.memory_space<vmem_shared>>) target_semaphore(%run_scoped3A : memref<!tpu.dma_semaphore, #tpu.memory_space<semaphore_mem>>)
      %dma_wait3A_509 = arith.constant 0 : i32
      %dma_wait3A_510 = tpu.memref_slice %arg18[%add3A_97, %dma_wait3A_509] : memref<25088x64xf32, #tpu.memory_space<vmem_shared>> -> memref<32x64xf32, #tpu.memory_space<vmem_shared>>
      %dma_wait3A_511 = arith.constant 0 : i32
      %dma_wait3A_512 = tpu.memref_slice %arg18[%add3A_97, %dma_wait3A_511] : memref<25088x64xf32, #tpu.memory_space<vmem_shared>> -> memref<32x64xf32, #tpu.memory_space<vmem_shared>>
      tpu.wait_dma2 semaphore(%run_scoped3A : memref<!tpu.dma_semaphore, #tpu.memory_space<semaphore_mem>>) src(%arg13 : memref<32x64xf32, #tpu.memory_space<vmem>>) dst(%dma_wait3A_512 : memref<32x64xf32, #tpu.memory_space<vmem_shared>>)
      tpu.yield
    }) : () -> ()
    %add3A_98 = arith.constant 1344 : i32
    %add3A_99 = arith.addi %mul3A_14, %add3A_98 : i32
    "tpu.region"() ({
      %run_scoped3A = tpu.sem_alloc : memref<!tpu.dma_semaphore, #tpu.memory_space<semaphore_mem>>
      %dma_start3A_505 = arith.constant 0 : i32
      %dma_start3A_506 = tpu.memref_slice %arg18[%add3A_99, %dma_start3A_505] : memref<25088x64xf32, #tpu.memory_space<vmem_shared>> -> memref<32x64xf32, #tpu.memory_space<vmem_shared>>
      %dma_start3A_507 = arith.constant 0 : i32
      %dma_start3A_508 = tpu.memref_slice %arg18[%add3A_99, %dma_start3A_507] : memref<25088x64xf32, #tpu.memory_space<vmem_shared>> -> memref<32x64xf32, #tpu.memory_space<vmem_shared>>
      tpu.enqueue_dma source(%arg13 : memref<32x64xf32, #tpu.memory_space<vmem>>) target(%dma_start3A_508 : memref<32x64xf32, #tpu.memory_space<vmem_shared>>) target_semaphore(%run_scoped3A : memref<!tpu.dma_semaphore, #tpu.memory_space<semaphore_mem>>)
      %dma_wait3A_509 = arith.constant 0 : i32
      %dma_wait3A_510 = tpu.memref_slice %arg18[%add3A_99, %dma_wait3A_509] : memref<25088x64xf32, #tpu.memory_space<vmem_shared>> -> memref<32x64xf32, #tpu.memory_space<vmem_shared>>
      %dma_wait3A_511 = arith.constant 0 : i32
      %dma_wait3A_512 = tpu.memref_slice %arg18[%add3A_99, %dma_wait3A_511] : memref<25088x64xf32, #tpu.memory_space<vmem_shared>> -> memref<32x64xf32, #tpu.memory_space<vmem_shared>>
      tpu.wait_dma2 semaphore(%run_scoped3A : memref<!tpu.dma_semaphore, #tpu.memory_space<semaphore_mem>>) src(%arg13 : memref<32x64xf32, #tpu.memory_space<vmem>>) dst(%dma_wait3A_512 : memref<32x64xf32, #tpu.memory_space<vmem_shared>>)
      tpu.yield
    }) : () -> ()
    %add3A_100 = arith.constant 1376 : i32
    %add3A_101 = arith.addi %mul3A_14, %add3A_100 : i32
    "tpu.region"() ({
      %run_scoped3A = tpu.sem_alloc : memref<!tpu.dma_semaphore, #tpu.memory_space<semaphore_mem>>
      %dma_start3A_505 = arith.constant 0 : i32
      %dma_start3A_506 = tpu.memref_slice %arg18[%add3A_101, %dma_start3A_505] : memref<25088x64xf32, #tpu.memory_space<vmem_shared>> -> memref<32x64xf32, #tpu.memory_space<vmem_shared>>
      %dma_start3A_507 = arith.constant 0 : i32
      %dma_start3A_508 = tpu.memref_slice %arg18[%add3A_101, %dma_start3A_507] : memref<25088x64xf32, #tpu.memory_space<vmem_shared>> -> memref<32x64xf32, #tpu.memory_space<vmem_shared>>
      tpu.enqueue_dma source(%arg13 : memref<32x64xf32, #tpu.memory_space<vmem>>) target(%dma_start3A_508 : memref<32x64xf32, #tpu.memory_space<vmem_shared>>) target_semaphore(%run_scoped3A : memref<!tpu.dma_semaphore, #tpu.memory_space<semaphore_mem>>)
      %dma_wait3A_509 = arith.constant 0 : i32
      %dma_wait3A_510 = tpu.memref_slice %arg18[%add3A_101, %dma_wait3A_509] : memref<25088x64xf32, #tpu.memory_space<vmem_shared>> -> memref<32x64xf32, #tpu.memory_space<vmem_shared>>
      %dma_wait3A_511 = arith.constant 0 : i32
      %dma_wait3A_512 = tpu.memref_slice %arg18[%add3A_101, %dma_wait3A_511] : memref<25088x64xf32, #tpu.memory_space<vmem_shared>> -> memref<32x64xf32, #tpu.memory_space<vmem_shared>>
      tpu.wait_dma2 semaphore(%run_scoped3A : memref<!tpu.dma_semaphore, #tpu.memory_space<semaphore_mem>>) src(%arg13 : memref<32x64xf32, #tpu.memory_space<vmem>>) dst(%dma_wait3A_512 : memref<32x64xf32, #tpu.memory_space<vmem_shared>>)
      tpu.yield
    }) : () -> ()
    %add3A_102 = arith.constant 1408 : i32
    %add3A_103 = arith.addi %mul3A_14, %add3A_102 : i32
    "tpu.region"() ({
      %run_scoped3A = tpu.sem_alloc : memref<!tpu.dma_semaphore, #tpu.memory_space<semaphore_mem>>
      %dma_start3A_505 = arith.constant 0 : i32
      %dma_start3A_506 = tpu.memref_slice %arg18[%add3A_103, %dma_start3A_505] : memref<25088x64xf32, #tpu.memory_space<vmem_shared>> -> memref<32x64xf32, #tpu.memory_space<vmem_shared>>
      %dma_start3A_507 = arith.constant 0 : i32
      %dma_start3A_508 = tpu.memref_slice %arg18[%add3A_103, %dma_start3A_507] : memref<25088x64xf32, #tpu.memory_space<vmem_shared>> -> memref<32x64xf32, #tpu.memory_space<vmem_shared>>
      tpu.enqueue_dma source(%arg13 : memref<32x64xf32, #tpu.memory_space<vmem>>) target(%dma_start3A_508 : memref<32x64xf32, #tpu.memory_space<vmem_shared>>) target_semaphore(%run_scoped3A : memref<!tpu.dma_semaphore, #tpu.memory_space<semaphore_mem>>)
      %dma_wait3A_509 = arith.constant 0 : i32
      %dma_wait3A_510 = tpu.memref_slice %arg18[%add3A_103, %dma_wait3A_509] : memref<25088x64xf32, #tpu.memory_space<vmem_shared>> -> memref<32x64xf32, #tpu.memory_space<vmem_shared>>
      %dma_wait3A_511 = arith.constant 0 : i32
      %dma_wait3A_512 = tpu.memref_slice %arg18[%add3A_103, %dma_wait3A_511] : memref<25088x64xf32, #tpu.memory_space<vmem_shared>> -> memref<32x64xf32, #tpu.memory_space<vmem_shared>>
      tpu.wait_dma2 semaphore(%run_scoped3A : memref<!tpu.dma_semaphore, #tpu.memory_space<semaphore_mem>>) src(%arg13 : memref<32x64xf32, #tpu.memory_space<vmem>>) dst(%dma_wait3A_512 : memref<32x64xf32, #tpu.memory_space<vmem_shared>>)
      tpu.yield
    }) : () -> ()
    %add3A_104 = arith.constant 1440 : i32
    %add3A_105 = arith.addi %mul3A_14, %add3A_104 : i32
    "tpu.region"() ({
      %run_scoped3A = tpu.sem_alloc : memref<!tpu.dma_semaphore, #tpu.memory_space<semaphore_mem>>
      %dma_start3A_505 = arith.constant 0 : i32
      %dma_start3A_506 = tpu.memref_slice %arg18[%add3A_105, %dma_start3A_505] : memref<25088x64xf32, #tpu.memory_space<vmem_shared>> -> memref<32x64xf32, #tpu.memory_space<vmem_shared>>
      %dma_start3A_507 = arith.constant 0 : i32
      %dma_start3A_508 = tpu.memref_slice %arg18[%add3A_105, %dma_start3A_507] : memref<25088x64xf32, #tpu.memory_space<vmem_shared>> -> memref<32x64xf32, #tpu.memory_space<vmem_shared>>
      tpu.enqueue_dma source(%arg13 : memref<32x64xf32, #tpu.memory_space<vmem>>) target(%dma_start3A_508 : memref<32x64xf32, #tpu.memory_space<vmem_shared>>) target_semaphore(%run_scoped3A : memref<!tpu.dma_semaphore, #tpu.memory_space<semaphore_mem>>)
      %dma_wait3A_509 = arith.constant 0 : i32
      %dma_wait3A_510 = tpu.memref_slice %arg18[%add3A_105, %dma_wait3A_509] : memref<25088x64xf32, #tpu.memory_space<vmem_shared>> -> memref<32x64xf32, #tpu.memory_space<vmem_shared>>
      %dma_wait3A_511 = arith.constant 0 : i32
      %dma_wait3A_512 = tpu.memref_slice %arg18[%add3A_105, %dma_wait3A_511] : memref<25088x64xf32, #tpu.memory_space<vmem_shared>> -> memref<32x64xf32, #tpu.memory_space<vmem_shared>>
      tpu.wait_dma2 semaphore(%run_scoped3A : memref<!tpu.dma_semaphore, #tpu.memory_space<semaphore_mem>>) src(%arg13 : memref<32x64xf32, #tpu.memory_space<vmem>>) dst(%dma_wait3A_512 : memref<32x64xf32, #tpu.memory_space<vmem_shared>>)
      tpu.yield
    }) : () -> ()
    %add3A_106 = arith.constant 1472 : i32
    %add3A_107 = arith.addi %mul3A_14, %add3A_106 : i32
    "tpu.region"() ({
      %run_scoped3A = tpu.sem_alloc : memref<!tpu.dma_semaphore, #tpu.memory_space<semaphore_mem>>
      %dma_start3A_505 = arith.constant 0 : i32
      %dma_start3A_506 = tpu.memref_slice %arg18[%add3A_107, %dma_start3A_505] : memref<25088x64xf32, #tpu.memory_space<vmem_shared>> -> memref<32x64xf32, #tpu.memory_space<vmem_shared>>
      %dma_start3A_507 = arith.constant 0 : i32
      %dma_start3A_508 = tpu.memref_slice %arg18[%add3A_107, %dma_start3A_507] : memref<25088x64xf32, #tpu.memory_space<vmem_shared>> -> memref<32x64xf32, #tpu.memory_space<vmem_shared>>
      tpu.enqueue_dma source(%arg13 : memref<32x64xf32, #tpu.memory_space<vmem>>) target(%dma_start3A_508 : memref<32x64xf32, #tpu.memory_space<vmem_shared>>) target_semaphore(%run_scoped3A : memref<!tpu.dma_semaphore, #tpu.memory_space<semaphore_mem>>)
      %dma_wait3A_509 = arith.constant 0 : i32
      %dma_wait3A_510 = tpu.memref_slice %arg18[%add3A_107, %dma_wait3A_509] : memref<25088x64xf32, #tpu.memory_space<vmem_shared>> -> memref<32x64xf32, #tpu.memory_space<vmem_shared>>
      %dma_wait3A_511 = arith.constant 0 : i32
      %dma_wait3A_512 = tpu.memref_slice %arg18[%add3A_107, %dma_wait3A_511] : memref<25088x64xf32, #tpu.memory_space<vmem_shared>> -> memref<32x64xf32, #tpu.memory_space<vmem_shared>>
      tpu.wait_dma2 semaphore(%run_scoped3A : memref<!tpu.dma_semaphore, #tpu.memory_space<semaphore_mem>>) src(%arg13 : memref<32x64xf32, #tpu.memory_space<vmem>>) dst(%dma_wait3A_512 : memref<32x64xf32, #tpu.memory_space<vmem_shared>>)
      tpu.yield
    }) : () -> ()
    %add3A_108 = arith.constant 1504 : i32
    %add3A_109 = arith.addi %mul3A_14, %add3A_108 : i32
    "tpu.region"() ({
      %run_scoped3A = tpu.sem_alloc : memref<!tpu.dma_semaphore, #tpu.memory_space<semaphore_mem>>
      %dma_start3A_505 = arith.constant 0 : i32
      %dma_start3A_506 = tpu.memref_slice %arg18[%add3A_109, %dma_start3A_505] : memref<25088x64xf32, #tpu.memory_space<vmem_shared>> -> memref<32x64xf32, #tpu.memory_space<vmem_shared>>
      %dma_start3A_507 = arith.constant 0 : i32
      %dma_start3A_508 = tpu.memref_slice %arg18[%add3A_109, %dma_start3A_507] : memref<25088x64xf32, #tpu.memory_space<vmem_shared>> -> memref<32x64xf32, #tpu.memory_space<vmem_shared>>
      tpu.enqueue_dma source(%arg13 : memref<32x64xf32, #tpu.memory_space<vmem>>) target(%dma_start3A_508 : memref<32x64xf32, #tpu.memory_space<vmem_shared>>) target_semaphore(%run_scoped3A : memref<!tpu.dma_semaphore, #tpu.memory_space<semaphore_mem>>)
      %dma_wait3A_509 = arith.constant 0 : i32
      %dma_wait3A_510 = tpu.memref_slice %arg18[%add3A_109, %dma_wait3A_509] : memref<25088x64xf32, #tpu.memory_space<vmem_shared>> -> memref<32x64xf32, #tpu.memory_space<vmem_shared>>
      %dma_wait3A_511 = arith.constant 0 : i32
      %dma_wait3A_512 = tpu.memref_slice %arg18[%add3A_109, %dma_wait3A_511] : memref<25088x64xf32, #tpu.memory_space<vmem_shared>> -> memref<32x64xf32, #tpu.memory_space<vmem_shared>>
      tpu.wait_dma2 semaphore(%run_scoped3A : memref<!tpu.dma_semaphore, #tpu.memory_space<semaphore_mem>>) src(%arg13 : memref<32x64xf32, #tpu.memory_space<vmem>>) dst(%dma_wait3A_512 : memref<32x64xf32, #tpu.memory_space<vmem_shared>>)
      tpu.yield
    }) : () -> ()
    %add3A_110 = arith.constant 1536 : i32
    %add3A_111 = arith.addi %mul3A_14, %add3A_110 : i32
    "tpu.region"() ({
      %run_scoped3A = tpu.sem_alloc : memref<!tpu.dma_semaphore, #tpu.memory_space<semaphore_mem>>
      %dma_start3A_505 = arith.constant 0 : i32
      %dma_start3A_506 = tpu.memref_slice %arg18[%add3A_111, %dma_start3A_505] : memref<25088x64xf32, #tpu.memory_space<vmem_shared>> -> memref<32x64xf32, #tpu.memory_space<vmem_shared>>
      %dma_start3A_507 = arith.constant 0 : i32
      %dma_start3A_508 = tpu.memref_slice %arg18[%add3A_111, %dma_start3A_507] : memref<25088x64xf32, #tpu.memory_space<vmem_shared>> -> memref<32x64xf32, #tpu.memory_space<vmem_shared>>
      tpu.enqueue_dma source(%arg13 : memref<32x64xf32, #tpu.memory_space<vmem>>) target(%dma_start3A_508 : memref<32x64xf32, #tpu.memory_space<vmem_shared>>) target_semaphore(%run_scoped3A : memref<!tpu.dma_semaphore, #tpu.memory_space<semaphore_mem>>)
      %dma_wait3A_509 = arith.constant 0 : i32
      %dma_wait3A_510 = tpu.memref_slice %arg18[%add3A_111, %dma_wait3A_509] : memref<25088x64xf32, #tpu.memory_space<vmem_shared>> -> memref<32x64xf32, #tpu.memory_space<vmem_shared>>
      %dma_wait3A_511 = arith.constant 0 : i32
      %dma_wait3A_512 = tpu.memref_slice %arg18[%add3A_111, %dma_wait3A_511] : memref<25088x64xf32, #tpu.memory_space<vmem_shared>> -> memref<32x64xf32, #tpu.memory_space<vmem_shared>>
      tpu.wait_dma2 semaphore(%run_scoped3A : memref<!tpu.dma_semaphore, #tpu.memory_space<semaphore_mem>>) src(%arg13 : memref<32x64xf32, #tpu.memory_space<vmem>>) dst(%dma_wait3A_512 : memref<32x64xf32, #tpu.memory_space<vmem_shared>>)
      tpu.yield
    }) : () -> ()
    %barrier3A = arith.constant 0 : index
    tpu.barrier barrier_id(%barrier3A)
    %mul3A_112 = arith.constant 50048 : i32
    %mul3A_113 = arith.muli %arg1, %mul3A_112 : i32
    %iota3A = tpu.iota {dimensions = array<i32: 0>} : vector<16xi32>
    %add3A_114 = arith.constant 0 : i32
    %add3A_115 = arith.addi %mul3A_113, %add3A_114 : i32
    %min3A = arith.constant 799872 : i32
    %min3A_116 = arith.minsi %add3A_115, %min3A : i32
    %dma_start3A = arith.constant 0 : i32
    %dma_start3A_117 = arith.constant 0 : i32
    %dma_start3A_118 = arith.constant 0 : i32
    %dma_start3A_119 = arith.constant 0 : i32
    %dma_start3A_120 = tpu.memref_slice %arg6[%dma_start3A_117, %dma_start3A_119] : memref<2x128xi32, #tpu.memory_space<vmem>> -> memref<1x128xi32, #tpu.memory_space<vmem>>
    %dma_start3A_121 = tpu.memref_squeeze %dma_start3A_120 : memref<1x128xi32, #tpu.memory_space<vmem>> -> memref<128xi32, #tpu.memory_space<vmem>>
    %dma_start3A_122 = tpu.memref_slice %arg2[%dma_start3A, %min3A_116] : memref<2x800000xi32, #tpu.memory_space<hbm>> -> memref<1x128xi32, #tpu.memory_space<hbm>>
    %dma_start3A_123 = tpu.memref_squeeze %dma_start3A_122 : memref<1x128xi32, #tpu.memory_space<hbm>> -> memref<128xi32, #tpu.memory_space<hbm>>
    %dma_start3A_124 = tpu.memref_slice %arg15[%dma_start3A_118] : memref<2x!tpu.dma_semaphore, #tpu.memory_space<semaphore_mem>> -> memref<1x!tpu.dma_semaphore, #tpu.memory_space<semaphore_mem>>
    %dma_start3A_125 = tpu.memref_squeeze %dma_start3A_124 : memref<1x!tpu.dma_semaphore, #tpu.memory_space<semaphore_mem>> -> memref<!tpu.dma_semaphore, #tpu.memory_space<semaphore_mem>>
    %dma_start3A_126 = arith.constant 0 : i32
    %dma_start3A_127 = tpu.memref_slice %arg6[%dma_start3A_117, %dma_start3A_126] : memref<2x128xi32, #tpu.memory_space<vmem>> -> memref<1x128xi32, #tpu.memory_space<vmem>>
    %dma_start3A_128 = tpu.memref_squeeze %dma_start3A_127 : memref<1x128xi32, #tpu.memory_space<vmem>> -> memref<128xi32, #tpu.memory_space<vmem>>
    %dma_start3A_129 = tpu.memref_slice %arg2[%dma_start3A, %min3A_116] : memref<2x800000xi32, #tpu.memory_space<hbm>> -> memref<1x128xi32, #tpu.memory_space<hbm>>
    %dma_start3A_130 = tpu.memref_squeeze %dma_start3A_129 : memref<1x128xi32, #tpu.memory_space<hbm>> -> memref<128xi32, #tpu.memory_space<hbm>>
    tpu.enqueue_dma source(%dma_start3A_130 : memref<128xi32, #tpu.memory_space<hbm>>) target(%dma_start3A_128 : memref<128xi32, #tpu.memory_space<vmem>>) target_semaphore(%dma_start3A_125 : memref<!tpu.dma_semaphore, #tpu.memory_space<semaphore_mem>>)
    %dma_start3A_131 = arith.constant 1 : i32
    %dma_start3A_132 = arith.constant 0 : i32
    %dma_start3A_133 = arith.constant 0 : i32
    %dma_start3A_134 = arith.constant 0 : i32
    %dma_start3A_135 = tpu.memref_slice %arg7[%dma_start3A_132, %dma_start3A_134] : memref<2x128xi32, #tpu.memory_space<vmem>> -> memref<1x128xi32, #tpu.memory_space<vmem>>
    %dma_start3A_136 = tpu.memref_squeeze %dma_start3A_135 : memref<1x128xi32, #tpu.memory_space<vmem>> -> memref<128xi32, #tpu.memory_space<vmem>>
    %dma_start3A_137 = tpu.memref_slice %arg2[%dma_start3A_131, %min3A_116] : memref<2x800000xi32, #tpu.memory_space<hbm>> -> memref<1x128xi32, #tpu.memory_space<hbm>>
    %dma_start3A_138 = tpu.memref_squeeze %dma_start3A_137 : memref<1x128xi32, #tpu.memory_space<hbm>> -> memref<128xi32, #tpu.memory_space<hbm>>
    %dma_start3A_139 = tpu.memref_slice %arg15[%dma_start3A_133] : memref<2x!tpu.dma_semaphore, #tpu.memory_space<semaphore_mem>> -> memref<1x!tpu.dma_semaphore, #tpu.memory_space<semaphore_mem>>
    %dma_start3A_140 = tpu.memref_squeeze %dma_start3A_139 : memref<1x!tpu.dma_semaphore, #tpu.memory_space<semaphore_mem>> -> memref<!tpu.dma_semaphore, #tpu.memory_space<semaphore_mem>>
    %dma_start3A_141 = arith.constant 0 : i32
    %dma_start3A_142 = tpu.memref_slice %arg7[%dma_start3A_132, %dma_start3A_141] : memref<2x128xi32, #tpu.memory_space<vmem>> -> memref<1x128xi32, #tpu.memory_space<vmem>>
    %dma_start3A_143 = tpu.memref_squeeze %dma_start3A_142 : memref<1x128xi32, #tpu.memory_space<vmem>> -> memref<128xi32, #tpu.memory_space<vmem>>
    %dma_start3A_144 = tpu.memref_slice %arg2[%dma_start3A_131, %min3A_116] : memref<2x800000xi32, #tpu.memory_space<hbm>> -> memref<1x128xi32, #tpu.memory_space<hbm>>
    %dma_start3A_145 = tpu.memref_squeeze %dma_start3A_144 : memref<1x128xi32, #tpu.memory_space<hbm>> -> memref<128xi32, #tpu.memory_space<hbm>>
    tpu.enqueue_dma source(%dma_start3A_145 : memref<128xi32, #tpu.memory_space<hbm>>) target(%dma_start3A_143 : memref<128xi32, #tpu.memory_space<vmem>>) target_semaphore(%dma_start3A_140 : memref<!tpu.dma_semaphore, #tpu.memory_space<semaphore_mem>>)
    %scan3A_146 = arith.constant 0 : i32
    %scan3A_147 = arith.constant 0 : i32
    %scan3A_148 = arith.constant 1 : i32
    %scan3A_149 = arith.constant 391 : i32
    %scan3A_150 = arith.addi %scan3A_148, %scan3A_149 : i32
    %scan3A_151 = arith.constant 1 : i32
    %scan3A_152:2 = scf.for %scan3A_505 = %scan3A_148 to %scan3A_150 step %scan3A_151 iter_args(%scan3A_506 = %scan3A_146, %scan3A_507 = %scan3A_147) -> (i32, i32)  : i32 {
      %lt3A_508 = arith.constant 391 : i32
      %lt3A_509 = arith.cmpi slt, %scan3A_505, %lt3A_508 : i32
      %convert_element_type3A_510 = arith.extui %lt3A_509 : i1 to i32
      %cond3A_511 = arith.constant 0 : i32
      %cond3A_512 = arith.cmpi ne, %convert_element_type3A_510, %cond3A_511 : i32
      scf.if %cond3A_512 {
        %rem3A_983 = arith.constant 2 : i32
        %rem3A_984 = arith.remsi %scan3A_505, %rem3A_983 : i32
        %mul3A_985 = arith.constant 128 : i32
        %mul3A_986 = arith.muli %scan3A_505, %mul3A_985 : i32
        %add3A_987 = arith.addi %mul3A_113, %mul3A_986 : i32
        %min3A_988 = arith.constant 799872 : i32
        %min3A_989 = arith.minsi %add3A_987, %min3A_988 : i32
        %dma_start3A_990 = arith.constant 0 : i32
        %dma_start3A_991 = arith.constant 0 : i32
        %dma_start3A_992 = tpu.memref_slice %arg6[%rem3A_984, %dma_start3A_991] : memref<2x128xi32, #tpu.memory_space<vmem>> -> memref<1x128xi32, #tpu.memory_space<vmem>>
        %dma_start3A_993 = tpu.memref_squeeze %dma_start3A_992 : memref<1x128xi32, #tpu.memory_space<vmem>> -> memref<128xi32, #tpu.memory_space<vmem>>
        %dma_start3A_994 = tpu.memref_slice %arg2[%dma_start3A_990, %min3A_989] : memref<2x800000xi32, #tpu.memory_space<hbm>> -> memref<1x128xi32, #tpu.memory_space<hbm>>
        %dma_start3A_995 = tpu.memref_squeeze %dma_start3A_994 : memref<1x128xi32, #tpu.memory_space<hbm>> -> memref<128xi32, #tpu.memory_space<hbm>>
        %dma_start3A_996 = tpu.memref_slice %arg15[%rem3A_984] : memref<2x!tpu.dma_semaphore, #tpu.memory_space<semaphore_mem>> -> memref<1x!tpu.dma_semaphore, #tpu.memory_space<semaphore_mem>>
        %dma_start3A_997 = tpu.memref_squeeze %dma_start3A_996 : memref<1x!tpu.dma_semaphore, #tpu.memory_space<semaphore_mem>> -> memref<!tpu.dma_semaphore, #tpu.memory_space<semaphore_mem>>
        %dma_start3A_998 = arith.constant 0 : i32
        %dma_start3A_999 = tpu.memref_slice %arg6[%rem3A_984, %dma_start3A_998] : memref<2x128xi32, #tpu.memory_space<vmem>> -> memref<1x128xi32, #tpu.memory_space<vmem>>
        %dma_start3A_1000 = tpu.memref_squeeze %dma_start3A_999 : memref<1x128xi32, #tpu.memory_space<vmem>> -> memref<128xi32, #tpu.memory_space<vmem>>
        %dma_start3A_1001 = tpu.memref_slice %arg2[%dma_start3A_990, %min3A_989] : memref<2x800000xi32, #tpu.memory_space<hbm>> -> memref<1x128xi32, #tpu.memory_space<hbm>>
        %dma_start3A_1002 = tpu.memref_squeeze %dma_start3A_1001 : memref<1x128xi32, #tpu.memory_space<hbm>> -> memref<128xi32, #tpu.memory_space<hbm>>
        tpu.enqueue_dma source(%dma_start3A_1002 : memref<128xi32, #tpu.memory_space<hbm>>) target(%dma_start3A_1000 : memref<128xi32, #tpu.memory_space<vmem>>) target_semaphore(%dma_start3A_997 : memref<!tpu.dma_semaphore, #tpu.memory_space<semaphore_mem>>)
        %dma_start3A_1003 = arith.constant 1 : i32
        %dma_start3A_1004 = arith.constant 0 : i32
        %dma_start3A_1005 = tpu.memref_slice %arg7[%rem3A_984, %dma_start3A_1004] : memref<2x128xi32, #tpu.memory_space<vmem>> -> memref<1x128xi32, #tpu.memory_space<vmem>>
        %dma_start3A_1006 = tpu.memref_squeeze %dma_start3A_1005 : memref<1x128xi32, #tpu.memory_space<vmem>> -> memref<128xi32, #tpu.memory_space<vmem>>
        %dma_start3A_1007 = tpu.memref_slice %arg2[%dma_start3A_1003, %min3A_989] : memref<2x800000xi32, #tpu.memory_space<hbm>> -> memref<1x128xi32, #tpu.memory_space<hbm>>
        %dma_start3A_1008 = tpu.memref_squeeze %dma_start3A_1007 : memref<1x128xi32, #tpu.memory_space<hbm>> -> memref<128xi32, #tpu.memory_space<hbm>>
        %dma_start3A_1009 = tpu.memref_slice %arg15[%rem3A_984] : memref<2x!tpu.dma_semaphore, #tpu.memory_space<semaphore_mem>> -> memref<1x!tpu.dma_semaphore, #tpu.memory_space<semaphore_mem>>
        %dma_start3A_1010 = tpu.memref_squeeze %dma_start3A_1009 : memref<1x!tpu.dma_semaphore, #tpu.memory_space<semaphore_mem>> -> memref<!tpu.dma_semaphore, #tpu.memory_space<semaphore_mem>>
        %dma_start3A_1011 = arith.constant 0 : i32
        %dma_start3A_1012 = tpu.memref_slice %arg7[%rem3A_984, %dma_start3A_1011] : memref<2x128xi32, #tpu.memory_space<vmem>> -> memref<1x128xi32, #tpu.memory_space<vmem>>
        %dma_start3A_1013 = tpu.memref_squeeze %dma_start3A_1012 : memref<1x128xi32, #tpu.memory_space<vmem>> -> memref<128xi32, #tpu.memory_space<vmem>>
        %dma_start3A_1014 = tpu.memref_slice %arg2[%dma_start3A_1003, %min3A_989] : memref<2x800000xi32, #tpu.memory_space<hbm>> -> memref<1x128xi32, #tpu.memory_space<hbm>>
        %dma_start3A_1015 = tpu.memref_squeeze %dma_start3A_1014 : memref<1x128xi32, #tpu.memory_space<hbm>> -> memref<128xi32, #tpu.memory_space<hbm>>
        tpu.enqueue_dma source(%dma_start3A_1015 : memref<128xi32, #tpu.memory_space<hbm>>) target(%dma_start3A_1013 : memref<128xi32, #tpu.memory_space<vmem>>) target_semaphore(%dma_start3A_1010 : memref<!tpu.dma_semaphore, #tpu.memory_space<semaphore_mem>>)
      } else {
      }
      %sub3A_513 = arith.constant 1 : i32
      %sub3A_514 = arith.subi %scan3A_505, %sub3A_513 : i32
      %rem3A_515 = arith.constant 2 : i32
      %rem3A_516 = arith.remsi %sub3A_514, %rem3A_515 : i32
      %mul3A_517 = arith.constant 128 : i32
      %mul3A_518 = arith.muli %sub3A_514, %mul3A_517 : i32
      %add3A_519 = arith.addi %mul3A_113, %mul3A_518 : i32
      %lt3A_520 = arith.constant 800000 : i32
      %lt3A_521 = arith.cmpi slt, %add3A_519, %lt3A_520 : i32
      %jit3A_522 = arith.constant 0 : i32
      %jit3A_523 = arith.constant 134217728 : i32
      %select_n3A_524 = arith.select %lt3A_521, %jit3A_522, %jit3A_523 : i32
      %mul3A_525 = arith.constant 128 : i32
      %mul3A_526 = arith.muli %sub3A_514, %mul3A_525 : i32
      %add3A_527 = arith.addi %mul3A_113, %mul3A_526 : i32
      %min3A_528 = arith.constant 799872 : i32
      %min3A_529 = arith.minsi %add3A_527, %min3A_528 : i32
      %dma_wait3A_530 = arith.constant 0 : i32
      %dma_wait3A_531 = arith.constant 0 : i32
      %dma_wait3A_532 = tpu.memref_slice %arg6[%rem3A_516, %dma_wait3A_531] : memref<2x128xi32, #tpu.memory_space<vmem>> -> memref<1x128xi32, #tpu.memory_space<vmem>>
      %dma_wait3A_533 = tpu.memref_squeeze %dma_wait3A_532 : memref<1x128xi32, #tpu.memory_space<vmem>> -> memref<128xi32, #tpu.memory_space<vmem>>
      %dma_wait3A_534 = tpu.memref_slice %arg2[%dma_wait3A_530, %min3A_529] : memref<2x800000xi32, #tpu.memory_space<hbm>> -> memref<1x128xi32, #tpu.memory_space<hbm>>
      %dma_wait3A_535 = tpu.memref_squeeze %dma_wait3A_534 : memref<1x128xi32, #tpu.memory_space<hbm>> -> memref<128xi32, #tpu.memory_space<hbm>>
      %dma_wait3A_536 = tpu.memref_slice %arg15[%rem3A_516] : memref<2x!tpu.dma_semaphore, #tpu.memory_space<semaphore_mem>> -> memref<1x!tpu.dma_semaphore, #tpu.memory_space<semaphore_mem>>
      %dma_wait3A_537 = tpu.memref_squeeze %dma_wait3A_536 : memref<1x!tpu.dma_semaphore, #tpu.memory_space<semaphore_mem>> -> memref<!tpu.dma_semaphore, #tpu.memory_space<semaphore_mem>>
      %dma_wait3A_538 = arith.constant 0 : i32
      %dma_wait3A_539 = tpu.memref_slice %arg6[%rem3A_516, %dma_wait3A_538] : memref<2x128xi32, #tpu.memory_space<vmem>> -> memref<1x128xi32, #tpu.memory_space<vmem>>
      %dma_wait3A_540 = tpu.memref_squeeze %dma_wait3A_539 : memref<1x128xi32, #tpu.memory_space<vmem>> -> memref<128xi32, #tpu.memory_space<vmem>>
      %dma_wait3A_541 = tpu.memref_slice %arg2[%dma_wait3A_530, %min3A_529] : memref<2x800000xi32, #tpu.memory_space<hbm>> -> memref<1x128xi32, #tpu.memory_space<hbm>>
      %dma_wait3A_542 = tpu.memref_squeeze %dma_wait3A_541 : memref<1x128xi32, #tpu.memory_space<hbm>> -> memref<128xi32, #tpu.memory_space<hbm>>
      tpu.wait_dma2 semaphore(%dma_wait3A_537 : memref<!tpu.dma_semaphore, #tpu.memory_space<semaphore_mem>>) src(%dma_wait3A_542 : memref<128xi32, #tpu.memory_space<hbm>>) dst(%dma_wait3A_540 : memref<128xi32, #tpu.memory_space<vmem>>)
      %dma_wait3A_543 = arith.constant 1 : i32
      %dma_wait3A_544 = arith.constant 0 : i32
      %dma_wait3A_545 = tpu.memref_slice %arg7[%rem3A_516, %dma_wait3A_544] : memref<2x128xi32, #tpu.memory_space<vmem>> -> memref<1x128xi32, #tpu.memory_space<vmem>>
      %dma_wait3A_546 = tpu.memref_squeeze %dma_wait3A_545 : memref<1x128xi32, #tpu.memory_space<vmem>> -> memref<128xi32, #tpu.memory_space<vmem>>
      %dma_wait3A_547 = tpu.memref_slice %arg2[%dma_wait3A_543, %min3A_529] : memref<2x800000xi32, #tpu.memory_space<hbm>> -> memref<1x128xi32, #tpu.memory_space<hbm>>
      %dma_wait3A_548 = tpu.memref_squeeze %dma_wait3A_547 : memref<1x128xi32, #tpu.memory_space<hbm>> -> memref<128xi32, #tpu.memory_space<hbm>>
      %dma_wait3A_549 = tpu.memref_slice %arg15[%rem3A_516] : memref<2x!tpu.dma_semaphore, #tpu.memory_space<semaphore_mem>> -> memref<1x!tpu.dma_semaphore, #tpu.memory_space<semaphore_mem>>
      %dma_wait3A_550 = tpu.memref_squeeze %dma_wait3A_549 : memref<1x!tpu.dma_semaphore, #tpu.memory_space<semaphore_mem>> -> memref<!tpu.dma_semaphore, #tpu.memory_space<semaphore_mem>>
      %dma_wait3A_551 = arith.constant 0 : i32
      %dma_wait3A_552 = tpu.memref_slice %arg7[%rem3A_516, %dma_wait3A_551] : memref<2x128xi32, #tpu.memory_space<vmem>> -> memref<1x128xi32, #tpu.memory_space<vmem>>
      %dma_wait3A_553 = tpu.memref_squeeze %dma_wait3A_552 : memref<1x128xi32, #tpu.memory_space<vmem>> -> memref<128xi32, #tpu.memory_space<vmem>>
      %dma_wait3A_554 = tpu.memref_slice %arg2[%dma_wait3A_543, %min3A_529] : memref<2x800000xi32, #tpu.memory_space<hbm>> -> memref<1x128xi32, #tpu.memory_space<hbm>>
      %dma_wait3A_555 = tpu.memref_squeeze %dma_wait3A_554 : memref<1x128xi32, #tpu.memory_space<hbm>> -> memref<128xi32, #tpu.memory_space<hbm>>
      tpu.wait_dma2 semaphore(%dma_wait3A_550 : memref<!tpu.dma_semaphore, #tpu.memory_space<semaphore_mem>>) src(%dma_wait3A_555 : memref<128xi32, #tpu.memory_space<hbm>>) dst(%dma_wait3A_553 : memref<128xi32, #tpu.memory_space<vmem>>)
      %get3A_556 = arith.index_cast %rem3A_516 : i32 to index
      %get3A_557 = arith.constant 0 : index
      %get3A_558 = tpu.vector_load %arg6[%get3A_556, %get3A_557] {strides = array<i32>} : memref<2x128xi32, #tpu.memory_space<vmem>>, vector<16xi32>,
      %ge3A_559 = arith.constant 25000 : i32
      %ge3A_560 = vector.broadcast %ge3A_559 : i32 to vector<16xi32>
      %ge3A_561 = arith.cmpi sge, %get3A_558, %ge3A_560 : vector<16xi32>
      %jit3A_562 = arith.constant 88 : i32
      %jit3A_563 = arith.constant 0 : i32
      %broadcast_in_dim3A_564 = vector.broadcast %jit3A_562 : i32 to vector<16xi32>
      %broadcast_in_dim3A_565 = vector.broadcast %jit3A_563 : i32 to vector<16xi32>
      %select_n3A_566 = arith.select %ge3A_561, %broadcast_in_dim3A_564, %broadcast_in_dim3A_565 : vector<16xi1>, vector<16xi32>
      %add3A_567 = arith.addi %get3A_558, %select_n3A_566 : vector<16xi32>
      %get3A_568 = arith.index_cast %rem3A_516 : i32 to index
      %get3A_569 = arith.constant 0 : index
      %get3A_570 = tpu.vector_load %arg7[%get3A_568, %get3A_569] {strides = array<i32>} : memref<2x128xi32, #tpu.memory_space<vmem>>, vector<16xi32>,
      %ge3A_571 = arith.constant 25000 : i32
      %ge3A_572 = vector.broadcast %ge3A_571 : i32 to vector<16xi32>
      %ge3A_573 = arith.cmpi sge, %get3A_570, %ge3A_572 : vector<16xi32>
      %jit3A_574 = arith.constant 88 : i32
      %jit3A_575 = arith.constant 0 : i32
      %broadcast_in_dim3A_576 = vector.broadcast %jit3A_574 : i32 to vector<16xi32>
      %broadcast_in_dim3A_577 = vector.broadcast %jit3A_575 : i32 to vector<16xi32>
      %select_n3A_578 = arith.select %ge3A_573, %broadcast_in_dim3A_576, %broadcast_in_dim3A_577 : vector<16xi1>, vector<16xi32>
      %add3A_579 = arith.addi %get3A_570, %select_n3A_578 : vector<16xi32>
      %sub3A_580 = vector.broadcast %mul3A_0 : i32 to vector<16xi32>
      %sub3A_581 = arith.subi %add3A_579, %sub3A_580 : vector<16xi32>
      %add3A_582 = vector.broadcast %select_n3A_524 : i32 to vector<16xi32>
      %add3A_583 = arith.addi %sub3A_581, %add3A_582 : vector<16xi32>
      %ge3A_584 = arith.constant 0 : i32
      %ge3A_585 = vector.broadcast %ge3A_584 : i32 to vector<16xi32>
      %ge3A_586 = arith.cmpi sge, %add3A_583, %ge3A_585 : vector<16xi32>
      %lt3A_587 = arith.constant 25000 : i32
      %lt3A_588 = vector.broadcast %lt3A_587 : i32 to vector<16xi32>
      %lt3A_589 = arith.cmpi slt, %add3A_583, %lt3A_588 : vector<16xi32>
      %and3A_590 = arith.andi %ge3A_586, %lt3A_589 : vector<16xi1>
      %convert_element_type3A_591 = arith.extui %and3A_590 : vector<16xi1> to vector<16xi32>
      %reduce_sum3A = arith.constant true
      %reduce_sum3A_592 = vector.broadcast %reduce_sum3A : i1 to vector<16xi1>
      %reduce_sum3A_593 = tpu.scan <sum>, %convert_element_type3A_591 masked %reduce_sum3A_592 : vector<16xi32>, vector<16xi1> -> vector<16xi32>
      %reduce_sum3A_594 = vector.extract %reduce_sum3A_593[15] : i32 from vector<16xi32>
      %get3A_595 = arith.index_cast %rem3A_516 : i32 to index
      %get3A_596 = arith.constant 16 : index
      %get3A_597 = tpu.vector_load %arg6[%get3A_595, %get3A_596] {strides = array<i32>} : memref<2x128xi32, #tpu.memory_space<vmem>>, vector<16xi32>,
      %ge3A_598 = arith.constant 25000 : i32
      %ge3A_599 = vector.broadcast %ge3A_598 : i32 to vector<16xi32>
      %ge3A_600 = arith.cmpi sge, %get3A_597, %ge3A_599 : vector<16xi32>
      %jit3A_601 = arith.constant 88 : i32
      %jit3A_602 = arith.constant 0 : i32
      %broadcast_in_dim3A_603 = vector.broadcast %jit3A_601 : i32 to vector<16xi32>
      %broadcast_in_dim3A_604 = vector.broadcast %jit3A_602 : i32 to vector<16xi32>
      %select_n3A_605 = arith.select %ge3A_600, %broadcast_in_dim3A_603, %broadcast_in_dim3A_604 : vector<16xi1>, vector<16xi32>
      %add3A_606 = arith.addi %get3A_597, %select_n3A_605 : vector<16xi32>
      %get3A_607 = arith.index_cast %rem3A_516 : i32 to index
      %get3A_608 = arith.constant 16 : index
      %get3A_609 = tpu.vector_load %arg7[%get3A_607, %get3A_608] {strides = array<i32>} : memref<2x128xi32, #tpu.memory_space<vmem>>, vector<16xi32>,
      %ge3A_610 = arith.constant 25000 : i32
      %ge3A_611 = vector.broadcast %ge3A_610 : i32 to vector<16xi32>
      %ge3A_612 = arith.cmpi sge, %get3A_609, %ge3A_611 : vector<16xi32>
      %jit3A_613 = arith.constant 88 : i32
      %jit3A_614 = arith.constant 0 : i32
      %broadcast_in_dim3A_615 = vector.broadcast %jit3A_613 : i32 to vector<16xi32>
      %broadcast_in_dim3A_616 = vector.broadcast %jit3A_614 : i32 to vector<16xi32>
      %select_n3A_617 = arith.select %ge3A_612, %broadcast_in_dim3A_615, %broadcast_in_dim3A_616 : vector<16xi1>, vector<16xi32>
      %add3A_618 = arith.addi %get3A_609, %select_n3A_617 : vector<16xi32>
      %sub3A_619 = vector.broadcast %mul3A_0 : i32 to vector<16xi32>
      %sub3A_620 = arith.subi %add3A_618, %sub3A_619 : vector<16xi32>
      %add3A_621 = vector.broadcast %select_n3A_524 : i32 to vector<16xi32>
      %add3A_622 = arith.addi %sub3A_620, %add3A_621 : vector<16xi32>
      %ge3A_623 = arith.constant 0 : i32
      %ge3A_624 = vector.broadcast %ge3A_623 : i32 to vector<16xi32>
      %ge3A_625 = arith.cmpi sge, %add3A_622, %ge3A_624 : vector<16xi32>
      %lt3A_626 = arith.constant 25000 : i32
      %lt3A_627 = vector.broadcast %lt3A_626 : i32 to vector<16xi32>
      %lt3A_628 = arith.cmpi slt, %add3A_622, %lt3A_627 : vector<16xi32>
      %and3A_629 = arith.andi %ge3A_625, %lt3A_628 : vector<16xi1>
      %convert_element_type3A_630 = arith.extui %and3A_629 : vector<16xi1> to vector<16xi32>
      %reduce_sum3A_631 = arith.constant true
      %reduce_sum3A_632 = vector.broadcast %reduce_sum3A_631 : i1 to vector<16xi1>
      %reduce_sum3A_633 = tpu.scan <sum>, %convert_element_type3A_630 masked %reduce_sum3A_632 : vector<16xi32>, vector<16xi1> -> vector<16xi32>
      %reduce_sum3A_634 = vector.extract %reduce_sum3A_633[15] : i32 from vector<16xi32>
      %get3A_635 = arith.index_cast %rem3A_516 : i32 to index
      %get3A_636 = arith.constant 32 : index
      %get3A_637 = tpu.vector_load %arg6[%get3A_635, %get3A_636] {strides = array<i32>} : memref<2x128xi32, #tpu.memory_space<vmem>>, vector<16xi32>,
      %ge3A_638 = arith.constant 25000 : i32
      %ge3A_639 = vector.broadcast %ge3A_638 : i32 to vector<16xi32>
      %ge3A_640 = arith.cmpi sge, %get3A_637, %ge3A_639 : vector<16xi32>
      %jit3A_641 = arith.constant 88 : i32
      %jit3A_642 = arith.constant 0 : i32
      %broadcast_in_dim3A_643 = vector.broadcast %jit3A_641 : i32 to vector<16xi32>
      %broadcast_in_dim3A_644 = vector.broadcast %jit3A_642 : i32 to vector<16xi32>
      %select_n3A_645 = arith.select %ge3A_640, %broadcast_in_dim3A_643, %broadcast_in_dim3A_644 : vector<16xi1>, vector<16xi32>
      %add3A_646 = arith.addi %get3A_637, %select_n3A_645 : vector<16xi32>
      %get3A_647 = arith.index_cast %rem3A_516 : i32 to index
      %get3A_648 = arith.constant 32 : index
      %get3A_649 = tpu.vector_load %arg7[%get3A_647, %get3A_648] {strides = array<i32>} : memref<2x128xi32, #tpu.memory_space<vmem>>, vector<16xi32>,
      %ge3A_650 = arith.constant 25000 : i32
      %ge3A_651 = vector.broadcast %ge3A_650 : i32 to vector<16xi32>
      %ge3A_652 = arith.cmpi sge, %get3A_649, %ge3A_651 : vector<16xi32>
      %jit3A_653 = arith.constant 88 : i32
      %jit3A_654 = arith.constant 0 : i32
      %broadcast_in_dim3A_655 = vector.broadcast %jit3A_653 : i32 to vector<16xi32>
      %broadcast_in_dim3A_656 = vector.broadcast %jit3A_654 : i32 to vector<16xi32>
      %select_n3A_657 = arith.select %ge3A_652, %broadcast_in_dim3A_655, %broadcast_in_dim3A_656 : vector<16xi1>, vector<16xi32>
      %add3A_658 = arith.addi %get3A_649, %select_n3A_657 : vector<16xi32>
      %sub3A_659 = vector.broadcast %mul3A_0 : i32 to vector<16xi32>
      %sub3A_660 = arith.subi %add3A_658, %sub3A_659 : vector<16xi32>
      %add3A_661 = vector.broadcast %select_n3A_524 : i32 to vector<16xi32>
      %add3A_662 = arith.addi %sub3A_660, %add3A_661 : vector<16xi32>
      %ge3A_663 = arith.constant 0 : i32
      %ge3A_664 = vector.broadcast %ge3A_663 : i32 to vector<16xi32>
      %ge3A_665 = arith.cmpi sge, %add3A_662, %ge3A_664 : vector<16xi32>
      %lt3A_666 = arith.constant 25000 : i32
      %lt3A_667 = vector.broadcast %lt3A_666 : i32 to vector<16xi32>
      %lt3A_668 = arith.cmpi slt, %add3A_662, %lt3A_667 : vector<16xi32>
      %and3A_669 = arith.andi %ge3A_665, %lt3A_668 : vector<16xi1>
      %convert_element_type3A_670 = arith.extui %and3A_669 : vector<16xi1> to vector<16xi32>
      %reduce_sum3A_671 = arith.constant true
      %reduce_sum3A_672 = vector.broadcast %reduce_sum3A_671 : i1 to vector<16xi1>
      %reduce_sum3A_673 = tpu.scan <sum>, %convert_element_type3A_670 masked %reduce_sum3A_672 : vector<16xi32>, vector<16xi1> -> vector<16xi32>
      %reduce_sum3A_674 = vector.extract %reduce_sum3A_673[15] : i32 from vector<16xi32>
      %get3A_675 = arith.index_cast %rem3A_516 : i32 to index
      %get3A_676 = arith.constant 48 : index
      %get3A_677 = tpu.vector_load %arg6[%get3A_675, %get3A_676] {strides = array<i32>} : memref<2x128xi32, #tpu.memory_space<vmem>>, vector<16xi32>,
      %ge3A_678 = arith.constant 25000 : i32
      %ge3A_679 = vector.broadcast %ge3A_678 : i32 to vector<16xi32>
      %ge3A_680 = arith.cmpi sge, %get3A_677, %ge3A_679 : vector<16xi32>
      %jit3A_681 = arith.constant 88 : i32
      %jit3A_682 = arith.constant 0 : i32
      %broadcast_in_dim3A_683 = vector.broadcast %jit3A_681 : i32 to vector<16xi32>
      %broadcast_in_dim3A_684 = vector.broadcast %jit3A_682 : i32 to vector<16xi32>
      %select_n3A_685 = arith.select %ge3A_680, %broadcast_in_dim3A_683, %broadcast_in_dim3A_684 : vector<16xi1>, vector<16xi32>
      %add3A_686 = arith.addi %get3A_677, %select_n3A_685 : vector<16xi32>
      %get3A_687 = arith.index_cast %rem3A_516 : i32 to index
      %get3A_688 = arith.constant 48 : index
      %get3A_689 = tpu.vector_load %arg7[%get3A_687, %get3A_688] {strides = array<i32>} : memref<2x128xi32, #tpu.memory_space<vmem>>, vector<16xi32>,
      %ge3A_690 = arith.constant 25000 : i32
      %ge3A_691 = vector.broadcast %ge3A_690 : i32 to vector<16xi32>
      %ge3A_692 = arith.cmpi sge, %get3A_689, %ge3A_691 : vector<16xi32>
      %jit3A_693 = arith.constant 88 : i32
      %jit3A_694 = arith.constant 0 : i32
      %broadcast_in_dim3A_695 = vector.broadcast %jit3A_693 : i32 to vector<16xi32>
      %broadcast_in_dim3A_696 = vector.broadcast %jit3A_694 : i32 to vector<16xi32>
      %select_n3A_697 = arith.select %ge3A_692, %broadcast_in_dim3A_695, %broadcast_in_dim3A_696 : vector<16xi1>, vector<16xi32>
      %add3A_698 = arith.addi %get3A_689, %select_n3A_697 : vector<16xi32>
      %sub3A_699 = vector.broadcast %mul3A_0 : i32 to vector<16xi32>
      %sub3A_700 = arith.subi %add3A_698, %sub3A_699 : vector<16xi32>
      %add3A_701 = vector.broadcast %select_n3A_524 : i32 to vector<16xi32>
      %add3A_702 = arith.addi %sub3A_700, %add3A_701 : vector<16xi32>
      %ge3A_703 = arith.constant 0 : i32
      %ge3A_704 = vector.broadcast %ge3A_703 : i32 to vector<16xi32>
      %ge3A_705 = arith.cmpi sge, %add3A_702, %ge3A_704 : vector<16xi32>
      %lt3A_706 = arith.constant 25000 : i32
      %lt3A_707 = vector.broadcast %lt3A_706 : i32 to vector<16xi32>
      %lt3A_708 = arith.cmpi slt, %add3A_702, %lt3A_707 : vector<16xi32>
      %and3A_709 = arith.andi %ge3A_705, %lt3A_708 : vector<16xi1>
      %convert_element_type3A_710 = arith.extui %and3A_709 : vector<16xi1> to vector<16xi32>
      %reduce_sum3A_711 = arith.constant true
      %reduce_sum3A_712 = vector.broadcast %reduce_sum3A_711 : i1 to vector<16xi1>
      %reduce_sum3A_713 = tpu.scan <sum>, %convert_element_type3A_710 masked %reduce_sum3A_712 : vector<16xi32>, vector<16xi1> -> vector<16xi32>
      %reduce_sum3A_714 = vector.extract %reduce_sum3A_713[15] : i32 from vector<16xi32>
      %get3A_715 = arith.index_cast %rem3A_516 : i32 to index
      %get3A_716 = arith.constant 64 : index
      %get3A_717 = tpu.vector_load %arg6[%get3A_715, %get3A_716] {strides = array<i32>} : memref<2x128xi32, #tpu.memory_space<vmem>>, vector<16xi32>,
      %ge3A_718 = arith.constant 25000 : i32
      %ge3A_719 = vector.broadcast %ge3A_718 : i32 to vector<16xi32>
      %ge3A_720 = arith.cmpi sge, %get3A_717, %ge3A_719 : vector<16xi32>
      %jit3A_721 = arith.constant 88 : i32
      %jit3A_722 = arith.constant 0 : i32
      %broadcast_in_dim3A_723 = vector.broadcast %jit3A_721 : i32 to vector<16xi32>
      %broadcast_in_dim3A_724 = vector.broadcast %jit3A_722 : i32 to vector<16xi32>
      %select_n3A_725 = arith.select %ge3A_720, %broadcast_in_dim3A_723, %broadcast_in_dim3A_724 : vector<16xi1>, vector<16xi32>
      %add3A_726 = arith.addi %get3A_717, %select_n3A_725 : vector<16xi32>
      %get3A_727 = arith.index_cast %rem3A_516 : i32 to index
      %get3A_728 = arith.constant 64 : index
      %get3A_729 = tpu.vector_load %arg7[%get3A_727, %get3A_728] {strides = array<i32>} : memref<2x128xi32, #tpu.memory_space<vmem>>, vector<16xi32>,
      %ge3A_730 = arith.constant 25000 : i32
      %ge3A_731 = vector.broadcast %ge3A_730 : i32 to vector<16xi32>
      %ge3A_732 = arith.cmpi sge, %get3A_729, %ge3A_731 : vector<16xi32>
      %jit3A_733 = arith.constant 88 : i32
      %jit3A_734 = arith.constant 0 : i32
      %broadcast_in_dim3A_735 = vector.broadcast %jit3A_733 : i32 to vector<16xi32>
      %broadcast_in_dim3A_736 = vector.broadcast %jit3A_734 : i32 to vector<16xi32>
      %select_n3A_737 = arith.select %ge3A_732, %broadcast_in_dim3A_735, %broadcast_in_dim3A_736 : vector<16xi1>, vector<16xi32>
      %add3A_738 = arith.addi %get3A_729, %select_n3A_737 : vector<16xi32>
      %sub3A_739 = vector.broadcast %mul3A_0 : i32 to vector<16xi32>
      %sub3A_740 = arith.subi %add3A_738, %sub3A_739 : vector<16xi32>
      %add3A_741 = vector.broadcast %select_n3A_524 : i32 to vector<16xi32>
      %add3A_742 = arith.addi %sub3A_740, %add3A_741 : vector<16xi32>
      %ge3A_743 = arith.constant 0 : i32
      %ge3A_744 = vector.broadcast %ge3A_743 : i32 to vector<16xi32>
      %ge3A_745 = arith.cmpi sge, %add3A_742, %ge3A_744 : vector<16xi32>
      %lt3A_746 = arith.constant 25000 : i32
      %lt3A_747 = vector.broadcast %lt3A_746 : i32 to vector<16xi32>
      %lt3A_748 = arith.cmpi slt, %add3A_742, %lt3A_747 : vector<16xi32>
      %and3A_749 = arith.andi %ge3A_745, %lt3A_748 : vector<16xi1>
      %convert_element_type3A_750 = arith.extui %and3A_749 : vector<16xi1> to vector<16xi32>
      %reduce_sum3A_751 = arith.constant true
      %reduce_sum3A_752 = vector.broadcast %reduce_sum3A_751 : i1 to vector<16xi1>
      %reduce_sum3A_753 = tpu.scan <sum>, %convert_element_type3A_750 masked %reduce_sum3A_752 : vector<16xi32>, vector<16xi1> -> vector<16xi32>
      %reduce_sum3A_754 = vector.extract %reduce_sum3A_753[15] : i32 from vector<16xi32>
      %get3A_755 = arith.index_cast %rem3A_516 : i32 to index
      %get3A_756 = arith.constant 80 : index
      %get3A_757 = tpu.vector_load %arg6[%get3A_755, %get3A_756] {strides = array<i32>} : memref<2x128xi32, #tpu.memory_space<vmem>>, vector<16xi32>,
      %ge3A_758 = arith.constant 25000 : i32
      %ge3A_759 = vector.broadcast %ge3A_758 : i32 to vector<16xi32>
      %ge3A_760 = arith.cmpi sge, %get3A_757, %ge3A_759 : vector<16xi32>
      %jit3A_761 = arith.constant 88 : i32
      %jit3A_762 = arith.constant 0 : i32
      %broadcast_in_dim3A_763 = vector.broadcast %jit3A_761 : i32 to vector<16xi32>
      %broadcast_in_dim3A_764 = vector.broadcast %jit3A_762 : i32 to vector<16xi32>
      %select_n3A_765 = arith.select %ge3A_760, %broadcast_in_dim3A_763, %broadcast_in_dim3A_764 : vector<16xi1>, vector<16xi32>
      %add3A_766 = arith.addi %get3A_757, %select_n3A_765 : vector<16xi32>
      %get3A_767 = arith.index_cast %rem3A_516 : i32 to index
      %get3A_768 = arith.constant 80 : index
      %get3A_769 = tpu.vector_load %arg7[%get3A_767, %get3A_768] {strides = array<i32>} : memref<2x128xi32, #tpu.memory_space<vmem>>, vector<16xi32>,
      %ge3A_770 = arith.constant 25000 : i32
      %ge3A_771 = vector.broadcast %ge3A_770 : i32 to vector<16xi32>
      %ge3A_772 = arith.cmpi sge, %get3A_769, %ge3A_771 : vector<16xi32>
      %jit3A_773 = arith.constant 88 : i32
      %jit3A_774 = arith.constant 0 : i32
      %broadcast_in_dim3A_775 = vector.broadcast %jit3A_773 : i32 to vector<16xi32>
      %broadcast_in_dim3A_776 = vector.broadcast %jit3A_774 : i32 to vector<16xi32>
      %select_n3A_777 = arith.select %ge3A_772, %broadcast_in_dim3A_775, %broadcast_in_dim3A_776 : vector<16xi1>, vector<16xi32>
      %add3A_778 = arith.addi %get3A_769, %select_n3A_777 : vector<16xi32>
      %sub3A_779 = vector.broadcast %mul3A_0 : i32 to vector<16xi32>
      %sub3A_780 = arith.subi %add3A_778, %sub3A_779 : vector<16xi32>
      %add3A_781 = vector.broadcast %select_n3A_524 : i32 to vector<16xi32>
      %add3A_782 = arith.addi %sub3A_780, %add3A_781 : vector<16xi32>
      %ge3A_783 = arith.constant 0 : i32
      %ge3A_784 = vector.broadcast %ge3A_783 : i32 to vector<16xi32>
      %ge3A_785 = arith.cmpi sge, %add3A_782, %ge3A_784 : vector<16xi32>
      %lt3A_786 = arith.constant 25000 : i32
      %lt3A_787 = vector.broadcast %lt3A_786 : i32 to vector<16xi32>
      %lt3A_788 = arith.cmpi slt, %add3A_782, %lt3A_787 : vector<16xi32>
      %and3A_789 = arith.andi %ge3A_785, %lt3A_788 : vector<16xi1>
      %convert_element_type3A_790 = arith.extui %and3A_789 : vector<16xi1> to vector<16xi32>
      %reduce_sum3A_791 = arith.constant true
      %reduce_sum3A_792 = vector.broadcast %reduce_sum3A_791 : i1 to vector<16xi1>
      %reduce_sum3A_793 = tpu.scan <sum>, %convert_element_type3A_790 masked %reduce_sum3A_792 : vector<16xi32>, vector<16xi1> -> vector<16xi32>
      %reduce_sum3A_794 = vector.extract %reduce_sum3A_793[15] : i32 from vector<16xi32>
      %get3A_795 = arith.index_cast %rem3A_516 : i32 to index
      %get3A_796 = arith.constant 96 : index
      %get3A_797 = tpu.vector_load %arg6[%get3A_795, %get3A_796] {strides = array<i32>} : memref<2x128xi32, #tpu.memory_space<vmem>>, vector<16xi32>,
      %ge3A_798 = arith.constant 25000 : i32
      %ge3A_799 = vector.broadcast %ge3A_798 : i32 to vector<16xi32>
      %ge3A_800 = arith.cmpi sge, %get3A_797, %ge3A_799 : vector<16xi32>
      %jit3A_801 = arith.constant 88 : i32
      %jit3A_802 = arith.constant 0 : i32
      %broadcast_in_dim3A_803 = vector.broadcast %jit3A_801 : i32 to vector<16xi32>
      %broadcast_in_dim3A_804 = vector.broadcast %jit3A_802 : i32 to vector<16xi32>
      %select_n3A_805 = arith.select %ge3A_800, %broadcast_in_dim3A_803, %broadcast_in_dim3A_804 : vector<16xi1>, vector<16xi32>
      %add3A_806 = arith.addi %get3A_797, %select_n3A_805 : vector<16xi32>
      %get3A_807 = arith.index_cast %rem3A_516 : i32 to index
      %get3A_808 = arith.constant 96 : index
      %get3A_809 = tpu.vector_load %arg7[%get3A_807, %get3A_808] {strides = array<i32>} : memref<2x128xi32, #tpu.memory_space<vmem>>, vector<16xi32>,
      %ge3A_810 = arith.constant 25000 : i32
      %ge3A_811 = vector.broadcast %ge3A_810 : i32 to vector<16xi32>
      %ge3A_812 = arith.cmpi sge, %get3A_809, %ge3A_811 : vector<16xi32>
      %jit3A_813 = arith.constant 88 : i32
      %jit3A_814 = arith.constant 0 : i32
      %broadcast_in_dim3A_815 = vector.broadcast %jit3A_813 : i32 to vector<16xi32>
      %broadcast_in_dim3A_816 = vector.broadcast %jit3A_814 : i32 to vector<16xi32>
      %select_n3A_817 = arith.select %ge3A_812, %broadcast_in_dim3A_815, %broadcast_in_dim3A_816 : vector<16xi1>, vector<16xi32>
      %add3A_818 = arith.addi %get3A_809, %select_n3A_817 : vector<16xi32>
      %sub3A_819 = vector.broadcast %mul3A_0 : i32 to vector<16xi32>
      %sub3A_820 = arith.subi %add3A_818, %sub3A_819 : vector<16xi32>
      %add3A_821 = vector.broadcast %select_n3A_524 : i32 to vector<16xi32>
      %add3A_822 = arith.addi %sub3A_820, %add3A_821 : vector<16xi32>
      %ge3A_823 = arith.constant 0 : i32
      %ge3A_824 = vector.broadcast %ge3A_823 : i32 to vector<16xi32>
      %ge3A_825 = arith.cmpi sge, %add3A_822, %ge3A_824 : vector<16xi32>
      %lt3A_826 = arith.constant 25000 : i32
      %lt3A_827 = vector.broadcast %lt3A_826 : i32 to vector<16xi32>
      %lt3A_828 = arith.cmpi slt, %add3A_822, %lt3A_827 : vector<16xi32>
      %and3A_829 = arith.andi %ge3A_825, %lt3A_828 : vector<16xi1>
      %convert_element_type3A_830 = arith.extui %and3A_829 : vector<16xi1> to vector<16xi32>
      %reduce_sum3A_831 = arith.constant true
      %reduce_sum3A_832 = vector.broadcast %reduce_sum3A_831 : i1 to vector<16xi1>
      %reduce_sum3A_833 = tpu.scan <sum>, %convert_element_type3A_830 masked %reduce_sum3A_832 : vector<16xi32>, vector<16xi1> -> vector<16xi32>
      %reduce_sum3A_834 = vector.extract %reduce_sum3A_833[15] : i32 from vector<16xi32>
      %get3A_835 = arith.index_cast %rem3A_516 : i32 to index
      %get3A_836 = arith.constant 112 : index
      %get3A_837 = tpu.vector_load %arg6[%get3A_835, %get3A_836] {strides = array<i32>} : memref<2x128xi32, #tpu.memory_space<vmem>>, vector<16xi32>,
      %ge3A_838 = arith.constant 25000 : i32
      %ge3A_839 = vector.broadcast %ge3A_838 : i32 to vector<16xi32>
      %ge3A_840 = arith.cmpi sge, %get3A_837, %ge3A_839 : vector<16xi32>
      %jit3A_841 = arith.constant 88 : i32
      %jit3A_842 = arith.constant 0 : i32
      %broadcast_in_dim3A_843 = vector.broadcast %jit3A_841 : i32 to vector<16xi32>
      %broadcast_in_dim3A_844 = vector.broadcast %jit3A_842 : i32 to vector<16xi32>
      %select_n3A_845 = arith.select %ge3A_840, %broadcast_in_dim3A_843, %broadcast_in_dim3A_844 : vector<16xi1>, vector<16xi32>
      %add3A_846 = arith.addi %get3A_837, %select_n3A_845 : vector<16xi32>
      %get3A_847 = arith.index_cast %rem3A_516 : i32 to index
      %get3A_848 = arith.constant 112 : index
      %get3A_849 = tpu.vector_load %arg7[%get3A_847, %get3A_848] {strides = array<i32>} : memref<2x128xi32, #tpu.memory_space<vmem>>, vector<16xi32>,
      %ge3A_850 = arith.constant 25000 : i32
      %ge3A_851 = vector.broadcast %ge3A_850 : i32 to vector<16xi32>
      %ge3A_852 = arith.cmpi sge, %get3A_849, %ge3A_851 : vector<16xi32>
      %jit3A_853 = arith.constant 88 : i32
      %jit3A_854 = arith.constant 0 : i32
      %broadcast_in_dim3A_855 = vector.broadcast %jit3A_853 : i32 to vector<16xi32>
      %broadcast_in_dim3A_856 = vector.broadcast %jit3A_854 : i32 to vector<16xi32>
      %select_n3A_857 = arith.select %ge3A_852, %broadcast_in_dim3A_855, %broadcast_in_dim3A_856 : vector<16xi1>, vector<16xi32>
      %add3A_858 = arith.addi %get3A_849, %select_n3A_857 : vector<16xi32>
      %sub3A_859 = vector.broadcast %mul3A_0 : i32 to vector<16xi32>
      %sub3A_860 = arith.subi %add3A_858, %sub3A_859 : vector<16xi32>
      %add3A_861 = vector.broadcast %select_n3A_524 : i32 to vector<16xi32>
      %add3A_862 = arith.addi %sub3A_860, %add3A_861 : vector<16xi32>
      %ge3A_863 = arith.constant 0 : i32
      %ge3A_864 = vector.broadcast %ge3A_863 : i32 to vector<16xi32>
      %ge3A_865 = arith.cmpi sge, %add3A_862, %ge3A_864 : vector<16xi32>
      %lt3A_866 = arith.constant 25000 : i32
      %lt3A_867 = vector.broadcast %lt3A_866 : i32 to vector<16xi32>
      %lt3A_868 = arith.cmpi slt, %add3A_862, %lt3A_867 : vector<16xi32>
      %and3A_869 = arith.andi %ge3A_865, %lt3A_868 : vector<16xi1>
      %convert_element_type3A_870 = arith.extui %and3A_869 : vector<16xi1> to vector<16xi32>
      %reduce_sum3A_871 = arith.constant true
      %reduce_sum3A_872 = vector.broadcast %reduce_sum3A_871 : i1 to vector<16xi1>
      %reduce_sum3A_873 = tpu.scan <sum>, %convert_element_type3A_870 masked %reduce_sum3A_872 : vector<16xi32>, vector<16xi1> -> vector<16xi32>
      %reduce_sum3A_874 = vector.extract %reduce_sum3A_873[15] : i32 from vector<16xi32>
      %add3A_875 = arith.addi %scan3A_506, %reduce_sum3A_594 : i32
      %add3A_876 = arith.addi %add3A_875, %reduce_sum3A_634 : i32
      %add3A_877 = arith.addi %add3A_876, %reduce_sum3A_674 : i32
      %add3A_878 = arith.addi %add3A_877, %reduce_sum3A_714 : i32
      %add3A_879 = arith.addi %add3A_878, %reduce_sum3A_754 : i32
      %add3A_880 = arith.addi %add3A_879, %reduce_sum3A_794 : i32
      %add3A_881 = arith.addi %add3A_880, %reduce_sum3A_834 : i32
      %add3A_882 = arith.addi %add3A_881, %reduce_sum3A_874 : i32
      %gt3A = arith.constant 0 : i32
      %gt3A_883 = vector.broadcast %gt3A : i32 to vector<16xi32>
      %gt3A_884 = arith.cmpi sgt, %convert_element_type3A_591, %gt3A_883 : vector<16xi32>
      %broadcast_in_dim3A_885 = arith.constant true
      %broadcast_in_dim3A_886 = vector.broadcast %broadcast_in_dim3A_885 : i1 to vector<16xi1>
      %masked_cumsum3A = tpu.scan <sum>, %convert_element_type3A_591 masked %broadcast_in_dim3A_886 : vector<16xi32>, vector<16xi1> -> vector<16xi32>
      %add3A_887 = vector.broadcast %scan3A_506 : i32 to vector<16xi32>
      %add3A_888 = arith.addi %add3A_887, %masked_cumsum3A : vector<16xi32>
      %sub3A_889 = arith.constant 1 : i32
      %sub3A_890 = vector.broadcast %sub3A_889 : i32 to vector<16xi32>
      %sub3A_891 = arith.subi %add3A_888, %sub3A_890 : vector<16xi32>
      tpu.vector_store_idx %arg11[%sub3A_891], %add3A_567 masked %gt3A_884 : memref<272xi32, #tpu.memory_space<vmem>>[vector<16xi32>], vector<16xi32>, vector<16xi1>
      tpu.vector_store_idx %arg12[%sub3A_891], %add3A_583 masked %gt3A_884 : memref<272xi32, #tpu.memory_space<vmem>>[vector<16xi32>], vector<16xi32>, vector<16xi1>
      %gt3A_892 = arith.constant 0 : i32
      %gt3A_893 = vector.broadcast %gt3A_892 : i32 to vector<16xi32>
      %gt3A_894 = arith.cmpi sgt, %convert_element_type3A_630, %gt3A_893 : vector<16xi32>
      %broadcast_in_dim3A_895 = arith.constant true
      %broadcast_in_dim3A_896 = vector.broadcast %broadcast_in_dim3A_895 : i1 to vector<16xi1>
      %masked_cumsum3A_897 = tpu.scan <sum>, %convert_element_type3A_630 masked %broadcast_in_dim3A_896 : vector<16xi32>, vector<16xi1> -> vector<16xi32>
      %add3A_898 = vector.broadcast %add3A_875 : i32 to vector<16xi32>
      %add3A_899 = arith.addi %add3A_898, %masked_cumsum3A_897 : vector<16xi32>
      %sub3A_900 = arith.constant 1 : i32
      %sub3A_901 = vector.broadcast %sub3A_900 : i32 to vector<16xi32>
      %sub3A_902 = arith.subi %add3A_899, %sub3A_901 : vector<16xi32>
      tpu.vector_store_idx %arg11[%sub3A_902], %add3A_606 masked %gt3A_894 : memref<272xi32, #tpu.memory_space<vmem>>[vector<16xi32>], vector<16xi32>, vector<16xi1>
      tpu.vector_store_idx %arg12[%sub3A_902], %add3A_622 masked %gt3A_894 : memref<272xi32, #tpu.memory_space<vmem>>[vector<16xi32>], vector<16xi32>, vector<16xi1>
      %gt3A_903 = arith.constant 0 : i32
      %gt3A_904 = vector.broadcast %gt3A_903 : i32 to vector<16xi32>
      %gt3A_905 = arith.cmpi sgt, %convert_element_type3A_670, %gt3A_904 : vector<16xi32>
      %broadcast_in_dim3A_906 = arith.constant true
      %broadcast_in_dim3A_907 = vector.broadcast %broadcast_in_dim3A_906 : i1 to vector<16xi1>
      %masked_cumsum3A_908 = tpu.scan <sum>, %convert_element_type3A_670 masked %broadcast_in_dim3A_907 : vector<16xi32>, vector<16xi1> -> vector<16xi32>
      %add3A_909 = vector.broadcast %add3A_876 : i32 to vector<16xi32>
      %add3A_910 = arith.addi %add3A_909, %masked_cumsum3A_908 : vector<16xi32>
      %sub3A_911 = arith.constant 1 : i32
      %sub3A_912 = vector.broadcast %sub3A_911 : i32 to vector<16xi32>
      %sub3A_913 = arith.subi %add3A_910, %sub3A_912 : vector<16xi32>
      tpu.vector_store_idx %arg11[%sub3A_913], %add3A_646 masked %gt3A_905 : memref<272xi32, #tpu.memory_space<vmem>>[vector<16xi32>], vector<16xi32>, vector<16xi1>
      tpu.vector_store_idx %arg12[%sub3A_913], %add3A_662 masked %gt3A_905 : memref<272xi32, #tpu.memory_space<vmem>>[vector<16xi32>], vector<16xi32>, vector<16xi1>
      %gt3A_914 = arith.constant 0 : i32
      %gt3A_915 = vector.broadcast %gt3A_914 : i32 to vector<16xi32>
      %gt3A_916 = arith.cmpi sgt, %convert_element_type3A_710, %gt3A_915 : vector<16xi32>
      %broadcast_in_dim3A_917 = arith.constant true
      %broadcast_in_dim3A_918 = vector.broadcast %broadcast_in_dim3A_917 : i1 to vector<16xi1>
      %masked_cumsum3A_919 = tpu.scan <sum>, %convert_element_type3A_710 masked %broadcast_in_dim3A_918 : vector<16xi32>, vector<16xi1> -> vector<16xi32>
      %add3A_920 = vector.broadcast %add3A_877 : i32 to vector<16xi32>
      %add3A_921 = arith.addi %add3A_920, %masked_cumsum3A_919 : vector<16xi32>
      %sub3A_922 = arith.constant 1 : i32
      %sub3A_923 = vector.broadcast %sub3A_922 : i32 to vector<16xi32>
      %sub3A_924 = arith.subi %add3A_921, %sub3A_923 : vector<16xi32>
      tpu.vector_store_idx %arg11[%sub3A_924], %add3A_686 masked %gt3A_916 : memref<272xi32, #tpu.memory_space<vmem>>[vector<16xi32>], vector<16xi32>, vector<16xi1>
      tpu.vector_store_idx %arg12[%sub3A_924], %add3A_702 masked %gt3A_916 : memref<272xi32, #tpu.memory_space<vmem>>[vector<16xi32>], vector<16xi32>, vector<16xi1>
      %gt3A_925 = arith.constant 0 : i32
      %gt3A_926 = vector.broadcast %gt3A_925 : i32 to vector<16xi32>
      %gt3A_927 = arith.cmpi sgt, %convert_element_type3A_750, %gt3A_926 : vector<16xi32>
      %broadcast_in_dim3A_928 = arith.constant true
      %broadcast_in_dim3A_929 = vector.broadcast %broadcast_in_dim3A_928 : i1 to vector<16xi1>
      %masked_cumsum3A_930 = tpu.scan <sum>, %convert_element_type3A_750 masked %broadcast_in_dim3A_929 : vector<16xi32>, vector<16xi1> -> vector<16xi32>
      %add3A_931 = vector.broadcast %add3A_878 : i32 to vector<16xi32>
      %add3A_932 = arith.addi %add3A_931, %masked_cumsum3A_930 : vector<16xi32>
      %sub3A_933 = arith.constant 1 : i32
      %sub3A_934 = vector.broadcast %sub3A_933 : i32 to vector<16xi32>
      %sub3A_935 = arith.subi %add3A_932, %sub3A_934 : vector<16xi32>
      tpu.vector_store_idx %arg11[%sub3A_935], %add3A_726 masked %gt3A_927 : memref<272xi32, #tpu.memory_space<vmem>>[vector<16xi32>], vector<16xi32>, vector<16xi1>
      tpu.vector_store_idx %arg12[%sub3A_935], %add3A_742 masked %gt3A_927 : memref<272xi32, #tpu.memory_space<vmem>>[vector<16xi32>], vector<16xi32>, vector<16xi1>
      %gt3A_936 = arith.constant 0 : i32
      %gt3A_937 = vector.broadcast %gt3A_936 : i32 to vector<16xi32>
      %gt3A_938 = arith.cmpi sgt, %convert_element_type3A_790, %gt3A_937 : vector<16xi32>
      %broadcast_in_dim3A_939 = arith.constant true
      %broadcast_in_dim3A_940 = vector.broadcast %broadcast_in_dim3A_939 : i1 to vector<16xi1>
      %masked_cumsum3A_941 = tpu.scan <sum>, %convert_element_type3A_790 masked %broadcast_in_dim3A_940 : vector<16xi32>, vector<16xi1> -> vector<16xi32>
      %add3A_942 = vector.broadcast %add3A_879 : i32 to vector<16xi32>
      %add3A_943 = arith.addi %add3A_942, %masked_cumsum3A_941 : vector<16xi32>
      %sub3A_944 = arith.constant 1 : i32
      %sub3A_945 = vector.broadcast %sub3A_944 : i32 to vector<16xi32>
      %sub3A_946 = arith.subi %add3A_943, %sub3A_945 : vector<16xi32>
      tpu.vector_store_idx %arg11[%sub3A_946], %add3A_766 masked %gt3A_938 : memref<272xi32, #tpu.memory_space<vmem>>[vector<16xi32>], vector<16xi32>, vector<16xi1>
      tpu.vector_store_idx %arg12[%sub3A_946], %add3A_782 masked %gt3A_938 : memref<272xi32, #tpu.memory_space<vmem>>[vector<16xi32>], vector<16xi32>, vector<16xi1>
      %gt3A_947 = arith.constant 0 : i32
      %gt3A_948 = vector.broadcast %gt3A_947 : i32 to vector<16xi32>
      %gt3A_949 = arith.cmpi sgt, %convert_element_type3A_830, %gt3A_948 : vector<16xi32>
      %broadcast_in_dim3A_950 = arith.constant true
      %broadcast_in_dim3A_951 = vector.broadcast %broadcast_in_dim3A_950 : i1 to vector<16xi1>
      %masked_cumsum3A_952 = tpu.scan <sum>, %convert_element_type3A_830 masked %broadcast_in_dim3A_951 : vector<16xi32>, vector<16xi1> -> vector<16xi32>
      %add3A_953 = vector.broadcast %add3A_880 : i32 to vector<16xi32>
      %add3A_954 = arith.addi %add3A_953, %masked_cumsum3A_952 : vector<16xi32>
      %sub3A_955 = arith.constant 1 : i32
      %sub3A_956 = vector.broadcast %sub3A_955 : i32 to vector<16xi32>
      %sub3A_957 = arith.subi %add3A_954, %sub3A_956 : vector<16xi32>
      tpu.vector_store_idx %arg11[%sub3A_957], %add3A_806 masked %gt3A_949 : memref<272xi32, #tpu.memory_space<vmem>>[vector<16xi32>], vector<16xi32>, vector<16xi1>
      tpu.vector_store_idx %arg12[%sub3A_957], %add3A_822 masked %gt3A_949 : memref<272xi32, #tpu.memory_space<vmem>>[vector<16xi32>], vector<16xi32>, vector<16xi1>
      %gt3A_958 = arith.constant 0 : i32
      %gt3A_959 = vector.broadcast %gt3A_958 : i32 to vector<16xi32>
      %gt3A_960 = arith.cmpi sgt, %convert_element_type3A_870, %gt3A_959 : vector<16xi32>
      %broadcast_in_dim3A_961 = arith.constant true
      %broadcast_in_dim3A_962 = vector.broadcast %broadcast_in_dim3A_961 : i1 to vector<16xi1>
      %masked_cumsum3A_963 = tpu.scan <sum>, %convert_element_type3A_870 masked %broadcast_in_dim3A_962 : vector<16xi32>, vector<16xi1> -> vector<16xi32>
      %add3A_964 = vector.broadcast %add3A_881 : i32 to vector<16xi32>
      %add3A_965 = arith.addi %add3A_964, %masked_cumsum3A_963 : vector<16xi32>
      %sub3A_966 = arith.constant 1 : i32
      %sub3A_967 = vector.broadcast %sub3A_966 : i32 to vector<16xi32>
      %sub3A_968 = arith.subi %add3A_965, %sub3A_967 : vector<16xi32>
      tpu.vector_store_idx %arg11[%sub3A_968], %add3A_846 masked %gt3A_960 : memref<272xi32, #tpu.memory_space<vmem>>[vector<16xi32>], vector<16xi32>, vector<16xi1>
      tpu.vector_store_idx %arg12[%sub3A_968], %add3A_862 masked %gt3A_960 : memref<272xi32, #tpu.memory_space<vmem>>[vector<16xi32>], vector<16xi32>, vector<16xi1>
      %ge3A_969 = arith.constant 128 : i32
      %ge3A_970 = arith.cmpi sge, %add3A_882, %ge3A_969 : i32
      %convert_element_type3A_971 = arith.extui %ge3A_970 : i1 to i32
      %cond3A_972 = arith.constant 0 : i32
      %cond3A_973 = arith.cmpi ne, %convert_element_type3A_971, %cond3A_972 : i32
      scf.if %cond3A_973 {
        %rem3A_983 = arith.constant 3 : i32
        %rem3A_984 = arith.remsi %scan3A_507, %rem3A_983 : i32
        %ge3A_985 = arith.constant 3 : i32
        %ge3A_986 = arith.cmpi sge, %scan3A_507, %ge3A_985 : i32
        %convert_element_type3A_987 = arith.extui %ge3A_986 : i1 to i32
        %cond3A_988 = arith.constant 0 : i32
        %cond3A_989 = arith.cmpi ne, %convert_element_type3A_987, %cond3A_988 : i32
        scf.if %cond3A_989 {
          %dma_wait3A_1151 = arith.constant 0 : i32
          %dma_wait3A_1152 = arith.constant 0 : i32
          %dma_wait3A_1153 = tpu.memref_slice %arg10[%rem3A_984, %dma_wait3A_1151, %dma_wait3A_1152] : memref<3x128x64xf32, #tpu.memory_space<vmem>> -> memref<1x128x64xf32, #tpu.memory_space<vmem>>
          %dma_wait3A_1154 = tpu.memref_squeeze %dma_wait3A_1153 : memref<1x128x64xf32, #tpu.memory_space<vmem>> -> memref<128x64xf32, #tpu.memory_space<vmem>>
          %dma_wait3A_1155 = arith.constant 0 : i32
          %dma_wait3A_1156 = tpu.memref_slice %arg9[%rem3A_984, %dma_wait3A_1155] : memref<3x128xi32, #tpu.memory_space<vmem>> -> memref<1x128xi32, #tpu.memory_space<vmem>>
          %dma_wait3A_1157 = tpu.memref_squeeze %dma_wait3A_1156 : memref<1x128xi32, #tpu.memory_space<vmem>> -> memref<128xi32, #tpu.memory_space<vmem>>
          %dma_wait3A_1158 = arith.constant 0 : i32
          %dma_wait3A_1159 = arith.constant 0 : i32
          %dma_wait3A_1160 = tpu.memref_slice %arg18[%dma_wait3A_1158, %dma_wait3A_1159] : memref<25088x64xf32, #tpu.memory_space<vmem_shared>> -> memref<25088x64xf32, #tpu.memory_space<vmem_shared>>
          %dma_wait3A_1161 = tpu.memref_slice %arg17[%rem3A_984] : memref<3x!tpu.dma_semaphore, #tpu.memory_space<semaphore_mem>> -> memref<1x!tpu.dma_semaphore, #tpu.memory_space<semaphore_mem>>
          %dma_wait3A_1162 = tpu.memref_squeeze %dma_wait3A_1161 : memref<1x!tpu.dma_semaphore, #tpu.memory_space<semaphore_mem>> -> memref<!tpu.dma_semaphore, #tpu.memory_space<semaphore_mem>>
          tpu.wait_indirect_dma semaphore(%dma_wait3A_1162 : memref<!tpu.dma_semaphore, #tpu.memory_space<semaphore_mem>>) src(%dma_wait3A_1154 : memref<128x64xf32, #tpu.memory_space<vmem>>) dst(%dma_wait3A_1160 : memref<25088x64xf32, #tpu.memory_space<vmem_shared>>)
        } else {
        }
        %get3A_990 = arith.constant 0 : index
        %get3A_991 = tpu.vector_load %arg11[%get3A_990] {strides = array<i32>} : memref<272xi32, #tpu.memory_space<vmem>>, vector<16xi32>,
        %swap3A_992 = arith.index_cast %rem3A_984 : i32 to index
        %swap3A_993 = arith.constant 0 : index
        %swap3A_994 = tpu.vector_load %arg8[%swap3A_992, %swap3A_993] {strides = array<i32>} : memref<3x128xi32, #tpu.memory_space<vmem>>, vector<16xi32>,
        tpu.vector_store %arg8[%swap3A_992, %swap3A_993], %get3A_991 {strides = array<i32>} : memref<3x128xi32, #tpu.memory_space<vmem>>, vector<16xi32>,
        %get3A_995 = arith.constant 0 : index
        %get3A_996 = tpu.vector_load %arg12[%get3A_995] {strides = array<i32>} : memref<272xi32, #tpu.memory_space<vmem>>, vector<16xi32>,
        %swap3A_997 = arith.index_cast %rem3A_984 : i32 to index
        %swap3A_998 = arith.constant 0 : index
        %swap3A_999 = tpu.vector_load %arg9[%swap3A_997, %swap3A_998] {strides = array<i32>} : memref<3x128xi32, #tpu.memory_space<vmem>>, vector<16xi32>,
        tpu.vector_store %arg9[%swap3A_997, %swap3A_998], %get3A_996 {strides = array<i32>} : memref<3x128xi32, #tpu.memory_space<vmem>>, vector<16xi32>,
        %get3A_1000 = arith.constant 16 : index
        %get3A_1001 = tpu.vector_load %arg11[%get3A_1000] {strides = array<i32>} : memref<272xi32, #tpu.memory_space<vmem>>, vector<16xi32>,
        %swap3A_1002 = arith.index_cast %rem3A_984 : i32 to index
        %swap3A_1003 = arith.constant 16 : index
        %swap3A_1004 = tpu.vector_load %arg8[%swap3A_1002, %swap3A_1003] {strides = array<i32>} : memref<3x128xi32, #tpu.memory_space<vmem>>, vector<16xi32>,
        tpu.vector_store %arg8[%swap3A_1002, %swap3A_1003], %get3A_1001 {strides = array<i32>} : memref<3x128xi32, #tpu.memory_space<vmem>>, vector<16xi32>,
        %get3A_1005 = arith.constant 16 : index
        %get3A_1006 = tpu.vector_load %arg12[%get3A_1005] {strides = array<i32>} : memref<272xi32, #tpu.memory_space<vmem>>, vector<16xi32>,
        %swap3A_1007 = arith.index_cast %rem3A_984 : i32 to index
        %swap3A_1008 = arith.constant 16 : index
        %swap3A_1009 = tpu.vector_load %arg9[%swap3A_1007, %swap3A_1008] {strides = array<i32>} : memref<3x128xi32, #tpu.memory_space<vmem>>, vector<16xi32>,
        tpu.vector_store %arg9[%swap3A_1007, %swap3A_1008], %get3A_1006 {strides = array<i32>} : memref<3x128xi32, #tpu.memory_space<vmem>>, vector<16xi32>,
        %get3A_1010 = arith.constant 32 : index
        %get3A_1011 = tpu.vector_load %arg11[%get3A_1010] {strides = array<i32>} : memref<272xi32, #tpu.memory_space<vmem>>, vector<16xi32>,
        %swap3A_1012 = arith.index_cast %rem3A_984 : i32 to index
        %swap3A_1013 = arith.constant 32 : index
        %swap3A_1014 = tpu.vector_load %arg8[%swap3A_1012, %swap3A_1013] {strides = array<i32>} : memref<3x128xi32, #tpu.memory_space<vmem>>, vector<16xi32>,
        tpu.vector_store %arg8[%swap3A_1012, %swap3A_1013], %get3A_1011 {strides = array<i32>} : memref<3x128xi32, #tpu.memory_space<vmem>>, vector<16xi32>,
        %get3A_1015 = arith.constant 32 : index
        %get3A_1016 = tpu.vector_load %arg12[%get3A_1015] {strides = array<i32>} : memref<272xi32, #tpu.memory_space<vmem>>, vector<16xi32>,
        %swap3A_1017 = arith.index_cast %rem3A_984 : i32 to index
        %swap3A_1018 = arith.constant 32 : index
        %swap3A_1019 = tpu.vector_load %arg9[%swap3A_1017, %swap3A_1018] {strides = array<i32>} : memref<3x128xi32, #tpu.memory_space<vmem>>, vector<16xi32>,
        tpu.vector_store %arg9[%swap3A_1017, %swap3A_1018], %get3A_1016 {strides = array<i32>} : memref<3x128xi32, #tpu.memory_space<vmem>>, vector<16xi32>,
        %get3A_1020 = arith.constant 48 : index
        %get3A_1021 = tpu.vector_load %arg11[%get3A_1020] {strides = array<i32>} : memref<272xi32, #tpu.memory_space<vmem>>, vector<16xi32>,
        %swap3A_1022 = arith.index_cast %rem3A_984 : i32 to index
        %swap3A_1023 = arith.constant 48 : index
        %swap3A_1024 = tpu.vector_load %arg8[%swap3A_1022, %swap3A_1023] {strides = array<i32>} : memref<3x128xi32, #tpu.memory_space<vmem>>, vector<16xi32>,
        tpu.vector_store %arg8[%swap3A_1022, %swap3A_1023], %get3A_1021 {strides = array<i32>} : memref<3x128xi32, #tpu.memory_space<vmem>>, vector<16xi32>,
        %get3A_1025 = arith.constant 48 : index
        %get3A_1026 = tpu.vector_load %arg12[%get3A_1025] {strides = array<i32>} : memref<272xi32, #tpu.memory_space<vmem>>, vector<16xi32>,
        %swap3A_1027 = arith.index_cast %rem3A_984 : i32 to index
        %swap3A_1028 = arith.constant 48 : index
        %swap3A_1029 = tpu.vector_load %arg9[%swap3A_1027, %swap3A_1028] {strides = array<i32>} : memref<3x128xi32, #tpu.memory_space<vmem>>, vector<16xi32>,
        tpu.vector_store %arg9[%swap3A_1027, %swap3A_1028], %get3A_1026 {strides = array<i32>} : memref<3x128xi32, #tpu.memory_space<vmem>>, vector<16xi32>,
        %get3A_1030 = arith.constant 64 : index
        %get3A_1031 = tpu.vector_load %arg11[%get3A_1030] {strides = array<i32>} : memref<272xi32, #tpu.memory_space<vmem>>, vector<16xi32>,
        %swap3A_1032 = arith.index_cast %rem3A_984 : i32 to index
        %swap3A_1033 = arith.constant 64 : index
        %swap3A_1034 = tpu.vector_load %arg8[%swap3A_1032, %swap3A_1033] {strides = array<i32>} : memref<3x128xi32, #tpu.memory_space<vmem>>, vector<16xi32>,
        tpu.vector_store %arg8[%swap3A_1032, %swap3A_1033], %get3A_1031 {strides = array<i32>} : memref<3x128xi32, #tpu.memory_space<vmem>>, vector<16xi32>,
        %get3A_1035 = arith.constant 64 : index
        %get3A_1036 = tpu.vector_load %arg12[%get3A_1035] {strides = array<i32>} : memref<272xi32, #tpu.memory_space<vmem>>, vector<16xi32>,
        %swap3A_1037 = arith.index_cast %rem3A_984 : i32 to index
        %swap3A_1038 = arith.constant 64 : index
        %swap3A_1039 = tpu.vector_load %arg9[%swap3A_1037, %swap3A_1038] {strides = array<i32>} : memref<3x128xi32, #tpu.memory_space<vmem>>, vector<16xi32>,
        tpu.vector_store %arg9[%swap3A_1037, %swap3A_1038], %get3A_1036 {strides = array<i32>} : memref<3x128xi32, #tpu.memory_space<vmem>>, vector<16xi32>,
        %get3A_1040 = arith.constant 80 : index
        %get3A_1041 = tpu.vector_load %arg11[%get3A_1040] {strides = array<i32>} : memref<272xi32, #tpu.memory_space<vmem>>, vector<16xi32>,
        %swap3A_1042 = arith.index_cast %rem3A_984 : i32 to index
        %swap3A_1043 = arith.constant 80 : index
        %swap3A_1044 = tpu.vector_load %arg8[%swap3A_1042, %swap3A_1043] {strides = array<i32>} : memref<3x128xi32, #tpu.memory_space<vmem>>, vector<16xi32>,
        tpu.vector_store %arg8[%swap3A_1042, %swap3A_1043], %get3A_1041 {strides = array<i32>} : memref<3x128xi32, #tpu.memory_space<vmem>>, vector<16xi32>,
        %get3A_1045 = arith.constant 80 : index
        %get3A_1046 = tpu.vector_load %arg12[%get3A_1045] {strides = array<i32>} : memref<272xi32, #tpu.memory_space<vmem>>, vector<16xi32>,
        %swap3A_1047 = arith.index_cast %rem3A_984 : i32 to index
        %swap3A_1048 = arith.constant 80 : index
        %swap3A_1049 = tpu.vector_load %arg9[%swap3A_1047, %swap3A_1048] {strides = array<i32>} : memref<3x128xi32, #tpu.memory_space<vmem>>, vector<16xi32>,
        tpu.vector_store %arg9[%swap3A_1047, %swap3A_1048], %get3A_1046 {strides = array<i32>} : memref<3x128xi32, #tpu.memory_space<vmem>>, vector<16xi32>,
        %get3A_1050 = arith.constant 96 : index
        %get3A_1051 = tpu.vector_load %arg11[%get3A_1050] {strides = array<i32>} : memref<272xi32, #tpu.memory_space<vmem>>, vector<16xi32>,
        %swap3A_1052 = arith.index_cast %rem3A_984 : i32 to index
        %swap3A_1053 = arith.constant 96 : index
        %swap3A_1054 = tpu.vector_load %arg8[%swap3A_1052, %swap3A_1053] {strides = array<i32>} : memref<3x128xi32, #tpu.memory_space<vmem>>, vector<16xi32>,
        tpu.vector_store %arg8[%swap3A_1052, %swap3A_1053], %get3A_1051 {strides = array<i32>} : memref<3x128xi32, #tpu.memory_space<vmem>>, vector<16xi32>,
        %get3A_1055 = arith.constant 96 : index
        %get3A_1056 = tpu.vector_load %arg12[%get3A_1055] {strides = array<i32>} : memref<272xi32, #tpu.memory_space<vmem>>, vector<16xi32>,
        %swap3A_1057 = arith.index_cast %rem3A_984 : i32 to index
        %swap3A_1058 = arith.constant 96 : index
        %swap3A_1059 = tpu.vector_load %arg9[%swap3A_1057, %swap3A_1058] {strides = array<i32>} : memref<3x128xi32, #tpu.memory_space<vmem>>, vector<16xi32>,
        tpu.vector_store %arg9[%swap3A_1057, %swap3A_1058], %get3A_1056 {strides = array<i32>} : memref<3x128xi32, #tpu.memory_space<vmem>>, vector<16xi32>,
        %get3A_1060 = arith.constant 112 : index
        %get3A_1061 = tpu.vector_load %arg11[%get3A_1060] {strides = array<i32>} : memref<272xi32, #tpu.memory_space<vmem>>, vector<16xi32>,
        %swap3A_1062 = arith.index_cast %rem3A_984 : i32 to index
        %swap3A_1063 = arith.constant 112 : index
        %swap3A_1064 = tpu.vector_load %arg8[%swap3A_1062, %swap3A_1063] {strides = array<i32>} : memref<3x128xi32, #tpu.memory_space<vmem>>, vector<16xi32>,
        tpu.vector_store %arg8[%swap3A_1062, %swap3A_1063], %get3A_1061 {strides = array<i32>} : memref<3x128xi32, #tpu.memory_space<vmem>>, vector<16xi32>,
        %get3A_1065 = arith.constant 112 : index
        %get3A_1066 = tpu.vector_load %arg12[%get3A_1065] {strides = array<i32>} : memref<272xi32, #tpu.memory_space<vmem>>, vector<16xi32>,
        %swap3A_1067 = arith.index_cast %rem3A_984 : i32 to index
        %swap3A_1068 = arith.constant 112 : index
        %swap3A_1069 = tpu.vector_load %arg9[%swap3A_1067, %swap3A_1068] {strides = array<i32>} : memref<3x128xi32, #tpu.memory_space<vmem>>, vector<16xi32>,
        tpu.vector_store %arg9[%swap3A_1067, %swap3A_1068], %get3A_1066 {strides = array<i32>} : memref<3x128xi32, #tpu.memory_space<vmem>>, vector<16xi32>,
        %dma_start3A_1070 = arith.constant 0 : i32
        %dma_start3A_1071 = arith.constant 0 : i32
        %dma_start3A_1072 = tpu.memref_slice %arg10[%rem3A_984, %dma_start3A_1070, %dma_start3A_1071] : memref<3x128x64xf32, #tpu.memory_space<vmem>> -> memref<1x128x64xf32, #tpu.memory_space<vmem>>
        %dma_start3A_1073 = tpu.memref_squeeze %dma_start3A_1072 : memref<1x128x64xf32, #tpu.memory_space<vmem>> -> memref<128x64xf32, #tpu.memory_space<vmem>>
        %dma_start3A_1074 = arith.constant 0 : i32
        %dma_start3A_1075 = tpu.memref_slice %arg8[%rem3A_984, %dma_start3A_1074] : memref<3x128xi32, #tpu.memory_space<vmem>> -> memref<1x128xi32, #tpu.memory_space<vmem>>
        %dma_start3A_1076 = tpu.memref_squeeze %dma_start3A_1075 : memref<1x128xi32, #tpu.memory_space<vmem>> -> memref<128xi32, #tpu.memory_space<vmem>>
        %dma_start3A_1077 = arith.constant 0 : i32
        %dma_start3A_1078 = arith.constant 0 : i32
        %dma_start3A_1079 = tpu.memref_slice %arg3[%dma_start3A_1077, %dma_start3A_1078] : memref<50176x64xf32, #tpu.memory_space<hbm>> -> memref<50176x64xf32, #tpu.memory_space<hbm>>
        %dma_start3A_1080 = tpu.memref_slice %arg16[%rem3A_984] : memref<3x!tpu.dma_semaphore, #tpu.memory_space<semaphore_mem>> -> memref<1x!tpu.dma_semaphore, #tpu.memory_space<semaphore_mem>>
        %dma_start3A_1081 = tpu.memref_squeeze %dma_start3A_1080 : memref<1x!tpu.dma_semaphore, #tpu.memory_space<semaphore_mem>> -> memref<!tpu.dma_semaphore, #tpu.memory_space<semaphore_mem>>
        tpu.enqueue_indirect_dma source(%dma_start3A_1079 : memref<50176x64xf32, #tpu.memory_space<hbm>>) target(%dma_start3A_1073 : memref<128x64xf32, #tpu.memory_space<vmem>>) offsets(%dma_start3A_1076 : memref<128xi32, #tpu.memory_space<vmem>>) semaphore(%dma_start3A_1081 : memref<!tpu.dma_semaphore, #tpu.memory_space<semaphore_mem>>)
        %ge3A_1082 = arith.constant 1 : i32
        %ge3A_1083 = arith.cmpi sge, %scan3A_507, %ge3A_1082 : i32
        %convert_element_type3A_1084 = arith.extui %ge3A_1083 : i1 to i32
        %cond3A_1085 = arith.constant 0 : i32
        %cond3A_1086 = arith.cmpi ne, %convert_element_type3A_1084, %cond3A_1085 : i32
        scf.if %cond3A_1086 {
          %sub3A_1151 = arith.constant 1 : i32
          %sub3A_1152 = arith.subi %scan3A_507, %sub3A_1151 : i32
          %add3A_1153 = arith.constant 3 : i32
          %add3A_1154 = arith.addi %sub3A_1152, %add3A_1153 : i32
          %rem3A_1155 = arith.constant 3 : i32
          %rem3A_1156 = arith.remsi %add3A_1154, %rem3A_1155 : i32
          %dma_wait3A_1157 = arith.constant 0 : i32
          %dma_wait3A_1158 = arith.constant 0 : i32
          %dma_wait3A_1159 = tpu.memref_slice %arg10[%rem3A_1156, %dma_wait3A_1157, %dma_wait3A_1158] : memref<3x128x64xf32, #tpu.memory_space<vmem>> -> memref<1x128x64xf32, #tpu.memory_space<vmem>>
          %dma_wait3A_1160 = tpu.memref_squeeze %dma_wait3A_1159 : memref<1x128x64xf32, #tpu.memory_space<vmem>> -> memref<128x64xf32, #tpu.memory_space<vmem>>
          %dma_wait3A_1161 = arith.constant 0 : i32
          %dma_wait3A_1162 = tpu.memref_slice %arg8[%rem3A_1156, %dma_wait3A_1161] : memref<3x128xi32, #tpu.memory_space<vmem>> -> memref<1x128xi32, #tpu.memory_space<vmem>>
          %dma_wait3A_1163 = tpu.memref_squeeze %dma_wait3A_1162 : memref<1x128xi32, #tpu.memory_space<vmem>> -> memref<128xi32, #tpu.memory_space<vmem>>
          %dma_wait3A_1164 = arith.constant 0 : i32
          %dma_wait3A_1165 = arith.constant 0 : i32
          %dma_wait3A_1166 = tpu.memref_slice %arg3[%dma_wait3A_1164, %dma_wait3A_1165] : memref<50176x64xf32, #tpu.memory_space<hbm>> -> memref<50176x64xf32, #tpu.memory_space<hbm>>
          %dma_wait3A_1167 = tpu.memref_slice %arg16[%rem3A_1156] : memref<3x!tpu.dma_semaphore, #tpu.memory_space<semaphore_mem>> -> memref<1x!tpu.dma_semaphore, #tpu.memory_space<semaphore_mem>>
          %dma_wait3A_1168 = tpu.memref_squeeze %dma_wait3A_1167 : memref<1x!tpu.dma_semaphore, #tpu.memory_space<semaphore_mem>> -> memref<!tpu.dma_semaphore, #tpu.memory_space<semaphore_mem>>
          tpu.wait_indirect_dma semaphore(%dma_wait3A_1168 : memref<!tpu.dma_semaphore, #tpu.memory_space<semaphore_mem>>) src(%dma_wait3A_1166 : memref<50176x64xf32, #tpu.memory_space<hbm>>) dst(%dma_wait3A_1160 : memref<128x64xf32, #tpu.memory_space<vmem>>)
          %dma_start3A_1169 = arith.constant 0 : i32
          %dma_start3A_1170 = arith.constant 0 : i32
          %dma_start3A_1171 = tpu.memref_slice %arg10[%rem3A_1156, %dma_start3A_1169, %dma_start3A_1170] : memref<3x128x64xf32, #tpu.memory_space<vmem>> -> memref<1x128x64xf32, #tpu.memory_space<vmem>>
          %dma_start3A_1172 = tpu.memref_squeeze %dma_start3A_1171 : memref<1x128x64xf32, #tpu.memory_space<vmem>> -> memref<128x64xf32, #tpu.memory_space<vmem>>
          %dma_start3A_1173 = arith.constant 0 : i32
          %dma_start3A_1174 = tpu.memref_slice %arg9[%rem3A_1156, %dma_start3A_1173] : memref<3x128xi32, #tpu.memory_space<vmem>> -> memref<1x128xi32, #tpu.memory_space<vmem>>
          %dma_start3A_1175 = tpu.memref_squeeze %dma_start3A_1174 : memref<1x128xi32, #tpu.memory_space<vmem>> -> memref<128xi32, #tpu.memory_space<vmem>>
          %dma_start3A_1176 = arith.constant 0 : i32
          %dma_start3A_1177 = arith.constant 0 : i32
          %dma_start3A_1178 = tpu.memref_slice %arg18[%dma_start3A_1176, %dma_start3A_1177] : memref<25088x64xf32, #tpu.memory_space<vmem_shared>> -> memref<25088x64xf32, #tpu.memory_space<vmem_shared>>
          %dma_start3A_1179 = tpu.memref_slice %arg17[%rem3A_1156] : memref<3x!tpu.dma_semaphore, #tpu.memory_space<semaphore_mem>> -> memref<1x!tpu.dma_semaphore, #tpu.memory_space<semaphore_mem>>
          %dma_start3A_1180 = tpu.memref_squeeze %dma_start3A_1179 : memref<1x!tpu.dma_semaphore, #tpu.memory_space<semaphore_mem>> -> memref<!tpu.dma_semaphore, #tpu.memory_space<semaphore_mem>>
          tpu.enqueue_indirect_dma source(%dma_start3A_1172 : memref<128x64xf32, #tpu.memory_space<vmem>>) target(%dma_start3A_1178 : memref<25088x64xf32, #tpu.memory_space<vmem_shared>>) offsets(%dma_start3A_1175 : memref<128xi32, #tpu.memory_space<vmem>>) semaphore(%dma_start3A_1180 : memref<!tpu.dma_semaphore, #tpu.memory_space<semaphore_mem>>) {add = true}
        } else {
        }
        %get3A_1087 = arith.constant 128 : index
        %get3A_1088 = tpu.vector_load %arg11[%get3A_1087] {strides = array<i32>} : memref<272xi32, #tpu.memory_space<vmem>>, vector<16xi32>,
        %swap3A_1089 = arith.constant 0 : index
        %swap3A_1090 = tpu.vector_load %arg11[%swap3A_1089] {strides = array<i32>} : memref<272xi32, #tpu.memory_space<vmem>>, vector<16xi32>,
        tpu.vector_store %arg11[%swap3A_1089], %get3A_1088 {strides = array<i32>} : memref<272xi32, #tpu.memory_space<vmem>>, vector<16xi32>,
        %get3A_1091 = arith.constant 128 : index
        %get3A_1092 = tpu.vector_load %arg12[%get3A_1091] {strides = array<i32>} : memref<272xi32, #tpu.memory_space<vmem>>, vector<16xi32>,
        %swap3A_1093 = arith.constant 0 : index
        %swap3A_1094 = tpu.vector_load %arg12[%swap3A_1093] {strides = array<i32>} : memref<272xi32, #tpu.memory_space<vmem>>, vector<16xi32>,
        tpu.vector_store %arg12[%swap3A_1093], %get3A_1092 {strides = array<i32>} : memref<272xi32, #tpu.memory_space<vmem>>, vector<16xi32>,
        %get3A_1095 = arith.constant 144 : index
        %get3A_1096 = tpu.vector_load %arg11[%get3A_1095] {strides = array<i32>} : memref<272xi32, #tpu.memory_space<vmem>>, vector<16xi32>,
        %swap3A_1097 = arith.constant 16 : index
        %swap3A_1098 = tpu.vector_load %arg11[%swap3A_1097] {strides = array<i32>} : memref<272xi32, #tpu.memory_space<vmem>>, vector<16xi32>,
        tpu.vector_store %arg11[%swap3A_1097], %get3A_1096 {strides = array<i32>} : memref<272xi32, #tpu.memory_space<vmem>>, vector<16xi32>,
        %get3A_1099 = arith.constant 144 : index
        %get3A_1100 = tpu.vector_load %arg12[%get3A_1099] {strides = array<i32>} : memref<272xi32, #tpu.memory_space<vmem>>, vector<16xi32>,
        %swap3A_1101 = arith.constant 16 : index
        %swap3A_1102 = tpu.vector_load %arg12[%swap3A_1101] {strides = array<i32>} : memref<272xi32, #tpu.memory_space<vmem>>, vector<16xi32>,
        tpu.vector_store %arg12[%swap3A_1101], %get3A_1100 {strides = array<i32>} : memref<272xi32, #tpu.memory_space<vmem>>, vector<16xi32>,
        %get3A_1103 = arith.constant 160 : index
        %get3A_1104 = tpu.vector_load %arg11[%get3A_1103] {strides = array<i32>} : memref<272xi32, #tpu.memory_space<vmem>>, vector<16xi32>,
        %swap3A_1105 = arith.constant 32 : index
        %swap3A_1106 = tpu.vector_load %arg11[%swap3A_1105] {strides = array<i32>} : memref<272xi32, #tpu.memory_space<vmem>>, vector<16xi32>,
        tpu.vector_store %arg11[%swap3A_1105], %get3A_1104 {strides = array<i32>} : memref<272xi32, #tpu.memory_space<vmem>>, vector<16xi32>,
        %get3A_1107 = arith.constant 160 : index
        %get3A_1108 = tpu.vector_load %arg12[%get3A_1107] {strides = array<i32>} : memref<272xi32, #tpu.memory_space<vmem>>, vector<16xi32>,
        %swap3A_1109 = arith.constant 32 : index
        %swap3A_1110 = tpu.vector_load %arg12[%swap3A_1109] {strides = array<i32>} : memref<272xi32, #tpu.memory_space<vmem>>, vector<16xi32>,
        tpu.vector_store %arg12[%swap3A_1109], %get3A_1108 {strides = array<i32>} : memref<272xi32, #tpu.memory_space<vmem>>, vector<16xi32>,
        %get3A_1111 = arith.constant 176 : index
        %get3A_1112 = tpu.vector_load %arg11[%get3A_1111] {strides = array<i32>} : memref<272xi32, #tpu.memory_space<vmem>>, vector<16xi32>,
        %swap3A_1113 = arith.constant 48 : index
        %swap3A_1114 = tpu.vector_load %arg11[%swap3A_1113] {strides = array<i32>} : memref<272xi32, #tpu.memory_space<vmem>>, vector<16xi32>,
        tpu.vector_store %arg11[%swap3A_1113], %get3A_1112 {strides = array<i32>} : memref<272xi32, #tpu.memory_space<vmem>>, vector<16xi32>,
        %get3A_1115 = arith.constant 176 : index
        %get3A_1116 = tpu.vector_load %arg12[%get3A_1115] {strides = array<i32>} : memref<272xi32, #tpu.memory_space<vmem>>, vector<16xi32>,
        %swap3A_1117 = arith.constant 48 : index
        %swap3A_1118 = tpu.vector_load %arg12[%swap3A_1117] {strides = array<i32>} : memref<272xi32, #tpu.memory_space<vmem>>, vector<16xi32>,
        tpu.vector_store %arg12[%swap3A_1117], %get3A_1116 {strides = array<i32>} : memref<272xi32, #tpu.memory_space<vmem>>, vector<16xi32>,
        %get3A_1119 = arith.constant 192 : index
        %get3A_1120 = tpu.vector_load %arg11[%get3A_1119] {strides = array<i32>} : memref<272xi32, #tpu.memory_space<vmem>>, vector<16xi32>,
        %swap3A_1121 = arith.constant 64 : index
        %swap3A_1122 = tpu.vector_load %arg11[%swap3A_1121] {strides = array<i32>} : memref<272xi32, #tpu.memory_space<vmem>>, vector<16xi32>,
        tpu.vector_store %arg11[%swap3A_1121], %get3A_1120 {strides = array<i32>} : memref<272xi32, #tpu.memory_space<vmem>>, vector<16xi32>,
        %get3A_1123 = arith.constant 192 : index
        %get3A_1124 = tpu.vector_load %arg12[%get3A_1123] {strides = array<i32>} : memref<272xi32, #tpu.memory_space<vmem>>, vector<16xi32>,
        %swap3A_1125 = arith.constant 64 : index
        %swap3A_1126 = tpu.vector_load %arg12[%swap3A_1125] {strides = array<i32>} : memref<272xi32, #tpu.memory_space<vmem>>, vector<16xi32>,
        tpu.vector_store %arg12[%swap3A_1125], %get3A_1124 {strides = array<i32>} : memref<272xi32, #tpu.memory_space<vmem>>, vector<16xi32>,
        %get3A_1127 = arith.constant 208 : index
        %get3A_1128 = tpu.vector_load %arg11[%get3A_1127] {strides = array<i32>} : memref<272xi32, #tpu.memory_space<vmem>>, vector<16xi32>,
        %swap3A_1129 = arith.constant 80 : index
        %swap3A_1130 = tpu.vector_load %arg11[%swap3A_1129] {strides = array<i32>} : memref<272xi32, #tpu.memory_space<vmem>>, vector<16xi32>,
        tpu.vector_store %arg11[%swap3A_1129], %get3A_1128 {strides = array<i32>} : memref<272xi32, #tpu.memory_space<vmem>>, vector<16xi32>,
        %get3A_1131 = arith.constant 208 : index
        %get3A_1132 = tpu.vector_load %arg12[%get3A_1131] {strides = array<i32>} : memref<272xi32, #tpu.memory_space<vmem>>, vector<16xi32>,
        %swap3A_1133 = arith.constant 80 : index
        %swap3A_1134 = tpu.vector_load %arg12[%swap3A_1133] {strides = array<i32>} : memref<272xi32, #tpu.memory_space<vmem>>, vector<16xi32>,
        tpu.vector_store %arg12[%swap3A_1133], %get3A_1132 {strides = array<i32>} : memref<272xi32, #tpu.memory_space<vmem>>, vector<16xi32>,
        %get3A_1135 = arith.constant 224 : index
        %get3A_1136 = tpu.vector_load %arg11[%get3A_1135] {strides = array<i32>} : memref<272xi32, #tpu.memory_space<vmem>>, vector<16xi32>,
        %swap3A_1137 = arith.constant 96 : index
        %swap3A_1138 = tpu.vector_load %arg11[%swap3A_1137] {strides = array<i32>} : memref<272xi32, #tpu.memory_space<vmem>>, vector<16xi32>,
        tpu.vector_store %arg11[%swap3A_1137], %get3A_1136 {strides = array<i32>} : memref<272xi32, #tpu.memory_space<vmem>>, vector<16xi32>,
        %get3A_1139 = arith.constant 224 : index
        %get3A_1140 = tpu.vector_load %arg12[%get3A_1139] {strides = array<i32>} : memref<272xi32, #tpu.memory_space<vmem>>, vector<16xi32>,
        %swap3A_1141 = arith.constant 96 : index
        %swap3A_1142 = tpu.vector_load %arg12[%swap3A_1141] {strides = array<i32>} : memref<272xi32, #tpu.memory_space<vmem>>, vector<16xi32>,
        tpu.vector_store %arg12[%swap3A_1141], %get3A_1140 {strides = array<i32>} : memref<272xi32, #tpu.memory_space<vmem>>, vector<16xi32>,
        %get3A_1143 = arith.constant 240 : index
        %get3A_1144 = tpu.vector_load %arg11[%get3A_1143] {strides = array<i32>} : memref<272xi32, #tpu.memory_space<vmem>>, vector<16xi32>,
        %swap3A_1145 = arith.constant 112 : index
        %swap3A_1146 = tpu.vector_load %arg11[%swap3A_1145] {strides = array<i32>} : memref<272xi32, #tpu.memory_space<vmem>>, vector<16xi32>,
        tpu.vector_store %arg11[%swap3A_1145], %get3A_1144 {strides = array<i32>} : memref<272xi32, #tpu.memory_space<vmem>>, vector<16xi32>,
        %get3A_1147 = arith.constant 240 : index
        %get3A_1148 = tpu.vector_load %arg12[%get3A_1147] {strides = array<i32>} : memref<272xi32, #tpu.memory_space<vmem>>, vector<16xi32>,
        %swap3A_1149 = arith.constant 112 : index
        %swap3A_1150 = tpu.vector_load %arg12[%swap3A_1149] {strides = array<i32>} : memref<272xi32, #tpu.memory_space<vmem>>, vector<16xi32>,
        tpu.vector_store %arg12[%swap3A_1149], %get3A_1148 {strides = array<i32>} : memref<272xi32, #tpu.memory_space<vmem>>, vector<16xi32>,
      } else {
      }
      %ge3A_974 = arith.constant 128 : i32
      %ge3A_975 = arith.cmpi sge, %add3A_882, %ge3A_974 : i32
      %jit3A_976 = arith.constant 1 : i32
      %jit3A_977 = arith.constant 0 : i32
      %select_n3A_978 = arith.select %ge3A_975, %jit3A_976, %jit3A_977 : i32
      %mul3A_979 = arith.constant 128 : i32
      %mul3A_980 = arith.muli %select_n3A_978, %mul3A_979 : i32
      %sub3A_981 = arith.subi %add3A_882, %mul3A_980 : i32
      %add3A_982 = arith.addi %scan3A_507, %select_n3A_978 : i32
      scf.yield %sub3A_981, %add3A_982 : i32, i32
    }
    %scan3A_153 = arith.constant 391 : i32
    %add3A_154 = arith.constant 0 : i32
    %add3A_155 = vector.broadcast %add3A_154 : i32 to vector<16xi32>
    %add3A_156 = arith.addi %add3A_155, %iota3A : vector<16xi32>
    %and3A = arith.constant 7 : i32
    %and3A_157 = vector.broadcast %and3A : i32 to vector<16xi32>
    %and3A_158 = arith.andi %iota3A, %and3A_157 : vector<16xi32>
    %add3A_159 = arith.constant 25024 : i32
    %add3A_160 = vector.broadcast %add3A_159 : i32 to vector<16xi32>
    %add3A_161 = arith.addi %add3A_160, %and3A_158 : vector<16xi32>
    %lt3A = vector.broadcast %scan3A_152#0 : i32 to vector<16xi32>
    %lt3A_162 = arith.cmpi slt, %add3A_156, %lt3A : vector<16xi32>
    %get3A_163 = arith.constant 0 : index
    %get3A_164 = tpu.vector_load %arg11[%get3A_163] {strides = array<i32>} : memref<272xi32, #tpu.memory_space<vmem>>, vector<16xi32>,
    %jit3A = arith.constant 0 : i32
    %broadcast_in_dim3A = vector.broadcast %jit3A : i32 to vector<16xi32>
    %select_n3A = arith.select %lt3A_162, %get3A_164, %broadcast_in_dim3A : vector<16xi1>, vector<16xi32>
    %swap3A = arith.constant 0 : index
    %swap3A_165 = tpu.vector_load %arg11[%swap3A] {strides = array<i32>} : memref<272xi32, #tpu.memory_space<vmem>>, vector<16xi32>,
    tpu.vector_store %arg11[%swap3A], %select_n3A {strides = array<i32>} : memref<272xi32, #tpu.memory_space<vmem>>, vector<16xi32>,
    %lt3A_166 = vector.broadcast %scan3A_152#0 : i32 to vector<16xi32>
    %lt3A_167 = arith.cmpi slt, %add3A_156, %lt3A_166 : vector<16xi32>
    %get3A_168 = arith.constant 0 : index
    %get3A_169 = tpu.vector_load %arg12[%get3A_168] {strides = array<i32>} : memref<272xi32, #tpu.memory_space<vmem>>, vector<16xi32>,
    %select_n3A_170 = arith.select %lt3A_167, %get3A_169, %add3A_161 : vector<16xi1>, vector<16xi32>
    %swap3A_171 = arith.constant 0 : index
    %swap3A_172 = tpu.vector_load %arg12[%swap3A_171] {strides = array<i32>} : memref<272xi32, #tpu.memory_space<vmem>>, vector<16xi32>,
    tpu.vector_store %arg12[%swap3A_171], %select_n3A_170 {strides = array<i32>} : memref<272xi32, #tpu.memory_space<vmem>>, vector<16xi32>,
    %add3A_173 = arith.constant 16 : i32
    %add3A_174 = vector.broadcast %add3A_173 : i32 to vector<16xi32>
    %add3A_175 = arith.addi %add3A_174, %iota3A : vector<16xi32>
    %and3A_176 = arith.constant 7 : i32
    %and3A_177 = vector.broadcast %and3A_176 : i32 to vector<16xi32>
    %and3A_178 = arith.andi %iota3A, %and3A_177 : vector<16xi32>
    %add3A_179 = arith.constant 25032 : i32
    %add3A_180 = vector.broadcast %add3A_179 : i32 to vector<16xi32>
    %add3A_181 = arith.addi %add3A_180, %and3A_178 : vector<16xi32>
    %lt3A_182 = vector.broadcast %scan3A_152#0 : i32 to vector<16xi32>
    %lt3A_183 = arith.cmpi slt, %add3A_175, %lt3A_182 : vector<16xi32>
    %get3A_184 = arith.constant 16 : index
    %get3A_185 = tpu.vector_load %arg11[%get3A_184] {strides = array<i32>} : memref<272xi32, #tpu.memory_space<vmem>>, vector<16xi32>,
    %jit3A_186 = arith.constant 0 : i32
    %broadcast_in_dim3A_187 = vector.broadcast %jit3A_186 : i32 to vector<16xi32>
    %select_n3A_188 = arith.select %lt3A_183, %get3A_185, %broadcast_in_dim3A_187 : vector<16xi1>, vector<16xi32>
    %swap3A_189 = arith.constant 16 : index
    %swap3A_190 = tpu.vector_load %arg11[%swap3A_189] {strides = array<i32>} : memref<272xi32, #tpu.memory_space<vmem>>, vector<16xi32>,
    tpu.vector_store %arg11[%swap3A_189], %select_n3A_188 {strides = array<i32>} : memref<272xi32, #tpu.memory_space<vmem>>, vector<16xi32>,
    %lt3A_191 = vector.broadcast %scan3A_152#0 : i32 to vector<16xi32>
    %lt3A_192 = arith.cmpi slt, %add3A_175, %lt3A_191 : vector<16xi32>
    %get3A_193 = arith.constant 16 : index
    %get3A_194 = tpu.vector_load %arg12[%get3A_193] {strides = array<i32>} : memref<272xi32, #tpu.memory_space<vmem>>, vector<16xi32>,
    %select_n3A_195 = arith.select %lt3A_192, %get3A_194, %add3A_181 : vector<16xi1>, vector<16xi32>
    %swap3A_196 = arith.constant 16 : index
    %swap3A_197 = tpu.vector_load %arg12[%swap3A_196] {strides = array<i32>} : memref<272xi32, #tpu.memory_space<vmem>>, vector<16xi32>,
    tpu.vector_store %arg12[%swap3A_196], %select_n3A_195 {strides = array<i32>} : memref<272xi32, #tpu.memory_space<vmem>>, vector<16xi32>,
    %add3A_198 = arith.constant 32 : i32
    %add3A_199 = vector.broadcast %add3A_198 : i32 to vector<16xi32>
    %add3A_200 = arith.addi %add3A_199, %iota3A : vector<16xi32>
    %and3A_201 = arith.constant 7 : i32
    %and3A_202 = vector.broadcast %and3A_201 : i32 to vector<16xi32>
    %and3A_203 = arith.andi %iota3A, %and3A_202 : vector<16xi32>
    %add3A_204 = arith.constant 25040 : i32
    %add3A_205 = vector.broadcast %add3A_204 : i32 to vector<16xi32>
    %add3A_206 = arith.addi %add3A_205, %and3A_203 : vector<16xi32>
    %lt3A_207 = vector.broadcast %scan3A_152#0 : i32 to vector<16xi32>
    %lt3A_208 = arith.cmpi slt, %add3A_200, %lt3A_207 : vector<16xi32>
    %get3A_209 = arith.constant 32 : index
    %get3A_210 = tpu.vector_load %arg11[%get3A_209] {strides = array<i32>} : memref<272xi32, #tpu.memory_space<vmem>>, vector<16xi32>,
    %jit3A_211 = arith.constant 0 : i32
    %broadcast_in_dim3A_212 = vector.broadcast %jit3A_211 : i32 to vector<16xi32>
    %select_n3A_213 = arith.select %lt3A_208, %get3A_210, %broadcast_in_dim3A_212 : vector<16xi1>, vector<16xi32>
    %swap3A_214 = arith.constant 32 : index
    %swap3A_215 = tpu.vector_load %arg11[%swap3A_214] {strides = array<i32>} : memref<272xi32, #tpu.memory_space<vmem>>, vector<16xi32>,
    tpu.vector_store %arg11[%swap3A_214], %select_n3A_213 {strides = array<i32>} : memref<272xi32, #tpu.memory_space<vmem>>, vector<16xi32>,
    %lt3A_216 = vector.broadcast %scan3A_152#0 : i32 to vector<16xi32>
    %lt3A_217 = arith.cmpi slt, %add3A_200, %lt3A_216 : vector<16xi32>
    %get3A_218 = arith.constant 32 : index
    %get3A_219 = tpu.vector_load %arg12[%get3A_218] {strides = array<i32>} : memref<272xi32, #tpu.memory_space<vmem>>, vector<16xi32>,
    %select_n3A_220 = arith.select %lt3A_217, %get3A_219, %add3A_206 : vector<16xi1>, vector<16xi32>
    %swap3A_221 = arith.constant 32 : index
    %swap3A_222 = tpu.vector_load %arg12[%swap3A_221] {strides = array<i32>} : memref<272xi32, #tpu.memory_space<vmem>>, vector<16xi32>,
    tpu.vector_store %arg12[%swap3A_221], %select_n3A_220 {strides = array<i32>} : memref<272xi32, #tpu.memory_space<vmem>>, vector<16xi32>,
    %add3A_223 = arith.constant 48 : i32
    %add3A_224 = vector.broadcast %add3A_223 : i32 to vector<16xi32>
    %add3A_225 = arith.addi %add3A_224, %iota3A : vector<16xi32>
    %and3A_226 = arith.constant 7 : i32
    %and3A_227 = vector.broadcast %and3A_226 : i32 to vector<16xi32>
    %and3A_228 = arith.andi %iota3A, %and3A_227 : vector<16xi32>
    %add3A_229 = arith.constant 25048 : i32
    %add3A_230 = vector.broadcast %add3A_229 : i32 to vector<16xi32>
    %add3A_231 = arith.addi %add3A_230, %and3A_228 : vector<16xi32>
    %lt3A_232 = vector.broadcast %scan3A_152#0 : i32 to vector<16xi32>
    %lt3A_233 = arith.cmpi slt, %add3A_225, %lt3A_232 : vector<16xi32>
    %get3A_234 = arith.constant 48 : index
    %get3A_235 = tpu.vector_load %arg11[%get3A_234] {strides = array<i32>} : memref<272xi32, #tpu.memory_space<vmem>>, vector<16xi32>,
    %jit3A_236 = arith.constant 0 : i32
    %broadcast_in_dim3A_237 = vector.broadcast %jit3A_236 : i32 to vector<16xi32>
    %select_n3A_238 = arith.select %lt3A_233, %get3A_235, %broadcast_in_dim3A_237 : vector<16xi1>, vector<16xi32>
    %swap3A_239 = arith.constant 48 : index
    %swap3A_240 = tpu.vector_load %arg11[%swap3A_239] {strides = array<i32>} : memref<272xi32, #tpu.memory_space<vmem>>, vector<16xi32>,
    tpu.vector_store %arg11[%swap3A_239], %select_n3A_238 {strides = array<i32>} : memref<272xi32, #tpu.memory_space<vmem>>, vector<16xi32>,
    %lt3A_241 = vector.broadcast %scan3A_152#0 : i32 to vector<16xi32>
    %lt3A_242 = arith.cmpi slt, %add3A_225, %lt3A_241 : vector<16xi32>
    %get3A_243 = arith.constant 48 : index
    %get3A_244 = tpu.vector_load %arg12[%get3A_243] {strides = array<i32>} : memref<272xi32, #tpu.memory_space<vmem>>, vector<16xi32>,
    %select_n3A_245 = arith.select %lt3A_242, %get3A_244, %add3A_231 : vector<16xi1>, vector<16xi32>
    %swap3A_246 = arith.constant 48 : index
    %swap3A_247 = tpu.vector_load %arg12[%swap3A_246] {strides = array<i32>} : memref<272xi32, #tpu.memory_space<vmem>>, vector<16xi32>,
    tpu.vector_store %arg12[%swap3A_246], %select_n3A_245 {strides = array<i32>} : memref<272xi32, #tpu.memory_space<vmem>>, vector<16xi32>,
    %add3A_248 = arith.constant 64 : i32
    %add3A_249 = vector.broadcast %add3A_248 : i32 to vector<16xi32>
    %add3A_250 = arith.addi %add3A_249, %iota3A : vector<16xi32>
    %and3A_251 = arith.constant 7 : i32
    %and3A_252 = vector.broadcast %and3A_251 : i32 to vector<16xi32>
    %and3A_253 = arith.andi %iota3A, %and3A_252 : vector<16xi32>
    %add3A_254 = arith.constant 25056 : i32
    %add3A_255 = vector.broadcast %add3A_254 : i32 to vector<16xi32>
    %add3A_256 = arith.addi %add3A_255, %and3A_253 : vector<16xi32>
    %lt3A_257 = vector.broadcast %scan3A_152#0 : i32 to vector<16xi32>
    %lt3A_258 = arith.cmpi slt, %add3A_250, %lt3A_257 : vector<16xi32>
    %get3A_259 = arith.constant 64 : index
    %get3A_260 = tpu.vector_load %arg11[%get3A_259] {strides = array<i32>} : memref<272xi32, #tpu.memory_space<vmem>>, vector<16xi32>,
    %jit3A_261 = arith.constant 0 : i32
    %broadcast_in_dim3A_262 = vector.broadcast %jit3A_261 : i32 to vector<16xi32>
    %select_n3A_263 = arith.select %lt3A_258, %get3A_260, %broadcast_in_dim3A_262 : vector<16xi1>, vector<16xi32>
    %swap3A_264 = arith.constant 64 : index
    %swap3A_265 = tpu.vector_load %arg11[%swap3A_264] {strides = array<i32>} : memref<272xi32, #tpu.memory_space<vmem>>, vector<16xi32>,
    tpu.vector_store %arg11[%swap3A_264], %select_n3A_263 {strides = array<i32>} : memref<272xi32, #tpu.memory_space<vmem>>, vector<16xi32>,
    %lt3A_266 = vector.broadcast %scan3A_152#0 : i32 to vector<16xi32>
    %lt3A_267 = arith.cmpi slt, %add3A_250, %lt3A_266 : vector<16xi32>
    %get3A_268 = arith.constant 64 : index
    %get3A_269 = tpu.vector_load %arg12[%get3A_268] {strides = array<i32>} : memref<272xi32, #tpu.memory_space<vmem>>, vector<16xi32>,
    %select_n3A_270 = arith.select %lt3A_267, %get3A_269, %add3A_256 : vector<16xi1>, vector<16xi32>
    %swap3A_271 = arith.constant 64 : index
    %swap3A_272 = tpu.vector_load %arg12[%swap3A_271] {strides = array<i32>} : memref<272xi32, #tpu.memory_space<vmem>>, vector<16xi32>,
    tpu.vector_store %arg12[%swap3A_271], %select_n3A_270 {strides = array<i32>} : memref<272xi32, #tpu.memory_space<vmem>>, vector<16xi32>,
    %add3A_273 = arith.constant 80 : i32
    %add3A_274 = vector.broadcast %add3A_273 : i32 to vector<16xi32>
    %add3A_275 = arith.addi %add3A_274, %iota3A : vector<16xi32>
    %and3A_276 = arith.constant 7 : i32
    %and3A_277 = vector.broadcast %and3A_276 : i32 to vector<16xi32>
    %and3A_278 = arith.andi %iota3A, %and3A_277 : vector<16xi32>
    %add3A_279 = arith.constant 25064 : i32
    %add3A_280 = vector.broadcast %add3A_279 : i32 to vector<16xi32>
    %add3A_281 = arith.addi %add3A_280, %and3A_278 : vector<16xi32>
    %lt3A_282 = vector.broadcast %scan3A_152#0 : i32 to vector<16xi32>
    %lt3A_283 = arith.cmpi slt, %add3A_275, %lt3A_282 : vector<16xi32>
    %get3A_284 = arith.constant 80 : index
    %get3A_285 = tpu.vector_load %arg11[%get3A_284] {strides = array<i32>} : memref<272xi32, #tpu.memory_space<vmem>>, vector<16xi32>,
    %jit3A_286 = arith.constant 0 : i32
    %broadcast_in_dim3A_287 = vector.broadcast %jit3A_286 : i32 to vector<16xi32>
    %select_n3A_288 = arith.select %lt3A_283, %get3A_285, %broadcast_in_dim3A_287 : vector<16xi1>, vector<16xi32>
    %swap3A_289 = arith.constant 80 : index
    %swap3A_290 = tpu.vector_load %arg11[%swap3A_289] {strides = array<i32>} : memref<272xi32, #tpu.memory_space<vmem>>, vector<16xi32>,
    tpu.vector_store %arg11[%swap3A_289], %select_n3A_288 {strides = array<i32>} : memref<272xi32, #tpu.memory_space<vmem>>, vector<16xi32>,
    %lt3A_291 = vector.broadcast %scan3A_152#0 : i32 to vector<16xi32>
    %lt3A_292 = arith.cmpi slt, %add3A_275, %lt3A_291 : vector<16xi32>
    %get3A_293 = arith.constant 80 : index
    %get3A_294 = tpu.vector_load %arg12[%get3A_293] {strides = array<i32>} : memref<272xi32, #tpu.memory_space<vmem>>, vector<16xi32>,
    %select_n3A_295 = arith.select %lt3A_292, %get3A_294, %add3A_281 : vector<16xi1>, vector<16xi32>
    %swap3A_296 = arith.constant 80 : index
    %swap3A_297 = tpu.vector_load %arg12[%swap3A_296] {strides = array<i32>} : memref<272xi32, #tpu.memory_space<vmem>>, vector<16xi32>,
    tpu.vector_store %arg12[%swap3A_296], %select_n3A_295 {strides = array<i32>} : memref<272xi32, #tpu.memory_space<vmem>>, vector<16xi32>,
    %add3A_298 = arith.constant 96 : i32
    %add3A_299 = vector.broadcast %add3A_298 : i32 to vector<16xi32>
    %add3A_300 = arith.addi %add3A_299, %iota3A : vector<16xi32>
    %and3A_301 = arith.constant 7 : i32
    %and3A_302 = vector.broadcast %and3A_301 : i32 to vector<16xi32>
    %and3A_303 = arith.andi %iota3A, %and3A_302 : vector<16xi32>
    %add3A_304 = arith.constant 25072 : i32
    %add3A_305 = vector.broadcast %add3A_304 : i32 to vector<16xi32>
    %add3A_306 = arith.addi %add3A_305, %and3A_303 : vector<16xi32>
    %lt3A_307 = vector.broadcast %scan3A_152#0 : i32 to vector<16xi32>
    %lt3A_308 = arith.cmpi slt, %add3A_300, %lt3A_307 : vector<16xi32>
    %get3A_309 = arith.constant 96 : index
    %get3A_310 = tpu.vector_load %arg11[%get3A_309] {strides = array<i32>} : memref<272xi32, #tpu.memory_space<vmem>>, vector<16xi32>,
    %jit3A_311 = arith.constant 0 : i32
    %broadcast_in_dim3A_312 = vector.broadcast %jit3A_311 : i32 to vector<16xi32>
    %select_n3A_313 = arith.select %lt3A_308, %get3A_310, %broadcast_in_dim3A_312 : vector<16xi1>, vector<16xi32>
    %swap3A_314 = arith.constant 96 : index
    %swap3A_315 = tpu.vector_load %arg11[%swap3A_314] {strides = array<i32>} : memref<272xi32, #tpu.memory_space<vmem>>, vector<16xi32>,
    tpu.vector_store %arg11[%swap3A_314], %select_n3A_313 {strides = array<i32>} : memref<272xi32, #tpu.memory_space<vmem>>, vector<16xi32>,
    %lt3A_316 = vector.broadcast %scan3A_152#0 : i32 to vector<16xi32>
    %lt3A_317 = arith.cmpi slt, %add3A_300, %lt3A_316 : vector<16xi32>
    %get3A_318 = arith.constant 96 : index
    %get3A_319 = tpu.vector_load %arg12[%get3A_318] {strides = array<i32>} : memref<272xi32, #tpu.memory_space<vmem>>, vector<16xi32>,
    %select_n3A_320 = arith.select %lt3A_317, %get3A_319, %add3A_306 : vector<16xi1>, vector<16xi32>
    %swap3A_321 = arith.constant 96 : index
    %swap3A_322 = tpu.vector_load %arg12[%swap3A_321] {strides = array<i32>} : memref<272xi32, #tpu.memory_space<vmem>>, vector<16xi32>,
    tpu.vector_store %arg12[%swap3A_321], %select_n3A_320 {strides = array<i32>} : memref<272xi32, #tpu.memory_space<vmem>>, vector<16xi32>,
    %add3A_323 = arith.constant 112 : i32
    %add3A_324 = vector.broadcast %add3A_323 : i32 to vector<16xi32>
    %add3A_325 = arith.addi %add3A_324, %iota3A : vector<16xi32>
    %and3A_326 = arith.constant 7 : i32
    %and3A_327 = vector.broadcast %and3A_326 : i32 to vector<16xi32>
    %and3A_328 = arith.andi %iota3A, %and3A_327 : vector<16xi32>
    %add3A_329 = arith.constant 25080 : i32
    %add3A_330 = vector.broadcast %add3A_329 : i32 to vector<16xi32>
    %add3A_331 = arith.addi %add3A_330, %and3A_328 : vector<16xi32>
    %lt3A_332 = vector.broadcast %scan3A_152#0 : i32 to vector<16xi32>
    %lt3A_333 = arith.cmpi slt, %add3A_325, %lt3A_332 : vector<16xi32>
    %get3A_334 = arith.constant 112 : index
    %get3A_335 = tpu.vector_load %arg11[%get3A_334] {strides = array<i32>} : memref<272xi32, #tpu.memory_space<vmem>>, vector<16xi32>,
    %jit3A_336 = arith.constant 0 : i32
    %broadcast_in_dim3A_337 = vector.broadcast %jit3A_336 : i32 to vector<16xi32>
    %select_n3A_338 = arith.select %lt3A_333, %get3A_335, %broadcast_in_dim3A_337 : vector<16xi1>, vector<16xi32>
    %swap3A_339 = arith.constant 112 : index
    %swap3A_340 = tpu.vector_load %arg11[%swap3A_339] {strides = array<i32>} : memref<272xi32, #tpu.memory_space<vmem>>, vector<16xi32>,
    tpu.vector_store %arg11[%swap3A_339], %select_n3A_338 {strides = array<i32>} : memref<272xi32, #tpu.memory_space<vmem>>, vector<16xi32>,
    %lt3A_341 = vector.broadcast %scan3A_152#0 : i32 to vector<16xi32>
    %lt3A_342 = arith.cmpi slt, %add3A_325, %lt3A_341 : vector<16xi32>
    %get3A_343 = arith.constant 112 : index
    %get3A_344 = tpu.vector_load %arg12[%get3A_343] {strides = array<i32>} : memref<272xi32, #tpu.memory_space<vmem>>, vector<16xi32>,
    %select_n3A_345 = arith.select %lt3A_342, %get3A_344, %add3A_331 : vector<16xi1>, vector<16xi32>
    %swap3A_346 = arith.constant 112 : index
    %swap3A_347 = tpu.vector_load %arg12[%swap3A_346] {strides = array<i32>} : memref<272xi32, #tpu.memory_space<vmem>>, vector<16xi32>,
    tpu.vector_store %arg12[%swap3A_346], %select_n3A_345 {strides = array<i32>} : memref<272xi32, #tpu.memory_space<vmem>>, vector<16xi32>,
    %rem3A = arith.constant 3 : i32
    %rem3A_348 = arith.remsi %scan3A_152#1, %rem3A : i32
    %ge3A = arith.constant 3 : i32
    %ge3A_349 = arith.cmpi sge, %scan3A_152#1, %ge3A : i32
    %convert_element_type3A = arith.extui %ge3A_349 : i1 to i32
    %cond3A = arith.constant 0 : i32
    %cond3A_350 = arith.cmpi ne, %convert_element_type3A, %cond3A : i32
    scf.if %cond3A_350 {
      %dma_wait3A_505 = arith.constant 0 : i32
      %dma_wait3A_506 = arith.constant 0 : i32
      %dma_wait3A_507 = tpu.memref_slice %arg10[%rem3A_348, %dma_wait3A_505, %dma_wait3A_506] : memref<3x128x64xf32, #tpu.memory_space<vmem>> -> memref<1x128x64xf32, #tpu.memory_space<vmem>>
      %dma_wait3A_508 = tpu.memref_squeeze %dma_wait3A_507 : memref<1x128x64xf32, #tpu.memory_space<vmem>> -> memref<128x64xf32, #tpu.memory_space<vmem>>
      %dma_wait3A_509 = arith.constant 0 : i32
      %dma_wait3A_510 = tpu.memref_slice %arg9[%rem3A_348, %dma_wait3A_509] : memref<3x128xi32, #tpu.memory_space<vmem>> -> memref<1x128xi32, #tpu.memory_space<vmem>>
      %dma_wait3A_511 = tpu.memref_squeeze %dma_wait3A_510 : memref<1x128xi32, #tpu.memory_space<vmem>> -> memref<128xi32, #tpu.memory_space<vmem>>
      %dma_wait3A_512 = arith.constant 0 : i32
      %dma_wait3A_513 = arith.constant 0 : i32
      %dma_wait3A_514 = tpu.memref_slice %arg18[%dma_wait3A_512, %dma_wait3A_513] : memref<25088x64xf32, #tpu.memory_space<vmem_shared>> -> memref<25088x64xf32, #tpu.memory_space<vmem_shared>>
      %dma_wait3A_515 = tpu.memref_slice %arg17[%rem3A_348] : memref<3x!tpu.dma_semaphore, #tpu.memory_space<semaphore_mem>> -> memref<1x!tpu.dma_semaphore, #tpu.memory_space<semaphore_mem>>
      %dma_wait3A_516 = tpu.memref_squeeze %dma_wait3A_515 : memref<1x!tpu.dma_semaphore, #tpu.memory_space<semaphore_mem>> -> memref<!tpu.dma_semaphore, #tpu.memory_space<semaphore_mem>>
      tpu.wait_indirect_dma semaphore(%dma_wait3A_516 : memref<!tpu.dma_semaphore, #tpu.memory_space<semaphore_mem>>) src(%dma_wait3A_508 : memref<128x64xf32, #tpu.memory_space<vmem>>) dst(%dma_wait3A_514 : memref<25088x64xf32, #tpu.memory_space<vmem_shared>>)
    } else {
    }
    %get3A_351 = arith.constant 0 : index
    %get3A_352 = tpu.vector_load %arg11[%get3A_351] {strides = array<i32>} : memref<272xi32, #tpu.memory_space<vmem>>, vector<16xi32>,
    %swap3A_353 = arith.index_cast %rem3A_348 : i32 to index
    %swap3A_354 = arith.constant 0 : index
    %swap3A_355 = tpu.vector_load %arg8[%swap3A_353, %swap3A_354] {strides = array<i32>} : memref<3x128xi32, #tpu.memory_space<vmem>>, vector<16xi32>,
    tpu.vector_store %arg8[%swap3A_353, %swap3A_354], %get3A_352 {strides = array<i32>} : memref<3x128xi32, #tpu.memory_space<vmem>>, vector<16xi32>,
    %get3A_356 = arith.constant 0 : index
    %get3A_357 = tpu.vector_load %arg12[%get3A_356] {strides = array<i32>} : memref<272xi32, #tpu.memory_space<vmem>>, vector<16xi32>,
    %swap3A_358 = arith.index_cast %rem3A_348 : i32 to index
    %swap3A_359 = arith.constant 0 : index
    %swap3A_360 = tpu.vector_load %arg9[%swap3A_358, %swap3A_359] {strides = array<i32>} : memref<3x128xi32, #tpu.memory_space<vmem>>, vector<16xi32>,
    tpu.vector_store %arg9[%swap3A_358, %swap3A_359], %get3A_357 {strides = array<i32>} : memref<3x128xi32, #tpu.memory_space<vmem>>, vector<16xi32>,
    %get3A_361 = arith.constant 16 : index
    %get3A_362 = tpu.vector_load %arg11[%get3A_361] {strides = array<i32>} : memref<272xi32, #tpu.memory_space<vmem>>, vector<16xi32>,
    %swap3A_363 = arith.index_cast %rem3A_348 : i32 to index
    %swap3A_364 = arith.constant 16 : index
    %swap3A_365 = tpu.vector_load %arg8[%swap3A_363, %swap3A_364] {strides = array<i32>} : memref<3x128xi32, #tpu.memory_space<vmem>>, vector<16xi32>,
    tpu.vector_store %arg8[%swap3A_363, %swap3A_364], %get3A_362 {strides = array<i32>} : memref<3x128xi32, #tpu.memory_space<vmem>>, vector<16xi32>,
    %get3A_366 = arith.constant 16 : index
    %get3A_367 = tpu.vector_load %arg12[%get3A_366] {strides = array<i32>} : memref<272xi32, #tpu.memory_space<vmem>>, vector<16xi32>,
    %swap3A_368 = arith.index_cast %rem3A_348 : i32 to index
    %swap3A_369 = arith.constant 16 : index
    %swap3A_370 = tpu.vector_load %arg9[%swap3A_368, %swap3A_369] {strides = array<i32>} : memref<3x128xi32, #tpu.memory_space<vmem>>, vector<16xi32>,
    tpu.vector_store %arg9[%swap3A_368, %swap3A_369], %get3A_367 {strides = array<i32>} : memref<3x128xi32, #tpu.memory_space<vmem>>, vector<16xi32>,
    %get3A_371 = arith.constant 32 : index
    %get3A_372 = tpu.vector_load %arg11[%get3A_371] {strides = array<i32>} : memref<272xi32, #tpu.memory_space<vmem>>, vector<16xi32>,
    %swap3A_373 = arith.index_cast %rem3A_348 : i32 to index
    %swap3A_374 = arith.constant 32 : index
    %swap3A_375 = tpu.vector_load %arg8[%swap3A_373, %swap3A_374] {strides = array<i32>} : memref<3x128xi32, #tpu.memory_space<vmem>>, vector<16xi32>,
    tpu.vector_store %arg8[%swap3A_373, %swap3A_374], %get3A_372 {strides = array<i32>} : memref<3x128xi32, #tpu.memory_space<vmem>>, vector<16xi32>,
    %get3A_376 = arith.constant 32 : index
    %get3A_377 = tpu.vector_load %arg12[%get3A_376] {strides = array<i32>} : memref<272xi32, #tpu.memory_space<vmem>>, vector<16xi32>,
    %swap3A_378 = arith.index_cast %rem3A_348 : i32 to index
    %swap3A_379 = arith.constant 32 : index
    %swap3A_380 = tpu.vector_load %arg9[%swap3A_378, %swap3A_379] {strides = array<i32>} : memref<3x128xi32, #tpu.memory_space<vmem>>, vector<16xi32>,
    tpu.vector_store %arg9[%swap3A_378, %swap3A_379], %get3A_377 {strides = array<i32>} : memref<3x128xi32, #tpu.memory_space<vmem>>, vector<16xi32>,
    %get3A_381 = arith.constant 48 : index
    %get3A_382 = tpu.vector_load %arg11[%get3A_381] {strides = array<i32>} : memref<272xi32, #tpu.memory_space<vmem>>, vector<16xi32>,
    %swap3A_383 = arith.index_cast %rem3A_348 : i32 to index
    %swap3A_384 = arith.constant 48 : index
    %swap3A_385 = tpu.vector_load %arg8[%swap3A_383, %swap3A_384] {strides = array<i32>} : memref<3x128xi32, #tpu.memory_space<vmem>>, vector<16xi32>,
    tpu.vector_store %arg8[%swap3A_383, %swap3A_384], %get3A_382 {strides = array<i32>} : memref<3x128xi32, #tpu.memory_space<vmem>>, vector<16xi32>,
    %get3A_386 = arith.constant 48 : index
    %get3A_387 = tpu.vector_load %arg12[%get3A_386] {strides = array<i32>} : memref<272xi32, #tpu.memory_space<vmem>>, vector<16xi32>,
    %swap3A_388 = arith.index_cast %rem3A_348 : i32 to index
    %swap3A_389 = arith.constant 48 : index
    %swap3A_390 = tpu.vector_load %arg9[%swap3A_388, %swap3A_389] {strides = array<i32>} : memref<3x128xi32, #tpu.memory_space<vmem>>, vector<16xi32>,
    tpu.vector_store %arg9[%swap3A_388, %swap3A_389], %get3A_387 {strides = array<i32>} : memref<3x128xi32, #tpu.memory_space<vmem>>, vector<16xi32>,
    %get3A_391 = arith.constant 64 : index
    %get3A_392 = tpu.vector_load %arg11[%get3A_391] {strides = array<i32>} : memref<272xi32, #tpu.memory_space<vmem>>, vector<16xi32>,
    %swap3A_393 = arith.index_cast %rem3A_348 : i32 to index
    %swap3A_394 = arith.constant 64 : index
    %swap3A_395 = tpu.vector_load %arg8[%swap3A_393, %swap3A_394] {strides = array<i32>} : memref<3x128xi32, #tpu.memory_space<vmem>>, vector<16xi32>,
    tpu.vector_store %arg8[%swap3A_393, %swap3A_394], %get3A_392 {strides = array<i32>} : memref<3x128xi32, #tpu.memory_space<vmem>>, vector<16xi32>,
    %get3A_396 = arith.constant 64 : index
    %get3A_397 = tpu.vector_load %arg12[%get3A_396] {strides = array<i32>} : memref<272xi32, #tpu.memory_space<vmem>>, vector<16xi32>,
    %swap3A_398 = arith.index_cast %rem3A_348 : i32 to index
    %swap3A_399 = arith.constant 64 : index
    %swap3A_400 = tpu.vector_load %arg9[%swap3A_398, %swap3A_399] {strides = array<i32>} : memref<3x128xi32, #tpu.memory_space<vmem>>, vector<16xi32>,
    tpu.vector_store %arg9[%swap3A_398, %swap3A_399], %get3A_397 {strides = array<i32>} : memref<3x128xi32, #tpu.memory_space<vmem>>, vector<16xi32>,
    %get3A_401 = arith.constant 80 : index
    %get3A_402 = tpu.vector_load %arg11[%get3A_401] {strides = array<i32>} : memref<272xi32, #tpu.memory_space<vmem>>, vector<16xi32>,
    %swap3A_403 = arith.index_cast %rem3A_348 : i32 to index
    %swap3A_404 = arith.constant 80 : index
    %swap3A_405 = tpu.vector_load %arg8[%swap3A_403, %swap3A_404] {strides = array<i32>} : memref<3x128xi32, #tpu.memory_space<vmem>>, vector<16xi32>,
    tpu.vector_store %arg8[%swap3A_403, %swap3A_404], %get3A_402 {strides = array<i32>} : memref<3x128xi32, #tpu.memory_space<vmem>>, vector<16xi32>,
    %get3A_406 = arith.constant 80 : index
    %get3A_407 = tpu.vector_load %arg12[%get3A_406] {strides = array<i32>} : memref<272xi32, #tpu.memory_space<vmem>>, vector<16xi32>,
    %swap3A_408 = arith.index_cast %rem3A_348 : i32 to index
    %swap3A_409 = arith.constant 80 : index
    %swap3A_410 = tpu.vector_load %arg9[%swap3A_408, %swap3A_409] {strides = array<i32>} : memref<3x128xi32, #tpu.memory_space<vmem>>, vector<16xi32>,
    tpu.vector_store %arg9[%swap3A_408, %swap3A_409], %get3A_407 {strides = array<i32>} : memref<3x128xi32, #tpu.memory_space<vmem>>, vector<16xi32>,
    %get3A_411 = arith.constant 96 : index
    %get3A_412 = tpu.vector_load %arg11[%get3A_411] {strides = array<i32>} : memref<272xi32, #tpu.memory_space<vmem>>, vector<16xi32>,
    %swap3A_413 = arith.index_cast %rem3A_348 : i32 to index
    %swap3A_414 = arith.constant 96 : index
    %swap3A_415 = tpu.vector_load %arg8[%swap3A_413, %swap3A_414] {strides = array<i32>} : memref<3x128xi32, #tpu.memory_space<vmem>>, vector<16xi32>,
    tpu.vector_store %arg8[%swap3A_413, %swap3A_414], %get3A_412 {strides = array<i32>} : memref<3x128xi32, #tpu.memory_space<vmem>>, vector<16xi32>,
    %get3A_416 = arith.constant 96 : index
    %get3A_417 = tpu.vector_load %arg12[%get3A_416] {strides = array<i32>} : memref<272xi32, #tpu.memory_space<vmem>>, vector<16xi32>,
    %swap3A_418 = arith.index_cast %rem3A_348 : i32 to index
    %swap3A_419 = arith.constant 96 : index
    %swap3A_420 = tpu.vector_load %arg9[%swap3A_418, %swap3A_419] {strides = array<i32>} : memref<3x128xi32, #tpu.memory_space<vmem>>, vector<16xi32>,
    tpu.vector_store %arg9[%swap3A_418, %swap3A_419], %get3A_417 {strides = array<i32>} : memref<3x128xi32, #tpu.memory_space<vmem>>, vector<16xi32>,
    %get3A_421 = arith.constant 112 : index
    %get3A_422 = tpu.vector_load %arg11[%get3A_421] {strides = array<i32>} : memref<272xi32, #tpu.memory_space<vmem>>, vector<16xi32>,
    %swap3A_423 = arith.index_cast %rem3A_348 : i32 to index
    %swap3A_424 = arith.constant 112 : index
    %swap3A_425 = tpu.vector_load %arg8[%swap3A_423, %swap3A_424] {strides = array<i32>} : memref<3x128xi32, #tpu.memory_space<vmem>>, vector<16xi32>,
    tpu.vector_store %arg8[%swap3A_423, %swap3A_424], %get3A_422 {strides = array<i32>} : memref<3x128xi32, #tpu.memory_space<vmem>>, vector<16xi32>,
    %get3A_426 = arith.constant 112 : index
    %get3A_427 = tpu.vector_load %arg12[%get3A_426] {strides = array<i32>} : memref<272xi32, #tpu.memory_space<vmem>>, vector<16xi32>,
    %swap3A_428 = arith.index_cast %rem3A_348 : i32 to index
    %swap3A_429 = arith.constant 112 : index
    %swap3A_430 = tpu.vector_load %arg9[%swap3A_428, %swap3A_429] {strides = array<i32>} : memref<3x128xi32, #tpu.memory_space<vmem>>, vector<16xi32>,
    tpu.vector_store %arg9[%swap3A_428, %swap3A_429], %get3A_427 {strides = array<i32>} : memref<3x128xi32, #tpu.memory_space<vmem>>, vector<16xi32>,
    %dma_start3A_431 = arith.constant 0 : i32
    %dma_start3A_432 = arith.constant 0 : i32
    %dma_start3A_433 = tpu.memref_slice %arg10[%rem3A_348, %dma_start3A_431, %dma_start3A_432] : memref<3x128x64xf32, #tpu.memory_space<vmem>> -> memref<1x128x64xf32, #tpu.memory_space<vmem>>
    %dma_start3A_434 = tpu.memref_squeeze %dma_start3A_433 : memref<1x128x64xf32, #tpu.memory_space<vmem>> -> memref<128x64xf32, #tpu.memory_space<vmem>>
    %dma_start3A_435 = arith.constant 0 : i32
    %dma_start3A_436 = tpu.memref_slice %arg8[%rem3A_348, %dma_start3A_435] : memref<3x128xi32, #tpu.memory_space<vmem>> -> memref<1x128xi32, #tpu.memory_space<vmem>>
    %dma_start3A_437 = tpu.memref_squeeze %dma_start3A_436 : memref<1x128xi32, #tpu.memory_space<vmem>> -> memref<128xi32, #tpu.memory_space<vmem>>
    %dma_start3A_438 = arith.constant 0 : i32
    %dma_start3A_439 = arith.constant 0 : i32
    %dma_start3A_440 = tpu.memref_slice %arg3[%dma_start3A_438, %dma_start3A_439] : memref<50176x64xf32, #tpu.memory_space<hbm>> -> memref<50176x64xf32, #tpu.memory_space<hbm>>
    %dma_start3A_441 = tpu.memref_slice %arg16[%rem3A_348] : memref<3x!tpu.dma_semaphore, #tpu.memory_space<semaphore_mem>> -> memref<1x!tpu.dma_semaphore, #tpu.memory_space<semaphore_mem>>
    %dma_start3A_442 = tpu.memref_squeeze %dma_start3A_441 : memref<1x!tpu.dma_semaphore, #tpu.memory_space<semaphore_mem>> -> memref<!tpu.dma_semaphore, #tpu.memory_space<semaphore_mem>>
    tpu.enqueue_indirect_dma source(%dma_start3A_440 : memref<50176x64xf32, #tpu.memory_space<hbm>>) target(%dma_start3A_434 : memref<128x64xf32, #tpu.memory_space<vmem>>) offsets(%dma_start3A_437 : memref<128xi32, #tpu.memory_space<vmem>>) semaphore(%dma_start3A_442 : memref<!tpu.dma_semaphore, #tpu.memory_space<semaphore_mem>>)
    %ge3A_443 = arith.constant 1 : i32
    %ge3A_444 = arith.cmpi sge, %scan3A_152#1, %ge3A_443 : i32
    %convert_element_type3A_445 = arith.extui %ge3A_444 : i1 to i32
    %cond3A_446 = arith.constant 0 : i32
    %cond3A_447 = arith.cmpi ne, %convert_element_type3A_445, %cond3A_446 : i32
    scf.if %cond3A_447 {
      %sub3A_505 = arith.constant 1 : i32
      %sub3A_506 = arith.subi %scan3A_152#1, %sub3A_505 : i32
      %add3A_507 = arith.constant 3 : i32
      %add3A_508 = arith.addi %sub3A_506, %add3A_507 : i32
      %rem3A_509 = arith.constant 3 : i32
      %rem3A_510 = arith.remsi %add3A_508, %rem3A_509 : i32
      %dma_wait3A_511 = arith.constant 0 : i32
      %dma_wait3A_512 = arith.constant 0 : i32
      %dma_wait3A_513 = tpu.memref_slice %arg10[%rem3A_510, %dma_wait3A_511, %dma_wait3A_512] : memref<3x128x64xf32, #tpu.memory_space<vmem>> -> memref<1x128x64xf32, #tpu.memory_space<vmem>>
      %dma_wait3A_514 = tpu.memref_squeeze %dma_wait3A_513 : memref<1x128x64xf32, #tpu.memory_space<vmem>> -> memref<128x64xf32, #tpu.memory_space<vmem>>
      %dma_wait3A_515 = arith.constant 0 : i32
      %dma_wait3A_516 = tpu.memref_slice %arg8[%rem3A_510, %dma_wait3A_515] : memref<3x128xi32, #tpu.memory_space<vmem>> -> memref<1x128xi32, #tpu.memory_space<vmem>>
      %dma_wait3A_517 = tpu.memref_squeeze %dma_wait3A_516 : memref<1x128xi32, #tpu.memory_space<vmem>> -> memref<128xi32, #tpu.memory_space<vmem>>
      %dma_wait3A_518 = arith.constant 0 : i32
      %dma_wait3A_519 = arith.constant 0 : i32
      %dma_wait3A_520 = tpu.memref_slice %arg3[%dma_wait3A_518, %dma_wait3A_519] : memref<50176x64xf32, #tpu.memory_space<hbm>> -> memref<50176x64xf32, #tpu.memory_space<hbm>>
      %dma_wait3A_521 = tpu.memref_slice %arg16[%rem3A_510] : memref<3x!tpu.dma_semaphore, #tpu.memory_space<semaphore_mem>> -> memref<1x!tpu.dma_semaphore, #tpu.memory_space<semaphore_mem>>
      %dma_wait3A_522 = tpu.memref_squeeze %dma_wait3A_521 : memref<1x!tpu.dma_semaphore, #tpu.memory_space<semaphore_mem>> -> memref<!tpu.dma_semaphore, #tpu.memory_space<semaphore_mem>>
      tpu.wait_indirect_dma semaphore(%dma_wait3A_522 : memref<!tpu.dma_semaphore, #tpu.memory_space<semaphore_mem>>) src(%dma_wait3A_520 : memref<50176x64xf32, #tpu.memory_space<hbm>>) dst(%dma_wait3A_514 : memref<128x64xf32, #tpu.memory_space<vmem>>)
      %dma_start3A_523 = arith.constant 0 : i32
      %dma_start3A_524 = arith.constant 0 : i32
      %dma_start3A_525 = tpu.memref_slice %arg10[%rem3A_510, %dma_start3A_523, %dma_start3A_524] : memref<3x128x64xf32, #tpu.memory_space<vmem>> -> memref<1x128x64xf32, #tpu.memory_space<vmem>>
      %dma_start3A_526 = tpu.memref_squeeze %dma_start3A_525 : memref<1x128x64xf32, #tpu.memory_space<vmem>> -> memref<128x64xf32, #tpu.memory_space<vmem>>
      %dma_start3A_527 = arith.constant 0 : i32
      %dma_start3A_528 = tpu.memref_slice %arg9[%rem3A_510, %dma_start3A_527] : memref<3x128xi32, #tpu.memory_space<vmem>> -> memref<1x128xi32, #tpu.memory_space<vmem>>
      %dma_start3A_529 = tpu.memref_squeeze %dma_start3A_528 : memref<1x128xi32, #tpu.memory_space<vmem>> -> memref<128xi32, #tpu.memory_space<vmem>>
      %dma_start3A_530 = arith.constant 0 : i32
      %dma_start3A_531 = arith.constant 0 : i32
      %dma_start3A_532 = tpu.memref_slice %arg18[%dma_start3A_530, %dma_start3A_531] : memref<25088x64xf32, #tpu.memory_space<vmem_shared>> -> memref<25088x64xf32, #tpu.memory_space<vmem_shared>>
      %dma_start3A_533 = tpu.memref_slice %arg17[%rem3A_510] : memref<3x!tpu.dma_semaphore, #tpu.memory_space<semaphore_mem>> -> memref<1x!tpu.dma_semaphore, #tpu.memory_space<semaphore_mem>>
      %dma_start3A_534 = tpu.memref_squeeze %dma_start3A_533 : memref<1x!tpu.dma_semaphore, #tpu.memory_space<semaphore_mem>> -> memref<!tpu.dma_semaphore, #tpu.memory_space<semaphore_mem>>
      tpu.enqueue_indirect_dma source(%dma_start3A_526 : memref<128x64xf32, #tpu.memory_space<vmem>>) target(%dma_start3A_532 : memref<25088x64xf32, #tpu.memory_space<vmem_shared>>) offsets(%dma_start3A_529 : memref<128xi32, #tpu.memory_space<vmem>>) semaphore(%dma_start3A_534 : memref<!tpu.dma_semaphore, #tpu.memory_space<semaphore_mem>>) {add = true}
    } else {
    }
    %rem3A_448 = arith.constant 3 : i32
    %rem3A_449 = arith.remsi %scan3A_152#1, %rem3A_448 : i32
    %dma_wait3A = arith.constant 0 : i32
    %dma_wait3A_450 = arith.constant 0 : i32
    %dma_wait3A_451 = tpu.memref_slice %arg10[%rem3A_449, %dma_wait3A, %dma_wait3A_450] : memref<3x128x64xf32, #tpu.memory_space<vmem>> -> memref<1x128x64xf32, #tpu.memory_space<vmem>>
    %dma_wait3A_452 = tpu.memref_squeeze %dma_wait3A_451 : memref<1x128x64xf32, #tpu.memory_space<vmem>> -> memref<128x64xf32, #tpu.memory_space<vmem>>
    %dma_wait3A_453 = arith.constant 0 : i32
    %dma_wait3A_454 = tpu.memref_slice %arg8[%rem3A_449, %dma_wait3A_453] : memref<3x128xi32, #tpu.memory_space<vmem>> -> memref<1x128xi32, #tpu.memory_space<vmem>>
    %dma_wait3A_455 = tpu.memref_squeeze %dma_wait3A_454 : memref<1x128xi32, #tpu.memory_space<vmem>> -> memref<128xi32, #tpu.memory_space<vmem>>
    %dma_wait3A_456 = arith.constant 0 : i32
    %dma_wait3A_457 = arith.constant 0 : i32
    %dma_wait3A_458 = tpu.memref_slice %arg3[%dma_wait3A_456, %dma_wait3A_457] : memref<50176x64xf32, #tpu.memory_space<hbm>> -> memref<50176x64xf32, #tpu.memory_space<hbm>>
    %dma_wait3A_459 = tpu.memref_slice %arg16[%rem3A_449] : memref<3x!tpu.dma_semaphore, #tpu.memory_space<semaphore_mem>> -> memref<1x!tpu.dma_semaphore, #tpu.memory_space<semaphore_mem>>
    %dma_wait3A_460 = tpu.memref_squeeze %dma_wait3A_459 : memref<1x!tpu.dma_semaphore, #tpu.memory_space<semaphore_mem>> -> memref<!tpu.dma_semaphore, #tpu.memory_space<semaphore_mem>>
    tpu.wait_indirect_dma semaphore(%dma_wait3A_460 : memref<!tpu.dma_semaphore, #tpu.memory_space<semaphore_mem>>) src(%dma_wait3A_458 : memref<50176x64xf32, #tpu.memory_space<hbm>>) dst(%dma_wait3A_452 : memref<128x64xf32, #tpu.memory_space<vmem>>)
    %dma_start3A_461 = arith.constant 0 : i32
    %dma_start3A_462 = arith.constant 0 : i32
    %dma_start3A_463 = tpu.memref_slice %arg10[%rem3A_449, %dma_start3A_461, %dma_start3A_462] : memref<3x128x64xf32, #tpu.memory_space<vmem>> -> memref<1x128x64xf32, #tpu.memory_space<vmem>>
    %dma_start3A_464 = tpu.memref_squeeze %dma_start3A_463 : memref<1x128x64xf32, #tpu.memory_space<vmem>> -> memref<128x64xf32, #tpu.memory_space<vmem>>
    %dma_start3A_465 = arith.constant 0 : i32
    %dma_start3A_466 = tpu.memref_slice %arg9[%rem3A_449, %dma_start3A_465] : memref<3x128xi32, #tpu.memory_space<vmem>> -> memref<1x128xi32, #tpu.memory_space<vmem>>
    %dma_start3A_467 = tpu.memref_squeeze %dma_start3A_466 : memref<1x128xi32, #tpu.memory_space<vmem>> -> memref<128xi32, #tpu.memory_space<vmem>>
    %dma_start3A_468 = arith.constant 0 : i32
    %dma_start3A_469 = arith.constant 0 : i32
    %dma_start3A_470 = tpu.memref_slice %arg18[%dma_start3A_468, %dma_start3A_469] : memref<25088x64xf32, #tpu.memory_space<vmem_shared>> -> memref<25088x64xf32, #tpu.memory_space<vmem_shared>>
    %dma_start3A_471 = tpu.memref_slice %arg17[%rem3A_449] : memref<3x!tpu.dma_semaphore, #tpu.memory_space<semaphore_mem>> -> memref<1x!tpu.dma_semaphore, #tpu.memory_space<semaphore_mem>>
    %dma_start3A_472 = tpu.memref_squeeze %dma_start3A_471 : memref<1x!tpu.dma_semaphore, #tpu.memory_space<semaphore_mem>> -> memref<!tpu.dma_semaphore, #tpu.memory_space<semaphore_mem>>
    tpu.enqueue_indirect_dma source(%dma_start3A_464 : memref<128x64xf32, #tpu.memory_space<vmem>>) target(%dma_start3A_470 : memref<25088x64xf32, #tpu.memory_space<vmem_shared>>) offsets(%dma_start3A_467 : memref<128xi32, #tpu.memory_space<vmem>>) semaphore(%dma_start3A_472 : memref<!tpu.dma_semaphore, #tpu.memory_space<semaphore_mem>>) {add = true}
    %sub3A = arith.constant 0 : i32
    %sub3A_473 = arith.subi %scan3A_152#1, %sub3A : i32
    %ge3A_474 = arith.constant 0 : i32
    %ge3A_475 = arith.cmpi sge, %sub3A_473, %ge3A_474 : i32
    %convert_element_type3A_476 = arith.extui %ge3A_475 : i1 to i32
    %cond3A_477 = arith.constant 0 : i32
    %cond3A_478 = arith.cmpi ne, %convert_element_type3A_476, %cond3A_477 : i32
    scf.if %cond3A_478 {
      %add3A_505 = arith.constant 1173 : i32
      %add3A_506 = arith.addi %sub3A_473, %add3A_505 : i32
      %rem3A_507 = arith.constant 3 : i32
      %rem3A_508 = arith.remsi %add3A_506, %rem3A_507 : i32
      %dma_wait3A_509 = arith.constant 0 : i32
      %dma_wait3A_510 = arith.constant 0 : i32
      %dma_wait3A_511 = tpu.memref_slice %arg10[%rem3A_508, %dma_wait3A_509, %dma_wait3A_510] : memref<3x128x64xf32, #tpu.memory_space<vmem>> -> memref<1x128x64xf32, #tpu.memory_space<vmem>>
      %dma_wait3A_512 = tpu.memref_squeeze %dma_wait3A_511 : memref<1x128x64xf32, #tpu.memory_space<vmem>> -> memref<128x64xf32, #tpu.memory_space<vmem>>
      %dma_wait3A_513 = arith.constant 0 : i32
      %dma_wait3A_514 = tpu.memref_slice %arg9[%rem3A_508, %dma_wait3A_513] : memref<3x128xi32, #tpu.memory_space<vmem>> -> memref<1x128xi32, #tpu.memory_space<vmem>>
      %dma_wait3A_515 = tpu.memref_squeeze %dma_wait3A_514 : memref<1x128xi32, #tpu.memory_space<vmem>> -> memref<128xi32, #tpu.memory_space<vmem>>
      %dma_wait3A_516 = arith.constant 0 : i32
      %dma_wait3A_517 = arith.constant 0 : i32
      %dma_wait3A_518 = tpu.memref_slice %arg18[%dma_wait3A_516, %dma_wait3A_517] : memref<25088x64xf32, #tpu.memory_space<vmem_shared>> -> memref<25088x64xf32, #tpu.memory_space<vmem_shared>>
      %dma_wait3A_519 = tpu.memref_slice %arg17[%rem3A_508] : memref<3x!tpu.dma_semaphore, #tpu.memory_space<semaphore_mem>> -> memref<1x!tpu.dma_semaphore, #tpu.memory_space<semaphore_mem>>
      %dma_wait3A_520 = tpu.memref_squeeze %dma_wait3A_519 : memref<1x!tpu.dma_semaphore, #tpu.memory_space<semaphore_mem>> -> memref<!tpu.dma_semaphore, #tpu.memory_space<semaphore_mem>>
      tpu.wait_indirect_dma semaphore(%dma_wait3A_520 : memref<!tpu.dma_semaphore, #tpu.memory_space<semaphore_mem>>) src(%dma_wait3A_512 : memref<128x64xf32, #tpu.memory_space<vmem>>) dst(%dma_wait3A_518 : memref<25088x64xf32, #tpu.memory_space<vmem_shared>>)
    } else {
    }
    %sub3A_479 = arith.constant 1 : i32
    %sub3A_480 = arith.subi %scan3A_152#1, %sub3A_479 : i32
    %ge3A_481 = arith.constant 0 : i32
    %ge3A_482 = arith.cmpi sge, %sub3A_480, %ge3A_481 : i32
    %convert_element_type3A_483 = arith.extui %ge3A_482 : i1 to i32
    %cond3A_484 = arith.constant 0 : i32
    %cond3A_485 = arith.cmpi ne, %convert_element_type3A_483, %cond3A_484 : i32
    scf.if %cond3A_485 {
      %add3A_505 = arith.constant 1173 : i32
      %add3A_506 = arith.addi %sub3A_480, %add3A_505 : i32
      %rem3A_507 = arith.constant 3 : i32
      %rem3A_508 = arith.remsi %add3A_506, %rem3A_507 : i32
      %dma_wait3A_509 = arith.constant 0 : i32
      %dma_wait3A_510 = arith.constant 0 : i32
      %dma_wait3A_511 = tpu.memref_slice %arg10[%rem3A_508, %dma_wait3A_509, %dma_wait3A_510] : memref<3x128x64xf32, #tpu.memory_space<vmem>> -> memref<1x128x64xf32, #tpu.memory_space<vmem>>
      %dma_wait3A_512 = tpu.memref_squeeze %dma_wait3A_511 : memref<1x128x64xf32, #tpu.memory_space<vmem>> -> memref<128x64xf32, #tpu.memory_space<vmem>>
      %dma_wait3A_513 = arith.constant 0 : i32
      %dma_wait3A_514 = tpu.memref_slice %arg9[%rem3A_508, %dma_wait3A_513] : memref<3x128xi32, #tpu.memory_space<vmem>> -> memref<1x128xi32, #tpu.memory_space<vmem>>
      %dma_wait3A_515 = tpu.memref_squeeze %dma_wait3A_514 : memref<1x128xi32, #tpu.memory_space<vmem>> -> memref<128xi32, #tpu.memory_space<vmem>>
      %dma_wait3A_516 = arith.constant 0 : i32
      %dma_wait3A_517 = arith.constant 0 : i32
      %dma_wait3A_518 = tpu.memref_slice %arg18[%dma_wait3A_516, %dma_wait3A_517] : memref<25088x64xf32, #tpu.memory_space<vmem_shared>> -> memref<25088x64xf32, #tpu.memory_space<vmem_shared>>
      %dma_wait3A_519 = tpu.memref_slice %arg17[%rem3A_508] : memref<3x!tpu.dma_semaphore, #tpu.memory_space<semaphore_mem>> -> memref<1x!tpu.dma_semaphore, #tpu.memory_space<semaphore_mem>>
      %dma_wait3A_520 = tpu.memref_squeeze %dma_wait3A_519 : memref<1x!tpu.dma_semaphore, #tpu.memory_space<semaphore_mem>> -> memref<!tpu.dma_semaphore, #tpu.memory_space<semaphore_mem>>
      tpu.wait_indirect_dma semaphore(%dma_wait3A_520 : memref<!tpu.dma_semaphore, #tpu.memory_space<semaphore_mem>>) src(%dma_wait3A_512 : memref<128x64xf32, #tpu.memory_space<vmem>>) dst(%dma_wait3A_518 : memref<25088x64xf32, #tpu.memory_space<vmem_shared>>)
    } else {
    }
    %sub3A_486 = arith.constant 2 : i32
    %sub3A_487 = arith.subi %scan3A_152#1, %sub3A_486 : i32
    %ge3A_488 = arith.constant 0 : i32
    %ge3A_489 = arith.cmpi sge, %sub3A_487, %ge3A_488 : i32
    %convert_element_type3A_490 = arith.extui %ge3A_489 : i1 to i32
    %cond3A_491 = arith.constant 0 : i32
    %cond3A_492 = arith.cmpi ne, %convert_element_type3A_490, %cond3A_491 : i32
    scf.if %cond3A_492 {
      %add3A_505 = arith.constant 1173 : i32
      %add3A_506 = arith.addi %sub3A_487, %add3A_505 : i32
      %rem3A_507 = arith.constant 3 : i32
      %rem3A_508 = arith.remsi %add3A_506, %rem3A_507 : i32
      %dma_wait3A_509 = arith.constant 0 : i32
      %dma_wait3A_510 = arith.constant 0 : i32
      %dma_wait3A_511 = tpu.memref_slice %arg10[%rem3A_508, %dma_wait3A_509, %dma_wait3A_510] : memref<3x128x64xf32, #tpu.memory_space<vmem>> -> memref<1x128x64xf32, #tpu.memory_space<vmem>>
      %dma_wait3A_512 = tpu.memref_squeeze %dma_wait3A_511 : memref<1x128x64xf32, #tpu.memory_space<vmem>> -> memref<128x64xf32, #tpu.memory_space<vmem>>
      %dma_wait3A_513 = arith.constant 0 : i32
      %dma_wait3A_514 = tpu.memref_slice %arg9[%rem3A_508, %dma_wait3A_513] : memref<3x128xi32, #tpu.memory_space<vmem>> -> memref<1x128xi32, #tpu.memory_space<vmem>>
      %dma_wait3A_515 = tpu.memref_squeeze %dma_wait3A_514 : memref<1x128xi32, #tpu.memory_space<vmem>> -> memref<128xi32, #tpu.memory_space<vmem>>
      %dma_wait3A_516 = arith.constant 0 : i32
      %dma_wait3A_517 = arith.constant 0 : i32
      %dma_wait3A_518 = tpu.memref_slice %arg18[%dma_wait3A_516, %dma_wait3A_517] : memref<25088x64xf32, #tpu.memory_space<vmem_shared>> -> memref<25088x64xf32, #tpu.memory_space<vmem_shared>>
      %dma_wait3A_519 = tpu.memref_slice %arg17[%rem3A_508] : memref<3x!tpu.dma_semaphore, #tpu.memory_space<semaphore_mem>> -> memref<1x!tpu.dma_semaphore, #tpu.memory_space<semaphore_mem>>
      %dma_wait3A_520 = tpu.memref_squeeze %dma_wait3A_519 : memref<1x!tpu.dma_semaphore, #tpu.memory_space<semaphore_mem>> -> memref<!tpu.dma_semaphore, #tpu.memory_space<semaphore_mem>>
      tpu.wait_indirect_dma semaphore(%dma_wait3A_520 : memref<!tpu.dma_semaphore, #tpu.memory_space<semaphore_mem>>) src(%dma_wait3A_512 : memref<128x64xf32, #tpu.memory_space<vmem>>) dst(%dma_wait3A_518 : memref<25088x64xf32, #tpu.memory_space<vmem_shared>>)
    } else {
    }
    %barrier3A_493 = arith.constant 0 : index
    tpu.barrier barrier_id(%barrier3A_493)
    %mul3A_494 = arith.constant 25000 : i32
    %mul3A_495 = arith.muli %arg0, %mul3A_494 : i32
    %lt3A_496 = arith.constant 15 : i32
    %lt3A_497 = arith.cmpi slt, %arg1, %lt3A_496 : i32
    %convert_element_type3A_498 = arith.extui %lt3A_497 : i1 to i32
    %cond3A_499 = arith.constant 0 : i32
    %cond3A_500 = arith.cmpi ne, %convert_element_type3A_498, %cond3A_499 : i32
    scf.if %cond3A_500 {
      %add3A_505 = arith.addi %mul3A_495, %mul3A_14 : i32
      "tpu.region"() ({
        %run_scoped3A = tpu.sem_alloc : memref<!tpu.dma_semaphore, #tpu.memory_space<semaphore_mem>>
        %dma_start3A_506 = arith.constant 0 : i32
        %dma_start3A_507 = tpu.memref_slice %arg5[%add3A_505, %dma_start3A_506] : memref<50000x64xf32, #tpu.memory_space<hbm>> -> memref<1568x64xf32, #tpu.memory_space<hbm>>
        %dma_start3A_508 = arith.constant 0 : i32
        %dma_start3A_509 = tpu.memref_slice %arg18[%mul3A_14, %dma_start3A_508] : memref<25088x64xf32, #tpu.memory_space<vmem_shared>> -> memref<1568x64xf32, #tpu.memory_space<vmem_shared>>
        tpu.enqueue_dma source(%dma_start3A_509 : memref<1568x64xf32, #tpu.memory_space<vmem_shared>>) target(%dma_start3A_507 : memref<1568x64xf32, #tpu.memory_space<hbm>>) target_semaphore(%run_scoped3A : memref<!tpu.dma_semaphore, #tpu.memory_space<semaphore_mem>>)
        %dma_wait3A_510 = arith.constant 0 : i32
        %dma_wait3A_511 = tpu.memref_slice %arg5[%add3A_505, %dma_wait3A_510] : memref<50000x64xf32, #tpu.memory_space<hbm>> -> memref<1568x64xf32, #tpu.memory_space<hbm>>
        %dma_wait3A_512 = arith.constant 0 : i32
        %dma_wait3A_513 = tpu.memref_slice %arg18[%mul3A_14, %dma_wait3A_512] : memref<25088x64xf32, #tpu.memory_space<vmem_shared>> -> memref<1568x64xf32, #tpu.memory_space<vmem_shared>>
        tpu.wait_dma2 semaphore(%run_scoped3A : memref<!tpu.dma_semaphore, #tpu.memory_space<semaphore_mem>>) src(%dma_wait3A_513 : memref<1568x64xf32, #tpu.memory_space<vmem_shared>>) dst(%dma_wait3A_511 : memref<1568x64xf32, #tpu.memory_space<hbm>>)
        tpu.yield
      }) : () -> ()
    } else {
    }
    %eq3A = arith.constant 15 : i32
    %eq3A_501 = arith.cmpi eq, %arg1, %eq3A : i32
    %convert_element_type3A_502 = arith.extui %eq3A_501 : i1 to i32
    %cond3A_503 = arith.constant 0 : i32
    %cond3A_504 = arith.cmpi ne, %convert_element_type3A_502, %cond3A_503 : i32
    scf.if %cond3A_504 {
      %add3A_505 = arith.addi %mul3A_495, %mul3A_14 : i32
      "tpu.region"() ({
        %run_scoped3A = tpu.sem_alloc : memref<!tpu.dma_semaphore, #tpu.memory_space<semaphore_mem>>
        %dma_start3A_506 = arith.constant 0 : i32
        %dma_start3A_507 = tpu.memref_slice %arg5[%add3A_505, %dma_start3A_506] : memref<50000x64xf32, #tpu.memory_space<hbm>> -> memref<1480x64xf32, #tpu.memory_space<hbm>>
        %dma_start3A_508 = arith.constant 0 : i32
        %dma_start3A_509 = tpu.memref_slice %arg18[%mul3A_14, %dma_start3A_508] : memref<25088x64xf32, #tpu.memory_space<vmem_shared>> -> memref<1480x64xf32, #tpu.memory_space<vmem_shared>>
        tpu.enqueue_dma source(%dma_start3A_509 : memref<1480x64xf32, #tpu.memory_space<vmem_shared>>) target(%dma_start3A_507 : memref<1480x64xf32, #tpu.memory_space<hbm>>) target_semaphore(%run_scoped3A : memref<!tpu.dma_semaphore, #tpu.memory_space<semaphore_mem>>)
        %dma_wait3A_510 = arith.constant 0 : i32
        %dma_wait3A_511 = tpu.memref_slice %arg5[%add3A_505, %dma_wait3A_510] : memref<50000x64xf32, #tpu.memory_space<hbm>> -> memref<1480x64xf32, #tpu.memory_space<hbm>>
        %dma_wait3A_512 = arith.constant 0 : i32
        %dma_wait3A_513 = tpu.memref_slice %arg18[%mul3A_14, %dma_wait3A_512] : memref<25088x64xf32, #tpu.memory_space<vmem_shared>> -> memref<1480x64xf32, #tpu.memory_space<vmem_shared>>
        tpu.wait_dma2 semaphore(%run_scoped3A : memref<!tpu.dma_semaphore, #tpu.memory_space<semaphore_mem>>) src(%dma_wait3A_513 : memref<1480x64xf32, #tpu.memory_space<vmem_shared>>) dst(%dma_wait3A_511 : memref<1480x64xf32, #tpu.memory_space<hbm>>)
        tpu.yield
      }) : () -> ()
    } else {
    }
    return
  }
}

module attributes {stable_mosaic.version = 14 : i64} {
  func.func @_mm_body(%arg0: i32, %arg1: memref<10000x64xf32, #tpu.memory_space<vmem>>, %arg2: memref<64x64xf32, #tpu.memory_space<vmem>>, %arg3: memref<10000x64xf32, #tpu.memory_space<vmem>>) attributes {dimension_semantics = [#tpu.dimension_semantics<arbitrary>], iteration_bounds = array<i64: 5>, scalar_prefetch = 0 : i64, scratch_operands = 0 : i64, tpu.core_type = #tpu.core_type<tc>, window_params = [{transform_indices = @transform_0, window_bounds = array<i64: 10000, 64>}, {pipeline_mode = #tpu.pipeline_mode<synchronous>, transform_indices = @transform_1, window_bounds = array<i64: 64, 64>}, {transform_indices = @transform_2, window_bounds = array<i64: 10000, 64>}]} {
    %get3A = arith.constant 0 : index
    %get3A_0 = arith.constant 0 : index
    %get3A_1 = vector.load %arg1[%get3A, %get3A_0] : memref<10000x64xf32, #tpu.memory_space<vmem>>, vector<10000x64xf32>
    %get3A_2 = arith.constant 0 : index
    %get3A_3 = arith.constant 0 : index
    %get3A_4 = vector.load %arg2[%get3A_2, %get3A_3] : memref<64x64xf32, #tpu.memory_space<vmem>>, vector<64x64xf32>
    %dot_general3A = arith.constant dense<0.000000e+00> : vector<10000x64xf32>
    %dot_general3A_5 = tpu.matmul %get3A_1, %get3A_4, %dot_general3A {dimension_numbers = #tpu.dot_dimension_numbers<[1], [0], [0], [1], [0, 0, 1, 1], [], []>, transpose_lhs_hint = false} : vector<10000x64xf32>, vector<64x64xf32>, vector<10000x64xf32> -> vector<10000x64xf32>
    %swap3A = arith.constant 0 : index
    %swap3A_6 = arith.constant 0 : index
    %swap3A_7 = vector.load %arg3[%swap3A, %swap3A_6] : memref<10000x64xf32, #tpu.memory_space<vmem>>, vector<10000x64xf32>
    tpu.vector_store %arg3[%swap3A, %swap3A_6], %dot_general3A_5 {strides = array<i32>} : memref<10000x64xf32, #tpu.memory_space<vmem>>, vector<10000x64xf32>,
    return
  }
  func.func @transform_0(%arg0: i32) -> (i32, i32) {
    %c0_i32 = arith.constant 0 : i32
    %c0_i32_0 = arith.constant 0 : i32
    return %arg0, %c0_i32 : i32, i32
  }
  func.func @transform_1(%arg0: i32) -> (i32, i32) {
    %c0_i32 = arith.constant 0 : i32
    %c0_i32_0 = arith.constant 0 : i32
    %c0_i32_1 = arith.constant 0 : i32
    return %c0_i32, %c0_i32_0 : i32, i32
  }
  func.func @transform_2(%arg0: i32) -> (i32, i32) {
    %c0_i32 = arith.constant 0 : i32
    %c0_i32_0 = arith.constant 0 : i32
    return %arg0, %c0_i32 : i32, i32
  }
}

module attributes {stable_mosaic.version = 14 : i64} {
  func.func @_mm_body(%arg0: i32, %arg1: memref<7168x64xf32, #tpu.memory_space<vmem>>, %arg2: memref<64x64xf32, #tpu.memory_space<vmem>>, %arg3: memref<7168x64xf32, #tpu.memory_space<vmem>>) attributes {dimension_semantics = [#tpu.dimension_semantics<arbitrary>], iteration_bounds = array<i64: 7>, scalar_prefetch = 0 : i64, scratch_operands = 0 : i64, tpu.core_type = #tpu.core_type<tc>, window_params = [{transform_indices = @transform_0, window_bounds = array<i64: 7168, 64>}, {pipeline_mode = #tpu.pipeline_mode<synchronous>, transform_indices = @transform_1, window_bounds = array<i64: 64, 64>}, {transform_indices = @transform_2, window_bounds = array<i64: 7168, 64>}]} {
    %get3A = arith.constant 0 : index
    %get3A_0 = arith.constant 0 : index
    %get3A_1 = vector.load %arg1[%get3A, %get3A_0] : memref<7168x64xf32, #tpu.memory_space<vmem>>, vector<7168x64xf32>
    %logistic3A = arith.negf %get3A_1 : vector<7168x64xf32>
    %logistic3A_2 = math.exp %logistic3A : vector<7168x64xf32>
    %logistic3A_3 = arith.constant 1.000000e+00 : f32
    %logistic3A_4 = vector.broadcast %logistic3A_3 : f32 to vector<7168x64xf32>
    %logistic3A_5 = arith.addf %logistic3A_4, %logistic3A_2 : vector<7168x64xf32>
    %logistic3A_6 = arith.divf %logistic3A_4, %logistic3A_5 : vector<7168x64xf32>
    %mul3A = arith.mulf %get3A_1, %logistic3A_6 : vector<7168x64xf32>
    %get3A_7 = arith.constant 0 : index
    %get3A_8 = arith.constant 0 : index
    %get3A_9 = vector.load %arg2[%get3A_7, %get3A_8] : memref<64x64xf32, #tpu.memory_space<vmem>>, vector<64x64xf32>
    %dot_general3A = arith.constant dense<0.000000e+00> : vector<7168x64xf32>
    %dot_general3A_10 = tpu.matmul %mul3A, %get3A_9, %dot_general3A {dimension_numbers = #tpu.dot_dimension_numbers<[1], [0], [0], [1], [0, 0, 1, 1], [], []>, transpose_lhs_hint = false} : vector<7168x64xf32>, vector<64x64xf32>, vector<7168x64xf32> -> vector<7168x64xf32>
    %swap3A = arith.constant 0 : index
    %swap3A_11 = arith.constant 0 : index
    %swap3A_12 = vector.load %arg3[%swap3A, %swap3A_11] : memref<7168x64xf32, #tpu.memory_space<vmem>>, vector<7168x64xf32>
    tpu.vector_store %arg3[%swap3A, %swap3A_11], %dot_general3A_10 {strides = array<i32>} : memref<7168x64xf32, #tpu.memory_space<vmem>>, vector<7168x64xf32>,
    return
  }
  func.func @transform_0(%arg0: i32) -> (i32, i32) {
    %c0_i32 = arith.constant 0 : i32
    %c0_i32_0 = arith.constant 0 : i32
    return %arg0, %c0_i32 : i32, i32
  }
  func.func @transform_1(%arg0: i32) -> (i32, i32) {
    %c0_i32 = arith.constant 0 : i32
    %c0_i32_0 = arith.constant 0 : i32
    %c0_i32_1 = arith.constant 0 : i32
    return %c0_i32, %c0_i32_0 : i32, i32
  }
  func.func @transform_2(%arg0: i32) -> (i32, i32) {
    %c0_i32 = arith.constant 0 : i32
    %c0_i32_0 = arith.constant 0 : i32
    return %arg0, %c0_i32 : i32, i32
  }
}

</mosaic_0001>

<sc_bundles>
// kernel: kernel.6.cloned.1.call-start
scs
__scs_entry_jumppad:
0x0: {  	(pc) =	sbr.rel $0x88, $3  }
0x1: {  	(tag) =	ssettag $0x0;
	lr =	simm.s32 $0x1  }
0x2: {  	[smem:$0x3F9B] =	sst lr;
	_ =	strace $0xD0000000  }
0x3: {  	_ = 	snop  }
0x4: {  	_ = 	snop  }
0x5: {  	_ = 	snop  }
0x6: {  	_ = 	snop  }
0x7: {  	_ = 	snop  }
__scs_overlays_trampoline_lowered:
0x8: {  	[smem:$0x3FAA] =	sst s0  }
0x9: {  	[smem:$0x3FAB] =	sst s1  }
0xa: {  	[smem:$0x3FAC] =	sst s2  }
0xb: {  	[smem:$0x3FAD] =	sst s3  }
0xc: {  	[smem:$0x3FAE] =	sst s4  }
0xd: {  	[smem:$0x3FAF] =	sst s5  }
0xe: {  	[smem:$0x3FB0] =	sst s6  }
0xf: {  	[smem:$0x3FB1] =	sst s7  }
0x10: {  	[smem:$0x3FB2] =	sst s8  }
0x11: {  	[smem:$0x3FB3] =	sst s9;
	s0 =	simm.s32 @!p0 $0x0  }
0x12: {  	s1 =	sld [smem:$0x3F99];
	s0 =	simm.s32 @p0 $0x1  }
0x13: {  	[smem:$0x3FB4] =	sst s0;
	s0 =	simm.s32 @!p1 $0x0  }
0x14: {  	s2 =	sld [smem:$0x3F98];
	s0 =	simm.s32 @p1 $0x1  }
0x15: {  	[smem:$0x3FB5] =	sst s0;
	s0 =	simm.s32 @!p2 $0x0  }
0x16: {  	s3 =	sld [smem:$0x3FDB];
	s0 =	simm.s32 @p2 $0x1  }
0x17: {  	s4 =	simm.s32 $0x1BF5;
	[smem:$0x3FB7] =	sst s0  }
0x18: {  	s0 =	sld [smem:$0x3F9A];
	_ =	swait.ge [sflag:s4], $0x0  }
0x19: {  	s7 =	sld [smem:$0x3F9B]  }
0x1a: {  	s8 =	sadd.s32 $0xFFFFE003, lr  }
0x1b: {  	s9 =	sadd.s32 $0xFFFFFEF7, lr;
	s5 =	simm.s32 $0xFFFFFFFF;
	p2 =	slt.u32 s8, $0xFFFFF086  }
0x1c: {  	p1 =	slt.u32 s9, $0xF7A;
	s5 =	simm.s32 @!p2 $0x0  }
0x1d: {  	s5 =	simm.s32 @p1 $0x1;
	p0 =	seq.s32 s7, s2  }
0x1e: {  	s7 =	smul.u32 @!p0 $0xF7A, s2;
	p2 =	seq.s32 @!p0 s5, $0x0  }
0x1f: {  	s9 =	smul.u32 $0xF7A, s1;
	s8 =	simm.s32 @!p0 $0x1BF5;
	p2 =	por !p2, p0  }
0x20: {  	[sflag:s8] =	ssyncset.s32 @!p0 $0xFFFFF086;
	s6 =	sadd.s32 @!p0 s3, s7;
	s7 =	simm.s32 @!p0 $0x108  }
0x21: {  	s3 =	sadd.s32 s3, s9;
	s6 =	sadd.s32 @!p0 $0x88, s6;
	s7 =	simm.s32 @p2 $0x1082  }
0x22: {  	[simem:s7], [sflag:s8] =	dma.local @!p0 [hbm:s6], $0xF7A  }
0x23: {  	s9 =	sor.u32 $0xD0000000, s2;
	s6 =	simm.s32 $0x108;
	_ =	swait.ge @!p0 [sflag:s8], $0x0  }
0x24: {  	s3 =	sadd.s32 $0x88, s3;
	s6 =	simm.s32 @!p1 $0x1082;
	[sflag:s4] =	ssyncset.s32 $0xFFFFF086  }
0x25: {  	[simem:s6], [sflag:s4] =	dma.local [hbm:s3], $0xF7A  }
0x26: {  	[smem:$0x3F9B] =	sst s1;
	(tag) =	ssettag s2;
	_ =	strace s9  }
0x27: {  	s1 =	sld [smem:$0x3FAB]  }
0x28: {  	s2 =	sld [smem:$0x3FAC]  }
0x29: {  	s4 =	sld [smem:$0x3FAE]  }
0x2a: {  	p0 =	seq.s32 s5, $0x0;
	s5 =	sld [smem:$0x3FAF]  }
0x2b: {  	s6 =	sld [smem:$0x3FB0]  }
0x2c: {  	s7 =	sld [smem:$0x3FB1]  }
0x2d: {  	s3 =	simm.s32 $0x108;
	s8 =	sld [smem:$0x3FB2]  }
0x2e: {  	s3 =	simm.s32 @!p0 $0x1082;
	s9 =	sld [smem:$0x3FB3]  }
0x2f: {  	lr =	sadd.s32 s0, s3;
	s0 =	sld [smem:$0x3FAA]  }
0x30: {  	s3 =	sld [smem:$0x3FAD]  }
0x31: {  	[smem:$0x3FB6] =	sst s10  }
0x32: {  	s10 =	sld [smem:$0x3FB4];
	_ =	sdelay $0x3  }
0x33: {  	p0 =	seq.s32 s10, $0x1;
	s10 =	sld [smem:$0x3FB6];
	_ =	sdelay $0x3  }
0x34: {  	[smem:$0x3FB6] =	sst s10  }
0x35: {  	s10 =	sld [smem:$0x3FB5];
	_ =	sdelay $0x3  }
0x36: {  	p1 =	seq.s32 s10, $0x1;
	s10 =	sld [smem:$0x3FB6];
	_ =	sdelay $0x3  }
0x37: {  	[smem:$0x3FB6] =	sst s10  }
0x38: {  	s10 =	sld [smem:$0x3FB7]  }
0x39: {  	_ = 	snop;
	(pc) =	sbr.ind lr, $3  }
0x3a: {  	_ = 	snop  }
0x3b: {  	_ = 	snop  }
0x3c: {  	p2 =	seq.s32 s10, $0x1;
	s10 =	sld [smem:$0x3FB6]  }
0x3d: {  	_ =	shalt  }
0x3e: {  	_ =	shalt  }
0x3f: {  	_ =	shalt  }
0x40: {  	_ =	shalt  }
0x41: {  	_ =	shalt  }
0x42: {  	_ =	shalt  }
0x43: {  	_ =	shalt  }
0x44: {  	_ =	shalt  }
0x45: {  	_ =	shalt  }
0x46: {  	_ =	shalt  }
0x47: {  	_ =	shalt  }
0x48: {  	_ =	shalt  }
0x49: {  	_ =	shalt  }
0x4a: {  	_ =	shalt  }
0x4b: {  	_ =	shalt  }
0x4c: {  	_ =	shalt  }
0x4d: {  	_ =	shalt  }
0x4e: {  	_ =	shalt  }
0x4f: {  	_ =	shalt  }
0x50: {  	_ =	shalt  }
0x51: {  	_ =	shalt  }
0x52: {  	_ =	shalt  }
0x53: {  	_ =	shalt  }
0x54: {  	_ =	shalt  }
0x55: {  	_ =	shalt  }
0x56: {  	_ =	shalt  }
0x57: {  	_ =	shalt  }
0x58: {  	_ =	shalt  }
0x59: {  	_ =	shalt  }
0x5a: {  	_ =	shalt  }
0x5b: {  	_ =	shalt  }
0x5c: {  	_ =	shalt  }
0x5d: {  	_ =	shalt  }
0x5e: {  	_ =	shalt  }
0x5f: {  	_ =	shalt  }
0x60: {  	_ =	shalt  }
0x61: {  	_ =	shalt  }
0x62: {  	_ =	shalt  }
0x63: {  	_ =	shalt  }
0x64: {  	_ =	shalt  }
0x65: {  	_ =	shalt  }
0x66: {  	_ =	shalt  }
0x67: {  	_ =	shalt  }
0x68: {  	_ =	shalt  }
0x69: {  	_ =	shalt  }
0x6a: {  	_ =	shalt  }
0x6b: {  	_ =	shalt  }
0x6c: {  	_ =	shalt  }
0x6d: {  	_ =	shalt  }
0x6e: {  	_ =	shalt  }
0x6f: {  	_ =	shalt  }
0x70: {  	_ =	shalt  }
0x71: {  	_ =	shalt  }
0x72: {  	_ =	shalt  }
0x73: {  	_ =	shalt  }
0x74: {  	_ =	shalt  }
0x75: {  	_ =	shalt  }
0x76: {  	_ =	shalt  }
0x77: {  	_ =	shalt  }
0x78: {  	_ =	shalt  }
0x79: {  	_ =	shalt  }
0x7a: {  	_ =	shalt  }
0x7b: {  	_ =	shalt  }
0x7c: {  	_ =	shalt  }
0x7d: {  	_ =	shalt  }
0x7e: {  	_ =	shalt  }
0x7f: {  	_ =	shalt  }
0x80: {  	_ =	shalt  }
0x81: {  	_ =	shalt  }
0x82: {  	_ =	shalt  }
0x83: {  	_ =	shalt  }
0x84: {  	_ =	shalt  }
0x85: {  	_ =	shalt  }
0x86: {  	_ =	shalt  }
0x87: {  	_ =	shalt  }
.Lfunc_end0:
.L_simem_size_0:
called_computation_lowered:
.L_overlay_start_0:
0x88: {  	s2 =	sld [smem:$0x3FD9]  }
0x89: {  	s3 =	sld [smem:$0x3FFE];
	_ =	sdelay $0x1  }
0x8a: {  	s1 =	srdreg.scid  }
0x8b: {  	s0 =	sand.u32 $0x1, s1  }
0x8c: {  	s17 =	sshll.u32 s0, $0xA;
	s2 =	sadd.s32 s3, s2  }
0x8d: {  	s2 =	sadd.s32 s2, s17  }
0x8e: {  	[smem:$0x3FC2] =	sst s2  }
0x8f: {  	_ = 	snop  }
0x90: {  	s2 =	sld [smem:$0x3FC6]  }
0x91: {  	s18 =	sld [smem:$0x3FD0];
	(tm) =	ssettm $0x1  }
0x92: {  	s4 =	sld [smem:$0x3FFB];
	_ =	sdelay $0x3  }
0x93: {  	_ =	strace s4  }
0x94: {  	s4 =	sld [smem:$0x3FFC];
	_ =	sdelay $0x3  }
0x95: {  	_ =	strace s4  }
0x96: {  	s4 =	sld [smem:$0x3FFD];
	_ =	sdelay $0x3  }
0x97: {  	_ =	strace s4  }
0x98: {  	_ =	strace $0x8FFFFFFF  }
0x99: {  	s19 =	sld [smem:$0x3FDB];
	_ =	sdelay $0x1  }
0x9a: {  	s5 =	simm.s32 $_scs_section_size  }
0x9b: {  	s6 =	simm.s32 $_size__tile_overlayer_lowered;
	s7 =	simm.s32 $_tile_overlayer_lowered  }
0x9c: {  	s22 =	simm.s32 $0x1BFF;
	s21 =	sshll.u32 s7, $0x1;
	s4 =	sadd.s32 s5, s19  }
0x9d: {  	s8 =	simm.s32 $0x0;
	s20 =	sshll.u32 s6, $0x1;
	s6 =	sadd.s32 s21, s4  }
0x9e: {  	[timem:s8], [sflag:s22] =	dma.local [hbm:s6], s20  }
0x9f: {  	_ =	swait.ge [sflag:s22], s20  }
0xa0: {  	s5 =	ssub.s32 $0x0, s20;
	[sflag:s22] =	ssyncset.done $0x0  }
0xa1: {  	[sflag:s22] =	ssyncadd.s32 s5;
	_ =	sdelay $0x1  }
0xa2: {  	s23 =	simm.s32 $0x1B8B  }
0xa3: {  	_ =	swait.ge [sflag:s23], $0x1  }
0xa4: {  	[sflag:s23] =	ssyncset.done $0x0  }
0xa5: {  	s25 =	simm.s32 $0x1B8E;
	s24 =	sld [smem:$0x3FFE];
	[sflag:s23] =	ssyncadd.s32 $0xFFFFFFFF  }
0xa6: {  	s26 =	simm.s32 $execute0_lowered;
	[smem:$0x3FD2] =	sst s25  }
0xa7: {  	s6 =	sshll.u32 s26, $0x1;
	_ =	strace $0x80000046;
	[dreg:$0x1] =	wrdreg $0xFFFFFFFF  }
0xa8: {  	s28 =	simm.s32 $_size_execute0_lowered;
	s4 =	sadd.s32 s4, s6;
	[dreg:$0x0] =	wrdreg $0x0  }
0xa9: {  	s6 =	sshll.u32 s28, $0x1;
	[dreg:$0x2] =	wrdreg s4  }
0xaa: {  	[dreg:$0x3] =	wrdreg s6  }
0xab: {  	[dreg:$0x4] =	wrdreg $0xC0  }
0xac: {  	_ =	task [dreg:s8], $0x5FFFF  }
0xad: {  	[dreg:$0x1] =	wrdreg $0xFFFFFFFF  }
0xae: {  	[dreg:$0x0] =	wrdreg $0x60  }
0xaf: {  	[dreg:$0x2] =	wrdreg s24  }
0xb0: {  	[dreg:$0x3] =	wrdreg s18  }
0xb1: {  	[dreg:$0x4] =	wrdreg s2  }
0xb2: {  	[dreg:$0x5] =	wrdreg $0x6F600  }
0xb3: {  	[dreg:$0x6] =	wrdreg $0x9  }
0xb4: {  	_ =	task.clear_ibuf [dreg:s8], $0x7FFFF;
	_ =	strace $0x90000046  }
0xb5: {  	s29 =	simm.s32 $0x9;
	_ =	strace $0x80000048  }
0xb6: {  	_ =	swait.ge [sflag:s29], $0x1  }
0xb7: {  	[sflag:s29] =	ssyncadd.s32 $0xFFFFFFFF  }
0xb8: {  	_ =	strace $0x90000048  }
0xb9: {  	_ =	sfence  }
0xba: {  	s30 =	sld [smem:$0x0];
	_ =	sdelay $0x2  }
0xbb: {  	s31 =	sshll.u32 s1, $0xD;
	s1 =	sshrl.u32 s1, $0x2  }
0xbc: {  	s3 =	sand.u32 $0x4000, s31;
	s1 =	sadd.s32 s1, s30  }
0xbd: {  	s0 =	sor.u32 s3, s0;
	s1 =	sshll.u32 s1, $0x11  }
0xbe: {  	s0 =	sor.u32 s1, s0  }
0xbf: {  	s0 =	sadd.s32 $0x8F2B, s0  }
0xc0: {  	[sflag:s0] =	ssyncadd.remote.s32 $0x1  }
0xc1: {  	_ =	sfence.sel $0xFFFF  }
0xc2: {  	[dreg:$0x0] =	wrdreg $0xFFFFFFFF;
	(pc) =	sbr.abs _section_cstart, $3  }
0xc3: {  	[dreg:$0x1] =	wrdreg $0xFFFFFFFF  }
0xc4: {  	_ =	task.clear_ibuf [dreg:s8], $0x2FFFF;
	_ =	strace $0x9FFFFFFF  }
0xc5: {  	(tm) =	ssettm $0x7FFFFFFF  }
tec
execute0_lowered:
.L_overlay_start_1:
0x0: {  	(tag) =	ssettag $0x1  }
0x1: {  	s10 =	stileid.u32  }
0x2: {  	s28 =	smul.u32 $0x62000, s10  }
0x3: {  	s4 =	rddreg [dreg:$0x3];
	s6 =	simm.s32 $0x0  }
0x4: {  	s2 =	srdreg.scid;
	[smem:$0x7FF] =	sst s6;
	s6 =	sshrl.u32 s28, $0x2  }
0x5: {  	s1 =	rddreg [dreg:$0x0];
	s2 =	sand.u32 $0x1, s2;
	s8 =	sadd.s32 s6, s4  }
0x6: {  	s0 =	rddreg [dreg:$0x1];
	s5 =	smul.u32 $0x6200, s2;
	s29 =	sadd.s32 $0x800, s8  }
0x7: {  	_ =	strace $0x80000047;
	s30 =	sadd.s32 $0x1000, s8;
	[dreg:$0x5] =	wrdreg s29  }
0x8: {  	s2 =	ssub.s32 $0x2, s2;
	s31 =	sadd.s32 $0x1800, s8;
	[dreg:$0x6] =	wrdreg s30  }
0x9: {  	s9 =	sshrl.u32 s2, $0x1;
	s6 =	sadd.s32 $0x2000, s8;
	[dreg:$0x7] =	wrdreg s31  }
0xa: {  	s2 =	ssub.s32 s2, s9;
	s9 =	sadd.s32 $0x2800, s8;
	[dreg:$0x8] =	wrdreg s6  }
0xb: {  	s11 =	sadd.s32 $0x3000, s8;
	[dreg:$0x9] =	wrdreg s9  }
0xc: {  	s14 =	sadd.s32 $0x4000, s8;
	[dreg:$0xa] =	wrdreg s11  }
0xd: {  	s15 =	sadd.s32 $0x4800, s8;
	[dreg:$0xc] =	wrdreg s14  }
0xe: {  	s16 =	sadd.s32 $0x5000, s8;
	[dreg:$0xd] =	wrdreg s15  }
0xf: {  	s17 =	sadd.s32 $0x5800, s8;
	[dreg:$0xe] =	wrdreg s16  }
0x10: {  	s19 =	sadd.s32 $0x6000, s8;
	[dreg:$0xf] =	wrdreg s17  }
0x11: {  	s20 =	smax.u32 s2, $0x1;
	[dreg:$0x10] =	wrdreg s19  }
0x12: {  	s21 =	sadd.s32 $0x6800, s8;
	[dreg:$0x12] =	wrdreg s20  }
0x13: {  	s23 =	sadd.s32 $0x7000, s8;
	[dreg:$0x13] =	wrdreg s21  }
0x14: {  	s3 =	smul.u32 $0x620, s10;
	s24 =	sadd.s32 $0x7800, s8;
	[dreg:$0x14] =	wrdreg s23  }
0x15: {  	s12 =	smul.u32 $0xC380, s10;
	s26 =	sadd.s32 $0x8000, s8;
	[dreg:$0x15] =	wrdreg s24  }
0x16: {  	s7 =	sadd.s32 $0xC00, s1;
	s28 =	sadd.s32 $0x8800, s8;
	[dreg:$0x16] =	wrdreg s26  }
0x17: {  	s18 =	sshrl.u32 s12, $0x3;
	s2 =	sadd.s32 $0xA800, s8;
	[dreg:$0x17] =	wrdreg s28  }
0x18: {  	s22 =	ssub.s32 $0xC3500, s12;
	s10 =	sadd.s32 $0xC800, s8;
	[dreg:$0x1b] =	wrdreg s2  }
0x19: {  	s25 =	sadd.s32 $0x80, s12;
	s12 =	sadd.s32 $0xD800, s8;
	[dreg:$0x1f] =	wrdreg s10  }
0x1a: {  	s13 =	sadd.s32 s7, s18;
	s18 =	sadd.s32 $0x10000, s8;
	[smem:$0x7EE] =	sst s12  }
0x1b: {  	s6 =	sadd.s32 $0x3800, s8;
	[smem:$0x7F3] =	sst s18  }
0x1c: {  	s29 =	sadd.s32 $0x9000, s8;
	[dreg:$0xb] =	wrdreg s6  }
0x1d: {  	s3 =	sadd.s32 s3, s5;
	s30 =	sadd.s32 $0x9800, s8;
	[dreg:$0x18] =	wrdreg s29  }
0x1e: {  	s3 =	sshll.u32 s3, $0x3;
	s31 =	sadd.s32 $0xA000, s8;
	[dreg:$0x19] =	wrdreg s30  }
0x1f: {  	s1 =	sadd.s32 s3, s1;
	s3 =	sadd.s32 $0xB000, s8;
	[dreg:$0x1a] =	wrdreg s31  }
0x20: {  	s9 =	sadd.s32 $0xC000, s8;
	[dreg:$0x1c] =	wrdreg s3  }
0x21: {  	s11 =	sadd.s32 $0xD000, s8;
	[dreg:$0x1e] =	wrdreg s9  }
0x22: {  	s14 =	sadd.s32 $0xE000, s8;
	[smem:$0x7ED] =	sst s11  }
0x23: {  	s15 =	sadd.s32 $0xE800, s8;
	[smem:$0x7EF] =	sst s14  }
0x24: {  	s16 =	sadd.s32 $0xF000, s8;
	[smem:$0x7F0] =	sst s15  }
0x25: {  	s17 =	sadd.s32 $0xF800, s8;
	[smem:$0x7F1] =	sst s16  }
0x26: {  	s19 =	sadd.s32 $0x10800, s8;
	[smem:$0x7F2] =	sst s17  }
0x27: {  	s20 =	sadd.s32 $0x11000, s8;
	[smem:$0x7F4] =	sst s19  }
0x28: {  	s21 =	sadd.s32 $0x11800, s8;
	s23 =	sadd.s32 $0x12000, s8;
	[smem:$0x7F5] =	sst s20  }
0x29: {  	s24 =	sadd.s32 $0x12800, s8;
	s26 =	sadd.s32 $0x13000, s8;
	[smem:$0x7F6] =	sst s21  }
0x2a: {  	s28 =	sadd.s32 $0x13800, s8;
	s2 =	sadd.s32 $0x16000, s8;
	[smem:$0x7F7] =	sst s23  }
0x2b: {  	s10 =	sadd.s32 $0x17000, s8;
	s12 =	sadd.s32 $0x18000, s8;
	[smem:$0x7F8] =	sst s24  }
0x2c: {  	s18 =	simm.s32 $0x80;
	s1 =	sadd.s32 $0x31A00, s1;
	[smem:$0x7F9] =	sst s26  }
0x2d: {  	v0 =	vlaneseq.u32;
	s6 =	sadd.s32 $0xB800, s8;
	[smem:$0x7FA] =	sst s28;
	s29 =	sadd.s32 $0x14000, s8  }
0x2e: {  	v1 =	vimm.s32 $0x0;
	v14 =	vand.u32 $0x7, v0;
	s30 =	sadd.s32 $0x14800, s8;
	s31 =	sadd.s32 $0x15000, s8;
	s9 =	sadd.s32 $0x16800, s8  }
.Ltmp0:
0x2f: {  	v3 =	vor.u32 $0x10, v0;
	v5 =	vor.u32 $0x20, v0;
	v7 =	vor.u32 $0x30, v0;
	s11 =	sadd.s32 $0x17800, s8;
	[dreg:$0x11] =	wrdreg s1;
	(pc) =	sbr.rel .LBB2_1-.Ltmp0, $4  }
0x30: {  	v9 =	vor.u32 $0x40, v0;
	v11 =	vor.u32 $0x50, v0;
	v13 =	vor.u32 $0x60, v0;
	s3 =	smov.u32 s13;
	s13 =	sadd.s32 $0x186A0, s13;
	[dreg:$0x1d] =	wrdreg s6  }
0x31: {  	v15 =	vor.u32 $0x70, v0;
	v16 =	vor.u32 $0x61F8, v0;
	v2 =	vor.u32 $0x61C0, v14;
	s14 =	simm.s32 $0x9;
	s15 =	simm.s32 $0x6720;
	[smem:$0x7FB] =	sst s29  }
0x32: {  	v4 =	vor.u32 $0x61C8, v14;
	v6 =	vor.u32 $0x61D0, v14;
	v8 =	vor.u32 $0x61D8, v14;
	s16 =	simm.s32 $0x6500;
	s17 =	simm.s32 $0x6610;
	[smem:$0x7FC] =	sst s30  }
0x33: {  	v10 =	vor.u32 $0x61E0, v14;
	v12 =	vor.u32 $0x61E8, v14;
	v14 =	vor.u32 $0x61F0, v14;
	s19 =	simm.s32 $0x0;
	[smem:$0x7FD] =	sst s31;
	s6 =	sadd.s32 $0x15800, s8  }
.LBB2_7:
0x34: {  	v17 =	vld [tilespmem:$0x6500]  }
0x35: {  	v18 =	vld [tilespmem:$0x6610]  }
0x36: {  	v19 =	vld [tilespmem:$0x6510]  }
0x37: {  	v20 =	vmov s24;
	v21 =	vld [tilespmem:$0x6620]  }
0x38: {  	v22 =	vld [tilespmem:$0x6520];
	vm0 =	vgt.s32 v20, v0  }
0x39: {  	v23 =	vld [tilespmem:$0x6630];
	v17 =	vnsel vm0, $0x0, v17  }
0x3a: {  	vm9 =	vgt.s32 v20, v3;
	[tilespmem:$0x6500] =	vst v17;
	v17 =	vsel vm0, v18, v2;
	v18 =	vld [tilespmem:$0x6530]  }
0x3b: {  	[tilespmem:$0x6610] =	vst v17;
	v17 =	vnsel vm9, $0x0, v19;
	v19 =	vld [tilespmem:$0x6640]  }
0x3c: {  	v58 =	vld [tilespmem:$0x6540];
	vm10 =	vgt.s32 v20, v5;
	[tilespmem:$0x6510] =	vst v17;
	v17 =	vsel vm9, v21, v4  }
0x3d: {  	v59 =	vld [tilespmem:$0x6650];
	[tilespmem:$0x6620] =	vst v17;
	v17 =	vnsel vm10, $0x0, v22  }
0x3e: {  	v60 =	vld [tilespmem:$0x6550];
	vm11 =	vgt.s32 v20, v7;
	[tilespmem:$0x6520] =	vst v17;
	v17 =	vsel vm10, v23, v6  }
0x3f: {  	[tilespmem:$0x6630] =	vst v17;
	v17 =	vnsel vm11, $0x0, v18;
	v18 =	vld [tilespmem:$0x6660]  }
0x40: {  	s1 =	smulhi.u32 $0x55555556, s21;
	s20 =	sshra.s32 s21, $0x1F;
	vm12 =	vgt.s32 v20, v9;
	[tilespmem:$0x6530] =	vst v17;
	v17 =	vsel vm11, v19, v8;
	v19 =	vld [tilespmem:$0x6560]  }
0x41: {  	v61 =	vld [tilespmem:$0x6670];
	s20 =	smul.u32 $0x55555556, s20;
	[tilespmem:$0x6640] =	vst v17;
	v17 =	vnsel vm12, $0x0, v58  }
0x42: {  	v62 =	vld [tilespmem:$0x6570];
	vm13 =	vgt.s32 v20, v11;
	[tilespmem:$0x6540] =	vst v17;
	v17 =	vsel vm12, v59, v10  }
0x43: {  	v63 =	vld [tilespmem:$0x6680];
	s1 =	sadd.s32 s20, s1;
	[tilespmem:$0x6650] =	vst v17;
	v17 =	vnsel vm13, $0x0, v60  }
0x44: {  	vm14 =	vgt.s32 v20, v13;
	s20 =	sshrl.u32 s1, $0x1F;
	[tilespmem:$0x6550] =	vst v17;
	v17 =	vsel vm13, v18, v12  }
0x45: {  	s1 =	sadd.s32 s20, s1;
	[tilespmem:$0x6660] =	vst v17;
	v17 =	vnsel vm14, $0x0, v19  }
0x46: {  	vm15 =	vgt.s32 v20, v15;
	s1 =	smul.u32 $0x3, s1;
	[tilespmem:$0x6560] =	vst v17;
	v17 =	vsel vm14, v61, v14  }
0x47: {  	[tilespmem:$0x6670] =	vst v17;
	v17 =	vnsel vm15, $0x0, v62  }
0x48: {  	p0 =	slt.s32 s21, $0x3;
	s20 =	ssub.s32 s21, s1;
	[tilespmem:$0x6570] =	vst v17;
	v17 =	vsel vm15, v63, v16  }
0x49: {  	s1 =	sadd.s32 @!p0 $0x6, s20;
	[tilespmem:$0x6680] =	vst v17  }
0x4a: {  	_ =	swait.ge @!p0 [sflag:s1], $0x2000  }
0x4b: {  	[sflag:s1] =	ssyncset.done @!p0 $0x0  }
0x4c: {  	[sflag:s1] =	ssyncadd.s32 @!p0 $0xFFFFE000  }
0x4d: {  	v17 =	vld [tilespmem:$0x6500];
	_ =	sdelay $0x3  }
0x4e: {  	s23 =	sshll.u32 s20, $0x7  }
0x4f: {  	[tilespmem:s23+$0x200] =	vst v17  }
0x50: {  	v17 =	vld [tilespmem:$0x6610];
	_ =	sdelay $0x4  }
0x51: {  	[tilespmem:s23+$0x380] =	vst v17  }
0x52: {  	v17 =	vld [tilespmem:$0x6510];
	_ =	sdelay $0x4  }
0x53: {  	[tilespmem:s23+$0x210] =	vst v17  }
0x54: {  	v17 =	vld [tilespmem:$0x6620];
	_ =	sdelay $0x4  }
0x55: {  	[tilespmem:s23+$0x390] =	vst v17  }
0x56: {  	v17 =	vld [tilespmem:$0x6520];
	_ =	sdelay $0x4  }
0x57: {  	[tilespmem:s23+$0x220] =	vst v17  }
0x58: {  	v17 =	vld [tilespmem:$0x6630];
	_ =	sdelay $0x4  }
0x59: {  	[tilespmem:s23+$0x3A0] =	vst v17  }
0x5a: {  	v17 =	vld [tilespmem:$0x6530];
	_ =	sdelay $0x4  }
0x5b: {  	[tilespmem:s23+$0x230] =	vst v17  }
0x5c: {  	v17 =	vld [tilespmem:$0x6640];
	_ =	sdelay $0x4  }
0x5d: {  	[tilespmem:s23+$0x3B0] =	vst v17  }
0x5e: {  	v17 =	vld [tilespmem:$0x6540];
	_ =	sdelay $0x4  }
0x5f: {  	[tilespmem:s23+$0x240] =	vst v17  }
0x60: {  	v17 =	vld [tilespmem:$0x6650];
	_ =	sdelay $0x4  }
0x61: {  	[tilespmem:s23+$0x3C0] =	vst v17  }
0x62: {  	v17 =	vld [tilespmem:$0x6550];
	_ =	sdelay $0x4  }
0x63: {  	[tilespmem:s23+$0x250] =	vst v17  }
0x64: {  	v17 =	vld [tilespmem:$0x6660];
	_ =	sdelay $0x4  }
0x65: {  	[tilespmem:s23+$0x3D0] =	vst v17  }
0x66: {  	v17 =	vld [tilespmem:$0x6560];
	_ =	sdelay $0x4  }
0x67: {  	[tilespmem:s23+$0x260] =	vst v17  }
0x68: {  	v17 =	vld [tilespmem:$0x6670];
	_ =	sdelay $0x4  }
0x69: {  	[tilespmem:s23+$0x3E0] =	vst v17  }
0x6a: {  	p0 =	slt.s32 s21, $0x1;
	v17 =	vld [tilespmem:$0x6570]  }
0x6b: {  	s1 =	sadd.s32 @!p0 $0x2, s21  }
0x6c: {  	s24 =	smulhi.u32 @!p0 $0x55555556, s1;
	s26 =	sshra.s32 @!p0 s1, $0x1F  }
0x6d: {  	s26 =	smul.u32 @!p0 $0x55555556, s26;
	_ =	sdelay $0x1  }
0x6e: {  	s24 =	sadd.s32 @!p0 s26, s24;
	[tilespmem:s23+$0x270] =	vst v17  }
0x6f: {  	s28 =	sshrl.u32 @!p0 s24, $0x1F;
	v17 =	vld [tilespmem:$0x6680]  }
0x70: {  	s24 =	sadd.s32 @!p0 s28, s24  }
0x71: {  	s24 =	smul.u32 @!p0 $0x3, s24  }
0x72: {  	s30 =	sshll.u32 s20, $0xF  }
0x73: {  	s31 =	sadd.s32 $0x3, s20;
	s26 =	sshra.s32 s30, $0x2;
	s1 =	ssub.s32 @!p0 s1, s24  }
0x74: {  	s29 =	sadd.s32 $0x200, s23;
	s26 =	sor.u32 $0x500, s26;
	s24 =	sadd.s32 @!p0 $0x3, s1;
	[tilespmem:s23+$0x3F0] =	vst v17  }
0x75: {  	[tilespmem:s26], [sflag:s31] =	stream.indirect.gather [hbm4b:s0+s18], $0x40, s29, s18, $0xb8;
	[tilespmem:$0x1F760] =	vst v63  }
0x76: {  	s29 =	sshll.u32 @!p0 s1, $0xF;
	_ =	swait.ge @!p0 [sflag:s24], $0x2000  }
0x77: {  	s30 =	sshll.u32 @!p0 s1, $0x9;
	s29 =	sshra.s32 @!p0 s29, $0x2;
	[sflag:s24] =	ssyncset.done @!p0 $0x0  }
0x78: {  	[sflag:s24] =	ssyncadd.s32 @!p0 $0xFFFFE000;
	s24 =	sor.u32 @!p0 $0x500, s29;
	s29 =	sshra.s32 @!p0 s30, $0x2  }
0x79: {  	s1 =	sadd.s32 @!p0 $0x6, s1;
	s30 =	simm.s32 @!p0 $0x80;
	s29 =	sadd.s32 @!p0 $0x380, s29  }
0x7a: {  	[spmem:s4] =	stream.indirect.scatter.add.f32 @!p0 [tilespmem:s24], [sflag:s1], $0x40, s29, s30, $0xb8;
	[tilespmem:$0x1F760] =	vst v63  }
0x7b: {  	p0 =	slt.s32 s21, $0x0  }
0x7c: {  	s20 =	sadd.s32 $0x6, s20;
	_ =	swait.ge [sflag:s31], $0x2000;
	s1 =	sadd.s32 @!p0 $0x495, s21  }
0x7d: {  	s29 =	sadd.s32 $0x380, s23;
	[sflag:s31] =	ssyncset.done $0x0;
	s23 =	sshra.s32 @!p0 s1, $0x1F  }
0x7e: {  	s30 =	sadd.s32 $0xFFFFFFFF, s21;
	[sflag:s31] =	ssyncadd.s32 $0xFFFFE000;
	s23 =	smul.u32 @!p0 $0x55555556, s23  }
0x7f: {  	[spmem:s4] =	stream.indirect.scatter.add.f32 [tilespmem:s26], [sflag:s20], $0x40, s29, s18, $0xb8;
	[tilespmem:$0x1F760] =	vst v63  }
0x80: {  	p1 =	slt.s32 s30, $0x0;
	s20 =	smulhi.u32 @!p0 $0x55555556, s1  }
0x81: {  	s24 =	sadd.s32 @!p1 $0x494, s21  }
0x82: {  	s28 =	sshra.s32 @!p1 s24, $0x1F;
	s31 =	sadd.s32 $0xFFFFFFFE, s21;
	s20 =	sadd.s32 @!p0 s23, s20  }
0x83: {  	s26 =	smulhi.u32 @!p1 $0x55555556, s24;
	p2 =	slt.s32 s31, $0x0;
	s23 =	sshrl.u32 @!p0 s20, $0x1F  }
0x84: {  	s21 =	sadd.s32 @!p2 $0x493, s21;
	s20 =	sadd.s32 @!p0 s23, s20;
	s23 =	smul.u32 @!p1 $0x55555556, s28  }
0x85: {  	s28 =	sshra.s32 @!p2 s21, $0x1F;
	s20 =	smul.u32 @!p0 $0x3, s20  }
0x86: {  	s28 =	smul.u32 @!p2 $0x55555556, s28;
	s23 =	sadd.s32 @!p1 s23, s26  }
0x87: {  	s26 =	smulhi.u32 @!p2 $0x55555556, s21;
	s29 =	sshrl.u32 @!p1 s23, $0x1F  }
0x88: {  	s1 =	ssub.s32 @!p0 s1, s20;
	s20 =	sadd.s32 @!p1 s29, s23  }
0x89: {  	s1 =	sadd.s32 @!p0 $0x6, s1;
	s23 =	sadd.s32 @!p2 s28, s26;
	s20 =	smul.u32 @!p1 $0x3, s20  }
0x8a: {  	_ =	swait.ge @!p0 [sflag:s1], $0x2000;
	s26 =	sshrl.u32 @!p2 s23, $0x1F  }
0x8b: {  	[sflag:s1] =	ssyncset.done @!p0 $0x0;
	s23 =	sadd.s32 @!p2 s26, s23;
	s20 =	ssub.s32 @!p1 s24, s20  }
0x8c: {  	[sflag:s1] =	ssyncadd.s32 @!p0 $0xFFFFE000;
	s1 =	sadd.s32 @!p1 $0x6, s20;
	s20 =	smul.u32 @!p2 $0x3, s23  }
0x8d: {  	_ =	swait.ge @!p1 [sflag:s1], $0x2000  }
0x8e: {  	[sflag:s1] =	ssyncset.done @!p1 $0x0;
	s20 =	ssub.s32 @!p2 s21, s20  }
0x8f: {  	[sflag:s1] =	ssyncadd.s32 @!p1 $0xFFFFE000;
	s1 =	sadd.s32 @!p2 $0x6, s20  }
0x90: {  	_ =	swait.ge @!p2 [sflag:s1], $0x2000  }
0x91: {  	[sflag:s1] =	ssyncset.done @!p2 $0x0  }
0x92: {  	s28 =	stileid.u32;
	[sflag:s1] =	ssyncadd.s32 @!p2 $0xFFFFE000  }
0x93: {  	s1 =	sshll.u32 s28, $0x6;
	[bflag:$0x0] =	sbarrier.arrive $0xFFFF  }
0x94: {  	s29 =	sshrl.u32 s8, $0x3;
	s1 =	sor.u32 $0x1C09, s1;
	s30 =	rddreg [dreg:$0x11]  }
0x95: {  	[hbm:s30], [sflag:s1] =	dma.local [spmem:s29], $0x3100  }
0x96: {  	_ =	swait.ge [sflag:s14], $0x3100  }
0x97: {  	s19 =	sadd.s32 $0x1, s19;
	s31 =	rddreg [dreg:$0x12]  }
0x98: {  	p0 =	sne.s32 s19, s31  }
.Ltmp1:
0x99: {  	_ = 	snop;
	(pc) =	sbr.rel @!p0 .LBB2_8-.Ltmp1, $3  }
0x9a: {  	_ =	sdelay $0x1  }
0x9b: {  	[sflag:s14] =	ssyncset.done $0x0  }
0x9c: {  	[sflag:s14] =	ssyncadd.s32 $0xFFFFCF00  }
.LBB2_1:
0x9d: {  	s1 =	rddreg [dreg:$0x2];
	s20 =	simm.s32 $0x0;
	s21 =	simm.s32 $0x6F20  }
0x9e: {  	[tilespmem:s21], [sflag:$0x9] =	stream.linear.gather [hbm4b:s1+s20], $0x40, $0x38;
	[tilespmem:$0x1F760] =	vst v63  }
0x9f: {  	_ =	swait.ge [sflag:s14], $0x40  }
0xa0: {  	[sflag:s14] =	ssyncset.done $0x0  }
0xa1: {  	[sflag:s14] =	ssyncadd.s32 $0xFFFFFFC0  }
0xa2: {  	v20 =	vld [tilespmem:$0x6F50]  }
0xa3: {  	v19 =	vld [tilespmem:$0x6F40]  }
0xa4: {  	v17 =	vld [tilespmem:$0x6F20]  }
0xa5: {  	v18 =	vld [tilespmem:$0x6F30]  }
0xa6: {  	s21 =	simm.s32 $0x100;
	s20 =	simm.s32 $0x0  }
.LBB2_2:
0xa7: {  	p0 =	sne.s32 s21, $0x1F00;
	[tilespmem:s20+$0x6750] =	vst v20;
	s23 =	smov.u32 s21;
	s21 =	sadd.s32 $0x100, s21  }
.Ltmp2:
0xa8: {  	[tilespmem:s20+$0x6740] =	vst v19;
	(pc) =	sbr.rel @p0 .LBB2_2-.Ltmp2, $3  }
0xa9: {  	[tilespmem:s20+$0x6720] =	vst v17  }
0xaa: {  	[tilespmem:s20+$0x6730] =	vst v18;
	_ =	sdelay $0x1  }
0xab: {  	s20 =	sshra.s32 s23, $0x2  }
0xac: {  	[tilespmem:s20+$0x6750] =	vst v20  }
0xad: {  	[tilespmem:s20+$0x6740] =	vst v19  }
0xae: {  	[tilespmem:s20+$0x6720] =	vst v17  }
0xaf: {  	[tilespmem:s20+$0x6730] =	vst v18  }
0xb0: {  	[spmem:s8] =	stream.linear.scatter [tilespmem:s15], [sflag:$0x9], $0x800, $0x38;
	[tilespmem:$0x1F760] =	vst v63  }
0xb1: {  	_ =	swait.ge [sflag:s14], $0x800  }
0xb2: {  	[sflag:s14] =	ssyncset.done $0x0  }
0xb3: {  	s1 =	rddreg [dreg:$0x5];
	[sflag:s14] =	ssyncadd.s32 $0xFFFFF800  }
0xb4: {  	[spmem:s1] =	stream.linear.scatter [tilespmem:s15], [sflag:$0x9], $0x800, $0x38;
	[tilespmem:$0x1F760] =	vst v63  }
0xb5: {  	_ =	swait.ge [sflag:s14], $0x800  }
0xb6: {  	[sflag:s14] =	ssyncset.done $0x0  }
0xb7: {  	s24 =	rddreg [dreg:$0x6];
	[sflag:s14] =	ssyncadd.s32 $0xFFFFF800  }
0xb8: {  	[spmem:s24] =	stream.linear.scatter [tilespmem:s15], [sflag:$0x9], $0x800, $0x38;
	[tilespmem:$0x1F760] =	vst v63  }
0xb9: {  	_ =	swait.ge [sflag:s14], $0x800  }
0xba: {  	[sflag:s14] =	ssyncset.done $0x0  }
0xbb: {  	s26 =	rddreg [dreg:$0x7];
	[sflag:s14] =	ssyncadd.s32 $0xFFFFF800  }
0xbc: {  	[spmem:s26] =	stream.linear.scatter [tilespmem:s15], [sflag:$0x9], $0x800, $0x38;
	[tilespmem:$0x1F760] =	vst v63  }
0xbd: {  	_ =	swait.ge [sflag:s14], $0x800  }
0xbe: {  	[sflag:s14] =	ssyncset.done $0x0  }
0xbf: {  	s28 =	rddreg [dreg:$0x8];
	[sflag:s14] =	ssyncadd.s32 $0xFFFFF800  }
0xc0: {  	[spmem:s28] =	stream.linear.scatter [tilespmem:s15], [sflag:$0x9], $0x800, $0x38;
	[tilespmem:$0x1F760] =	vst v63  }
0xc1: {  	_ =	swait.ge [sflag:s14], $0x800  }
0xc2: {  	[sflag:s14] =	ssyncset.done $0x0  }
0xc3: {  	s29 =	rddreg [dreg:$0x9];
	[sflag:s14] =	ssyncadd.s32 $0xFFFFF800  }
0xc4: {  	[spmem:s29] =	stream.linear.scatter [tilespmem:s15], [sflag:$0x9], $0x800, $0x38;
	[tilespmem:$0x1F760] =	vst v63  }
0xc5: {  	_ =	swait.ge [sflag:s14], $0x800  }
0xc6: {  	[sflag:s14] =	ssyncset.done $0x0  }
0xc7: {  	s30 =	rddreg [dreg:$0xa];
	[sflag:s14] =	ssyncadd.s32 $0xFFFFF800  }
0xc8: {  	[spmem:s30] =	stream.linear.scatter [tilespmem:s15], [sflag:$0x9], $0x800, $0x38;
	[tilespmem:$0x1F760] =	vst v63  }
0xc9: {  	_ =	swait.ge [sflag:s14], $0x800  }
0xca: {  	[sflag:s14] =	ssyncset.done $0x0  }
0xcb: {  	s31 =	rddreg [dreg:$0xb];
	[sflag:s14] =	ssyncadd.s32 $0xFFFFF800  }
0xcc: {  	[spmem:s31] =	stream.linear.scatter [tilespmem:s15], [sflag:$0x9], $0x800, $0x38;
	[tilespmem:$0x1F760] =	vst v63  }
0xcd: {  	_ =	swait.ge [sflag:s14], $0x800  }
0xce: {  	[sflag:s14] =	ssyncset.done $0x0  }
0xcf: {  	s20 =	rddreg [dreg:$0xc];
	[sflag:s14] =	ssyncadd.s32 $0xFFFFF800  }
0xd0: {  	[spmem:s20] =	stream.linear.scatter [tilespmem:s15], [sflag:$0x9], $0x800, $0x38;
	[tilespmem:$0x1F760] =	vst v63  }
0xd1: {  	_ =	swait.ge [sflag:s14], $0x800  }
0xd2: {  	[sflag:s14] =	ssyncset.done $0x0  }
0xd3: {  	s21 =	rddreg [dreg:$0xd];
	[sflag:s14] =	ssyncadd.s32 $0xFFFFF800  }
0xd4: {  	[spmem:s21] =	stream.linear.scatter [tilespmem:s15], [sflag:$0x9], $0x800, $0x38;
	[tilespmem:$0x1F760] =	vst v63  }
0xd5: {  	_ =	swait.ge [sflag:s14], $0x800  }
0xd6: {  	[sflag:s14] =	ssyncset.done $0x0  }
0xd7: {  	s23 =	rddreg [dreg:$0xe];
	[sflag:s14] =	ssyncadd.s32 $0xFFFFF800  }
0xd8: {  	[spmem:s23] =	stream.linear.scatter [tilespmem:s15], [sflag:$0x9], $0x800, $0x38;
	[tilespmem:$0x1F760] =	vst v63  }
0xd9: {  	_ =	swait.ge [sflag:s14], $0x800  }
0xda: {  	[sflag:s14] =	ssyncset.done $0x0  }
0xdb: {  	s24 =	rddreg [dreg:$0xf];
	[sflag:s14] =	ssyncadd.s32 $0xFFFFF800  }
0xdc: {  	[spmem:s24] =	stream.linear.scatter [tilespmem:s15], [sflag:$0x9], $0x800, $0x38;
	[tilespmem:$0x1F760] =	vst v63  }
0xdd: {  	_ =	swait.ge [sflag:s14], $0x800  }
0xde: {  	[sflag:s14] =	ssyncset.done $0x0  }
0xdf: {  	s26 =	rddreg [dreg:$0x10];
	[sflag:s14] =	ssyncadd.s32 $0xFFFFF800  }
0xe0: {  	[spmem:s26] =	stream.linear.scatter [tilespmem:s15], [sflag:$0x9], $0x800, $0x38;
	[tilespmem:$0x1F760] =	vst v63  }
0xe1: {  	_ =	swait.ge [sflag:s14], $0x800  }
0xe2: {  	[sflag:s14] =	ssyncset.done $0x0  }
0xe3: {  	s28 =	rddreg [dreg:$0x13];
	[sflag:s14] =	ssyncadd.s32 $0xFFFFF800  }
0xe4: {  	[spmem:s28] =	stream.linear.scatter [tilespmem:s15], [sflag:$0x9], $0x800, $0x38;
	[tilespmem:$0x1F760] =	vst v63  }
0xe5: {  	_ =	swait.ge [sflag:s14], $0x800  }
0xe6: {  	[sflag:s14] =	ssyncset.done $0x0  }
0xe7: {  	s29 =	rddreg [dreg:$0x14];
	[sflag:s14] =	ssyncadd.s32 $0xFFFFF800  }
0xe8: {  	[spmem:s29] =	stream.linear.scatter [tilespmem:s15], [sflag:$0x9], $0x800, $0x38;
	[tilespmem:$0x1F760] =	vst v63  }
0xe9: {  	_ =	swait.ge [sflag:s14], $0x800  }
0xea: {  	[sflag:s14] =	ssyncset.done $0x0  }
0xeb: {  	s30 =	rddreg [dreg:$0x15];
	[sflag:s14] =	ssyncadd.s32 $0xFFFFF800  }
0xec: {  	[spmem:s30] =	stream.linear.scatter [tilespmem:s15], [sflag:$0x9], $0x800, $0x38;
	[tilespmem:$0x1F760] =	vst v63  }
0xed: {  	_ =	swait.ge [sflag:s14], $0x800  }
0xee: {  	[sflag:s14] =	ssyncset.done $0x0  }
0xef: {  	s31 =	rddreg [dreg:$0x16];
	[sflag:s14] =	ssyncadd.s32 $0xFFFFF800  }
0xf0: {  	[spmem:s31] =	stream.linear.scatter [tilespmem:s15], [sflag:$0x9], $0x800, $0x38;
	[tilespmem:$0x1F760] =	vst v63  }
0xf1: {  	_ =	swait.ge [sflag:s14], $0x800  }
0xf2: {  	[sflag:s14] =	ssyncset.done $0x0  }
0xf3: {  	s20 =	rddreg [dreg:$0x17];
	[sflag:s14] =	ssyncadd.s32 $0xFFFFF800  }
0xf4: {  	[spmem:s20] =	stream.linear.scatter [tilespmem:s15], [sflag:$0x9], $0x800, $0x38;
	[tilespmem:$0x1F760] =	vst v63  }
0xf5: {  	_ =	swait.ge [sflag:s14], $0x800  }
0xf6: {  	[sflag:s14] =	ssyncset.done $0x0  }
0xf7: {  	s21 =	rddreg [dreg:$0x18];
	[sflag:s14] =	ssyncadd.s32 $0xFFFFF800  }
0xf8: {  	[spmem:s21] =	stream.linear.scatter [tilespmem:s15], [sflag:$0x9], $0x800, $0x38;
	[tilespmem:$0x1F760] =	vst v63  }
0xf9: {  	_ =	swait.ge [sflag:s14], $0x800  }
0xfa: {  	[sflag:s14] =	ssyncset.done $0x0  }
0xfb: {  	s23 =	rddreg [dreg:$0x19];
	[sflag:s14] =	ssyncadd.s32 $0xFFFFF800  }
0xfc: {  	[spmem:s23] =	stream.linear.scatter [tilespmem:s15], [sflag:$0x9], $0x800, $0x38;
	[tilespmem:$0x1F760] =	vst v63  }
0xfd: {  	_ =	swait.ge [sflag:s14], $0x800  }
0xfe: {  	[sflag:s14] =	ssyncset.done $0x0  }
0xff: {  	s24 =	rddreg [dreg:$0x1a];
	[sflag:s14] =	ssyncadd.s32 $0xFFFFF800  }
0x100: {  	[spmem:s24] =	stream.linear.scatter [tilespmem:s15], [sflag:$0x9], $0x800, $0x38;
	[tilespmem:$0x1F760] =	vst v63  }
0x101: {  	_ =	swait.ge [sflag:s14], $0x800  }
0x102: {  	[sflag:s14] =	ssyncset.done $0x0  }
0x103: {  	s26 =	rddreg [dreg:$0x1b];
	[sflag:s14] =	ssyncadd.s32 $0xFFFFF800  }
0x104: {  	[spmem:s26] =	stream.linear.scatter [tilespmem:s15], [sflag:$0x9], $0x800, $0x38;
	[tilespmem:$0x1F760] =	vst v63  }
0x105: {  	_ =	swait.ge [sflag:s14], $0x800  }
0x106: {  	[sflag:s14] =	ssyncset.done $0x0  }
0x107: {  	s28 =	rddreg [dreg:$0x1c];
	[sflag:s14] =	ssyncadd.s32 $0xFFFFF800  }
0x108: {  	[spmem:s28] =	stream.linear.scatter [tilespmem:s15], [sflag:$0x9], $0x800, $0x38;
	[tilespmem:$0x1F760] =	vst v63  }
0x109: {  	_ =	swait.ge [sflag:s14], $0x800  }
0x10a: {  	[sflag:s14] =	ssyncset.done $0x0  }
0x10b: {  	s29 =	rddreg [dreg:$0x1d];
	[sflag:s14] =	ssyncadd.s32 $0xFFFFF800  }
0x10c: {  	[spmem:s29] =	stream.linear.scatter [tilespmem:s15], [sflag:$0x9], $0x800, $0x38;
	[tilespmem:$0x1F760] =	vst v63  }
0x10d: {  	_ =	swait.ge [sflag:s14], $0x800  }
0x10e: {  	[sflag:s14] =	ssyncset.done $0x0  }
0x10f: {  	s30 =	rddreg [dreg:$0x1e];
	[sflag:s14] =	ssyncadd.s32 $0xFFFFF800  }
0x110: {  	[spmem:s30] =	stream.linear.scatter [tilespmem:s15], [sflag:$0x9], $0x800, $0x38;
	[tilespmem:$0x1F760] =	vst v63  }
0x111: {  	_ =	swait.ge [sflag:s14], $0x800  }
0x112: {  	[sflag:s14] =	ssyncset.done $0x0  }
0x113: {  	s31 =	rddreg [dreg:$0x1f];
	[sflag:s14] =	ssyncadd.s32 $0xFFFFF800  }
0x114: {  	[spmem:s31] =	stream.linear.scatter [tilespmem:s15], [sflag:$0x9], $0x800, $0x38;
	[tilespmem:$0x1F760] =	vst v63  }
0x115: {  	_ =	swait.ge [sflag:s14], $0x800  }
0x116: {  	s20 =	sld [smem:$0x7ED]  }
0x117: {  	[sflag:s14] =	ssyncset.done $0x0  }
0x118: {  	[sflag:s14] =	ssyncadd.s32 $0xFFFFF800  }
0x119: {  	[spmem:s20] =	stream.linear.scatter [tilespmem:s15], [sflag:$0x9], $0x800, $0x38;
	[tilespmem:$0x1F760] =	vst v63  }
0x11a: {  	_ =	swait.ge [sflag:s14], $0x800  }
0x11b: {  	s21 =	sld [smem:$0x7EE]  }
0x11c: {  	[sflag:s14] =	ssyncset.done $0x0  }
0x11d: {  	[sflag:s14] =	ssyncadd.s32 $0xFFFFF800  }
0x11e: {  	[spmem:s21] =	stream.linear.scatter [tilespmem:s15], [sflag:$0x9], $0x800, $0x38;
	[tilespmem:$0x1F760] =	vst v63  }
0x11f: {  	_ =	swait.ge [sflag:s14], $0x800  }
0x120: {  	s23 =	sld [smem:$0x7EF]  }
0x121: {  	[sflag:s14] =	ssyncset.done $0x0  }
0x122: {  	[sflag:s14] =	ssyncadd.s32 $0xFFFFF800  }
0x123: {  	[spmem:s23] =	stream.linear.scatter [tilespmem:s15], [sflag:$0x9], $0x800, $0x38;
	[tilespmem:$0x1F760] =	vst v63  }
0x124: {  	_ =	swait.ge [sflag:s14], $0x800  }
0x125: {  	s24 =	sld [smem:$0x7F0]  }
0x126: {  	[sflag:s14] =	ssyncset.done $0x0  }
0x127: {  	[sflag:s14] =	ssyncadd.s32 $0xFFFFF800  }
0x128: {  	[spmem:s24] =	stream.linear.scatter [tilespmem:s15], [sflag:$0x9], $0x800, $0x38;
	[tilespmem:$0x1F760] =	vst v63  }
0x129: {  	_ =	swait.ge [sflag:s14], $0x800  }
0x12a: {  	s26 =	sld [smem:$0x7F1]  }
0x12b: {  	[sflag:s14] =	ssyncset.done $0x0  }
0x12c: {  	[sflag:s14] =	ssyncadd.s32 $0xFFFFF800  }
0x12d: {  	[spmem:s26] =	stream.linear.scatter [tilespmem:s15], [sflag:$0x9], $0x800, $0x38;
	[tilespmem:$0x1F760] =	vst v63  }
0x12e: {  	_ =	swait.ge [sflag:s14], $0x800  }
0x12f: {  	s28 =	sld [smem:$0x7F2]  }
0x130: {  	[sflag:s14] =	ssyncset.done $0x0  }
0x131: {  	[sflag:s14] =	ssyncadd.s32 $0xFFFFF800  }
0x132: {  	[spmem:s28] =	stream.linear.scatter [tilespmem:s15], [sflag:$0x9], $0x800, $0x38;
	[tilespmem:$0x1F760] =	vst v63  }
0x133: {  	_ =	swait.ge [sflag:s14], $0x800  }
0x134: {  	s29 =	sld [smem:$0x7F3]  }
0x135: {  	[sflag:s14] =	ssyncset.done $0x0  }
0x136: {  	[sflag:s14] =	ssyncadd.s32 $0xFFFFF800  }
0x137: {  	[spmem:s29] =	stream.linear.scatter [tilespmem:s15], [sflag:$0x9], $0x800, $0x38;
	[tilespmem:$0x1F760] =	vst v63  }
0x138: {  	_ =	swait.ge [sflag:s14], $0x800  }
0x139: {  	s30 =	sld [smem:$0x7F4]  }
0x13a: {  	[sflag:s14] =	ssyncset.done $0x0  }
0x13b: {  	[sflag:s14] =	ssyncadd.s32 $0xFFFFF800  }
0x13c: {  	[spmem:s30] =	stream.linear.scatter [tilespmem:s15], [sflag:$0x9], $0x800, $0x38;
	[tilespmem:$0x1F760] =	vst v63  }
0x13d: {  	_ =	swait.ge [sflag:s14], $0x800  }
0x13e: {  	s31 =	sld [smem:$0x7F5]  }
0x13f: {  	[sflag:s14] =	ssyncset.done $0x0  }
0x140: {  	[sflag:s14] =	ssyncadd.s32 $0xFFFFF800  }
0x141: {  	[spmem:s31] =	stream.linear.scatter [tilespmem:s15], [sflag:$0x9], $0x800, $0x38;
	[tilespmem:$0x1F760] =	vst v63  }
0x142: {  	_ =	swait.ge [sflag:s14], $0x800  }
0x143: {  	s20 =	sld [smem:$0x7F6]  }
0x144: {  	[sflag:s14] =	ssyncset.done $0x0  }
0x145: {  	[sflag:s14] =	ssyncadd.s32 $0xFFFFF800  }
0x146: {  	[spmem:s20] =	stream.linear.scatter [tilespmem:s15], [sflag:$0x9], $0x800, $0x38;
	[tilespmem:$0x1F760] =	vst v63  }
0x147: {  	_ =	swait.ge [sflag:s14], $0x800  }
0x148: {  	s21 =	sld [smem:$0x7F7]  }
0x149: {  	[sflag:s14] =	ssyncset.done $0x0  }
0x14a: {  	[sflag:s14] =	ssyncadd.s32 $0xFFFFF800  }
0x14b: {  	[spmem:s21] =	stream.linear.scatter [tilespmem:s15], [sflag:$0x9], $0x800, $0x38;
	[tilespmem:$0x1F760] =	vst v63  }
0x14c: {  	_ =	swait.ge [sflag:s14], $0x800  }
0x14d: {  	s23 =	sld [smem:$0x7F8]  }
0x14e: {  	[sflag:s14] =	ssyncset.done $0x0  }
0x14f: {  	[sflag:s14] =	ssyncadd.s32 $0xFFFFF800  }
0x150: {  	[spmem:s23] =	stream.linear.scatter [tilespmem:s15], [sflag:$0x9], $0x800, $0x38;
	[tilespmem:$0x1F760] =	vst v63  }
0x151: {  	_ =	swait.ge [sflag:s14], $0x800  }
0x152: {  	s24 =	sld [smem:$0x7F9]  }
0x153: {  	[sflag:s14] =	ssyncset.done $0x0  }
0x154: {  	[sflag:s14] =	ssyncadd.s32 $0xFFFFF800  }
0x155: {  	[spmem:s24] =	stream.linear.scatter [tilespmem:s15], [sflag:$0x9], $0x800, $0x38;
	[tilespmem:$0x1F760] =	vst v63  }
0x156: {  	_ =	swait.ge [sflag:s14], $0x800  }
0x157: {  	s26 =	sld [smem:$0x7FA]  }
0x158: {  	[sflag:s14] =	ssyncset.done $0x0  }
0x159: {  	[sflag:s14] =	ssyncadd.s32 $0xFFFFF800  }
0x15a: {  	[spmem:s26] =	stream.linear.scatter [tilespmem:s15], [sflag:$0x9], $0x800, $0x38;
	[tilespmem:$0x1F760] =	vst v63  }
0x15b: {  	_ =	swait.ge [sflag:s14], $0x800  }
0x15c: {  	s28 =	sld [smem:$0x7FB]  }
0x15d: {  	[sflag:s14] =	ssyncset.done $0x0  }
0x15e: {  	[sflag:s14] =	ssyncadd.s32 $0xFFFFF800  }
0x15f: {  	[spmem:s28] =	stream.linear.scatter [tilespmem:s15], [sflag:$0x9], $0x800, $0x38;
	[tilespmem:$0x1F760] =	vst v63  }
0x160: {  	_ =	swait.ge [sflag:s14], $0x800  }
0x161: {  	s29 =	sld [smem:$0x7FC]  }
0x162: {  	[sflag:s14] =	ssyncset.done $0x0  }
0x163: {  	[sflag:s14] =	ssyncadd.s32 $0xFFFFF800  }
0x164: {  	[spmem:s29] =	stream.linear.scatter [tilespmem:s15], [sflag:$0x9], $0x800, $0x38;
	[tilespmem:$0x1F760] =	vst v63  }
0x165: {  	_ =	swait.ge [sflag:s14], $0x800  }
0x166: {  	s30 =	sld [smem:$0x7FD]  }
0x167: {  	[sflag:s14] =	ssyncset.done $0x0  }
0x168: {  	[sflag:s14] =	ssyncadd.s32 $0xFFFFF800  }
0x169: {  	[spmem:s30] =	stream.linear.scatter [tilespmem:s15], [sflag:$0x9], $0x800, $0x38;
	[tilespmem:$0x1F760] =	vst v63  }
0x16a: {  	_ =	swait.ge [sflag:s14], $0x800  }
0x16b: {  	[sflag:s14] =	ssyncset.done $0x0  }
0x16c: {  	[sflag:s14] =	ssyncadd.s32 $0xFFFFF800  }
0x16d: {  	[spmem:s6] =	stream.linear.scatter [tilespmem:s15], [sflag:$0x9], $0x800, $0x38;
	[tilespmem:$0x1F760] =	vst v63  }
0x16e: {  	_ =	swait.ge [sflag:s14], $0x800  }
0x16f: {  	[sflag:s14] =	ssyncset.done $0x0  }
0x170: {  	[sflag:s14] =	ssyncadd.s32 $0xFFFFF800  }
0x171: {  	[spmem:s2] =	stream.linear.scatter [tilespmem:s15], [sflag:$0x9], $0x800, $0x38;
	[tilespmem:$0x1F760] =	vst v63  }
0x172: {  	_ =	swait.ge [sflag:s14], $0x800  }
0x173: {  	[sflag:s14] =	ssyncset.done $0x0  }
0x174: {  	[sflag:s14] =	ssyncadd.s32 $0xFFFFF800  }
0x175: {  	[spmem:s9] =	stream.linear.scatter [tilespmem:s15], [sflag:$0x9], $0x800, $0x38;
	[tilespmem:$0x1F760] =	vst v63  }
0x176: {  	_ =	swait.ge [sflag:s14], $0x800  }
0x177: {  	[sflag:s14] =	ssyncset.done $0x0  }
0x178: {  	[sflag:s14] =	ssyncadd.s32 $0xFFFFF800  }
0x179: {  	[spmem:s10] =	stream.linear.scatter [tilespmem:s15], [sflag:$0x9], $0x800, $0x38;
	[tilespmem:$0x1F760] =	vst v63  }
0x17a: {  	_ =	swait.ge [sflag:s14], $0x800  }
0x17b: {  	[sflag:s14] =	ssyncset.done $0x0  }
0x17c: {  	[sflag:s14] =	ssyncadd.s32 $0xFFFFF800  }
0x17d: {  	[spmem:s11] =	stream.linear.scatter [tilespmem:s15], [sflag:$0x9], $0x800, $0x38;
	[tilespmem:$0x1F760] =	vst v63  }
0x17e: {  	_ =	swait.ge [sflag:s14], $0x800  }
0x17f: {  	[sflag:s14] =	ssyncset.done $0x0  }
0x180: {  	[sflag:s14] =	ssyncadd.s32 $0xFFFFF800  }
0x181: {  	[spmem:s12] =	stream.linear.scatter [tilespmem:s15], [sflag:$0x9], $0x800, $0x38;
	[tilespmem:$0x1F760] =	vst v63  }
0x182: {  	_ =	swait.ge [sflag:s14], $0x800  }
0x183: {  	[sflag:s14] =	ssyncset.done $0x0  }
.Ltmp3:
0x184: {  	[sflag:s14] =	ssyncadd.s32 $0xFFFFF800;
	(pc) =	sbr.rel .LBB2_4-.Ltmp3, $4  }
0x185: {  	s31 =	simm.s32 $0x100;
	s20 =	simm.s32 $0x0;
	[bflag:$0x0] =	sbarrier.arrive $0xFFFF  }
0x186: {  	[tilespmem:s20], [sflag:$0x1] =	stream.linear.gather [hbm4b:s3+s20], $0x80, $0x38;
	[tilespmem:$0x1F760] =	vst v63  }
0x187: {  	s21 =	simm.s32 $0x0;
	s23 =	simm.s32 $0x1;
	s24 =	simm.s32 $0x0  }
0x188: {  	[tilespmem:s31], [sflag:$0x1] =	stream.linear.gather [hbm4b:s13+s20], $0x80, $0x38;
	[tilespmem:$0x1F760] =	vst v63  }
.LBB2_6:
0x189: {  	p0 =	sgt.s32 s24, $0x7F;
	s1 =	simm.s32 $0x1;
	s23 =	sadd.s32 $0x1, s23  }
0x18a: {  	s1 =	simm.s32 @!p0 $0x0;
	p0 =	sne.s32 s23, $0x188  }
.Ltmp4:
0x18b: {  	_ = 	snop;
	(pc) =	sbr.rel @!p0 .LBB2_7-.Ltmp4, $2  }
0x18c: {  	_ =	sdelay $0x2  }
0x18d: {  	s24 =	sadd.s32 s24, s26;
	s20 =	sadd.s32 $0x80, s20;
	s21 =	sadd.s32 s1, s21  }
.LBB2_4:
0x18e: {  	p0 =	seq.s32 s23, $0x187  }
0x18f: {  	s26 =	sadd.s32 @!p0 s20, s25  }
0x190: {  	p1 =	slt.s32 @!p0 s26, $0xC3480  }
0x191: {  	p1 =	por !p1, p0  }
0x192: {  	s26 =	simm.s32 @p1 $0xC3480  }
0x193: {  	s28 =	sand.u32 @!p0 $0x1, s23;
	s30 =	simm.s32 @!p0 $0x0;
	s26 =	sshrl.u32 @!p0 s26, $0x3  }
0x194: {  	s29 =	sadd.s32 @!p0 $0x1, s28;
	s28 =	sshll.u32 @!p0 s28, $0x7;
	s26 =	sadd.s32 @!p0 s7, s26  }
0x195: {  	[tilespmem:s28], [sflag:s29] =	stream.linear.gather @!p0 [hbm4b:s26+s30], $0x80, $0x38;
	[tilespmem:$0x1F760] =	vst v63  }
0x196: {  	s1 =	sadd.s32 $0xFFFFFFFF, s23;
	s28 =	sor.u32 @!p0 $0x100, s28;
	s26 =	sadd.s32 @!p0 $0x186A0, s26  }
0x197: {  	[tilespmem:s28], [sflag:s29] =	stream.linear.gather @!p0 [hbm4b:s26+s30], $0x80, $0x38;
	[tilespmem:$0x1F760] =	vst v63  }
0x198: {  	s29 =	sand.u32 $0x8000, s1  }
0x199: {  	s28 =	sshrl.u32 s29, $0xF  }
0x19a: {  	s28 =	sadd.s32 s28, s1  }
0x19b: {  	s28 =	sand.u32 $0xFFFE, s28  }
0x19c: {  	s26 =	ssub.s32 s1, s28  }
0x19d: {  	s26 =	sshll.u32 s26, $0x10  }
0x19e: {  	s26 =	sshra.s32 s26, $0x10  }
0x19f: {  	s30 =	sadd.s32 $0x1, s26  }
0x1a0: {  	_ =	swait.ge [sflag:s30], $0x80  }
0x1a1: {  	[sflag:s30] =	ssyncset.done $0x0  }
0x1a2: {  	[sflag:s30] =	ssyncadd.s32 $0xFFFFFF80  }
0x1a3: {  	_ =	swait.ge [sflag:s30], $0x80  }
0x1a4: {  	[sflag:s30] =	ssyncset.done $0x0  }
0x1a5: {  	s26 =	sshll.u32 s26, $0x7;
	[sflag:s30] =	ssyncadd.s32 $0xFFFFFF80  }
0x1a6: {  	v17 =	vld [tilespmem:s26+$0x100];
	_ =	sdelay $0x2  }
0x1a7: {  	p0 =	slt.u32 s20, s22;
	s28 =	simm.s32 $0x0  }
0x1a8: {  	s28 =	simm.s32 @!p0 $0x8000000  }
0x1a9: {  	s28 =	ssub.s32 s28, s5;
	vm0 =	vgt.s32 v17, $0x61A7  }
0x1aa: {  	v17 =	vadd.s32 s28, v17;
	v18 =	vsel vm0, $0x58, v1  }
0x1ab: {  	v17 =	vadd.s32 v18, v17  }
0x1ac: {  	vm0 =	vlt.u32 v17, $0x61A8  }
0x1ad: {  	v18 =	vsel vm0, $0x1, v1  }
0x1ae: {  	(xrf0) =	vadd.scan.msk.s32 $0xffff, v18;
	v18 =	vld [tilespmem:s26+$0x110];
	_ =	sdelay $0x1  }
0x1af: {  	v19 =	vld [tilespmem:s26+$0x120]  }
0x1b0: {  	v20 =	vld [tilespmem:s26+$0x130];
	_ =	sdelay $0x1  }
0x1b1: {  	v23 =	vld [tilespmem:s26+$0x140];
	vm1 =	vgt.s32 v18, $0x61A7  }
0x1b2: {  	v18 =	vadd.s32 s28, v18;
	v22 =	vsel vm1, $0x58, v1  }
0x1b3: {  	v24 =	vld [tilespmem:s26+$0x150];
	vm2 =	vgt.s32 v19, $0x61A7;
	v19 =	vadd.s32 s28, v19;
	v18 =	vadd.s32 v22, v18  }
0x1b4: {  	vm3 =	vgt.s32 v20, $0x61A7;
	v56 =	vsel vm2, $0x58, v1;
	vm9 =	vlt.u32 v18, $0x61A8  }
0x1b5: {  	v58 =	vld [tilespmem:s26+$0x160];
	v20 =	vadd.s32 s28, v20;
	v19 =	vadd.s32 v56, v19;
	v25 =	vsel vm9, $0x1, v1  }
0x1b6: {  	vm4 =	vgt.s32 v23, $0x61A7;
	v57 =	vsel vm3, $0x58, v1;
	vm10 =	vlt.u32 v19, $0x61A8;
	v21, _, _ =	vpop (xrf0);
	(xrf0) =	vadd.scan.msk.s32 $0xffff, v25  }
0x1b7: {  	v23 =	vadd.s32 s28, v23;
	v20 =	vadd.s32 v57, v20;
	v26 =	vsel vm10, $0x1, v1  }
0x1b8: {  	vm5 =	vgt.s32 v24, $0x61A7;
	v59 =	vsel vm4, $0x58, v1;
	vm11 =	vlt.u32 v20, $0x61A8;
	(xrf0) =	vadd.scan.msk.s32 $0xffff, v26  }
0x1b9: {  	v24 =	vadd.s32 s28, v24;
	v60 =	vsel vm11, $0x1, v1;
	v22 =	vadd.s32 v59, v23  }
0x1ba: {  	vm6 =	vgt.s32 v58, $0x61A7;
	v61 =	vsel vm5, $0x58, v1;
	vm12 =	vlt.u32 v22, $0x61A8;
	(xrf0) =	vadd.scan.msk.s32 $0xffff, v60  }
0x1bb: {  	v46 =	vld [tilespmem:s26+$0x170];
	(v2sf) =	vpush v21, $0xF;
	v23 =	vadd.s32 v61, v24;
	v62 =	vsel vm12, $0x1, v1  }
0x1bc: {  	v44 =	vsel vm6, $0x58, v1;
	vm13 =	vlt.u32 v23, $0x61A8;
	v25 =	vadd.s32 s28, v58;
	v63, _, _ =	vpop (xrf0);
	(xrf0) =	vadd.scan.msk.s32 $0xffff, v62  }
0x1bd: {  	v27 =	vsel vm13, $0x1, v1;
	v25 =	vadd.s32 v44, v25;
	(v2sf) =	vpush v63, $0xF  }
0x1be: {  	vm14 =	vlt.u32 v25, $0x61A8;
	v45, _, _ =	vpop (xrf0);
	(xrf0) =	vadd.scan.msk.s32 $0xffff, v27  }
0x1bf: {  	v28 =	vsel vm14, $0x1, v1;
	(v2sf) =	vpush v45, $0xF  }
0x1c0: {  	vm7 =	vgt.s32 v46, $0x61A7;
	v29, _, _ =	vpop (xrf0);
	(xrf0) =	vadd.scan.msk.s32 $0xffff, v28  }
0x1c1: {  	v31 =	vsel vm7, $0x58, v1;
	v27 =	vadd.s32 s28, v46;
	(v2sf) =	vpush v29, $0xF  }
0x1c2: {  	v27 =	vadd.s32 v31, v27;
	v47, _, _ =	vpop (xrf0)  }
0x1c3: {  	vm15 =	vlt.u32 v27, $0x61A8;
	(v2sf) =	vpush v47, $0xF  }
0x1c4: {  	v32 =	vsel vm15, $0x1, v1;
	v30, _, _ =	vpop (xrf0)  }
0x1c5: {  	(xrf0) =	vadd.scan.msk.s32 $0xffff, v32;
	(v2sf) =	vpush v30, $0xF  }
0x1c6: {  	v48, _, _ =	vpop (xrf0)  }
0x1c7: {  	(v2sf) =	vpush v48, $0xF;
	_ =	sdelay $0x2  }
0x1c8: {  	v49 =	vmov s24;
	s31 =	spop (v2sf)  }
0x1c9: {  	v32 =	vadd.s32 $0xFFFFFFFF, v49;
	s1 =	sadd.s32 s24, s31;
	v38, _, _ =	vpop (xrf0)  }
0x1ca: {  	v33 =	vld [tilespmem:s26+$0x0];
	v32 =	vbroadcast v32, $0x0;
	v35 =	vmov s1;
	(v2sf) =	vpush v38, $0xF;
	s29 =	spop (v2sf)  }
0x1cb: {  	v34 =	vld [tilespmem:s26+$0x10];
	v35 =	vadd.s32 $0xFFFFFFFF, v35;
	s24 =	sadd.s32 s1, s29  }
0x1cc: {  	v36 =	vld [tilespmem:s26+$0x20];
	v21 =	vadd.s32 v21, v32;
	v50 =	vbroadcast v35, $0x0;
	s30 =	spop (v2sf);
	v51 =	vmov s24  }
0x1cd: {  	v37 =	vld [tilespmem:s26+$0x30];
	s24 =	sadd.s32 s24, s30;
	v35 =	vadd.s32 $0xFFFFFFFF, v51  }
0x1ce: {  	v39 =	vld [tilespmem:s26+$0x40];
	v24 =	vadd.s32 v63, v50;
	s31 =	spop (v2sf);
	v53 =	vmov s24;
	v52 =	vbroadcast v35, $0x0  }
0x1cf: {  	v40 =	vld [tilespmem:s26+$0x50];
	s24 =	sadd.s32 s24, s31;
	v35 =	vadd.s32 $0xFFFFFFFF, v53  }
0x1d0: {  	v41 =	vld [tilespmem:s26+$0x60];
	v55 =	vmov s24;
	v54 =	vbroadcast v35, $0x0;
	s1 =	spop (v2sf);
	v26 =	vadd.s32 v45, v52  }
0x1d1: {  	v42 =	vld [tilespmem:s26+$0x70];
	[tilespmem:v21+s16+$0x0] =	vst.idx.msk vm0, v33;
	v56 =	vadd.s32 $0xFFFFFFFF, v55;
	s24 =	sadd.s32 s24, s1  }
0x1d2: {  	[tilespmem:v21+s17+$0x0] =	vst.idx.msk vm0, v17;
	v57 =	vbroadcast v56, $0x0;
	s29 =	spop (v2sf);
	v17 =	vadd.s32 v29, v54;
	v58 =	vmov s24  }
0x1d3: {  	[tilespmem:v24+s16+$0x0] =	vst.idx.msk vm9, v34;
	s24 =	sadd.s32 s24, s29;
	v29 =	vadd.s32 $0xFFFFFFFF, v58  }
0x1d4: {  	[tilespmem:v24+s17+$0x0] =	vst.idx.msk vm9, v18;
	s30 =	spop (v2sf);
	v18 =	vadd.s32 v47, v57;
	v60 =	vmov s24;
	v59 =	vbroadcast v29, $0x0  }
0x1d5: {  	s24 =	sadd.s32 s24, s30;
	v24 =	vadd.s32 $0xFFFFFFFF, v60;
	[tilespmem:v26+s16+$0x0] =	vst.idx.msk vm10, v36  }
0x1d6: {  	v62 =	vmov s24;
	v61 =	vbroadcast v24, $0x0;
	[tilespmem:v26+s17+$0x0] =	vst.idx.msk vm10, v19;
	v19 =	vadd.s32 v30, v59  }
0x1d7: {  	v24 =	vadd.s32 $0xFFFFFFFF, v62;
	[tilespmem:v17+s16+$0x0] =	vst.idx.msk vm11, v37  }
0x1d8: {  	v63 =	vbroadcast v24, $0x0;
	[tilespmem:v17+s17+$0x0] =	vst.idx.msk vm11, v20;
	v17 =	vadd.s32 v48, v61  }
0x1d9: {  	s31 =	spop (v2sf);
	[tilespmem:v18+s16+$0x0] =	vst.idx.msk vm12, v39  }
0x1da: {  	s24 =	sadd.s32 s24, s31;
	[tilespmem:v18+s17+$0x0] =	vst.idx.msk vm12, v22;
	v18 =	vadd.s32 v38, v63  }
0x1db: {  	p0 =	slt.s32 s24, $0x80;
	[tilespmem:v19+s16+$0x0] =	vst.idx.msk vm13, v40  }
.Ltmp5:
0x1dc: {  	[tilespmem:v19+s17+$0x0] =	vst.idx.msk vm13, v23;
	(pc) =	sbr.rel @p0 .LBB2_6-.Ltmp5, $4  }
0x1dd: {  	[tilespmem:v17+s16+$0x0] =	vst.idx.msk vm14, v41  }
0x1de: {  	[tilespmem:v17+s17+$0x0] =	vst.idx.msk vm14, v25  }
0x1df: {  	[tilespmem:v18+s16+$0x0] =	vst.idx.msk vm15, v42  }
0x1e0: {  	s26 =	simm.s32 $0x0;
	[tilespmem:v18+s17+$0x0] =	vst.idx.msk vm15, v27  }
0x1e1: {  	s26 =	smulhi.u32 $0x55555556, s21;
	s28 =	sshra.s32 s21, $0x1F  }
0x1e2: {  	s28 =	smul.u32 $0x55555556, s28;
	_ =	sdelay $0x1  }
0x1e3: {  	s26 =	sadd.s32 s28, s26  }
0x1e4: {  	s28 =	sshrl.u32 s26, $0x1F  }
0x1e5: {  	s26 =	sadd.s32 s28, s26  }
0x1e6: {  	s26 =	smul.u32 $0x3, s26;
	_ =	sdelay $0x1  }
0x1e7: {  	p0 =	slt.s32 s21, $0x3;
	s26 =	ssub.s32 s21, s26  }
0x1e8: {  	s28 =	sadd.s32 @!p0 $0x6, s26  }
0x1e9: {  	_ =	swait.ge @!p0 [sflag:s28], $0x2000  }
0x1ea: {  	[sflag:s28] =	ssyncset.done @!p0 $0x0  }
0x1eb: {  	[sflag:s28] =	ssyncadd.s32 @!p0 $0xFFFFE000  }
0x1ec: {  	v17 =	vld [tilespmem:$0x6500];
	_ =	sdelay $0x3  }
0x1ed: {  	s28 =	sshll.u32 s26, $0x7  }
0x1ee: {  	[tilespmem:s28+$0x200] =	vst v17  }
0x1ef: {  	v17 =	vld [tilespmem:$0x6610];
	_ =	sdelay $0x4  }
0x1f0: {  	[tilespmem:s28+$0x380] =	vst v17  }
0x1f1: {  	v17 =	vld [tilespmem:$0x6510];
	_ =	sdelay $0x4  }
0x1f2: {  	[tilespmem:s28+$0x210] =	vst v17  }
0x1f3: {  	v17 =	vld [tilespmem:$0x6620];
	_ =	sdelay $0x4  }
0x1f4: {  	[tilespmem:s28+$0x390] =	vst v17  }
0x1f5: {  	v17 =	vld [tilespmem:$0x6520];
	_ =	sdelay $0x4  }
0x1f6: {  	[tilespmem:s28+$0x220] =	vst v17  }
0x1f7: {  	v17 =	vld [tilespmem:$0x6630];
	_ =	sdelay $0x4  }
0x1f8: {  	[tilespmem:s28+$0x3A0] =	vst v17  }
0x1f9: {  	v17 =	vld [tilespmem:$0x6530];
	_ =	sdelay $0x4  }
0x1fa: {  	[tilespmem:s28+$0x230] =	vst v17  }
0x1fb: {  	v17 =	vld [tilespmem:$0x6640];
	_ =	sdelay $0x4  }
0x1fc: {  	[tilespmem:s28+$0x3B0] =	vst v17  }
0x1fd: {  	v17 =	vld [tilespmem:$0x6540];
	_ =	sdelay $0x4  }
0x1fe: {  	[tilespmem:s28+$0x240] =	vst v17  }
0x1ff: {  	v17 =	vld [tilespmem:$0x6650];
	_ =	sdelay $0x4  }
0x200: {  	[tilespmem:s28+$0x3C0] =	vst v17  }
0x201: {  	v17 =	vld [tilespmem:$0x6550];
	_ =	sdelay $0x4  }
0x202: {  	[tilespmem:s28+$0x250] =	vst v17  }
0x203: {  	v17 =	vld [tilespmem:$0x6660];
	_ =	sdelay $0x4  }
0x204: {  	[tilespmem:s28+$0x3D0] =	vst v17  }
0x205: {  	v17 =	vld [tilespmem:$0x6560];
	_ =	sdelay $0x4  }
0x206: {  	[tilespmem:s28+$0x260] =	vst v17  }
0x207: {  	v17 =	vld [tilespmem:$0x6670];
	_ =	sdelay $0x4  }
0x208: {  	[tilespmem:s28+$0x3E0] =	vst v17  }
0x209: {  	v17 =	vld [tilespmem:$0x6570]  }
0x20a: {  	p0 =	slt.s32 s21, $0x1  }
0x20b: {  	s29 =	sadd.s32 @!p0 $0x2, s21  }
0x20c: {  	s30 =	smulhi.u32 @!p0 $0x55555556, s29;
	s31 =	sshra.s32 @!p0 s29, $0x1F  }
0x20d: {  	s31 =	smul.u32 @!p0 $0x55555556, s31  }
0x20e: {  	[tilespmem:s28+$0x270] =	vst v17  }
0x20f: {  	s30 =	sadd.s32 @!p0 s31, s30;
	v17 =	vld [tilespmem:$0x6680]  }
0x210: {  	s1 =	sshrl.u32 @!p0 s30, $0x1F  }
0x211: {  	s1 =	sadd.s32 @!p0 s1, s30  }
0x212: {  	s31 =	sshll.u32 s26, $0xF;
	s1 =	smul.u32 @!p0 $0x3, s1  }
0x213: {  	s26 =	sadd.s32 $0x3, s26;
	s31 =	sshra.s32 s31, $0x2  }
0x214: {  	s30 =	sadd.s32 $0x200, s28;
	s31 =	sor.u32 $0x500, s31;
	s1 =	ssub.s32 @!p0 s29, s1;
	[tilespmem:s28+$0x3F0] =	vst v17  }
0x215: {  	[tilespmem:s31], [sflag:s26] =	stream.indirect.gather [hbm4b:s0+s18], $0x40, s30, s18, $0xb8;
	[tilespmem:$0x1F760] =	vst v63  }
0x216: {  	s26 =	sadd.s32 @!p0 $0x3, s1  }
0x217: {  	s28 =	sshll.u32 @!p0 s1, $0xF;
	_ =	swait.ge @!p0 [sflag:s26], $0x2000  }
0x218: {  	s29 =	sshll.u32 @!p0 s1, $0x9;
	s28 =	sshra.s32 @!p0 s28, $0x2;
	[sflag:s26] =	ssyncset.done @!p0 $0x0  }
0x219: {  	[sflag:s26] =	ssyncadd.s32 @!p0 $0xFFFFE000;
	s26 =	sor.u32 @!p0 $0x500, s28;
	s28 =	sshra.s32 @!p0 s29, $0x2  }
0x21a: {  	s1 =	sadd.s32 @!p0 $0x6, s1;
	s29 =	simm.s32 @!p0 $0x80;
	s28 =	sadd.s32 @!p0 $0x380, s28  }
0x21b: {  	[spmem:s4] =	stream.indirect.scatter.add.f32 @!p0 [tilespmem:s26], [sflag:s1], $0x40, s28, s29, $0xb8;
	[tilespmem:$0x1F760] =	vst v63  }
0x21c: {  	v17 =	vld [tilespmem:$0x6580]  }
0x21d: {  	v18 =	vld [tilespmem:$0x6690]  }
0x21e: {  	v19 =	vld [tilespmem:$0x6590]  }
0x21f: {  	v20 =	vld [tilespmem:$0x66A0]  }
0x220: {  	v21 =	vld [tilespmem:$0x65A0]  }
0x221: {  	[tilespmem:$0x6500] =	vst v17;
	v17 =	vld [tilespmem:$0x66B0]  }
0x222: {  	v60 =	vld [tilespmem:$0x65C0];
	[tilespmem:$0x6610] =	vst v18  }
0x223: {  	v61 =	vld [tilespmem:$0x66D0];
	[tilespmem:$0x6510] =	vst v19  }
0x224: {  	v18 =	vld [tilespmem:$0x65B0];
	[tilespmem:$0x6620] =	vst v20  }
0x225: {  	v19 =	vld [tilespmem:$0x66C0];
	[tilespmem:$0x6520] =	vst v21  }
0x226: {  	[tilespmem:$0x6630] =	vst v17;
	v17 =	vld [tilespmem:$0x65D0]  }
0x227: {  	v62 =	vld [tilespmem:$0x66F0];
	[tilespmem:$0x6540] =	vst v60  }
0x228: {  	v63 =	vld [tilespmem:$0x65F0];
	[tilespmem:$0x6650] =	vst v61  }
0x229: {  	[tilespmem:$0x6530] =	vst v18;
	v18 =	vld [tilespmem:$0x66E0]  }
0x22a: {  	[tilespmem:$0x6640] =	vst v19;
	v19 =	vld [tilespmem:$0x65E0]  }
0x22b: {  	[tilespmem:$0x6550] =	vst v17;
	v17 =	vld [tilespmem:$0x6700]  }
.Ltmp6:
0x22c: {  	[tilespmem:$0x6670] =	vst v62;
	(pc) =	sbr.rel .LBB2_6-.Ltmp6, $4  }
0x22d: {  	[tilespmem:$0x6570] =	vst v63  }
0x22e: {  	[tilespmem:$0x6660] =	vst v18  }
0x22f: {  	[tilespmem:$0x6560] =	vst v19  }
0x230: {  	s26 =	simm.s32 $0xFFFFFF80;
	[tilespmem:$0x6680] =	vst v17  }
.LBB2_8:
0x231: {  	_ =	sfence.sel $0x180000  }
0x232: {  	[bflag:$0x0] =	sbarrier.arrive $0xFFFF  }
0x233: {  	_ =	strace $0x90000047  }
0x234: {  	s0 =	stileid.u32;
	[bflag:$0x2] =	sbarrier.arrive $0xFFFF  }
0x235: {  	p0 =	sne.s32 s0, $0x0;
	s0 =	rddreg [dreg:$0x4]  }
0x236: {  	s0 =	sadd.s32 @!p0 $0x100000, s0  }
0x237: {  	[sflag:s0] =	ssyncadd.tile.s32 @!p0 $0x1;
	_ =	shalt  }
.Lfunc_end2:
_tile_overlayer_lowered:
.L_overlay_start_2:
0x238: {  	(tag) =	ssettag $0x2  }
0x239: {  	s0 =	rddreg [dreg:$0x0];
	s2 =	stileid.u32  }
0x23a: {  	s1 =	rddreg [dreg:$0x1];
	p0 =	sne.s32 s2, $0x0  }
0x23b: {  	s3 =	rddreg [dreg:$0x2];
	[bflag:$0x3] =	sbarrier.arrive $0xFFFF;
	s2 =	simm.s32 @!p0 $0x1C09  }
0x23c: {  	[timem:s3], [sflag:s2] =	dma.local @!p0 [hbm:s0], s1  }
0x23d: {  	s0 =	simm.s32 @!p0 $0x9  }
0x23e: {  	_ =	swait.ge @!p0 [sflag:s0], s1  }
0x23f: {  	s1 =	ssub.s32 @!p0 $0x0, s1;
	[sflag:s0] =	ssyncset.done @!p0 $0x0  }
0x240: {  	[sflag:s0] =	ssyncadd.s32 @!p0 s1  }
0x241: {  	[bflag:$0x3] =	sbarrier.arrive $0xFFFF  }
0x242: {  	_ =	shalt  }

// kernel: kernel.9.cloned.1.call-start
scs
__scs_entry_jumppad:
0x0: {  	(pc) =	sbr.rel $0x88, $3  }
0x1: {  	(tag) =	ssettag $0x0;
	lr =	simm.s32 $0x1  }
0x2: {  	[smem:$0x3F9B] =	sst lr;
	_ =	strace $0xD0000000  }
0x3: {  	_ = 	snop  }
0x4: {  	_ = 	snop  }
0x5: {  	_ = 	snop  }
0x6: {  	_ = 	snop  }
0x7: {  	_ = 	snop  }
__scs_overlays_trampoline_lowered:
0x8: {  	[smem:$0x3FAA] =	sst s0  }
0x9: {  	[smem:$0x3FAB] =	sst s1  }
0xa: {  	[smem:$0x3FAC] =	sst s2  }
0xb: {  	[smem:$0x3FAD] =	sst s3  }
0xc: {  	[smem:$0x3FAE] =	sst s4  }
0xd: {  	[smem:$0x3FAF] =	sst s5  }
0xe: {  	[smem:$0x3FB0] =	sst s6  }
0xf: {  	[smem:$0x3FB1] =	sst s7  }
0x10: {  	[smem:$0x3FB2] =	sst s8  }
0x11: {  	[smem:$0x3FB3] =	sst s9;
	s0 =	simm.s32 @!p0 $0x0  }
0x12: {  	s1 =	sld [smem:$0x3F99];
	s0 =	simm.s32 @p0 $0x1  }
0x13: {  	[smem:$0x3FB4] =	sst s0;
	s0 =	simm.s32 @!p1 $0x0  }
0x14: {  	s2 =	sld [smem:$0x3F98];
	s0 =	simm.s32 @p1 $0x1  }
0x15: {  	[smem:$0x3FB5] =	sst s0;
	s0 =	simm.s32 @!p2 $0x0  }
0x16: {  	s3 =	sld [smem:$0x3FDB];
	s0 =	simm.s32 @p2 $0x1  }
0x17: {  	s4 =	simm.s32 $0x1BF5;
	[smem:$0x3FB7] =	sst s0  }
0x18: {  	s0 =	sld [smem:$0x3F9A];
	_ =	swait.ge [sflag:s4], $0x0  }
0x19: {  	s7 =	sld [smem:$0x3F9B]  }
0x1a: {  	s8 =	sadd.s32 $0xFFFFE003, lr  }
0x1b: {  	s9 =	sadd.s32 $0xFFFFFEF7, lr;
	s5 =	simm.s32 $0xFFFFFFFF;
	p2 =	slt.u32 s8, $0xFFFFF086  }
0x1c: {  	p1 =	slt.u32 s9, $0xF7A;
	s5 =	simm.s32 @!p2 $0x0  }
0x1d: {  	s5 =	simm.s32 @p1 $0x1;
	p0 =	seq.s32 s7, s2  }
0x1e: {  	s7 =	smul.u32 @!p0 $0xF7A, s2;
	p2 =	seq.s32 @!p0 s5, $0x0  }
0x1f: {  	s9 =	smul.u32 $0xF7A, s1;
	s8 =	simm.s32 @!p0 $0x1BF5;
	p2 =	por !p2, p0  }
0x20: {  	[sflag:s8] =	ssyncset.s32 @!p0 $0xFFFFF086;
	s6 =	sadd.s32 @!p0 s3, s7;
	s7 =	simm.s32 @!p0 $0x108  }
0x21: {  	s3 =	sadd.s32 s3, s9;
	s6 =	sadd.s32 @!p0 $0x88, s6;
	s7 =	simm.s32 @p2 $0x1082  }
0x22: {  	[simem:s7], [sflag:s8] =	dma.local @!p0 [hbm:s6], $0xF7A  }
0x23: {  	s9 =	sor.u32 $0xD0000000, s2;
	s6 =	simm.s32 $0x108;
	_ =	swait.ge @!p0 [sflag:s8], $0x0  }
0x24: {  	s3 =	sadd.s32 $0x88, s3;
	s6 =	simm.s32 @!p1 $0x1082;
	[sflag:s4] =	ssyncset.s32 $0xFFFFF086  }
0x25: {  	[simem:s6], [sflag:s4] =	dma.local [hbm:s3], $0xF7A  }
0x26: {  	[smem:$0x3F9B] =	sst s1;
	(tag) =	ssettag s2;
	_ =	strace s9  }
0x27: {  	s1 =	sld [smem:$0x3FAB]  }
0x28: {  	s2 =	sld [smem:$0x3FAC]  }
0x29: {  	s4 =	sld [smem:$0x3FAE]  }
0x2a: {  	p0 =	seq.s32 s5, $0x0;
	s5 =	sld [smem:$0x3FAF]  }
0x2b: {  	s6 =	sld [smem:$0x3FB0]  }
0x2c: {  	s7 =	sld [smem:$0x3FB1]  }
0x2d: {  	s3 =	simm.s32 $0x108;
	s8 =	sld [smem:$0x3FB2]  }
0x2e: {  	s3 =	simm.s32 @!p0 $0x1082;
	s9 =	sld [smem:$0x3FB3]  }
0x2f: {  	lr =	sadd.s32 s0, s3;
	s0 =	sld [smem:$0x3FAA]  }
0x30: {  	s3 =	sld [smem:$0x3FAD]  }
0x31: {  	[smem:$0x3FB6] =	sst s10  }
0x32: {  	s10 =	sld [smem:$0x3FB4];
	_ =	sdelay $0x3  }
0x33: {  	p0 =	seq.s32 s10, $0x1;
	s10 =	sld [smem:$0x3FB6];
	_ =	sdelay $0x3  }
0x34: {  	[smem:$0x3FB6] =	sst s10  }
0x35: {  	s10 =	sld [smem:$0x3FB5];
	_ =	sdelay $0x3  }
0x36: {  	p1 =	seq.s32 s10, $0x1;
	s10 =	sld [smem:$0x3FB6];
	_ =	sdelay $0x3  }
0x37: {  	[smem:$0x3FB6] =	sst s10  }
0x38: {  	s10 =	sld [smem:$0x3FB7]  }
0x39: {  	_ = 	snop;
	(pc) =	sbr.ind lr, $3  }
0x3a: {  	_ = 	snop  }
0x3b: {  	_ = 	snop  }
0x3c: {  	p2 =	seq.s32 s10, $0x1;
	s10 =	sld [smem:$0x3FB6]  }
0x3d: {  	_ =	shalt  }
0x3e: {  	_ =	shalt  }
0x3f: {  	_ =	shalt  }
0x40: {  	_ =	shalt  }
0x41: {  	_ =	shalt  }
0x42: {  	_ =	shalt  }
0x43: {  	_ =	shalt  }
0x44: {  	_ =	shalt  }
0x45: {  	_ =	shalt  }
0x46: {  	_ =	shalt  }
0x47: {  	_ =	shalt  }
0x48: {  	_ =	shalt  }
0x49: {  	_ =	shalt  }
0x4a: {  	_ =	shalt  }
0x4b: {  	_ =	shalt  }
0x4c: {  	_ =	shalt  }
0x4d: {  	_ =	shalt  }
0x4e: {  	_ =	shalt  }
0x4f: {  	_ =	shalt  }
0x50: {  	_ =	shalt  }
0x51: {  	_ =	shalt  }
0x52: {  	_ =	shalt  }
0x53: {  	_ =	shalt  }
0x54: {  	_ =	shalt  }
0x55: {  	_ =	shalt  }
0x56: {  	_ =	shalt  }
0x57: {  	_ =	shalt  }
0x58: {  	_ =	shalt  }
0x59: {  	_ =	shalt  }
0x5a: {  	_ =	shalt  }
0x5b: {  	_ =	shalt  }
0x5c: {  	_ =	shalt  }
0x5d: {  	_ =	shalt  }
0x5e: {  	_ =	shalt  }
0x5f: {  	_ =	shalt  }
0x60: {  	_ =	shalt  }
0x61: {  	_ =	shalt  }
0x62: {  	_ =	shalt  }
0x63: {  	_ =	shalt  }
0x64: {  	_ =	shalt  }
0x65: {  	_ =	shalt  }
0x66: {  	_ =	shalt  }
0x67: {  	_ =	shalt  }
0x68: {  	_ =	shalt  }
0x69: {  	_ =	shalt  }
0x6a: {  	_ =	shalt  }
0x6b: {  	_ =	shalt  }
0x6c: {  	_ =	shalt  }
0x6d: {  	_ =	shalt  }
0x6e: {  	_ =	shalt  }
0x6f: {  	_ =	shalt  }
0x70: {  	_ =	shalt  }
0x71: {  	_ =	shalt  }
0x72: {  	_ =	shalt  }
0x73: {  	_ =	shalt  }
0x74: {  	_ =	shalt  }
0x75: {  	_ =	shalt  }
0x76: {  	_ =	shalt  }
0x77: {  	_ =	shalt  }
0x78: {  	_ =	shalt  }
0x79: {  	_ =	shalt  }
0x7a: {  	_ =	shalt  }
0x7b: {  	_ =	shalt  }
0x7c: {  	_ =	shalt  }
0x7d: {  	_ =	shalt  }
0x7e: {  	_ =	shalt  }
0x7f: {  	_ =	shalt  }
0x80: {  	_ =	shalt  }
0x81: {  	_ =	shalt  }
0x82: {  	_ =	shalt  }
0x83: {  	_ =	shalt  }
0x84: {  	_ =	shalt  }
0x85: {  	_ =	shalt  }
0x86: {  	_ =	shalt  }
0x87: {  	_ =	shalt  }
.Lfunc_end0:
.L_simem_size_0:
called_computation.1_lowered:
.L_overlay_start_0:
0x88: {  	s2 =	sld [smem:$0x3FD9]  }
0x89: {  	s3 =	sld [smem:$0x3FFE];
	_ =	sdelay $0x1  }
0x8a: {  	s1 =	srdreg.scid  }
0x8b: {  	s0 =	sand.u32 $0x1, s1  }
0x8c: {  	s17 =	sshll.u32 s0, $0xA;
	s2 =	sadd.s32 s3, s2  }
0x8d: {  	s2 =	sadd.s32 s2, s17  }
0x8e: {  	[smem:$0x3FC2] =	sst s2  }
0x8f: {  	_ = 	snop  }
0x90: {  	s2 =	sld [smem:$0x3FC4]  }
0x91: {  	s18 =	sld [smem:$0x3FD0];
	(tm) =	ssettm $0x1  }
0x92: {  	s4 =	sld [smem:$0x3FFB];
	_ =	sdelay $0x3  }
0x93: {  	_ =	strace s4  }
0x94: {  	s4 =	sld [smem:$0x3FFC];
	_ =	sdelay $0x3  }
0x95: {  	_ =	strace s4  }
0x96: {  	s4 =	sld [smem:$0x3FFD];
	_ =	sdelay $0x3  }
0x97: {  	_ =	strace s4  }
0x98: {  	_ =	strace $0x8FFFFFFF  }
0x99: {  	s19 =	sld [smem:$0x3FDB];
	_ =	sdelay $0x1  }
0x9a: {  	s5 =	simm.s32 $_scs_section_size  }
0x9b: {  	s6 =	simm.s32 $_size__tile_overlayer_lowered;
	s7 =	simm.s32 $_tile_overlayer_lowered  }
0x9c: {  	s22 =	simm.s32 $0x1BFF;
	s21 =	sshll.u32 s7, $0x1;
	s4 =	sadd.s32 s5, s19  }
0x9d: {  	s8 =	simm.s32 $0x0;
	s20 =	sshll.u32 s6, $0x1;
	s6 =	sadd.s32 s21, s4  }
0x9e: {  	[timem:s8], [sflag:s22] =	dma.local [hbm:s6], s20  }
0x9f: {  	_ =	swait.ge [sflag:s22], s20  }
0xa0: {  	s5 =	ssub.s32 $0x0, s20;
	[sflag:s22] =	ssyncset.done $0x0  }
0xa1: {  	[sflag:s22] =	ssyncadd.s32 s5;
	_ =	sdelay $0x1  }
0xa2: {  	s23 =	simm.s32 $0x1B8B  }
0xa3: {  	_ =	swait.ge [sflag:s23], $0x1  }
0xa4: {  	[sflag:s23] =	ssyncset.done $0x0  }
0xa5: {  	s25 =	simm.s32 $0x1B8E;
	s24 =	sld [smem:$0x3FFE];
	[sflag:s23] =	ssyncadd.s32 $0xFFFFFFFF  }
0xa6: {  	s26 =	simm.s32 $execute0_lowered;
	[smem:$0x3FD2] =	sst s25  }
0xa7: {  	s6 =	sshll.u32 s26, $0x1;
	_ =	strace $0x80000049;
	[dreg:$0x1] =	wrdreg $0xFFFFFFFF  }
0xa8: {  	s28 =	simm.s32 $_size_execute0_lowered;
	s4 =	sadd.s32 s4, s6;
	[dreg:$0x0] =	wrdreg $0x0  }
0xa9: {  	s6 =	sshll.u32 s28, $0x1;
	[dreg:$0x2] =	wrdreg s4  }
0xaa: {  	[dreg:$0x3] =	wrdreg s6  }
0xab: {  	[dreg:$0x4] =	wrdreg $0xC0  }
0xac: {  	_ =	task [dreg:s8], $0x5FFFF  }
0xad: {  	[dreg:$0x1] =	wrdreg $0xFFFFFFFF  }
0xae: {  	[dreg:$0x0] =	wrdreg $0x60  }
0xaf: {  	[dreg:$0x2] =	wrdreg s24  }
0xb0: {  	[dreg:$0x3] =	wrdreg s2  }
0xb1: {  	[dreg:$0x4] =	wrdreg s18  }
0xb2: {  	[dreg:$0x5] =	wrdreg $0x6F600  }
0xb3: {  	[dreg:$0x6] =	wrdreg $0x9  }
0xb4: {  	_ =	task.clear_ibuf [dreg:s8], $0x7FFFF;
	_ =	strace $0x90000049  }
0xb5: {  	s29 =	simm.s32 $0x9;
	_ =	strace $0x8000004B  }
0xb6: {  	_ =	swait.ge [sflag:s29], $0x1  }
0xb7: {  	[sflag:s29] =	ssyncadd.s32 $0xFFFFFFFF  }
0xb8: {  	_ =	strace $0x9000004B  }
0xb9: {  	_ =	sfence  }
0xba: {  	s30 =	sld [smem:$0x0];
	_ =	sdelay $0x2  }
0xbb: {  	s31 =	sshll.u32 s1, $0xD;
	s1 =	sshrl.u32 s1, $0x2  }
0xbc: {  	s3 =	sand.u32 $0x4000, s31;
	s1 =	sadd.s32 s1, s30  }
0xbd: {  	s0 =	sor.u32 s3, s0;
	s1 =	sshll.u32 s1, $0x11  }
0xbe: {  	s0 =	sor.u32 s1, s0  }
0xbf: {  	s0 =	sadd.s32 $0x8F2B, s0  }
0xc0: {  	[sflag:s0] =	ssyncadd.remote.s32 $0x1  }
0xc1: {  	_ =	sfence.sel $0xFFFF  }
0xc2: {  	[dreg:$0x0] =	wrdreg $0xFFFFFFFF;
	(pc) =	sbr.abs _section_cstart, $3  }
0xc3: {  	[dreg:$0x1] =	wrdreg $0xFFFFFFFF  }
0xc4: {  	_ =	task.clear_ibuf [dreg:s8], $0x2FFFF;
	_ =	strace $0x9FFFFFFF  }
0xc5: {  	(tm) =	ssettm $0x7FFFFFFF  }
tec
execute0_lowered:
.L_overlay_start_1:
0x0: {  	(tag) =	ssettag $0x1  }
0x1: {  	s11 =	stileid.u32  }
0x2: {  	s24 =	smul.u32 $0x62000, s11  }
0x3: {  	s3 =	rddreg [dreg:$0x3];
	s4 =	simm.s32 $0x0  }
0x4: {  	[smem:$0x7FF] =	sst s4;
	s4 =	sshrl.u32 s24, $0x2  }
0x5: {  	s0 =	rddreg [dreg:$0x0];
	s8 =	sadd.s32 s4, s3  }
0x6: {  	s1 =	rddreg [dreg:$0x2];
	s9 =	sadd.s32 $0x800, s8  }
0x7: {  	_ =	strace $0x8000004A;
	s28 =	sadd.s32 $0x1000, s8;
	[dreg:$0x5] =	wrdreg s9  }
0x8: {  	s2 =	srdreg.scid;
	s29 =	sadd.s32 $0x1800, s8;
	[dreg:$0x6] =	wrdreg s28  }
0x9: {  	s2 =	sand.u32 $0x1, s2;
	s30 =	sadd.s32 $0x2000, s8;
	[dreg:$0x7] =	wrdreg s29  }
0xa: {  	s5 =	sadd.s32 $0xC00, s0;
	s10 =	sadd.s32 $0x2800, s8;
	[dreg:$0x8] =	wrdreg s30  }
0xb: {  	s6 =	sadd.s32 $0x31A00, s0;
	s13 =	sadd.s32 $0x3000, s8;
	[dreg:$0x9] =	wrdreg s10  }
0xc: {  	s26 =	smul.u32 $0x3100, s11;
	s12 =	sadd.s32 $0x3800, s8;
	[dreg:$0xa] =	wrdreg s13  }
0xd: {  	s7 =	ssub.s32 $0x2, s2;
	s15 =	sadd.s32 $0x4000, s8;
	[dreg:$0xb] =	wrdreg s12  }
0xe: {  	s14 =	smul.u32 $0x30D40, s2;
	s16 =	sadd.s32 $0x4800, s8;
	[dreg:$0xc] =	wrdreg s15  }
0xf: {  	s25 =	sshrl.u32 s7, $0x1;
	s17 =	sadd.s32 $0x5000, s8;
	[dreg:$0xd] =	wrdreg s16  }
0x10: {  	s4 =	sadd.s32 s26, s14;
	s18 =	sadd.s32 $0x5800, s8;
	[dreg:$0xe] =	wrdreg s17  }
0x11: {  	s0 =	ssub.s32 s7, s25;
	s4 =	sadd.s32 s1, s4;
	[dreg:$0xf] =	wrdreg s18  }
0x12: {  	s0 =	smax.u32 s0, $0x1;
	[dreg:$0x10] =	wrdreg s4  }
0x13: {  	s20 =	sadd.s32 $0x6000, s8;
	[dreg:$0x12] =	wrdreg s0  }
0x14: {  	s31 =	smul.u32 $0xC380, s11;
	s21 =	sadd.s32 $0x6800, s8;
	[dreg:$0x13] =	wrdreg s20  }
0x15: {  	s23 =	sadd.s32 $0x7000, s8;
	[dreg:$0x14] =	wrdreg s21  }
0x16: {  	s19 =	sshrl.u32 s31, $0x3;
	s24 =	sadd.s32 $0x7800, s8;
	[dreg:$0x15] =	wrdreg s23  }
0x17: {  	s22 =	ssub.s32 $0xC3500, s31;
	s26 =	sadd.s32 $0x8000, s8;
	[dreg:$0x16] =	wrdreg s24  }
0x18: {  	s25 =	sadd.s32 $0x80, s31;
	s31 =	sadd.s32 $0xA000, s8;
	[dreg:$0x17] =	wrdreg s26  }
0x19: {  	p0 =	seq.s32 s11, $0xF;
	s11 =	sadd.s32 $0xD000, s8;
	[dreg:$0x1b] =	wrdreg s31  }
0x1a: {  	s14 =	sadd.s32 s5, s19;
	s19 =	sadd.s32 $0x10800, s8;
	[smem:$0x7ED] =	sst s11  }
0x1b: {  	s28 =	sadd.s32 $0x8800, s8;
	[smem:$0x7F4] =	sst s19  }
0x1c: {  	s29 =	sadd.s32 $0x9000, s8;
	[dreg:$0x18] =	wrdreg s28  }
0x1d: {  	s30 =	sadd.s32 $0x9800, s8;
	[dreg:$0x19] =	wrdreg s29  }
0x1e: {  	s4 =	sadd.s32 $0xB800, s8;
	[dreg:$0x1a] =	wrdreg s30  }
0x1f: {  	s9 =	sadd.s32 $0xC000, s8;
	[dreg:$0x1e] =	wrdreg s4  }
0x20: {  	s10 =	sadd.s32 $0xC800, s8;
	[dreg:$0x1f] =	wrdreg s9  }
0x21: {  	s12 =	sadd.s32 $0xD800, s8;
	[smem:$0x7EC] =	sst s10  }
0x22: {  	s13 =	sadd.s32 $0xE000, s8;
	[smem:$0x7EE] =	sst s12  }
0x23: {  	s15 =	sadd.s32 $0xE800, s8;
	[smem:$0x7EF] =	sst s13  }
0x24: {  	s7 =	smul.u32 $0xFFFF9E00, s2;
	s16 =	sadd.s32 $0xF000, s8;
	[smem:$0x7F0] =	sst s15  }
0x25: {  	s2 =	smul.u32 $0x186A00, s2;
	s17 =	sadd.s32 $0xF800, s8;
	[smem:$0x7F1] =	sst s16  }
0x26: {  	s18 =	sadd.s32 $0x10000, s8;
	[smem:$0x7F2] =	sst s17  }
0x27: {  	s2 =	sshrl.u32 s2, $0x3;
	s20 =	sadd.s32 $0x11000, s8;
	[smem:$0x7F3] =	sst s18  }
0x28: {  	s21 =	sadd.s32 $0x11800, s8;
	s23 =	sadd.s32 $0x12000, s8;
	[smem:$0x7F5] =	sst s20  }
0x29: {  	s24 =	sadd.s32 $0x12800, s8;
	s26 =	sadd.s32 $0x13000, s8;
	[smem:$0x7F6] =	sst s21  }
0x2a: {  	s31 =	sadd.s32 $0x15000, s8;
	s11 =	sadd.s32 $0x17000, s8;
	[smem:$0x7F7] =	sst s23  }
0x2b: {  	s19 =	simm.s32 $0x0;
	s1 =	sadd.s32 s1, s2;
	[smem:$0x7F8] =	sst s24  }
0x2c: {  	s2 =	sadd.s32 $0xB000, s8;
	[smem:$0x7F9] =	sst s26;
	s28 =	sadd.s32 $0x13800, s8  }
0x2d: {  	s29 =	sadd.s32 $0x14000, s8;
	s30 =	sadd.s32 $0x14800, s8;
	[smem:$0x7FD] =	sst s31  }
0x2e: {  	s9 =	sadd.s32 $0x16000, s8;
	s10 =	sadd.s32 $0x16800, s8;
	s12 =	sadd.s32 $0x17800, s8  }
0x2f: {  	v0 =	vlaneseq.u32;
	s13 =	sadd.s32 $0x18000, s8;
	s4 =	smov.u32 s14;
	[dreg:$0x1d] =	wrdreg s2  }
.Ltmp0:
0x30: {  	v1 =	vimm.s32 $0x0;
	v14 =	vand.u32 $0x7, v0;
	v3 =	vor.u32 $0x10, v0;
	s14 =	sadd.s32 $0x186A0, s14;
	[smem:$0x7FA] =	sst s28;
	(pc) =	sbr.rel .LBB2_1-.Ltmp0, $4  }
0x31: {  	v5 =	vor.u32 $0x20, v0;
	v7 =	vor.u32 $0x30, v0;
	v9 =	vor.u32 $0x40, v0;
	s15 =	simm.s32 $0x9;
	s16 =	simm.s32 $0x6720;
	[smem:$0x7FB] =	sst s29  }
0x32: {  	v11 =	vor.u32 $0x50, v0;
	v13 =	vor.u32 $0x60, v0;
	v2 =	vor.u32 $0x61C0, v14;
	s17 =	simm.s32 $0x6500;
	s1 =	sadd.s32 $0x2DF00, s1;
	[smem:$0x7FC] =	sst s30  }
0x33: {  	v4 =	vor.u32 $0x61C8, v14;
	v6 =	vor.u32 $0x61D0, v14;
	v8 =	vor.u32 $0x61D8, v14;
	s20 =	simm.s32 $0x6610;
	[dreg:$0x11] =	wrdreg s1;
	s1 =	sadd.s32 $0xA800, s8  }
0x34: {  	v10 =	vor.u32 $0x61E0, v14;
	v12 =	vor.u32 $0x61E8, v14;
	v14 =	vor.u32 $0x61F0, v14;
	s18 =	simm.s32 $0x80;
	s2 =	sadd.s32 $0x15800, s8;
	[dreg:$0x1c] =	wrdreg s1  }
.LBB2_7:
0x35: {  	v15 =	vld [tilespmem:$0x6500]  }
0x36: {  	v58 =	vld [tilespmem:$0x6670]  }
0x37: {  	v16 =	vld [tilespmem:$0x6610]  }
0x38: {  	v17 =	vld [tilespmem:$0x6510];
	v18 =	vmov s26  }
0x39: {  	v19 =	vld [tilespmem:$0x6620];
	vm0 =	vgt.s32 v18, v0  }
0x3a: {  	v20 =	vld [tilespmem:$0x6520];
	vm14 =	vgt.s32 v18, v13;
	v15 =	vnsel vm0, $0x0, v15  }
0x3b: {  	v21 =	vld [tilespmem:$0x6630];
	v62 =	vsel vm14, v58, v14;
	[tilespmem:$0x6500] =	vst v15  }
0x3c: {  	v51 =	vld [tilespmem:$0x6530];
	vm9 =	vgt.s32 v18, v3;
	v15 =	vsel vm0, v16, v2;
	[tilespmem:$0x6670] =	vst v62  }
0x3d: {  	v52 =	vld [tilespmem:$0x6640];
	[tilespmem:$0x6610] =	vst v15;
	v15 =	vnsel vm9, $0x0, v17  }
0x3e: {  	v53 =	vld [tilespmem:$0x6540];
	vm10 =	vgt.s32 v18, v5;
	[tilespmem:$0x6510] =	vst v15;
	v15 =	vsel vm9, v19, v4  }
0x3f: {  	v54 =	vld [tilespmem:$0x6650];
	[tilespmem:$0x6620] =	vst v15;
	v15 =	vnsel vm10, $0x0, v20  }
0x40: {  	v55 =	vld [tilespmem:$0x6550];
	vm11 =	vgt.s32 v18, v7;
	[tilespmem:$0x6520] =	vst v15;
	v15 =	vsel vm10, v21, v6  }
0x41: {  	v56 =	vld [tilespmem:$0x6660];
	s0 =	smulhi.u32 $0x55555556, s21;
	s1 =	sshra.s32 s21, $0x1F;
	[tilespmem:$0x6630] =	vst v15;
	v15 =	vnsel vm11, $0x0, v51  }
0x42: {  	v57 =	vld [tilespmem:$0x6560];
	vm12 =	vgt.s32 v18, v9;
	s1 =	smul.u32 $0x55555556, s1;
	[tilespmem:$0x6530] =	vst v15;
	v15 =	vsel vm11, v52, v8  }
0x43: {  	v59 =	vld [tilespmem:$0x6570];
	[tilespmem:$0x6640] =	vst v15;
	v15 =	vnsel vm12, $0x0, v53  }
0x44: {  	v60 =	vld [tilespmem:$0x6680];
	vm13 =	vgt.s32 v18, v11;
	s0 =	sadd.s32 s1, s0;
	[tilespmem:$0x6540] =	vst v15;
	v15 =	vsel vm12, v54, v10  }
0x45: {  	s1 =	sshrl.u32 s0, $0x1F;
	[tilespmem:$0x6650] =	vst v15;
	v15 =	vnsel vm13, $0x0, v55  }
0x46: {  	v61 =	vor.u32 $0x70, v0;
	s0 =	sadd.s32 s1, s0;
	[tilespmem:$0x6550] =	vst v15;
	v15 =	vsel vm13, v56, v12  }
0x47: {  	vm15 =	vgt.s32 v18, v61;
	s0 =	smul.u32 $0x3, s0;
	[tilespmem:$0x6660] =	vst v15;
	v15 =	vnsel vm14, $0x0, v57  }
0x48: {  	v63 =	vor.u32 $0x61F8, v0;
	[tilespmem:$0x6560] =	vst v15;
	v15 =	vnsel vm15, $0x0, v59  }
0x49: {  	p1 =	slt.s32 s21, $0x3;
	s23 =	ssub.s32 s21, s0;
	[tilespmem:$0x6570] =	vst v15;
	v15 =	vsel vm15, v60, v63  }
0x4a: {  	s0 =	sadd.s32 @!p1 $0x6, s23;
	[tilespmem:$0x6680] =	vst v15  }
0x4b: {  	_ =	swait.ge @!p1 [sflag:s0], $0x2000  }
0x4c: {  	[sflag:s0] =	ssyncset.done @!p1 $0x0  }
0x4d: {  	[sflag:s0] =	ssyncadd.s32 @!p1 $0xFFFFE000  }
0x4e: {  	v15 =	vld [tilespmem:$0x6500];
	_ =	sdelay $0x3  }
0x4f: {  	s24 =	sshll.u32 s23, $0x7  }
0x50: {  	[tilespmem:s24+$0x200] =	vst v15  }
0x51: {  	v15 =	vld [tilespmem:$0x6610];
	_ =	sdelay $0x4  }
0x52: {  	[tilespmem:s24+$0x380] =	vst v15  }
0x53: {  	v15 =	vld [tilespmem:$0x6510];
	_ =	sdelay $0x4  }
0x54: {  	[tilespmem:s24+$0x210] =	vst v15  }
0x55: {  	v15 =	vld [tilespmem:$0x6620];
	_ =	sdelay $0x4  }
0x56: {  	[tilespmem:s24+$0x390] =	vst v15  }
0x57: {  	v15 =	vld [tilespmem:$0x6520];
	_ =	sdelay $0x4  }
0x58: {  	[tilespmem:s24+$0x220] =	vst v15  }
0x59: {  	v15 =	vld [tilespmem:$0x6630];
	_ =	sdelay $0x4  }
0x5a: {  	[tilespmem:s24+$0x3A0] =	vst v15  }
0x5b: {  	v15 =	vld [tilespmem:$0x6530];
	_ =	sdelay $0x4  }
0x5c: {  	[tilespmem:s24+$0x230] =	vst v15  }
0x5d: {  	v15 =	vld [tilespmem:$0x6640];
	_ =	sdelay $0x4  }
0x5e: {  	[tilespmem:s24+$0x3B0] =	vst v15  }
0x5f: {  	v15 =	vld [tilespmem:$0x6540];
	_ =	sdelay $0x4  }
0x60: {  	[tilespmem:s24+$0x240] =	vst v15  }
0x61: {  	v15 =	vld [tilespmem:$0x6650];
	_ =	sdelay $0x4  }
0x62: {  	[tilespmem:s24+$0x3C0] =	vst v15  }
0x63: {  	v15 =	vld [tilespmem:$0x6550];
	_ =	sdelay $0x4  }
0x64: {  	[tilespmem:s24+$0x250] =	vst v15  }
0x65: {  	v15 =	vld [tilespmem:$0x6660];
	_ =	sdelay $0x4  }
0x66: {  	[tilespmem:s24+$0x3D0] =	vst v15  }
0x67: {  	v15 =	vld [tilespmem:$0x6560];
	_ =	sdelay $0x4  }
0x68: {  	[tilespmem:s24+$0x260] =	vst v15  }
0x69: {  	v15 =	vld [tilespmem:$0x6670];
	_ =	sdelay $0x4  }
0x6a: {  	[tilespmem:s24+$0x3E0] =	vst v15  }
0x6b: {  	p1 =	slt.s32 s21, $0x1;
	v15 =	vld [tilespmem:$0x6570]  }
0x6c: {  	s0 =	sadd.s32 @!p1 $0x2, s21  }
0x6d: {  	s1 =	smulhi.u32 @!p1 $0x55555556, s0;
	s26 =	sshra.s32 @!p1 s0, $0x1F  }
0x6e: {  	s26 =	smul.u32 @!p1 $0x55555556, s26;
	_ =	sdelay $0x1  }
0x6f: {  	s1 =	sadd.s32 @!p1 s26, s1;
	[tilespmem:s24+$0x270] =	vst v15  }
0x70: {  	s28 =	sshrl.u32 @!p1 s1, $0x1F;
	v15 =	vld [tilespmem:$0x6680]  }
0x71: {  	s1 =	sadd.s32 @!p1 s28, s1  }
0x72: {  	s1 =	smul.u32 @!p1 $0x3, s1  }
0x73: {  	s30 =	sshll.u32 s23, $0xF  }
0x74: {  	s31 =	sadd.s32 $0x3, s23;
	s26 =	sshra.s32 s30, $0x2;
	s0 =	ssub.s32 @!p1 s0, s1  }
0x75: {  	s29 =	sadd.s32 $0x200, s24;
	s26 =	sor.u32 $0x500, s26;
	s1 =	sadd.s32 @!p1 $0x3, s0;
	[tilespmem:s24+$0x3F0] =	vst v15  }
0x76: {  	[tilespmem:s26], [sflag:s31] =	stream.indirect.gather [hbm4b:s6+s18], $0x40, s29, s18, $0xb8;
	[tilespmem:$0x1F760] =	vst v63  }
0x77: {  	s28 =	sadd.s32 $0x6, s23;
	s29 =	sshll.u32 @!p1 s0, $0xF;
	_ =	swait.ge @!p1 [sflag:s1], $0x2000  }
0x78: {  	s30 =	sshll.u32 @!p1 s0, $0x9;
	s29 =	sshra.s32 @!p1 s29, $0x2;
	[sflag:s1] =	ssyncset.done @!p1 $0x0  }
0x79: {  	[sflag:s1] =	ssyncadd.s32 @!p1 $0xFFFFE000;
	s1 =	sor.u32 @!p1 $0x500, s29;
	s29 =	sshra.s32 @!p1 s30, $0x2  }
0x7a: {  	s0 =	sadd.s32 @!p1 $0x6, s0;
	s30 =	simm.s32 @!p1 $0x80;
	s29 =	sadd.s32 @!p1 $0x380, s29  }
0x7b: {  	[spmem:s3] =	stream.indirect.scatter.add.f32 @!p1 [tilespmem:s1], [sflag:s0], $0x40, s29, s30, $0xb8;
	[tilespmem:$0x1F760] =	vst v63  }
0x7c: {  	s24 =	sadd.s32 $0x380, s24;
	p1 =	slt.s32 s21, $0x0;
	s29 =	sadd.s32 $0xFFFFFFFF, s21  }
0x7d: {  	s30 =	sadd.s32 $0xFFFFFFFE, s21;
	_ =	swait.ge [sflag:s31], $0x2000;
	s0 =	sadd.s32 @!p1 $0x495, s21  }
0x7e: {  	[sflag:s31] =	ssyncset.done $0x0;
	s1 =	smulhi.u32 @!p1 $0x55555556, s0;
	s23 =	sshra.s32 @!p1 s0, $0x1F  }
0x7f: {  	p2 =	slt.s32 s29, $0x0;
	[sflag:s31] =	ssyncadd.s32 $0xFFFFE000;
	s23 =	smul.u32 @!p1 $0x55555556, s23  }
0x80: {  	[spmem:s3] =	stream.indirect.scatter.add.f32 [tilespmem:s26], [sflag:s28], $0x40, s24, s18, $0xb8;
	[tilespmem:$0x1F760] =	vst v63  }
0x81: {  	p3 =	slt.s32 s30, $0x0;
	s24 =	sadd.s32 @!p2 $0x494, s21;
	s1 =	sadd.s32 @!p1 s23, s1  }
0x82: {  	s26 =	smulhi.u32 @!p2 $0x55555556, s24;
	s28 =	sshra.s32 @!p2 s24, $0x1F;
	s23 =	sshrl.u32 @!p1 s1, $0x1F  }
0x83: {  	s21 =	sadd.s32 @!p3 $0x493, s21;
	s1 =	sadd.s32 @!p1 s23, s1;
	s23 =	smul.u32 @!p2 $0x55555556, s28  }
0x84: {  	s28 =	sshra.s32 @!p3 s21, $0x1F;
	s1 =	smul.u32 @!p1 $0x3, s1  }
0x85: {  	s28 =	smul.u32 @!p3 $0x55555556, s28;
	s23 =	sadd.s32 @!p2 s23, s26  }
0x86: {  	s26 =	smulhi.u32 @!p3 $0x55555556, s21;
	s29 =	sshrl.u32 @!p2 s23, $0x1F  }
0x87: {  	s0 =	ssub.s32 @!p1 s0, s1;
	s1 =	sadd.s32 @!p2 s29, s23  }
0x88: {  	s0 =	sadd.s32 @!p1 $0x6, s0;
	s23 =	sadd.s32 @!p3 s28, s26;
	s1 =	smul.u32 @!p2 $0x3, s1  }
0x89: {  	_ =	swait.ge @!p1 [sflag:s0], $0x2000;
	s26 =	sshrl.u32 @!p3 s23, $0x1F  }
0x8a: {  	[sflag:s0] =	ssyncset.done @!p1 $0x0;
	s23 =	sadd.s32 @!p3 s26, s23;
	s1 =	ssub.s32 @!p2 s24, s1  }
0x8b: {  	[sflag:s0] =	ssyncadd.s32 @!p1 $0xFFFFE000;
	s0 =	sadd.s32 @!p2 $0x6, s1;
	s1 =	smul.u32 @!p3 $0x3, s23  }
0x8c: {  	_ =	swait.ge @!p2 [sflag:s0], $0x2000  }
0x8d: {  	[sflag:s0] =	ssyncset.done @!p2 $0x0;
	s1 =	ssub.s32 @!p3 s21, s1  }
0x8e: {  	[sflag:s0] =	ssyncadd.s32 @!p2 $0xFFFFE000;
	s0 =	sadd.s32 @!p3 $0x6, s1  }
0x8f: {  	_ =	swait.ge @!p3 [sflag:s0], $0x2000  }
0x90: {  	[sflag:s0] =	ssyncset.done @!p3 $0x0  }
0x91: {  	[sflag:s0] =	ssyncadd.s32 @!p3 $0xFFFFE000  }
0x92: {  	[bflag:$0x0] =	sbarrier.arrive $0xFFFF  }
0x93: {  	s1 =	simm.s32 @p0 $0x1FC9;
	s0 =	sshrl.u32 @p0 s8, $0x3;
	s21 =	rddreg [dreg:$0x11]  }
0x94: {  	[hbm:s21], [sflag:s1] =	dma.local @p0 [spmem:s0], $0x2E40  }
0x95: {  	s0 =	simm.s32 @p0 $0x9  }
0x96: {  	s1 =	stileid.u32;
	_ =	swait.ge @p0 [sflag:s0], $0x2E40  }
0x97: {  	s1 =	sshll.u32 @!p0 s1, $0x6;
	[sflag:s0] =	ssyncset.done @p0 $0x0;
	s21 =	rddreg [dreg:$0x10]  }
0x98: {  	[sflag:s0] =	ssyncadd.s32 @p0 $0xFFFFD1C0;
	s0 =	sor.u32 @!p0 $0x1C09, s1;
	s1 =	sshrl.u32 @!p0 s8, $0x3  }
0x99: {  	[hbm:s21], [sflag:s0] =	dma.local @!p0 [spmem:s1], $0x3100  }
0x9a: {  	s0 =	simm.s32 @!p0 $0x9  }
0x9b: {  	_ =	swait.ge @!p0 [sflag:s0], $0x3100  }
0x9c: {  	s19 =	sadd.s32 $0x1, s19;
	s31 =	rddreg [dreg:$0x12]  }
0x9d: {  	p1 =	sne.s32 s19, s31  }
.Ltmp1:
0x9e: {  	_ = 	snop;
	(pc) =	sbr.rel @!p1 .LBB2_8-.Ltmp1, $3  }
0x9f: {  	_ =	sdelay $0x1  }
0xa0: {  	[sflag:s0] =	ssyncset.done @!p0 $0x0  }
0xa1: {  	[sflag:s0] =	ssyncadd.s32 @!p0 $0xFFFFCF00  }
.LBB2_1:
0xa2: {  	s0 =	rddreg [dreg:$0x1];
	s1 =	simm.s32 $0x0;
	s21 =	simm.s32 $0x6F20  }
0xa3: {  	[tilespmem:s21], [sflag:$0x9] =	stream.linear.gather [hbm4b:s0+s1], $0x40, $0x38;
	[tilespmem:$0x1F760] =	vst v63  }
0xa4: {  	_ =	swait.ge [sflag:s15], $0x40  }
0xa5: {  	[sflag:s15] =	ssyncset.done $0x0  }
0xa6: {  	[sflag:s15] =	ssyncadd.s32 $0xFFFFFFC0  }
0xa7: {  	v18 =	vld [tilespmem:$0x6F50]  }
0xa8: {  	v17 =	vld [tilespmem:$0x6F40]  }
0xa9: {  	v15 =	vld [tilespmem:$0x6F20]  }
0xaa: {  	v16 =	vld [tilespmem:$0x6F30]  }
0xab: {  	s23 =	simm.s32 $0x100;
	s21 =	simm.s32 $0x0  }
.LBB2_2:
0xac: {  	p1 =	sne.s32 s23, $0x1F00;
	[tilespmem:s21+$0x6750] =	vst v18;
	s24 =	smov.u32 s23;
	s23 =	sadd.s32 $0x100, s23  }
.Ltmp2:
0xad: {  	[tilespmem:s21+$0x6740] =	vst v17;
	(pc) =	sbr.rel @p1 .LBB2_2-.Ltmp2, $3  }
0xae: {  	[tilespmem:s21+$0x6720] =	vst v15  }
0xaf: {  	[tilespmem:s21+$0x6730] =	vst v16;
	_ =	sdelay $0x1  }
0xb0: {  	s21 =	sshra.s32 s24, $0x2  }
0xb1: {  	[tilespmem:s21+$0x6750] =	vst v18  }
0xb2: {  	[tilespmem:s21+$0x6740] =	vst v17  }
0xb3: {  	[tilespmem:s21+$0x6720] =	vst v15  }
0xb4: {  	[tilespmem:s21+$0x6730] =	vst v16  }
0xb5: {  	[spmem:s8] =	stream.linear.scatter [tilespmem:s16], [sflag:$0x9], $0x800, $0x38;
	[tilespmem:$0x1F760] =	vst v63  }
0xb6: {  	_ =	swait.ge [sflag:s15], $0x800  }
0xb7: {  	[sflag:s15] =	ssyncset.done $0x0  }
0xb8: {  	s0 =	rddreg [dreg:$0x5];
	[sflag:s15] =	ssyncadd.s32 $0xFFFFF800  }
0xb9: {  	[spmem:s0] =	stream.linear.scatter [tilespmem:s16], [sflag:$0x9], $0x800, $0x38;
	[tilespmem:$0x1F760] =	vst v63  }
0xba: {  	_ =	swait.ge [sflag:s15], $0x800  }
0xbb: {  	[sflag:s15] =	ssyncset.done $0x0  }
0xbc: {  	s24 =	rddreg [dreg:$0x6];
	[sflag:s15] =	ssyncadd.s32 $0xFFFFF800  }
0xbd: {  	[spmem:s24] =	stream.linear.scatter [tilespmem:s16], [sflag:$0x9], $0x800, $0x38;
	[tilespmem:$0x1F760] =	vst v63  }
0xbe: {  	_ =	swait.ge [sflag:s15], $0x800  }
0xbf: {  	[sflag:s15] =	ssyncset.done $0x0  }
0xc0: {  	s26 =	rddreg [dreg:$0x7];
	[sflag:s15] =	ssyncadd.s32 $0xFFFFF800  }
0xc1: {  	[spmem:s26] =	stream.linear.scatter [tilespmem:s16], [sflag:$0x9], $0x800, $0x38;
	[tilespmem:$0x1F760] =	vst v63  }
0xc2: {  	_ =	swait.ge [sflag:s15], $0x800  }
0xc3: {  	[sflag:s15] =	ssyncset.done $0x0  }
0xc4: {  	s28 =	rddreg [dreg:$0x8];
	[sflag:s15] =	ssyncadd.s32 $0xFFFFF800  }
0xc5: {  	[spmem:s28] =	stream.linear.scatter [tilespmem:s16], [sflag:$0x9], $0x800, $0x38;
	[tilespmem:$0x1F760] =	vst v63  }
0xc6: {  	_ =	swait.ge [sflag:s15], $0x800  }
0xc7: {  	[sflag:s15] =	ssyncset.done $0x0  }
0xc8: {  	s29 =	rddreg [dreg:$0x9];
	[sflag:s15] =	ssyncadd.s32 $0xFFFFF800  }
0xc9: {  	[spmem:s29] =	stream.linear.scatter [tilespmem:s16], [sflag:$0x9], $0x800, $0x38;
	[tilespmem:$0x1F760] =	vst v63  }
0xca: {  	_ =	swait.ge [sflag:s15], $0x800  }
0xcb: {  	[sflag:s15] =	ssyncset.done $0x0  }
0xcc: {  	s30 =	rddreg [dreg:$0xa];
	[sflag:s15] =	ssyncadd.s32 $0xFFFFF800  }
0xcd: {  	[spmem:s30] =	stream.linear.scatter [tilespmem:s16], [sflag:$0x9], $0x800, $0x38;
	[tilespmem:$0x1F760] =	vst v63  }
0xce: {  	_ =	swait.ge [sflag:s15], $0x800  }
0xcf: {  	[sflag:s15] =	ssyncset.done $0x0  }
0xd0: {  	s31 =	rddreg [dreg:$0xb];
	[sflag:s15] =	ssyncadd.s32 $0xFFFFF800  }
0xd1: {  	[spmem:s31] =	stream.linear.scatter [tilespmem:s16], [sflag:$0x9], $0x800, $0x38;
	[tilespmem:$0x1F760] =	vst v63  }
0xd2: {  	_ =	swait.ge [sflag:s15], $0x800  }
0xd3: {  	[sflag:s15] =	ssyncset.done $0x0  }
0xd4: {  	s1 =	rddreg [dreg:$0xc];
	[sflag:s15] =	ssyncadd.s32 $0xFFFFF800  }
0xd5: {  	[spmem:s1] =	stream.linear.scatter [tilespmem:s16], [sflag:$0x9], $0x800, $0x38;
	[tilespmem:$0x1F760] =	vst v63  }
0xd6: {  	_ =	swait.ge [sflag:s15], $0x800  }
0xd7: {  	[sflag:s15] =	ssyncset.done $0x0  }
0xd8: {  	s21 =	rddreg [dreg:$0xd];
	[sflag:s15] =	ssyncadd.s32 $0xFFFFF800  }
0xd9: {  	[spmem:s21] =	stream.linear.scatter [tilespmem:s16], [sflag:$0x9], $0x800, $0x38;
	[tilespmem:$0x1F760] =	vst v63  }
0xda: {  	_ =	swait.ge [sflag:s15], $0x800  }
0xdb: {  	[sflag:s15] =	ssyncset.done $0x0  }
0xdc: {  	s23 =	rddreg [dreg:$0xe];
	[sflag:s15] =	ssyncadd.s32 $0xFFFFF800  }
0xdd: {  	[spmem:s23] =	stream.linear.scatter [tilespmem:s16], [sflag:$0x9], $0x800, $0x38;
	[tilespmem:$0x1F760] =	vst v63  }
0xde: {  	_ =	swait.ge [sflag:s15], $0x800  }
0xdf: {  	[sflag:s15] =	ssyncset.done $0x0  }
0xe0: {  	s24 =	rddreg [dreg:$0xf];
	[sflag:s15] =	ssyncadd.s32 $0xFFFFF800  }
0xe1: {  	[spmem:s24] =	stream.linear.scatter [tilespmem:s16], [sflag:$0x9], $0x800, $0x38;
	[tilespmem:$0x1F760] =	vst v63  }
0xe2: {  	_ =	swait.ge [sflag:s15], $0x800  }
0xe3: {  	[sflag:s15] =	ssyncset.done $0x0  }
0xe4: {  	s26 =	rddreg [dreg:$0x13];
	[sflag:s15] =	ssyncadd.s32 $0xFFFFF800  }
0xe5: {  	[spmem:s26] =	stream.linear.scatter [tilespmem:s16], [sflag:$0x9], $0x800, $0x38;
	[tilespmem:$0x1F760] =	vst v63  }
0xe6: {  	_ =	swait.ge [sflag:s15], $0x800  }
0xe7: {  	[sflag:s15] =	ssyncset.done $0x0  }
0xe8: {  	s28 =	rddreg [dreg:$0x14];
	[sflag:s15] =	ssyncadd.s32 $0xFFFFF800  }
0xe9: {  	[spmem:s28] =	stream.linear.scatter [tilespmem:s16], [sflag:$0x9], $0x800, $0x38;
	[tilespmem:$0x1F760] =	vst v63  }
0xea: {  	_ =	swait.ge [sflag:s15], $0x800  }
0xeb: {  	[sflag:s15] =	ssyncset.done $0x0  }
0xec: {  	s29 =	rddreg [dreg:$0x15];
	[sflag:s15] =	ssyncadd.s32 $0xFFFFF800  }
0xed: {  	[spmem:s29] =	stream.linear.scatter [tilespmem:s16], [sflag:$0x9], $0x800, $0x38;
	[tilespmem:$0x1F760] =	vst v63  }
0xee: {  	_ =	swait.ge [sflag:s15], $0x800  }
0xef: {  	[sflag:s15] =	ssyncset.done $0x0  }
0xf0: {  	s30 =	rddreg [dreg:$0x16];
	[sflag:s15] =	ssyncadd.s32 $0xFFFFF800  }
0xf1: {  	[spmem:s30] =	stream.linear.scatter [tilespmem:s16], [sflag:$0x9], $0x800, $0x38;
	[tilespmem:$0x1F760] =	vst v63  }
0xf2: {  	_ =	swait.ge [sflag:s15], $0x800  }
0xf3: {  	[sflag:s15] =	ssyncset.done $0x0  }
0xf4: {  	s31 =	rddreg [dreg:$0x17];
	[sflag:s15] =	ssyncadd.s32 $0xFFFFF800  }
0xf5: {  	[spmem:s31] =	stream.linear.scatter [tilespmem:s16], [sflag:$0x9], $0x800, $0x38;
	[tilespmem:$0x1F760] =	vst v63  }
0xf6: {  	_ =	swait.ge [sflag:s15], $0x800  }
0xf7: {  	[sflag:s15] =	ssyncset.done $0x0  }
0xf8: {  	s1 =	rddreg [dreg:$0x18];
	[sflag:s15] =	ssyncadd.s32 $0xFFFFF800  }
0xf9: {  	[spmem:s1] =	stream.linear.scatter [tilespmem:s16], [sflag:$0x9], $0x800, $0x38;
	[tilespmem:$0x1F760] =	vst v63  }
0xfa: {  	_ =	swait.ge [sflag:s15], $0x800  }
0xfb: {  	[sflag:s15] =	ssyncset.done $0x0  }
0xfc: {  	s21 =	rddreg [dreg:$0x19];
	[sflag:s15] =	ssyncadd.s32 $0xFFFFF800  }
0xfd: {  	[spmem:s21] =	stream.linear.scatter [tilespmem:s16], [sflag:$0x9], $0x800, $0x38;
	[tilespmem:$0x1F760] =	vst v63  }
0xfe: {  	_ =	swait.ge [sflag:s15], $0x800  }
0xff: {  	[sflag:s15] =	ssyncset.done $0x0  }
0x100: {  	s23 =	rddreg [dreg:$0x1a];
	[sflag:s15] =	ssyncadd.s32 $0xFFFFF800  }
0x101: {  	[spmem:s23] =	stream.linear.scatter [tilespmem:s16], [sflag:$0x9], $0x800, $0x38;
	[tilespmem:$0x1F760] =	vst v63  }
0x102: {  	_ =	swait.ge [sflag:s15], $0x800  }
0x103: {  	[sflag:s15] =	ssyncset.done $0x0  }
0x104: {  	s24 =	rddreg [dreg:$0x1b];
	[sflag:s15] =	ssyncadd.s32 $0xFFFFF800  }
0x105: {  	[spmem:s24] =	stream.linear.scatter [tilespmem:s16], [sflag:$0x9], $0x800, $0x38;
	[tilespmem:$0x1F760] =	vst v63  }
0x106: {  	_ =	swait.ge [sflag:s15], $0x800  }
0x107: {  	[sflag:s15] =	ssyncset.done $0x0  }
0x108: {  	s26 =	rddreg [dreg:$0x1c];
	[sflag:s15] =	ssyncadd.s32 $0xFFFFF800  }
0x109: {  	[spmem:s26] =	stream.linear.scatter [tilespmem:s16], [sflag:$0x9], $0x800, $0x38;
	[tilespmem:$0x1F760] =	vst v63  }
0x10a: {  	_ =	swait.ge [sflag:s15], $0x800  }
0x10b: {  	[sflag:s15] =	ssyncset.done $0x0  }
0x10c: {  	s28 =	rddreg [dreg:$0x1d];
	[sflag:s15] =	ssyncadd.s32 $0xFFFFF800  }
0x10d: {  	[spmem:s28] =	stream.linear.scatter [tilespmem:s16], [sflag:$0x9], $0x800, $0x38;
	[tilespmem:$0x1F760] =	vst v63  }
0x10e: {  	_ =	swait.ge [sflag:s15], $0x800  }
0x10f: {  	[sflag:s15] =	ssyncset.done $0x0  }
0x110: {  	s29 =	rddreg [dreg:$0x1e];
	[sflag:s15] =	ssyncadd.s32 $0xFFFFF800  }
0x111: {  	[spmem:s29] =	stream.linear.scatter [tilespmem:s16], [sflag:$0x9], $0x800, $0x38;
	[tilespmem:$0x1F760] =	vst v63  }
0x112: {  	_ =	swait.ge [sflag:s15], $0x800  }
0x113: {  	[sflag:s15] =	ssyncset.done $0x0  }
0x114: {  	s30 =	rddreg [dreg:$0x1f];
	[sflag:s15] =	ssyncadd.s32 $0xFFFFF800  }
0x115: {  	[spmem:s30] =	stream.linear.scatter [tilespmem:s16], [sflag:$0x9], $0x800, $0x38;
	[tilespmem:$0x1F760] =	vst v63  }
0x116: {  	_ =	swait.ge [sflag:s15], $0x800  }
0x117: {  	s31 =	sld [smem:$0x7EC]  }
0x118: {  	[sflag:s15] =	ssyncset.done $0x0  }
0x119: {  	[sflag:s15] =	ssyncadd.s32 $0xFFFFF800  }
0x11a: {  	[spmem:s31] =	stream.linear.scatter [tilespmem:s16], [sflag:$0x9], $0x800, $0x38;
	[tilespmem:$0x1F760] =	vst v63  }
0x11b: {  	_ =	swait.ge [sflag:s15], $0x800  }
0x11c: {  	s1 =	sld [smem:$0x7ED]  }
0x11d: {  	[sflag:s15] =	ssyncset.done $0x0  }
0x11e: {  	[sflag:s15] =	ssyncadd.s32 $0xFFFFF800  }
0x11f: {  	[spmem:s1] =	stream.linear.scatter [tilespmem:s16], [sflag:$0x9], $0x800, $0x38;
	[tilespmem:$0x1F760] =	vst v63  }
0x120: {  	_ =	swait.ge [sflag:s15], $0x800  }
0x121: {  	s21 =	sld [smem:$0x7EE]  }
0x122: {  	[sflag:s15] =	ssyncset.done $0x0  }
0x123: {  	[sflag:s15] =	ssyncadd.s32 $0xFFFFF800  }
0x124: {  	[spmem:s21] =	stream.linear.scatter [tilespmem:s16], [sflag:$0x9], $0x800, $0x38;
	[tilespmem:$0x1F760] =	vst v63  }
0x125: {  	_ =	swait.ge [sflag:s15], $0x800  }
0x126: {  	s23 =	sld [smem:$0x7EF]  }
0x127: {  	[sflag:s15] =	ssyncset.done $0x0  }
0x128: {  	[sflag:s15] =	ssyncadd.s32 $0xFFFFF800  }
0x129: {  	[spmem:s23] =	stream.linear.scatter [tilespmem:s16], [sflag:$0x9], $0x800, $0x38;
	[tilespmem:$0x1F760] =	vst v63  }
0x12a: {  	_ =	swait.ge [sflag:s15], $0x800  }
0x12b: {  	s24 =	sld [smem:$0x7F0]  }
0x12c: {  	[sflag:s15] =	ssyncset.done $0x0  }
0x12d: {  	[sflag:s15] =	ssyncadd.s32 $0xFFFFF800  }
0x12e: {  	[spmem:s24] =	stream.linear.scatter [tilespmem:s16], [sflag:$0x9], $0x800, $0x38;
	[tilespmem:$0x1F760] =	vst v63  }
0x12f: {  	_ =	swait.ge [sflag:s15], $0x800  }
0x130: {  	s26 =	sld [smem:$0x7F1]  }
0x131: {  	[sflag:s15] =	ssyncset.done $0x0  }
0x132: {  	[sflag:s15] =	ssyncadd.s32 $0xFFFFF800  }
0x133: {  	[spmem:s26] =	stream.linear.scatter [tilespmem:s16], [sflag:$0x9], $0x800, $0x38;
	[tilespmem:$0x1F760] =	vst v63  }
0x134: {  	_ =	swait.ge [sflag:s15], $0x800  }
0x135: {  	s28 =	sld [smem:$0x7F2]  }
0x136: {  	[sflag:s15] =	ssyncset.done $0x0  }
0x137: {  	[sflag:s15] =	ssyncadd.s32 $0xFFFFF800  }
0x138: {  	[spmem:s28] =	stream.linear.scatter [tilespmem:s16], [sflag:$0x9], $0x800, $0x38;
	[tilespmem:$0x1F760] =	vst v63  }
0x139: {  	_ =	swait.ge [sflag:s15], $0x800  }
0x13a: {  	s29 =	sld [smem:$0x7F3]  }
0x13b: {  	[sflag:s15] =	ssyncset.done $0x0  }
0x13c: {  	[sflag:s15] =	ssyncadd.s32 $0xFFFFF800  }
0x13d: {  	[spmem:s29] =	stream.linear.scatter [tilespmem:s16], [sflag:$0x9], $0x800, $0x38;
	[tilespmem:$0x1F760] =	vst v63  }
0x13e: {  	_ =	swait.ge [sflag:s15], $0x800  }
0x13f: {  	s30 =	sld [smem:$0x7F4]  }
0x140: {  	[sflag:s15] =	ssyncset.done $0x0  }
0x141: {  	[sflag:s15] =	ssyncadd.s32 $0xFFFFF800  }
0x142: {  	[spmem:s30] =	stream.linear.scatter [tilespmem:s16], [sflag:$0x9], $0x800, $0x38;
	[tilespmem:$0x1F760] =	vst v63  }
0x143: {  	_ =	swait.ge [sflag:s15], $0x800  }
0x144: {  	s31 =	sld [smem:$0x7F5]  }
0x145: {  	[sflag:s15] =	ssyncset.done $0x0  }
0x146: {  	[sflag:s15] =	ssyncadd.s32 $0xFFFFF800  }
0x147: {  	[spmem:s31] =	stream.linear.scatter [tilespmem:s16], [sflag:$0x9], $0x800, $0x38;
	[tilespmem:$0x1F760] =	vst v63  }
0x148: {  	_ =	swait.ge [sflag:s15], $0x800  }
0x149: {  	s1 =	sld [smem:$0x7F6]  }
0x14a: {  	[sflag:s15] =	ssyncset.done $0x0  }
0x14b: {  	[sflag:s15] =	ssyncadd.s32 $0xFFFFF800  }
0x14c: {  	[spmem:s1] =	stream.linear.scatter [tilespmem:s16], [sflag:$0x9], $0x800, $0x38;
	[tilespmem:$0x1F760] =	vst v63  }
0x14d: {  	_ =	swait.ge [sflag:s15], $0x800  }
0x14e: {  	s21 =	sld [smem:$0x7F7]  }
0x14f: {  	[sflag:s15] =	ssyncset.done $0x0  }
0x150: {  	[sflag:s15] =	ssyncadd.s32 $0xFFFFF800  }
0x151: {  	[spmem:s21] =	stream.linear.scatter [tilespmem:s16], [sflag:$0x9], $0x800, $0x38;
	[tilespmem:$0x1F760] =	vst v63  }
0x152: {  	_ =	swait.ge [sflag:s15], $0x800  }
0x153: {  	s23 =	sld [smem:$0x7F8]  }
0x154: {  	[sflag:s15] =	ssyncset.done $0x0  }
0x155: {  	[sflag:s15] =	ssyncadd.s32 $0xFFFFF800  }
0x156: {  	[spmem:s23] =	stream.linear.scatter [tilespmem:s16], [sflag:$0x9], $0x800, $0x38;
	[tilespmem:$0x1F760] =	vst v63  }
0x157: {  	_ =	swait.ge [sflag:s15], $0x800  }
0x158: {  	s24 =	sld [smem:$0x7F9]  }
0x159: {  	[sflag:s15] =	ssyncset.done $0x0  }
0x15a: {  	[sflag:s15] =	ssyncadd.s32 $0xFFFFF800  }
0x15b: {  	[spmem:s24] =	stream.linear.scatter [tilespmem:s16], [sflag:$0x9], $0x800, $0x38;
	[tilespmem:$0x1F760] =	vst v63  }
0x15c: {  	_ =	swait.ge [sflag:s15], $0x800  }
0x15d: {  	s26 =	sld [smem:$0x7FA]  }
0x15e: {  	[sflag:s15] =	ssyncset.done $0x0  }
0x15f: {  	[sflag:s15] =	ssyncadd.s32 $0xFFFFF800  }
0x160: {  	[spmem:s26] =	stream.linear.scatter [tilespmem:s16], [sflag:$0x9], $0x800, $0x38;
	[tilespmem:$0x1F760] =	vst v63  }
0x161: {  	_ =	swait.ge [sflag:s15], $0x800  }
0x162: {  	s28 =	sld [smem:$0x7FB]  }
0x163: {  	[sflag:s15] =	ssyncset.done $0x0  }
0x164: {  	[sflag:s15] =	ssyncadd.s32 $0xFFFFF800  }
0x165: {  	[spmem:s28] =	stream.linear.scatter [tilespmem:s16], [sflag:$0x9], $0x800, $0x38;
	[tilespmem:$0x1F760] =	vst v63  }
0x166: {  	_ =	swait.ge [sflag:s15], $0x800  }
0x167: {  	s29 =	sld [smem:$0x7FC]  }
0x168: {  	[sflag:s15] =	ssyncset.done $0x0  }
0x169: {  	[sflag:s15] =	ssyncadd.s32 $0xFFFFF800  }
0x16a: {  	[spmem:s29] =	stream.linear.scatter [tilespmem:s16], [sflag:$0x9], $0x800, $0x38;
	[tilespmem:$0x1F760] =	vst v63  }
0x16b: {  	_ =	swait.ge [sflag:s15], $0x800  }
0x16c: {  	s30 =	sld [smem:$0x7FD]  }
0x16d: {  	[sflag:s15] =	ssyncset.done $0x0  }
0x16e: {  	[sflag:s15] =	ssyncadd.s32 $0xFFFFF800  }
0x16f: {  	[spmem:s30] =	stream.linear.scatter [tilespmem:s16], [sflag:$0x9], $0x800, $0x38;
	[tilespmem:$0x1F760] =	vst v63  }
0x170: {  	_ =	swait.ge [sflag:s15], $0x800  }
0x171: {  	[sflag:s15] =	ssyncset.done $0x0  }
0x172: {  	[sflag:s15] =	ssyncadd.s32 $0xFFFFF800  }
0x173: {  	[spmem:s2] =	stream.linear.scatter [tilespmem:s16], [sflag:$0x9], $0x800, $0x38;
	[tilespmem:$0x1F760] =	vst v63  }
0x174: {  	_ =	swait.ge [sflag:s15], $0x800  }
0x175: {  	[sflag:s15] =	ssyncset.done $0x0  }
0x176: {  	[sflag:s15] =	ssyncadd.s32 $0xFFFFF800  }
0x177: {  	[spmem:s9] =	stream.linear.scatter [tilespmem:s16], [sflag:$0x9], $0x800, $0x38;
	[tilespmem:$0x1F760] =	vst v63  }
0x178: {  	_ =	swait.ge [sflag:s15], $0x800  }
0x179: {  	[sflag:s15] =	ssyncset.done $0x0  }
0x17a: {  	[sflag:s15] =	ssyncadd.s32 $0xFFFFF800  }
0x17b: {  	[spmem:s10] =	stream.linear.scatter [tilespmem:s16], [sflag:$0x9], $0x800, $0x38;
	[tilespmem:$0x1F760] =	vst v63  }
0x17c: {  	_ =	swait.ge [sflag:s15], $0x800  }
0x17d: {  	[sflag:s15] =	ssyncset.done $0x0  }
0x17e: {  	[sflag:s15] =	ssyncadd.s32 $0xFFFFF800  }
0x17f: {  	[spmem:s11] =	stream.linear.scatter [tilespmem:s16], [sflag:$0x9], $0x800, $0x38;
	[tilespmem:$0x1F760] =	vst v63  }
0x180: {  	_ =	swait.ge [sflag:s15], $0x800  }
0x181: {  	[sflag:s15] =	ssyncset.done $0x0  }
0x182: {  	[sflag:s15] =	ssyncadd.s32 $0xFFFFF800  }
0x183: {  	[spmem:s12] =	stream.linear.scatter [tilespmem:s16], [sflag:$0x9], $0x800, $0x38;
	[tilespmem:$0x1F760] =	vst v63  }
0x184: {  	_ =	swait.ge [sflag:s15], $0x800  }
0x185: {  	[sflag:s15] =	ssyncset.done $0x0  }
0x186: {  	[sflag:s15] =	ssyncadd.s32 $0xFFFFF800  }
0x187: {  	[spmem:s13] =	stream.linear.scatter [tilespmem:s16], [sflag:$0x9], $0x800, $0x38;
	[tilespmem:$0x1F760] =	vst v63  }
0x188: {  	_ =	swait.ge [sflag:s15], $0x800  }
0x189: {  	[sflag:s15] =	ssyncset.done $0x0  }
.Ltmp3:
0x18a: {  	[sflag:s15] =	ssyncadd.s32 $0xFFFFF800;
	(pc) =	sbr.rel .LBB2_4-.Ltmp3, $4  }
0x18b: {  	s31 =	simm.s32 $0x100;
	s23 =	simm.s32 $0x0;
	[bflag:$0x0] =	sbarrier.arrive $0xFFFF  }
0x18c: {  	[tilespmem:s23], [sflag:$0x1] =	stream.linear.gather [hbm4b:s4+s23], $0x80, $0x38;
	[tilespmem:$0x1F760] =	vst v63  }
0x18d: {  	s21 =	simm.s32 $0x0;
	s24 =	simm.s32 $0x1;
	s26 =	simm.s32 $0x0  }
0x18e: {  	[tilespmem:s31], [sflag:$0x1] =	stream.linear.gather [hbm4b:s14+s23], $0x80, $0x38;
	[tilespmem:$0x1F760] =	vst v63  }
.LBB2_6:
0x18f: {  	p1 =	sgt.s32 s26, $0x7F;
	s0 =	simm.s32 $0x1;
	s24 =	sadd.s32 $0x1, s24  }
0x190: {  	s0 =	simm.s32 @!p1 $0x0;
	p1 =	sne.s32 s24, $0x188  }
.Ltmp4:
0x191: {  	_ = 	snop;
	(pc) =	sbr.rel @!p1 .LBB2_7-.Ltmp4, $2  }
0x192: {  	_ =	sdelay $0x2  }
0x193: {  	s26 =	sadd.s32 s26, s28;
	s23 =	sadd.s32 $0x80, s23;
	s21 =	sadd.s32 s0, s21  }
.LBB2_4:
0x194: {  	p1 =	seq.s32 s24, $0x187  }
0x195: {  	s28 =	sadd.s32 @!p1 s23, s25  }
0x196: {  	p2 =	slt.s32 @!p1 s28, $0xC3480  }
0x197: {  	p2 =	por !p2, p1  }
0x198: {  	s28 =	simm.s32 @p2 $0xC3480  }
0x199: {  	s29 =	sand.u32 @!p1 $0x1, s24;
	s31 =	simm.s32 @!p1 $0x0;
	s28 =	sshrl.u32 @!p1 s28, $0x3  }
0x19a: {  	s30 =	sadd.s32 @!p1 $0x1, s29;
	s29 =	sshll.u32 @!p1 s29, $0x7;
	s28 =	sadd.s32 @!p1 s5, s28  }
0x19b: {  	[tilespmem:s29], [sflag:s30] =	stream.linear.gather @!p1 [hbm4b:s28+s31], $0x80, $0x38;
	[tilespmem:$0x1F760] =	vst v63  }
0x19c: {  	s29 =	sor.u32 @!p1 $0x100, s29;
	s28 =	sadd.s32 @!p1 $0x186A0, s28  }
0x19d: {  	[tilespmem:s29], [sflag:s30] =	stream.linear.gather @!p1 [hbm4b:s28+s31], $0x80, $0x38;
	[tilespmem:$0x1F760] =	vst v63  }
0x19e: {  	s28 =	sadd.s32 $0xFFFFFFFF, s24  }
0x19f: {  	s0 =	sand.u32 $0x8000, s28  }
0x1a0: {  	s29 =	sshrl.u32 s0, $0xF  }
0x1a1: {  	s29 =	sadd.s32 s29, s28  }
0x1a2: {  	s29 =	sand.u32 $0xFFFE, s29  }
0x1a3: {  	s28 =	ssub.s32 s28, s29  }
0x1a4: {  	s28 =	sshll.u32 s28, $0x10  }
0x1a5: {  	s28 =	sshra.s32 s28, $0x10  }
0x1a6: {  	s1 =	sadd.s32 $0x1, s28  }
0x1a7: {  	_ =	swait.ge [sflag:s1], $0x80  }
0x1a8: {  	[sflag:s1] =	ssyncset.done $0x0  }
0x1a9: {  	[sflag:s1] =	ssyncadd.s32 $0xFFFFFF80  }
0x1aa: {  	_ =	swait.ge [sflag:s1], $0x80  }
0x1ab: {  	[sflag:s1] =	ssyncset.done $0x0  }
0x1ac: {  	s28 =	sshll.u32 s28, $0x7;
	[sflag:s1] =	ssyncadd.s32 $0xFFFFFF80  }
0x1ad: {  	v15 =	vld [tilespmem:s28+$0x100];
	_ =	sdelay $0x2  }
0x1ae: {  	p1 =	slt.u32 s23, s22;
	s29 =	simm.s32 $0x0  }
0x1af: {  	s29 =	simm.s32 @!p1 $0x8000000  }
0x1b0: {  	s29 =	sadd.s32 s7, s29;
	vm0 =	vgt.s32 v15, $0x61A7  }
0x1b1: {  	v44 =	vld [tilespmem:s28+$0x110];
	v15 =	vadd.s32 s29, v15;
	v16 =	vsel vm0, $0x58, v1  }
0x1b2: {  	v15 =	vadd.s32 v16, v15  }
0x1b3: {  	v17 =	vld [tilespmem:s28+$0x120];
	vm0 =	vlt.u32 v15, $0x61A8  }
0x1b4: {  	v18 =	vld [tilespmem:s28+$0x130];
	v43 =	vsel vm0, $0x1, v1  }
0x1b5: {  	(xrf0) =	vadd.scan.msk.s32 $0xffff, v43  }
0x1b6: {  	v21 =	vld [tilespmem:s28+$0x140];
	vm1 =	vgt.s32 v44, $0x61A7  }
0x1b7: {  	v20 =	vsel vm1, $0x58, v1;
	v16 =	vadd.s32 s29, v44  }
0x1b8: {  	v22 =	vld [tilespmem:s28+$0x150];
	vm12 =	vgt.s32 v17, $0x61A7;
	v17 =	vadd.s32 s29, v17;
	v16 =	vadd.s32 v20, v16  }
0x1b9: {  	vm2 =	vgt.s32 v18, $0x61A7;
	v45 =	vsel vm12, $0x58, v1;
	vm4 =	vlt.u32 v16, $0x61A8  }
0x1ba: {  	v47 =	vld [tilespmem:s28+$0x160];
	v18 =	vadd.s32 s29, v18;
	v17 =	vadd.s32 v45, v17;
	v23 =	vsel vm4, $0x1, v1  }
0x1bb: {  	vm3 =	vgt.s32 v21, $0x61A7;
	v46 =	vsel vm2, $0x58, v1;
	vm1 =	vlt.u32 v17, $0x61A8;
	v19, _, _ =	vpop (xrf0);
	(xrf0) =	vadd.scan.msk.s32 $0xffff, v23  }
0x1bc: {  	v21 =	vadd.s32 s29, v21;
	v18 =	vadd.s32 v46, v18;
	v24 =	vsel vm1, $0x1, v1  }
0x1bd: {  	vm5 =	vgt.s32 v22, $0x61A7;
	v48 =	vsel vm3, $0x58, v1;
	vm2 =	vlt.u32 v18, $0x61A8;
	(xrf0) =	vadd.scan.msk.s32 $0xffff, v24  }
0x1be: {  	v22 =	vadd.s32 s29, v22;
	v20 =	vadd.s32 v48, v21;
	v49 =	vsel vm2, $0x1, v1  }
0x1bf: {  	vm6 =	vgt.s32 v47, $0x61A7;
	v50 =	vsel vm5, $0x58, v1;
	vm3 =	vlt.u32 v20, $0x61A8;
	(xrf0) =	vadd.scan.msk.s32 $0xffff, v49  }
0x1c0: {  	v55 =	vld [tilespmem:s28+$0x170];
	v21 =	vadd.s32 v50, v22;
	v51 =	vsel vm3, $0x1, v1;
	(v2sf) =	vpush v19, $0xF  }
0x1c1: {  	v53 =	vsel vm6, $0x58, v1;
	vm5 =	vlt.u32 v21, $0x61A8;
	v23 =	vadd.s32 s29, v47;
	v52, _, _ =	vpop (xrf0);
	(xrf0) =	vadd.scan.msk.s32 $0xffff, v51  }
0x1c2: {  	v25 =	vsel vm5, $0x1, v1;
	v23 =	vadd.s32 v53, v23;
	(v2sf) =	vpush v52, $0xF  }
0x1c3: {  	vm6 =	vlt.u32 v23, $0x61A8;
	v54, _, _ =	vpop (xrf0);
	(xrf0) =	vadd.scan.msk.s32 $0xffff, v25  }
0x1c4: {  	v26 =	vsel vm6, $0x1, v1;
	(v2sf) =	vpush v54, $0xF  }
0x1c5: {  	vm7 =	vgt.s32 v55, $0x61A7;
	v27, _, _ =	vpop (xrf0);
	(xrf0) =	vadd.scan.msk.s32 $0xffff, v26  }
0x1c6: {  	v29 =	vsel vm7, $0x58, v1;
	v25 =	vadd.s32 s29, v55;
	(v2sf) =	vpush v27, $0xF  }
0x1c7: {  	v25 =	vadd.s32 v29, v25;
	v56, _, _ =	vpop (xrf0)  }
0x1c8: {  	vm7 =	vlt.u32 v25, $0x61A8;
	(v2sf) =	vpush v56, $0xF  }
0x1c9: {  	v32 =	vsel vm7, $0x1, v1;
	v28, _, _ =	vpop (xrf0)  }
0x1ca: {  	(xrf0) =	vadd.scan.msk.s32 $0xffff, v32;
	(v2sf) =	vpush v28, $0xF  }
0x1cb: {  	v30 =	vld [tilespmem:s28+$0x0];
	v29, _, _ =	vpop (xrf0)  }
0x1cc: {  	v31 =	vld [tilespmem:s28+$0x10];
	(v2sf) =	vpush v29, $0xF  }
0x1cd: {  	v57 =	vld [tilespmem:s28+$0x20]  }
0x1ce: {  	v33 =	vmov s26  }
0x1cf: {  	v33 =	vadd.s32 $0xFFFFFFFF, v33;
	v36 =	vld [tilespmem:s28+$0x30];
	s30 =	spop (v2sf)  }
0x1d0: {  	v33 =	vbroadcast v33, $0x0;
	s31 =	sadd.s32 s26, s30;
	v37, _, _ =	vpop (xrf0)  }
0x1d1: {  	vm8 =	vgt.s32 v30, $0x61A7;
	v35 =	vmov s31;
	(v2sf) =	vpush v37, $0xF;
	s0 =	spop (v2sf)  }
0x1d2: {  	vm13 =	vgt.s32 v31, $0x61A7;
	vm14 =	vgt.s32 v57, $0x61A7;
	v35 =	vadd.s32 $0xFFFFFFFF, v35;
	s26 =	sadd.s32 s31, s0  }
0x1d3: {  	v19 =	vadd.s32 v19, v33;
	v59 =	vbroadcast v35, $0x0;
	s1 =	spop (v2sf);
	v60 =	vmov s26  }
0x1d4: {  	vm15 =	vgt.s32 v36, $0x61A7;
	v34 =	vsel vm8, $0x58, v1;
	s26 =	sadd.s32 s26, s1;
	v35 =	vadd.s32 $0xFFFFFFFF, v60  }
0x1d5: {  	v38 =	vld [tilespmem:s28+$0x40];
	v22 =	vadd.s32 v52, v59;
	s30 =	spop (v2sf);
	v62 =	vmov s26;
	v61 =	vbroadcast v35, $0x0  }
0x1d6: {  	v39 =	vld [tilespmem:s28+$0x50];
	v58 =	vsel vm13, $0x58, v1;
	v30 =	vadd.s32 v30, v34;
	s26 =	sadd.s32 s26, s30;
	v35 =	vadd.s32 $0xFFFFFFFF, v62  }
0x1d7: {  	v40 =	vld [tilespmem:s28+$0x60];
	v45 =	vmov s26;
	v44 =	vbroadcast v35, $0x0;
	s31 =	spop (v2sf);
	v24 =	vadd.s32 v54, v61  }
0x1d8: {  	v41 =	vld [tilespmem:s28+$0x70];
	v63 =	vsel vm14, $0x58, v1;
	v31 =	vadd.s32 v31, v58;
	[tilespmem:v19+s17+$0x0] =	vst.idx.msk vm0, v30;
	v46 =	vadd.s32 $0xFFFFFFFF, v45;
	s26 =	sadd.s32 s26, s31  }
0x1d9: {  	[tilespmem:v19+s20+$0x0] =	vst.idx.msk vm0, v15;
	v47 =	vbroadcast v46, $0x0;
	s28 =	spop (v2sf);
	v15 =	vadd.s32 v27, v44;
	v48 =	vmov s26  }
0x1da: {  	v49 =	vsel vm15, $0x58, v1;
	v32 =	vadd.s32 v57, v63;
	[tilespmem:v22+s17+$0x0] =	vst.idx.msk vm4, v31;
	s26 =	sadd.s32 s26, s28;
	v27 =	vadd.s32 $0xFFFFFFFF, v48  }
0x1db: {  	[tilespmem:v22+s20+$0x0] =	vst.idx.msk vm4, v16;
	s28 =	spop (v2sf);
	v50 =	vadd.s32 v56, v47;
	v52 =	vmov s26;
	v51 =	vbroadcast v27, $0x0  }
0x1dc: {  	vm12 =	vgt.s32 v38, $0x61A7;
	v53 =	vadd.s32 v36, v49;
	s26 =	sadd.s32 s26, s28;
	v22 =	vadd.s32 $0xFFFFFFFF, v52;
	[tilespmem:v24+s17+$0x0] =	vst.idx.msk vm1, v32  }
0x1dd: {  	v57 =	vmov s26;
	v56 =	vbroadcast v22, $0x0;
	[tilespmem:v24+s20+$0x0] =	vst.idx.msk vm1, v17;
	v55 =	vadd.s32 v28, v51  }
0x1de: {  	vm13 =	vgt.s32 v39, $0x61A7;
	v54 =	vsel vm12, $0x58, v1;
	v22 =	vadd.s32 $0xFFFFFFFF, v57;
	[tilespmem:v15+s17+$0x0] =	vst.idx.msk vm2, v53  }
0x1df: {  	v58 =	vadd.s32 v38, v54;
	v59 =	vbroadcast v22, $0x0;
	[tilespmem:v15+s20+$0x0] =	vst.idx.msk vm2, v18;
	v15 =	vadd.s32 v29, v56  }
0x1e0: {  	v60 =	vsel vm13, $0x58, v1;
	s28 =	spop (v2sf);
	[tilespmem:v50+s17+$0x0] =	vst.idx.msk vm3, v58  }
0x1e1: {  	vm14 =	vgt.s32 v40, $0x61A7;
	v19 =	vadd.s32 v39, v60;
	s26 =	sadd.s32 s26, s28;
	v61 =	vadd.s32 v37, v59;
	[tilespmem:v50+s20+$0x0] =	vst.idx.msk vm3, v20  }
0x1e2: {  	v62 =	vsel vm14, $0x58, v1;
	p1 =	slt.s32 s26, $0x80;
	[tilespmem:v55+s17+$0x0] =	vst.idx.msk vm5, v19  }
.Ltmp5:
0x1e3: {  	vm15 =	vgt.s32 v41, $0x61A7;
	v18 =	vadd.s32 v40, v62;
	[tilespmem:v55+s20+$0x0] =	vst.idx.msk vm5, v21;
	(pc) =	sbr.rel @p1 .LBB2_6-.Ltmp5, $4  }
0x1e4: {  	v63 =	vsel vm15, $0x58, v1;
	[tilespmem:v15+s17+$0x0] =	vst.idx.msk vm6, v18  }
0x1e5: {  	v17 =	vadd.s32 v41, v63;
	[tilespmem:v15+s20+$0x0] =	vst.idx.msk vm6, v23  }
0x1e6: {  	[tilespmem:v61+s17+$0x0] =	vst.idx.msk vm7, v17  }
0x1e7: {  	s28 =	simm.s32 $0x0;
	[tilespmem:v61+s20+$0x0] =	vst.idx.msk vm7, v25  }
0x1e8: {  	s28 =	smulhi.u32 $0x55555556, s21;
	s29 =	sshra.s32 s21, $0x1F  }
0x1e9: {  	s29 =	smul.u32 $0x55555556, s29;
	_ =	sdelay $0x1  }
0x1ea: {  	s28 =	sadd.s32 s29, s28  }
0x1eb: {  	s29 =	sshrl.u32 s28, $0x1F  }
0x1ec: {  	s28 =	sadd.s32 s29, s28  }
0x1ed: {  	s28 =	smul.u32 $0x3, s28;
	_ =	sdelay $0x1  }
0x1ee: {  	p1 =	slt.s32 s21, $0x3;
	s28 =	ssub.s32 s21, s28  }
0x1ef: {  	s29 =	sadd.s32 @!p1 $0x6, s28  }
0x1f0: {  	_ =	swait.ge @!p1 [sflag:s29], $0x2000  }
0x1f1: {  	[sflag:s29] =	ssyncset.done @!p1 $0x0  }
0x1f2: {  	[sflag:s29] =	ssyncadd.s32 @!p1 $0xFFFFE000  }
0x1f3: {  	v15 =	vld [tilespmem:$0x6500];
	_ =	sdelay $0x3  }
0x1f4: {  	s29 =	sshll.u32 s28, $0x7  }
0x1f5: {  	[tilespmem:s29+$0x200] =	vst v15  }
0x1f6: {  	v15 =	vld [tilespmem:$0x6610];
	_ =	sdelay $0x4  }
0x1f7: {  	[tilespmem:s29+$0x380] =	vst v15  }
0x1f8: {  	v15 =	vld [tilespmem:$0x6510];
	_ =	sdelay $0x4  }
0x1f9: {  	[tilespmem:s29+$0x210] =	vst v15  }
0x1fa: {  	v15 =	vld [tilespmem:$0x6620];
	_ =	sdelay $0x4  }
0x1fb: {  	[tilespmem:s29+$0x390] =	vst v15  }
0x1fc: {  	v15 =	vld [tilespmem:$0x6520];
	_ =	sdelay $0x4  }
0x1fd: {  	[tilespmem:s29+$0x220] =	vst v15  }
0x1fe: {  	v15 =	vld [tilespmem:$0x6630];
	_ =	sdelay $0x4  }
0x1ff: {  	[tilespmem:s29+$0x3A0] =	vst v15  }
0x200: {  	v15 =	vld [tilespmem:$0x6530];
	_ =	sdelay $0x4  }
0x201: {  	[tilespmem:s29+$0x230] =	vst v15  }
0x202: {  	v15 =	vld [tilespmem:$0x6640];
	_ =	sdelay $0x4  }
0x203: {  	[tilespmem:s29+$0x3B0] =	vst v15  }
0x204: {  	v15 =	vld [tilespmem:$0x6540];
	_ =	sdelay $0x4  }
0x205: {  	[tilespmem:s29+$0x240] =	vst v15  }
0x206: {  	v15 =	vld [tilespmem:$0x6650];
	_ =	sdelay $0x4  }
0x207: {  	[tilespmem:s29+$0x3C0] =	vst v15  }
0x208: {  	v15 =	vld [tilespmem:$0x6550];
	_ =	sdelay $0x4  }
0x209: {  	[tilespmem:s29+$0x250] =	vst v15  }
0x20a: {  	v15 =	vld [tilespmem:$0x6660];
	_ =	sdelay $0x4  }
0x20b: {  	[tilespmem:s29+$0x3D0] =	vst v15  }
0x20c: {  	v15 =	vld [tilespmem:$0x6560];
	_ =	sdelay $0x4  }
0x20d: {  	[tilespmem:s29+$0x260] =	vst v15  }
0x20e: {  	v15 =	vld [tilespmem:$0x6670];
	_ =	sdelay $0x4  }
0x20f: {  	[tilespmem:s29+$0x3E0] =	vst v15  }
0x210: {  	v15 =	vld [tilespmem:$0x6570]  }
0x211: {  	p1 =	slt.s32 s21, $0x1  }
0x212: {  	s30 =	sadd.s32 @!p1 $0x2, s21  }
0x213: {  	s31 =	smulhi.u32 @!p1 $0x55555556, s30;
	s0 =	sshra.s32 @!p1 s30, $0x1F  }
0x214: {  	s0 =	smul.u32 @!p1 $0x55555556, s0  }
0x215: {  	[tilespmem:s29+$0x270] =	vst v15  }
0x216: {  	s0 =	sadd.s32 @!p1 s0, s31;
	v15 =	vld [tilespmem:$0x6680]  }
0x217: {  	s1 =	sshrl.u32 @!p1 s0, $0x1F  }
0x218: {  	s0 =	sadd.s32 @!p1 s1, s0  }
0x219: {  	s31 =	sshll.u32 s28, $0xF;
	s0 =	smul.u32 @!p1 $0x3, s0  }
0x21a: {  	s28 =	sadd.s32 $0x3, s28;
	s31 =	sshra.s32 s31, $0x2  }
0x21b: {  	s1 =	sadd.s32 $0x200, s29;
	s31 =	sor.u32 $0x500, s31;
	s0 =	ssub.s32 @!p1 s30, s0;
	[tilespmem:s29+$0x3F0] =	vst v15  }
0x21c: {  	[tilespmem:s31], [sflag:s28] =	stream.indirect.gather [hbm4b:s6+s18], $0x40, s1, s18, $0xb8;
	[tilespmem:$0x1F760] =	vst v63  }
0x21d: {  	s1 =	sadd.s32 @!p1 $0x3, s0  }
0x21e: {  	s28 =	sshll.u32 @!p1 s0, $0xF;
	_ =	swait.ge @!p1 [sflag:s1], $0x2000  }
0x21f: {  	s29 =	sshll.u32 @!p1 s0, $0x9;
	s28 =	sshra.s32 @!p1 s28, $0x2;
	[sflag:s1] =	ssyncset.done @!p1 $0x0  }
0x220: {  	[sflag:s1] =	ssyncadd.s32 @!p1 $0xFFFFE000;
	s1 =	sor.u32 @!p1 $0x500, s28;
	s28 =	sshra.s32 @!p1 s29, $0x2  }
0x221: {  	s0 =	sadd.s32 @!p1 $0x6, s0;
	s29 =	simm.s32 @!p1 $0x80;
	s28 =	sadd.s32 @!p1 $0x380, s28  }
0x222: {  	[spmem:s3] =	stream.indirect.scatter.add.f32 @!p1 [tilespmem:s1], [sflag:s0], $0x40, s28, s29, $0xb8;
	[tilespmem:$0x1F760] =	vst v63  }
0x223: {  	v15 =	vld [tilespmem:$0x6580]  }
0x224: {  	v16 =	vld [tilespmem:$0x6690]  }
0x225: {  	v17 =	vld [tilespmem:$0x6590]  }
0x226: {  	v18 =	vld [tilespmem:$0x66A0]  }
0x227: {  	v19 =	vld [tilespmem:$0x65A0]  }
0x228: {  	[tilespmem:$0x6500] =	vst v15;
	v15 =	vld [tilespmem:$0x66B0]  }
0x229: {  	v56 =	vld [tilespmem:$0x65B0];
	[tilespmem:$0x6610] =	vst v16  }
0x22a: {  	v57 =	vld [tilespmem:$0x66C0];
	[tilespmem:$0x6510] =	vst v17  }
0x22b: {  	v58 =	vld [tilespmem:$0x65C0];
	[tilespmem:$0x6620] =	vst v18  }
0x22c: {  	v59 =	vld [tilespmem:$0x66D0];
	[tilespmem:$0x6520] =	vst v19  }
0x22d: {  	[tilespmem:$0x6630] =	vst v15;
	v15 =	vld [tilespmem:$0x65D0]  }
0x22e: {  	v60 =	vld [tilespmem:$0x66E0];
	[tilespmem:$0x6530] =	vst v56  }
0x22f: {  	v61 =	vld [tilespmem:$0x65E0];
	[tilespmem:$0x6640] =	vst v57  }
0x230: {  	v62 =	vld [tilespmem:$0x66F0];
	[tilespmem:$0x6540] =	vst v58  }
0x231: {  	v63 =	vld [tilespmem:$0x65F0];
	[tilespmem:$0x6650] =	vst v59  }
0x232: {  	[tilespmem:$0x6550] =	vst v15;
	v15 =	vld [tilespmem:$0x6700]  }
.Ltmp6:
0x233: {  	[tilespmem:$0x6660] =	vst v60;
	(pc) =	sbr.rel .LBB2_6-.Ltmp6, $4  }
0x234: {  	[tilespmem:$0x6560] =	vst v61  }
0x235: {  	[tilespmem:$0x6670] =	vst v62  }
0x236: {  	[tilespmem:$0x6570] =	vst v63  }
0x237: {  	s28 =	simm.s32 $0xFFFFFF80;
	[tilespmem:$0x6680] =	vst v15  }
.LBB2_8:
0x238: {  	_ =	sfence.sel $0x180000  }
0x239: {  	[bflag:$0x0] =	sbarrier.arrive $0xFFFF  }
0x23a: {  	_ =	strace $0x9000004A  }
0x23b: {  	s0 =	stileid.u32;
	[bflag:$0x2] =	sbarrier.arrive $0xFFFF  }
0x23c: {  	p0 =	sne.s32 s0, $0x0;
	s0 =	rddreg [dreg:$0x4]  }
0x23d: {  	s0 =	sadd.s32 @!p0 $0x100000, s0  }
0x23e: {  	[sflag:s0] =	ssyncadd.tile.s32 @!p0 $0x1;
	_ =	shalt  }
.Lfunc_end2:
_tile_overlayer_lowered:
.L_overlay_start_2:
0x23f: {  	(tag) =	ssettag $0x2  }
0x240: {  	s0 =	rddreg [dreg:$0x0];
	s2 =	stileid.u32  }
0x241: {  	s1 =	rddreg [dreg:$0x1];
	p0 =	sne.s32 s2, $0x0  }
0x242: {  	s3 =	rddreg [dreg:$0x2];
	[bflag:$0x3] =	sbarrier.arrive $0xFFFF;
	s2 =	simm.s32 @!p0 $0x1C09  }
0x243: {  	[timem:s3], [sflag:s2] =	dma.local @!p0 [hbm:s0], s1  }
0x244: {  	s0 =	simm.s32 @!p0 $0x9  }
0x245: {  	_ =	swait.ge @!p0 [sflag:s0], s1  }
0x246: {  	s1 =	ssub.s32 @!p0 $0x0, s1;
	[sflag:s0] =	ssyncset.done @!p0 $0x0  }
0x247: {  	[sflag:s0] =	ssyncadd.s32 @!p0 s1  }
0x248: {  	[bflag:$0x3] =	sbarrier.arrive $0xFFFF  }
0x249: {  	_ =	shalt  }

</sc_bundles>
